<compile_context>
chip_gen: v7x
topology: tpu7x:2x2x1
jax: 0.10.2.dev20260603
libtpu: 0.0.44.dev20260713+nightly
codegen_flags: <defaults>
</compile_context>

<pallas_src>
import functools

import jax
import jax.numpy as jnp
from jax import lax
from jax.experimental import pallas as pl
from jax.experimental.pallas import tpu as pltpu, tpu_sc as plsc

EMBED_DIM = 32
BATCH = 16384
OUT_CHUNK = 4096


@functools.cache
def _build(B, D):
    info = plsc.get_sparse_core_info()
    NC, NS, L = info.num_cores, info.num_subcores, info.num_lanes
    d_per_tile = D // NS
    n_out_chunks = B // OUT_CHUNK
    mesh = plsc.VectorSubcoreMesh(core_axis_name="c", subcore_axis_name="s")

    @functools.partial(
        pl.kernel,
        out_type=jax.ShapeDtypeStruct((2, D, B), jnp.float32),
        mesh=mesh,
        scratch_types=[
            pltpu.VMEM((100000,), jnp.float32),
            pltpu.VMEM((B,), jnp.int32),
            pltpu.VMEM((2, OUT_CHUNK), jnp.float32),
            pltpu.SemaphoreType.DMA,
            pltpu.SemaphoreType.DMA,
            pltpu.SemaphoreType.DMA,
        ],
        compiler_params=pltpu.CompilerParams(
            use_tc_tiling_on_sc=True, needs_layout_passes=False),
    )
    def k(tp, tn, xp, xn, out, row_v, idx_v, out_v, sem_i, sem_r, sem_o):
        cid = lax.axis_index("c")
        sid = lax.axis_index("s")

        def run(tT, xk, kk):
            cp_i = pltpu.async_copy(xk, idx_v, sem_i)
            cp_r = pltpu.async_copy(tT.at[sid * d_per_tile, pl.ds(0, 16)],
                                    row_v.at[pl.ds(0, 16)], sem_r)
            cp_i.wait()
            out_cps = [None, None]
            for t in range(d_per_tile):
                d = sid * d_per_tile + t
                cp_r.wait()
                for c in range(n_out_chunks):
                    buf = c % 2
                    if out_cps[buf] is not None:
                        out_cps[buf].wait()
                        out_cps[buf] = None

                    @pl.loop(0, OUT_CHUNK // L, unroll=8)
                    def _(i):
                        idx = idx_v[pl.ds(c * OUT_CHUNK + i * L, L)]
                        out_v[buf, pl.ds(i * L, L)] = plsc.load_gather(
                            row_v, [idx])
                    out_cps[buf] = pltpu.async_copy(
                        out_v.at[buf],
                        out.at[kk, d, pl.ds(c * OUT_CHUNK, OUT_CHUNK)],
                        sem_o)
                if t + 1 < d_per_tile:
                    cp_r = pltpu.async_copy(tT.at[d + 1, pl.ds(0, 16)],
                                            row_v.at[pl.ds(0, 16)], sem_r)
            for cp in out_cps:
                if cp is not None:
                    cp.wait()

        @pl.when(cid == 0)
        def _():
            run(tp, xp, 0)

        @pl.when(cid == 1)
        def _():
            run(tn, xn, 1)

    return k


def kernel(x, emb_proton, emb_neutron):
    B, D = BATCH, EMBED_DIM
    xi = x.astype(jnp.int32)
    xp = xi[:, 0]
    xn = xi[:, 1]
    out = _build(B, D)(emb_proton.T, emb_neutron.T, xp, xn)
    return out.transpose(2, 0, 1)

# --- scband reference (transcript-rebuilt; emitter-appended) ---
"""Pipeline reference for scband-embedding-75110388072476 (READ-ONLY COPY).

The authoritative reference and input builder live on the scoring server;
editing this copy changes nothing except your own understanding.
"""

import jax, jax.numpy as jnp
import numpy as np

N_PROTONS = 100000
N_NEUTRONS = 100000
EMBED_DIM = 32
BATCH = 16384

def setup_inputs(seed: int = 0) -> dict:
    key = jax.random.key(seed)
    k1, k2, k3 = jax.random.split(key, 3)
    x = jax.random.randint(k1, (BATCH, 2), 0, N_PROTONS, dtype=jnp.int64 if jax.config.jax_enable_x64 else jnp.int32)
    # weights initialized uniform(-1, 1) as in the torch module
    emb_proton = jax.random.uniform(k2, (N_PROTONS, EMBED_DIM), dtype=jnp.float32, minval=-1.0, maxval=1.0)
    emb_neutron = jax.random.uniform(k3, (N_NEUTRONS, EMBED_DIM), dtype=jnp.float32, minval=-1.0, maxval=1.0)
    return {"x": x, "emb_proton": emb_proton, "emb_neutron": emb_neutron}

def reference(x, emb_proton, emb_neutron):
    # proton = self.emb_proton(x[:, 0]); neutron = self.emb_neutron(x[:, 1])
    proton = jnp.take(emb_proton, x[:, 0], axis=0)
    neutron = jnp.take(emb_neutron, x[:, 1], axis=0)
    out = jnp.stack((proton, neutron), axis=1)
    return out

if __name__ == "__main__":
    import jax
    _d = setup_inputs()
    print(jax.jit(kernel)(*tuple(_d.values())))

</pallas_src>

<mosaic_0001>
#map = affine_map<(d0, d1) -> (0, 0)>
#map1 = affine_map<(d0, d1) -> (0)>
#map2 = affine_map<(d0, d1) -> (0, 0, 0)>
module attributes {stable_mosaic.version = 14 : i64} {
  func.func @k(%arg0: i32, %arg1: i32, %arg2: memref<32x100000xf32, #tpu.memory_space<hbm>>, %arg3: memref<32x100000xf32, #tpu.memory_space<hbm>>, %arg4: memref<16384xi32, #tpu.memory_space<hbm>>, %arg5: memref<16384xi32, #tpu.memory_space<hbm>>, %arg6: memref<2x32x16384xf32, #tpu.memory_space<hbm>>, %arg7: memref<100000xf32, #tpu.memory_space<vmem>>, %arg8: memref<16384xi32, #tpu.memory_space<vmem>>, %arg9: memref<2x4096xf32, #tpu.memory_space<vmem>>, %arg10: memref<!tpu.dma_semaphore, #tpu.memory_space<semaphore_mem>>, %arg11: memref<!tpu.dma_semaphore, #tpu.memory_space<semaphore_mem>>, %arg12: memref<!tpu.dma_semaphore, #tpu.memory_space<semaphore_mem>>) attributes {dimension_semantics = [#tpu.dimension_semantics<core_parallel>, #tpu.dimension_semantics<subcore_parallel>], iteration_bounds = array<i64: 2, 16>, scalar_prefetch = 0 : i64, scratch_operands = 6 : i64, tpu.core_type = #tpu.core_type<sc_vector_subcore>, window_params = [{transform_indices = #map}, {transform_indices = #map}, {transform_indices = #map1}, {transform_indices = #map1}, {transform_indices = #map2}]} {
    %eq3A = arith.constant 0 : i32
    %eq3A_0 = arith.cmpi eq, %arg0, %eq3A : i32
    %convert_element_type3A = arith.extui %eq3A_0 : i1 to i32
    %cond3A = arith.constant 0 : i32
    %cond3A_1 = arith.cmpi ne, %convert_element_type3A, %cond3A : i32
    scf.if %cond3A_1 {
      tpu.enqueue_dma source(%arg4 : memref<16384xi32, #tpu.memory_space<hbm>>) target(%arg8 : memref<16384xi32, #tpu.memory_space<vmem>>) target_semaphore(%arg10 : memref<!tpu.dma_semaphore, #tpu.memory_space<semaphore_mem>>)
      %mul3A = arith.constant 2 : i32
      %mul3A_7 = arith.muli %arg1, %mul3A : i32
      %dma_start3A = arith.constant 0 : i32
      %dma_start3A_8 = tpu.memref_slice %arg7[%dma_start3A] : memref<100000xf32, #tpu.memory_space<vmem>> -> memref<16xf32, #tpu.memory_space<vmem>>
      %dma_start3A_9 = arith.constant 0 : i32
      %dma_start3A_10 = tpu.memref_slice %arg2[%mul3A_7, %dma_start3A_9] : memref<32x100000xf32, #tpu.memory_space<hbm>> -> memref<1x16xf32, #tpu.memory_space<hbm>>
      %dma_start3A_11 = tpu.memref_squeeze %dma_start3A_10 : memref<1x16xf32, #tpu.memory_space<hbm>> -> memref<16xf32, #tpu.memory_space<hbm>>
      %dma_start3A_12 = arith.constant 0 : i32
      %dma_start3A_13 = tpu.memref_slice %arg7[%dma_start3A_12] : memref<100000xf32, #tpu.memory_space<vmem>> -> memref<16xf32, #tpu.memory_space<vmem>>
      %dma_start3A_14 = arith.constant 0 : i32
      %dma_start3A_15 = tpu.memref_slice %arg2[%mul3A_7, %dma_start3A_14] : memref<32x100000xf32, #tpu.memory_space<hbm>> -> memref<1x16xf32, #tpu.memory_space<hbm>>
      %dma_start3A_16 = tpu.memref_squeeze %dma_start3A_15 : memref<1x16xf32, #tpu.memory_space<hbm>> -> memref<16xf32, #tpu.memory_space<hbm>>
      tpu.enqueue_dma source(%dma_start3A_16 : memref<16xf32, #tpu.memory_space<hbm>>) target(%dma_start3A_13 : memref<16xf32, #tpu.memory_space<vmem>>) target_semaphore(%arg11 : memref<!tpu.dma_semaphore, #tpu.memory_space<semaphore_mem>>)
      tpu.wait_dma2 semaphore(%arg10 : memref<!tpu.dma_semaphore, #tpu.memory_space<semaphore_mem>>) src(%arg4 : memref<16384xi32, #tpu.memory_space<hbm>>) dst(%arg8 : memref<16384xi32, #tpu.memory_space<vmem>>)
      %mul3A_17 = arith.constant 2 : i32
      %mul3A_18 = arith.muli %arg1, %mul3A_17 : i32
      %add3A = arith.constant 0 : i32
      %add3A_19 = arith.addi %mul3A_18, %add3A : i32
      %dma_wait3A = arith.constant 0 : i32
      %dma_wait3A_20 = tpu.memref_slice %arg7[%dma_wait3A] : memref<100000xf32, #tpu.memory_space<vmem>> -> memref<16xf32, #tpu.memory_space<vmem>>
      %dma_wait3A_21 = arith.constant 0 : i32
      %dma_wait3A_22 = tpu.memref_slice %arg2[%mul3A_7, %dma_wait3A_21] : memref<32x100000xf32, #tpu.memory_space<hbm>> -> memref<1x16xf32, #tpu.memory_space<hbm>>
      %dma_wait3A_23 = tpu.memref_squeeze %dma_wait3A_22 : memref<1x16xf32, #tpu.memory_space<hbm>> -> memref<16xf32, #tpu.memory_space<hbm>>
      %dma_wait3A_24 = arith.constant 0 : i32
      %dma_wait3A_25 = tpu.memref_slice %arg7[%dma_wait3A_24] : memref<100000xf32, #tpu.memory_space<vmem>> -> memref<16xf32, #tpu.memory_space<vmem>>
      %dma_wait3A_26 = arith.constant 0 : i32
      %dma_wait3A_27 = tpu.memref_slice %arg2[%mul3A_7, %dma_wait3A_26] : memref<32x100000xf32, #tpu.memory_space<hbm>> -> memref<1x16xf32, #tpu.memory_space<hbm>>
      %dma_wait3A_28 = tpu.memref_squeeze %dma_wait3A_27 : memref<1x16xf32, #tpu.memory_space<hbm>> -> memref<16xf32, #tpu.memory_space<hbm>>
      tpu.wait_dma2 semaphore(%arg11 : memref<!tpu.dma_semaphore, #tpu.memory_space<semaphore_mem>>) src(%dma_wait3A_28 : memref<16xf32, #tpu.memory_space<hbm>>) dst(%dma_wait3A_25 : memref<16xf32, #tpu.memory_space<vmem>>)
      %scan3A = arith.constant 0 : i32
      %scan3A_29 = arith.constant 256 : i32
      %scan3A_30 = arith.addi %scan3A, %scan3A_29 : i32
      %scan3A_31 = arith.constant 8 : i32
      scf.for %scan3A_318 = %scan3A to %scan3A_30 step %scan3A_31  : i32 {
        %mul3A_319 = arith.constant 1 : i32
        %mul3A_320 = arith.muli %scan3A_318, %mul3A_319 : i32
        %add3A_321 = arith.constant 0 : i32
        %add3A_322 = arith.addi %add3A_321, %mul3A_320 : i32
        %mul3A_323 = arith.constant 16 : i32
        %mul3A_324 = arith.muli %add3A_322, %mul3A_323 : i32
        %add3A_325 = arith.constant 0 : i32
        %add3A_326 = arith.addi %add3A_325, %mul3A_324 : i32
        %get3A = arith.index_cast %add3A_326 : i32 to index
        %get3A_327 = tpu.vector_load %arg8[%get3A] {strides = array<i32>} : memref<16384xi32, #tpu.memory_space<vmem>>, vector<16xi32>,
        %gather3A = tpu.vector_load_idx %arg7[%get3A_327] : memref<100000xf32, #tpu.memory_space<vmem>>[vector<16xi32>], vector<16xf32>,
        %mul3A_328 = arith.constant 16 : i32
        %mul3A_329 = arith.muli %add3A_322, %mul3A_328 : i32
        %swap3A = arith.constant 0 : i32
        %swap3A_330 = arith.index_cast %swap3A : i32 to index
        %swap3A_331 = arith.index_cast %mul3A_329 : i32 to index
        %swap3A_332 = tpu.vector_load %arg9[%swap3A_330, %swap3A_331] {strides = array<i32>} : memref<2x4096xf32, #tpu.memory_space<vmem>>, vector<16xf32>,
        tpu.vector_store %arg9[%swap3A_330, %swap3A_331], %gather3A {strides = array<i32>} : memref<2x4096xf32, #tpu.memory_space<vmem>>, vector<16xf32>,
        %scan3A_333 = arith.constant 1 : i32
        %scan3A_334 = arith.addi %scan3A_318, %scan3A_333 : i32
        %mul3A_335 = arith.constant 1 : i32
        %mul3A_336 = arith.muli %scan3A_334, %mul3A_335 : i32
        %add3A_337 = arith.constant 0 : i32
        %add3A_338 = arith.addi %add3A_337, %mul3A_336 : i32
        %mul3A_339 = arith.constant 16 : i32
        %mul3A_340 = arith.muli %add3A_338, %mul3A_339 : i32
        %add3A_341 = arith.constant 0 : i32
        %add3A_342 = arith.addi %add3A_341, %mul3A_340 : i32
        %get3A_343 = arith.index_cast %add3A_342 : i32 to index
        %get3A_344 = tpu.vector_load %arg8[%get3A_343] {strides = array<i32>} : memref<16384xi32, #tpu.memory_space<vmem>>, vector<16xi32>,
        %gather3A_345 = tpu.vector_load_idx %arg7[%get3A_344] : memref<100000xf32, #tpu.memory_space<vmem>>[vector<16xi32>], vector<16xf32>,
        %mul3A_346 = arith.constant 16 : i32
        %mul3A_347 = arith.muli %add3A_338, %mul3A_346 : i32
        %swap3A_348 = arith.constant 0 : i32
        %swap3A_349 = arith.index_cast %swap3A_348 : i32 to index
        %swap3A_350 = arith.index_cast %mul3A_347 : i32 to index
        %swap3A_351 = tpu.vector_load %arg9[%swap3A_349, %swap3A_350] {strides = array<i32>} : memref<2x4096xf32, #tpu.memory_space<vmem>>, vector<16xf32>,
        tpu.vector_store %arg9[%swap3A_349, %swap3A_350], %gather3A_345 {strides = array<i32>} : memref<2x4096xf32, #tpu.memory_space<vmem>>, vector<16xf32>,
        %scan3A_352 = arith.constant 2 : i32
        %scan3A_353 = arith.addi %scan3A_318, %scan3A_352 : i32
        %mul3A_354 = arith.constant 1 : i32
        %mul3A_355 = arith.muli %scan3A_353, %mul3A_354 : i32
        %add3A_356 = arith.constant 0 : i32
        %add3A_357 = arith.addi %add3A_356, %mul3A_355 : i32
        %mul3A_358 = arith.constant 16 : i32
        %mul3A_359 = arith.muli %add3A_357, %mul3A_358 : i32
        %add3A_360 = arith.constant 0 : i32
        %add3A_361 = arith.addi %add3A_360, %mul3A_359 : i32
        %get3A_362 = arith.index_cast %add3A_361 : i32 to index
        %get3A_363 = tpu.vector_load %arg8[%get3A_362] {strides = array<i32>} : memref<16384xi32, #tpu.memory_space<vmem>>, vector<16xi32>,
        %gather3A_364 = tpu.vector_load_idx %arg7[%get3A_363] : memref<100000xf32, #tpu.memory_space<vmem>>[vector<16xi32>], vector<16xf32>,
        %mul3A_365 = arith.constant 16 : i32
        %mul3A_366 = arith.muli %add3A_357, %mul3A_365 : i32
        %swap3A_367 = arith.constant 0 : i32
        %swap3A_368 = arith.index_cast %swap3A_367 : i32 to index
        %swap3A_369 = arith.index_cast %mul3A_366 : i32 to index
        %swap3A_370 = tpu.vector_load %arg9[%swap3A_368, %swap3A_369] {strides = array<i32>} : memref<2x4096xf32, #tpu.memory_space<vmem>>, vector<16xf32>,
        tpu.vector_store %arg9[%swap3A_368, %swap3A_369], %gather3A_364 {strides = array<i32>} : memref<2x4096xf32, #tpu.memory_space<vmem>>, vector<16xf32>,
        %scan3A_371 = arith.constant 3 : i32
        %scan3A_372 = arith.addi %scan3A_318, %scan3A_371 : i32
        %mul3A_373 = arith.constant 1 : i32
        %mul3A_374 = arith.muli %scan3A_372, %mul3A_373 : i32
        %add3A_375 = arith.constant 0 : i32
        %add3A_376 = arith.addi %add3A_375, %mul3A_374 : i32
        %mul3A_377 = arith.constant 16 : i32
        %mul3A_378 = arith.muli %add3A_376, %mul3A_377 : i32
        %add3A_379 = arith.constant 0 : i32
        %add3A_380 = arith.addi %add3A_379, %mul3A_378 : i32
        %get3A_381 = arith.index_cast %add3A_380 : i32 to index
        %get3A_382 = tpu.vector_load %arg8[%get3A_381] {strides = array<i32>} : memref<16384xi32, #tpu.memory_space<vmem>>, vector<16xi32>,
        %gather3A_383 = tpu.vector_load_idx %arg7[%get3A_382] : memref<100000xf32, #tpu.memory_space<vmem>>[vector<16xi32>], vector<16xf32>,
        %mul3A_384 = arith.constant 16 : i32
        %mul3A_385 = arith.muli %add3A_376, %mul3A_384 : i32
        %swap3A_386 = arith.constant 0 : i32
        %swap3A_387 = arith.index_cast %swap3A_386 : i32 to index
        %swap3A_388 = arith.index_cast %mul3A_385 : i32 to index
        %swap3A_389 = tpu.vector_load %arg9[%swap3A_387, %swap3A_388] {strides = array<i32>} : memref<2x4096xf32, #tpu.memory_space<vmem>>, vector<16xf32>,
        tpu.vector_store %arg9[%swap3A_387, %swap3A_388], %gather3A_383 {strides = array<i32>} : memref<2x4096xf32, #tpu.memory_space<vmem>>, vector<16xf32>,
        %scan3A_390 = arith.constant 4 : i32
        %scan3A_391 = arith.addi %scan3A_318, %scan3A_390 : i32
        %mul3A_392 = arith.constant 1 : i32
        %mul3A_393 = arith.muli %scan3A_391, %mul3A_392 : i32
        %add3A_394 = arith.constant 0 : i32
        %add3A_395 = arith.addi %add3A_394, %mul3A_393 : i32
        %mul3A_396 = arith.constant 16 : i32
        %mul3A_397 = arith.muli %add3A_395, %mul3A_396 : i32
        %add3A_398 = arith.constant 0 : i32
        %add3A_399 = arith.addi %add3A_398, %mul3A_397 : i32
        %get3A_400 = arith.index_cast %add3A_399 : i32 to index
        %get3A_401 = tpu.vector_load %arg8[%get3A_400] {strides = array<i32>} : memref<16384xi32, #tpu.memory_space<vmem>>, vector<16xi32>,
        %gather3A_402 = tpu.vector_load_idx %arg7[%get3A_401] : memref<100000xf32, #tpu.memory_space<vmem>>[vector<16xi32>], vector<16xf32>,
        %mul3A_403 = arith.constant 16 : i32
        %mul3A_404 = arith.muli %add3A_395, %mul3A_403 : i32
        %swap3A_405 = arith.constant 0 : i32
        %swap3A_406 = arith.index_cast %swap3A_405 : i32 to index
        %swap3A_407 = arith.index_cast %mul3A_404 : i32 to index
        %swap3A_408 = tpu.vector_load %arg9[%swap3A_406, %swap3A_407] {strides = array<i32>} : memref<2x4096xf32, #tpu.memory_space<vmem>>, vector<16xf32>,
        tpu.vector_store %arg9[%swap3A_406, %swap3A_407], %gather3A_402 {strides = array<i32>} : memref<2x4096xf32, #tpu.memory_space<vmem>>, vector<16xf32>,
        %scan3A_409 = arith.constant 5 : i32
        %scan3A_410 = arith.addi %scan3A_318, %scan3A_409 : i32
        %mul3A_411 = arith.constant 1 : i32
        %mul3A_412 = arith.muli %scan3A_410, %mul3A_411 : i32
        %add3A_413 = arith.constant 0 : i32
        %add3A_414 = arith.addi %add3A_413, %mul3A_412 : i32
        %mul3A_415 = arith.constant 16 : i32
        %mul3A_416 = arith.muli %add3A_414, %mul3A_415 : i32
        %add3A_417 = arith.constant 0 : i32
        %add3A_418 = arith.addi %add3A_417, %mul3A_416 : i32
        %get3A_419 = arith.index_cast %add3A_418 : i32 to index
        %get3A_420 = tpu.vector_load %arg8[%get3A_419] {strides = array<i32>} : memref<16384xi32, #tpu.memory_space<vmem>>, vector<16xi32>,
        %gather3A_421 = tpu.vector_load_idx %arg7[%get3A_420] : memref<100000xf32, #tpu.memory_space<vmem>>[vector<16xi32>], vector<16xf32>,
        %mul3A_422 = arith.constant 16 : i32
        %mul3A_423 = arith.muli %add3A_414, %mul3A_422 : i32
        %swap3A_424 = arith.constant 0 : i32
        %swap3A_425 = arith.index_cast %swap3A_424 : i32 to index
        %swap3A_426 = arith.index_cast %mul3A_423 : i32 to index
        %swap3A_427 = tpu.vector_load %arg9[%swap3A_425, %swap3A_426] {strides = array<i32>} : memref<2x4096xf32, #tpu.memory_space<vmem>>, vector<16xf32>,
        tpu.vector_store %arg9[%swap3A_425, %swap3A_426], %gather3A_421 {strides = array<i32>} : memref<2x4096xf32, #tpu.memory_space<vmem>>, vector<16xf32>,
        %scan3A_428 = arith.constant 6 : i32
        %scan3A_429 = arith.addi %scan3A_318, %scan3A_428 : i32
        %mul3A_430 = arith.constant 1 : i32
        %mul3A_431 = arith.muli %scan3A_429, %mul3A_430 : i32
        %add3A_432 = arith.constant 0 : i32
        %add3A_433 = arith.addi %add3A_432, %mul3A_431 : i32
        %mul3A_434 = arith.constant 16 : i32
        %mul3A_435 = arith.muli %add3A_433, %mul3A_434 : i32
        %add3A_436 = arith.constant 0 : i32
        %add3A_437 = arith.addi %add3A_436, %mul3A_435 : i32
        %get3A_438 = arith.index_cast %add3A_437 : i32 to index
        %get3A_439 = tpu.vector_load %arg8[%get3A_438] {strides = array<i32>} : memref<16384xi32, #tpu.memory_space<vmem>>, vector<16xi32>,
        %gather3A_440 = tpu.vector_load_idx %arg7[%get3A_439] : memref<100000xf32, #tpu.memory_space<vmem>>[vector<16xi32>], vector<16xf32>,
        %mul3A_441 = arith.constant 16 : i32
        %mul3A_442 = arith.muli %add3A_433, %mul3A_441 : i32
        %swap3A_443 = arith.constant 0 : i32
        %swap3A_444 = arith.index_cast %swap3A_443 : i32 to index
        %swap3A_445 = arith.index_cast %mul3A_442 : i32 to index
        %swap3A_446 = tpu.vector_load %arg9[%swap3A_444, %swap3A_445] {strides = array<i32>} : memref<2x4096xf32, #tpu.memory_space<vmem>>, vector<16xf32>,
        tpu.vector_store %arg9[%swap3A_444, %swap3A_445], %gather3A_440 {strides = array<i32>} : memref<2x4096xf32, #tpu.memory_space<vmem>>, vector<16xf32>,
        %scan3A_447 = arith.constant 7 : i32
        %scan3A_448 = arith.addi %scan3A_318, %scan3A_447 : i32
        %mul3A_449 = arith.constant 1 : i32
        %mul3A_450 = arith.muli %scan3A_448, %mul3A_449 : i32
        %add3A_451 = arith.constant 0 : i32
        %add3A_452 = arith.addi %add3A_451, %mul3A_450 : i32
        %mul3A_453 = arith.constant 16 : i32
        %mul3A_454 = arith.muli %add3A_452, %mul3A_453 : i32
        %add3A_455 = arith.constant 0 : i32
        %add3A_456 = arith.addi %add3A_455, %mul3A_454 : i32
        %get3A_457 = arith.index_cast %add3A_456 : i32 to index
        %get3A_458 = tpu.vector_load %arg8[%get3A_457] {strides = array<i32>} : memref<16384xi32, #tpu.memory_space<vmem>>, vector<16xi32>,
        %gather3A_459 = tpu.vector_load_idx %arg7[%get3A_458] : memref<100000xf32, #tpu.memory_space<vmem>>[vector<16xi32>], vector<16xf32>,
        %mul3A_460 = arith.constant 16 : i32
        %mul3A_461 = arith.muli %add3A_452, %mul3A_460 : i32
        %swap3A_462 = arith.constant 0 : i32
        %swap3A_463 = arith.index_cast %swap3A_462 : i32 to index
        %swap3A_464 = arith.index_cast %mul3A_461 : i32 to index
        %swap3A_465 = tpu.vector_load %arg9[%swap3A_463, %swap3A_464] {strides = array<i32>} : memref<2x4096xf32, #tpu.memory_space<vmem>>, vector<16xf32>,
        tpu.vector_store %arg9[%swap3A_463, %swap3A_464], %gather3A_459 {strides = array<i32>} : memref<2x4096xf32, #tpu.memory_space<vmem>>, vector<16xf32>,
      }
      %scan3A_32 = arith.constant 256 : i32
      %dma_start3A_33 = arith.constant 0 : i32
      %dma_start3A_34 = arith.constant 0 : i32
      %dma_start3A_35 = arith.constant 0 : i32
      %dma_start3A_36 = tpu.memref_slice %arg9[%dma_start3A_33, %dma_start3A_35] : memref<2x4096xf32, #tpu.memory_space<vmem>> -> memref<1x4096xf32, #tpu.memory_space<vmem>>
      %dma_start3A_37 = tpu.memref_squeeze %dma_start3A_36 : memref<1x4096xf32, #tpu.memory_space<vmem>> -> memref<4096xf32, #tpu.memory_space<vmem>>
      %dma_start3A_38 = arith.constant 0 : i32
      %dma_start3A_39 = tpu.memref_slice %arg6[%dma_start3A_34, %add3A_19, %dma_start3A_38] : memref<2x32x16384xf32, #tpu.memory_space<hbm>> -> memref<1x1x4096xf32, #tpu.memory_space<hbm>>
      %dma_start3A_40 = tpu.memref_squeeze %dma_start3A_39 : memref<1x1x4096xf32, #tpu.memory_space<hbm>> -> memref<4096xf32, #tpu.memory_space<hbm>>
      %dma_start3A_41 = arith.constant 0 : i32
      %dma_start3A_42 = tpu.memref_slice %arg6[%dma_start3A_34, %add3A_19, %dma_start3A_41] : memref<2x32x16384xf32, #tpu.memory_space<hbm>> -> memref<1x1x4096xf32, #tpu.memory_space<hbm>>
      %dma_start3A_43 = tpu.memref_squeeze %dma_start3A_42 : memref<1x1x4096xf32, #tpu.memory_space<hbm>> -> memref<4096xf32, #tpu.memory_space<hbm>>
      %dma_start3A_44 = arith.constant 0 : i32
      %dma_start3A_45 = tpu.memref_slice %arg9[%dma_start3A_33, %dma_start3A_44] : memref<2x4096xf32, #tpu.memory_space<vmem>> -> memref<1x4096xf32, #tpu.memory_space<vmem>>
      %dma_start3A_46 = tpu.memref_squeeze %dma_start3A_45 : memref<1x4096xf32, #tpu.memory_space<vmem>> -> memref<4096xf32, #tpu.memory_space<vmem>>
      tpu.enqueue_dma source(%dma_start3A_46 : memref<4096xf32, #tpu.memory_space<vmem>>) target(%dma_start3A_43 : memref<4096xf32, #tpu.memory_space<hbm>>) target_semaphore(%arg12 : memref<!tpu.dma_semaphore, #tpu.memory_space<semaphore_mem>>)
      %scan3A_47 = arith.constant 0 : i32
      %scan3A_48 = arith.constant 256 : i32
      %scan3A_49 = arith.addi %scan3A_47, %scan3A_48 : i32
      %scan3A_50 = arith.constant 8 : i32
      scf.for %scan3A_318 = %scan3A_47 to %scan3A_49 step %scan3A_50  : i32 {
        %mul3A_319 = arith.constant 1 : i32
        %mul3A_320 = arith.muli %scan3A_318, %mul3A_319 : i32
        %add3A_321 = arith.constant 0 : i32
        %add3A_322 = arith.addi %add3A_321, %mul3A_320 : i32
        %mul3A_323 = arith.constant 16 : i32
        %mul3A_324 = arith.muli %add3A_322, %mul3A_323 : i32
        %add3A_325 = arith.constant 4096 : i32
        %add3A_326 = arith.addi %add3A_325, %mul3A_324 : i32
        %get3A = arith.index_cast %add3A_326 : i32 to index
        %get3A_327 = tpu.vector_load %arg8[%get3A] {strides = array<i32>} : memref<16384xi32, #tpu.memory_space<vmem>>, vector<16xi32>,
        %gather3A = tpu.vector_load_idx %arg7[%get3A_327] : memref<100000xf32, #tpu.memory_space<vmem>>[vector<16xi32>], vector<16xf32>,
        %mul3A_328 = arith.constant 16 : i32
        %mul3A_329 = arith.muli %add3A_322, %mul3A_328 : i32
        %swap3A = arith.constant 1 : i32
        %swap3A_330 = arith.index_cast %swap3A : i32 to index
        %swap3A_331 = arith.index_cast %mul3A_329 : i32 to index
        %swap3A_332 = tpu.vector_load %arg9[%swap3A_330, %swap3A_331] {strides = array<i32>} : memref<2x4096xf32, #tpu.memory_space<vmem>>, vector<16xf32>,
        tpu.vector_store %arg9[%swap3A_330, %swap3A_331], %gather3A {strides = array<i32>} : memref<2x4096xf32, #tpu.memory_space<vmem>>, vector<16xf32>,
        %scan3A_333 = arith.constant 1 : i32
        %scan3A_334 = arith.addi %scan3A_318, %scan3A_333 : i32
        %mul3A_335 = arith.constant 1 : i32
        %mul3A_336 = arith.muli %scan3A_334, %mul3A_335 : i32
        %add3A_337 = arith.constant 0 : i32
        %add3A_338 = arith.addi %add3A_337, %mul3A_336 : i32
        %mul3A_339 = arith.constant 16 : i32
        %mul3A_340 = arith.muli %add3A_338, %mul3A_339 : i32
        %add3A_341 = arith.constant 4096 : i32
        %add3A_342 = arith.addi %add3A_341, %mul3A_340 : i32
        %get3A_343 = arith.index_cast %add3A_342 : i32 to index
        %get3A_344 = tpu.vector_load %arg8[%get3A_343] {strides = array<i32>} : memref<16384xi32, #tpu.memory_space<vmem>>, vector<16xi32>,
        %gather3A_345 = tpu.vector_load_idx %arg7[%get3A_344] : memref<100000xf32, #tpu.memory_space<vmem>>[vector<16xi32>], vector<16xf32>,
        %mul3A_346 = arith.constant 16 : i32
        %mul3A_347 = arith.muli %add3A_338, %mul3A_346 : i32
        %swap3A_348 = arith.constant 1 : i32
        %swap3A_349 = arith.index_cast %swap3A_348 : i32 to index
        %swap3A_350 = arith.index_cast %mul3A_347 : i32 to index
        %swap3A_351 = tpu.vector_load %arg9[%swap3A_349, %swap3A_350] {strides = array<i32>} : memref<2x4096xf32, #tpu.memory_space<vmem>>, vector<16xf32>,
        tpu.vector_store %arg9[%swap3A_349, %swap3A_350], %gather3A_345 {strides = array<i32>} : memref<2x4096xf32, #tpu.memory_space<vmem>>, vector<16xf32>,
        %scan3A_352 = arith.constant 2 : i32
        %scan3A_353 = arith.addi %scan3A_318, %scan3A_352 : i32
        %mul3A_354 = arith.constant 1 : i32
        %mul3A_355 = arith.muli %scan3A_353, %mul3A_354 : i32
        %add3A_356 = arith.constant 0 : i32
        %add3A_357 = arith.addi %add3A_356, %mul3A_355 : i32
        %mul3A_358 = arith.constant 16 : i32
        %mul3A_359 = arith.muli %add3A_357, %mul3A_358 : i32
        %add3A_360 = arith.constant 4096 : i32
        %add3A_361 = arith.addi %add3A_360, %mul3A_359 : i32
        %get3A_362 = arith.index_cast %add3A_361 : i32 to index
        %get3A_363 = tpu.vector_load %arg8[%get3A_362] {strides = array<i32>} : memref<16384xi32, #tpu.memory_space<vmem>>, vector<16xi32>,
        %gather3A_364 = tpu.vector_load_idx %arg7[%get3A_363] : memref<100000xf32, #tpu.memory_space<vmem>>[vector<16xi32>], vector<16xf32>,
        %mul3A_365 = arith.constant 16 : i32
        %mul3A_366 = arith.muli %add3A_357, %mul3A_365 : i32
        %swap3A_367 = arith.constant 1 : i32
        %swap3A_368 = arith.index_cast %swap3A_367 : i32 to index
        %swap3A_369 = arith.index_cast %mul3A_366 : i32 to index
        %swap3A_370 = tpu.vector_load %arg9[%swap3A_368, %swap3A_369] {strides = array<i32>} : memref<2x4096xf32, #tpu.memory_space<vmem>>, vector<16xf32>,
        tpu.vector_store %arg9[%swap3A_368, %swap3A_369], %gather3A_364 {strides = array<i32>} : memref<2x4096xf32, #tpu.memory_space<vmem>>, vector<16xf32>,
        %scan3A_371 = arith.constant 3 : i32
        %scan3A_372 = arith.addi %scan3A_318, %scan3A_371 : i32
        %mul3A_373 = arith.constant 1 : i32
        %mul3A_374 = arith.muli %scan3A_372, %mul3A_373 : i32
        %add3A_375 = arith.constant 0 : i32
        %add3A_376 = arith.addi %add3A_375, %mul3A_374 : i32
        %mul3A_377 = arith.constant 16 : i32
        %mul3A_378 = arith.muli %add3A_376, %mul3A_377 : i32
        %add3A_379 = arith.constant 4096 : i32
        %add3A_380 = arith.addi %add3A_379, %mul3A_378 : i32
        %get3A_381 = arith.index_cast %add3A_380 : i32 to index
        %get3A_382 = tpu.vector_load %arg8[%get3A_381] {strides = array<i32>} : memref<16384xi32, #tpu.memory_space<vmem>>, vector<16xi32>,
        %gather3A_383 = tpu.vector_load_idx %arg7[%get3A_382] : memref<100000xf32, #tpu.memory_space<vmem>>[vector<16xi32>], vector<16xf32>,
        %mul3A_384 = arith.constant 16 : i32
        %mul3A_385 = arith.muli %add3A_376, %mul3A_384 : i32
        %swap3A_386 = arith.constant 1 : i32
        %swap3A_387 = arith.index_cast %swap3A_386 : i32 to index
        %swap3A_388 = arith.index_cast %mul3A_385 : i32 to index
        %swap3A_389 = tpu.vector_load %arg9[%swap3A_387, %swap3A_388] {strides = array<i32>} : memref<2x4096xf32, #tpu.memory_space<vmem>>, vector<16xf32>,
        tpu.vector_store %arg9[%swap3A_387, %swap3A_388], %gather3A_383 {strides = array<i32>} : memref<2x4096xf32, #tpu.memory_space<vmem>>, vector<16xf32>,
        %scan3A_390 = arith.constant 4 : i32
        %scan3A_391 = arith.addi %scan3A_318, %scan3A_390 : i32
        %mul3A_392 = arith.constant 1 : i32
        %mul3A_393 = arith.muli %scan3A_391, %mul3A_392 : i32
        %add3A_394 = arith.constant 0 : i32
        %add3A_395 = arith.addi %add3A_394, %mul3A_393 : i32
        %mul3A_396 = arith.constant 16 : i32
        %mul3A_397 = arith.muli %add3A_395, %mul3A_396 : i32
        %add3A_398 = arith.constant 4096 : i32
        %add3A_399 = arith.addi %add3A_398, %mul3A_397 : i32
        %get3A_400 = arith.index_cast %add3A_399 : i32 to index
        %get3A_401 = tpu.vector_load %arg8[%get3A_400] {strides = array<i32>} : memref<16384xi32, #tpu.memory_space<vmem>>, vector<16xi32>,
        %gather3A_402 = tpu.vector_load_idx %arg7[%get3A_401] : memref<100000xf32, #tpu.memory_space<vmem>>[vector<16xi32>], vector<16xf32>,
        %mul3A_403 = arith.constant 16 : i32
        %mul3A_404 = arith.muli %add3A_395, %mul3A_403 : i32
        %swap3A_405 = arith.constant 1 : i32
        %swap3A_406 = arith.index_cast %swap3A_405 : i32 to index
        %swap3A_407 = arith.index_cast %mul3A_404 : i32 to index
        %swap3A_408 = tpu.vector_load %arg9[%swap3A_406, %swap3A_407] {strides = array<i32>} : memref<2x4096xf32, #tpu.memory_space<vmem>>, vector<16xf32>,
        tpu.vector_store %arg9[%swap3A_406, %swap3A_407], %gather3A_402 {strides = array<i32>} : memref<2x4096xf32, #tpu.memory_space<vmem>>, vector<16xf32>,
        %scan3A_409 = arith.constant 5 : i32
        %scan3A_410 = arith.addi %scan3A_318, %scan3A_409 : i32
        %mul3A_411 = arith.constant 1 : i32
        %mul3A_412 = arith.muli %scan3A_410, %mul3A_411 : i32
        %add3A_413 = arith.constant 0 : i32
        %add3A_414 = arith.addi %add3A_413, %mul3A_412 : i32
        %mul3A_415 = arith.constant 16 : i32
        %mul3A_416 = arith.muli %add3A_414, %mul3A_415 : i32
        %add3A_417 = arith.constant 4096 : i32
        %add3A_418 = arith.addi %add3A_417, %mul3A_416 : i32
        %get3A_419 = arith.index_cast %add3A_418 : i32 to index
        %get3A_420 = tpu.vector_load %arg8[%get3A_419] {strides = array<i32>} : memref<16384xi32, #tpu.memory_space<vmem>>, vector<16xi32>,
        %gather3A_421 = tpu.vector_load_idx %arg7[%get3A_420] : memref<100000xf32, #tpu.memory_space<vmem>>[vector<16xi32>], vector<16xf32>,
        %mul3A_422 = arith.constant 16 : i32
        %mul3A_423 = arith.muli %add3A_414, %mul3A_422 : i32
        %swap3A_424 = arith.constant 1 : i32
        %swap3A_425 = arith.index_cast %swap3A_424 : i32 to index
        %swap3A_426 = arith.index_cast %mul3A_423 : i32 to index
        %swap3A_427 = tpu.vector_load %arg9[%swap3A_425, %swap3A_426] {strides = array<i32>} : memref<2x4096xf32, #tpu.memory_space<vmem>>, vector<16xf32>,
        tpu.vector_store %arg9[%swap3A_425, %swap3A_426], %gather3A_421 {strides = array<i32>} : memref<2x4096xf32, #tpu.memory_space<vmem>>, vector<16xf32>,
        %scan3A_428 = arith.constant 6 : i32
        %scan3A_429 = arith.addi %scan3A_318, %scan3A_428 : i32
        %mul3A_430 = arith.constant 1 : i32
        %mul3A_431 = arith.muli %scan3A_429, %mul3A_430 : i32
        %add3A_432 = arith.constant 0 : i32
        %add3A_433 = arith.addi %add3A_432, %mul3A_431 : i32
        %mul3A_434 = arith.constant 16 : i32
        %mul3A_435 = arith.muli %add3A_433, %mul3A_434 : i32
        %add3A_436 = arith.constant 4096 : i32
        %add3A_437 = arith.addi %add3A_436, %mul3A_435 : i32
        %get3A_438 = arith.index_cast %add3A_437 : i32 to index
        %get3A_439 = tpu.vector_load %arg8[%get3A_438] {strides = array<i32>} : memref<16384xi32, #tpu.memory_space<vmem>>, vector<16xi32>,
        %gather3A_440 = tpu.vector_load_idx %arg7[%get3A_439] : memref<100000xf32, #tpu.memory_space<vmem>>[vector<16xi32>], vector<16xf32>,
        %mul3A_441 = arith.constant 16 : i32
        %mul3A_442 = arith.muli %add3A_433, %mul3A_441 : i32
        %swap3A_443 = arith.constant 1 : i32
        %swap3A_444 = arith.index_cast %swap3A_443 : i32 to index
        %swap3A_445 = arith.index_cast %mul3A_442 : i32 to index
        %swap3A_446 = tpu.vector_load %arg9[%swap3A_444, %swap3A_445] {strides = array<i32>} : memref<2x4096xf32, #tpu.memory_space<vmem>>, vector<16xf32>,
        tpu.vector_store %arg9[%swap3A_444, %swap3A_445], %gather3A_440 {strides = array<i32>} : memref<2x4096xf32, #tpu.memory_space<vmem>>, vector<16xf32>,
        %scan3A_447 = arith.constant 7 : i32
        %scan3A_448 = arith.addi %scan3A_318, %scan3A_447 : i32
        %mul3A_449 = arith.constant 1 : i32
        %mul3A_450 = arith.muli %scan3A_448, %mul3A_449 : i32
        %add3A_451 = arith.constant 0 : i32
        %add3A_452 = arith.addi %add3A_451, %mul3A_450 : i32
        %mul3A_453 = arith.constant 16 : i32
        %mul3A_454 = arith.muli %add3A_452, %mul3A_453 : i32
        %add3A_455 = arith.constant 4096 : i32
        %add3A_456 = arith.addi %add3A_455, %mul3A_454 : i32
        %get3A_457 = arith.index_cast %add3A_456 : i32 to index
        %get3A_458 = tpu.vector_load %arg8[%get3A_457] {strides = array<i32>} : memref<16384xi32, #tpu.memory_space<vmem>>, vector<16xi32>,
        %gather3A_459 = tpu.vector_load_idx %arg7[%get3A_458] : memref<100000xf32, #tpu.memory_space<vmem>>[vector<16xi32>], vector<16xf32>,
        %mul3A_460 = arith.constant 16 : i32
        %mul3A_461 = arith.muli %add3A_452, %mul3A_460 : i32
        %swap3A_462 = arith.constant 1 : i32
        %swap3A_463 = arith.index_cast %swap3A_462 : i32 to index
        %swap3A_464 = arith.index_cast %mul3A_461 : i32 to index
        %swap3A_465 = tpu.vector_load %arg9[%swap3A_463, %swap3A_464] {strides = array<i32>} : memref<2x4096xf32, #tpu.memory_space<vmem>>, vector<16xf32>,
        tpu.vector_store %arg9[%swap3A_463, %swap3A_464], %gather3A_459 {strides = array<i32>} : memref<2x4096xf32, #tpu.memory_space<vmem>>, vector<16xf32>,
      }
      %scan3A_51 = arith.constant 256 : i32
      %dma_start3A_52 = arith.constant 1 : i32
      %dma_start3A_53 = arith.constant 0 : i32
      %dma_start3A_54 = arith.constant 0 : i32
      %dma_start3A_55 = tpu.memref_slice %arg9[%dma_start3A_52, %dma_start3A_54] : memref<2x4096xf32, #tpu.memory_space<vmem>> -> memref<1x4096xf32, #tpu.memory_space<vmem>>
      %dma_start3A_56 = tpu.memref_squeeze %dma_start3A_55 : memref<1x4096xf32, #tpu.memory_space<vmem>> -> memref<4096xf32, #tpu.memory_space<vmem>>
      %dma_start3A_57 = arith.constant 4096 : i32
      %dma_start3A_58 = tpu.memref_slice %arg6[%dma_start3A_53, %add3A_19, %dma_start3A_57] : memref<2x32x16384xf32, #tpu.memory_space<hbm>> -> memref<1x1x4096xf32, #tpu.memory_space<hbm>>
      %dma_start3A_59 = tpu.memref_squeeze %dma_start3A_58 : memref<1x1x4096xf32, #tpu.memory_space<hbm>> -> memref<4096xf32, #tpu.memory_space<hbm>>
      %dma_start3A_60 = arith.constant 4096 : i32
      %dma_start3A_61 = tpu.memref_slice %arg6[%dma_start3A_53, %add3A_19, %dma_start3A_60] : memref<2x32x16384xf32, #tpu.memory_space<hbm>> -> memref<1x1x4096xf32, #tpu.memory_space<hbm>>
      %dma_start3A_62 = tpu.memref_squeeze %dma_start3A_61 : memref<1x1x4096xf32, #tpu.memory_space<hbm>> -> memref<4096xf32, #tpu.memory_space<hbm>>
      %dma_start3A_63 = arith.constant 0 : i32
      %dma_start3A_64 = tpu.memref_slice %arg9[%dma_start3A_52, %dma_start3A_63] : memref<2x4096xf32, #tpu.memory_space<vmem>> -> memref<1x4096xf32, #tpu.memory_space<vmem>>
      %dma_start3A_65 = tpu.memref_squeeze %dma_start3A_64 : memref<1x4096xf32, #tpu.memory_space<vmem>> -> memref<4096xf32, #tpu.memory_space<vmem>>
      tpu.enqueue_dma source(%dma_start3A_65 : memref<4096xf32, #tpu.memory_space<vmem>>) target(%dma_start3A_62 : memref<4096xf32, #tpu.memory_space<hbm>>) target_semaphore(%arg12 : memref<!tpu.dma_semaphore, #tpu.memory_space<semaphore_mem>>)
      %dma_wait3A_66 = arith.constant 0 : i32
      %dma_wait3A_67 = arith.constant 0 : i32
      %dma_wait3A_68 = arith.constant 0 : i32
      %dma_wait3A_69 = tpu.memref_slice %arg9[%dma_wait3A_66, %dma_wait3A_68] : memref<2x4096xf32, #tpu.memory_space<vmem>> -> memref<1x4096xf32, #tpu.memory_space<vmem>>
      %dma_wait3A_70 = tpu.memref_squeeze %dma_wait3A_69 : memref<1x4096xf32, #tpu.memory_space<vmem>> -> memref<4096xf32, #tpu.memory_space<vmem>>
      %dma_wait3A_71 = arith.constant 0 : i32
      %dma_wait3A_72 = tpu.memref_slice %arg6[%dma_wait3A_67, %add3A_19, %dma_wait3A_71] : memref<2x32x16384xf32, #tpu.memory_space<hbm>> -> memref<1x1x4096xf32, #tpu.memory_space<hbm>>
      %dma_wait3A_73 = tpu.memref_squeeze %dma_wait3A_72 : memref<1x1x4096xf32, #tpu.memory_space<hbm>> -> memref<4096xf32, #tpu.memory_space<hbm>>
      %dma_wait3A_74 = arith.constant 0 : i32
      %dma_wait3A_75 = tpu.memref_slice %arg6[%dma_wait3A_67, %add3A_19, %dma_wait3A_74] : memref<2x32x16384xf32, #tpu.memory_space<hbm>> -> memref<1x1x4096xf32, #tpu.memory_space<hbm>>
      %dma_wait3A_76 = tpu.memref_squeeze %dma_wait3A_75 : memref<1x1x4096xf32, #tpu.memory_space<hbm>> -> memref<4096xf32, #tpu.memory_space<hbm>>
      %dma_wait3A_77 = arith.constant 0 : i32
      %dma_wait3A_78 = tpu.memref_slice %arg9[%dma_wait3A_66, %dma_wait3A_77] : memref<2x4096xf32, #tpu.memory_space<vmem>> -> memref<1x4096xf32, #tpu.memory_space<vmem>>
      %dma_wait3A_79 = tpu.memref_squeeze %dma_wait3A_78 : memref<1x4096xf32, #tpu.memory_space<vmem>> -> memref<4096xf32, #tpu.memory_space<vmem>>
      tpu.wait_dma2 semaphore(%arg12 : memref<!tpu.dma_semaphore, #tpu.memory_space<semaphore_mem>>) src(%dma_wait3A_79 : memref<4096xf32, #tpu.memory_space<vmem>>) dst(%dma_wait3A_76 : memref<4096xf32, #tpu.memory_space<hbm>>)
      %scan3A_80 = arith.constant 0 : i32
      %scan3A_81 = arith.constant 256 : i32
      %scan3A_82 = arith.addi %scan3A_80, %scan3A_81 : i32
      %scan3A_83 = arith.constant 8 : i32
      scf.for %scan3A_318 = %scan3A_80 to %scan3A_82 step %scan3A_83  : i32 {
        %mul3A_319 = arith.constant 1 : i32
        %mul3A_320 = arith.muli %scan3A_318, %mul3A_319 : i32
        %add3A_321 = arith.constant 0 : i32
        %add3A_322 = arith.addi %add3A_321, %mul3A_320 : i32
        %mul3A_323 = arith.constant 16 : i32
        %mul3A_324 = arith.muli %add3A_322, %mul3A_323 : i32
        %add3A_325 = arith.constant 8192 : i32
        %add3A_326 = arith.addi %add3A_325, %mul3A_324 : i32
        %get3A = arith.index_cast %add3A_326 : i32 to index
        %get3A_327 = tpu.vector_load %arg8[%get3A] {strides = array<i32>} : memref<16384xi32, #tpu.memory_space<vmem>>, vector<16xi32>,
        %gather3A = tpu.vector_load_idx %arg7[%get3A_327] : memref<100000xf32, #tpu.memory_space<vmem>>[vector<16xi32>], vector<16xf32>,
        %mul3A_328 = arith.constant 16 : i32
        %mul3A_329 = arith.muli %add3A_322, %mul3A_328 : i32
        %swap3A = arith.constant 0 : i32
        %swap3A_330 = arith.index_cast %swap3A : i32 to index
        %swap3A_331 = arith.index_cast %mul3A_329 : i32 to index
        %swap3A_332 = tpu.vector_load %arg9[%swap3A_330, %swap3A_331] {strides = array<i32>} : memref<2x4096xf32, #tpu.memory_space<vmem>>, vector<16xf32>,
        tpu.vector_store %arg9[%swap3A_330, %swap3A_331], %gather3A {strides = array<i32>} : memref<2x4096xf32, #tpu.memory_space<vmem>>, vector<16xf32>,
        %scan3A_333 = arith.constant 1 : i32
        %scan3A_334 = arith.addi %scan3A_318, %scan3A_333 : i32
        %mul3A_335 = arith.constant 1 : i32
        %mul3A_336 = arith.muli %scan3A_334, %mul3A_335 : i32
        %add3A_337 = arith.constant 0 : i32
        %add3A_338 = arith.addi %add3A_337, %mul3A_336 : i32
        %mul3A_339 = arith.constant 16 : i32
        %mul3A_340 = arith.muli %add3A_338, %mul3A_339 : i32
        %add3A_341 = arith.constant 8192 : i32
        %add3A_342 = arith.addi %add3A_341, %mul3A_340 : i32
        %get3A_343 = arith.index_cast %add3A_342 : i32 to index
        %get3A_344 = tpu.vector_load %arg8[%get3A_343] {strides = array<i32>} : memref<16384xi32, #tpu.memory_space<vmem>>, vector<16xi32>,
        %gather3A_345 = tpu.vector_load_idx %arg7[%get3A_344] : memref<100000xf32, #tpu.memory_space<vmem>>[vector<16xi32>], vector<16xf32>,
        %mul3A_346 = arith.constant 16 : i32
        %mul3A_347 = arith.muli %add3A_338, %mul3A_346 : i32
        %swap3A_348 = arith.constant 0 : i32
        %swap3A_349 = arith.index_cast %swap3A_348 : i32 to index
        %swap3A_350 = arith.index_cast %mul3A_347 : i32 to index
        %swap3A_351 = tpu.vector_load %arg9[%swap3A_349, %swap3A_350] {strides = array<i32>} : memref<2x4096xf32, #tpu.memory_space<vmem>>, vector<16xf32>,
        tpu.vector_store %arg9[%swap3A_349, %swap3A_350], %gather3A_345 {strides = array<i32>} : memref<2x4096xf32, #tpu.memory_space<vmem>>, vector<16xf32>,
        %scan3A_352 = arith.constant 2 : i32
        %scan3A_353 = arith.addi %scan3A_318, %scan3A_352 : i32
        %mul3A_354 = arith.constant 1 : i32
        %mul3A_355 = arith.muli %scan3A_353, %mul3A_354 : i32
        %add3A_356 = arith.constant 0 : i32
        %add3A_357 = arith.addi %add3A_356, %mul3A_355 : i32
        %mul3A_358 = arith.constant 16 : i32
        %mul3A_359 = arith.muli %add3A_357, %mul3A_358 : i32
        %add3A_360 = arith.constant 8192 : i32
        %add3A_361 = arith.addi %add3A_360, %mul3A_359 : i32
        %get3A_362 = arith.index_cast %add3A_361 : i32 to index
        %get3A_363 = tpu.vector_load %arg8[%get3A_362] {strides = array<i32>} : memref<16384xi32, #tpu.memory_space<vmem>>, vector<16xi32>,
        %gather3A_364 = tpu.vector_load_idx %arg7[%get3A_363] : memref<100000xf32, #tpu.memory_space<vmem>>[vector<16xi32>], vector<16xf32>,
        %mul3A_365 = arith.constant 16 : i32
        %mul3A_366 = arith.muli %add3A_357, %mul3A_365 : i32
        %swap3A_367 = arith.constant 0 : i32
        %swap3A_368 = arith.index_cast %swap3A_367 : i32 to index
        %swap3A_369 = arith.index_cast %mul3A_366 : i32 to index
        %swap3A_370 = tpu.vector_load %arg9[%swap3A_368, %swap3A_369] {strides = array<i32>} : memref<2x4096xf32, #tpu.memory_space<vmem>>, vector<16xf32>,
        tpu.vector_store %arg9[%swap3A_368, %swap3A_369], %gather3A_364 {strides = array<i32>} : memref<2x4096xf32, #tpu.memory_space<vmem>>, vector<16xf32>,
        %scan3A_371 = arith.constant 3 : i32
        %scan3A_372 = arith.addi %scan3A_318, %scan3A_371 : i32
        %mul3A_373 = arith.constant 1 : i32
        %mul3A_374 = arith.muli %scan3A_372, %mul3A_373 : i32
        %add3A_375 = arith.constant 0 : i32
        %add3A_376 = arith.addi %add3A_375, %mul3A_374 : i32
        %mul3A_377 = arith.constant 16 : i32
        %mul3A_378 = arith.muli %add3A_376, %mul3A_377 : i32
        %add3A_379 = arith.constant 8192 : i32
        %add3A_380 = arith.addi %add3A_379, %mul3A_378 : i32
        %get3A_381 = arith.index_cast %add3A_380 : i32 to index
        %get3A_382 = tpu.vector_load %arg8[%get3A_381] {strides = array<i32>} : memref<16384xi32, #tpu.memory_space<vmem>>, vector<16xi32>,
        %gather3A_383 = tpu.vector_load_idx %arg7[%get3A_382] : memref<100000xf32, #tpu.memory_space<vmem>>[vector<16xi32>], vector<16xf32>,
        %mul3A_384 = arith.constant 16 : i32
        %mul3A_385 = arith.muli %add3A_376, %mul3A_384 : i32
        %swap3A_386 = arith.constant 0 : i32
        %swap3A_387 = arith.index_cast %swap3A_386 : i32 to index
        %swap3A_388 = arith.index_cast %mul3A_385 : i32 to index
        %swap3A_389 = tpu.vector_load %arg9[%swap3A_387, %swap3A_388] {strides = array<i32>} : memref<2x4096xf32, #tpu.memory_space<vmem>>, vector<16xf32>,
        tpu.vector_store %arg9[%swap3A_387, %swap3A_388], %gather3A_383 {strides = array<i32>} : memref<2x4096xf32, #tpu.memory_space<vmem>>, vector<16xf32>,
        %scan3A_390 = arith.constant 4 : i32
        %scan3A_391 = arith.addi %scan3A_318, %scan3A_390 : i32
        %mul3A_392 = arith.constant 1 : i32
        %mul3A_393 = arith.muli %scan3A_391, %mul3A_392 : i32
        %add3A_394 = arith.constant 0 : i32
        %add3A_395 = arith.addi %add3A_394, %mul3A_393 : i32
        %mul3A_396 = arith.constant 16 : i32
        %mul3A_397 = arith.muli %add3A_395, %mul3A_396 : i32
        %add3A_398 = arith.constant 8192 : i32
        %add3A_399 = arith.addi %add3A_398, %mul3A_397 : i32
        %get3A_400 = arith.index_cast %add3A_399 : i32 to index
        %get3A_401 = tpu.vector_load %arg8[%get3A_400] {strides = array<i32>} : memref<16384xi32, #tpu.memory_space<vmem>>, vector<16xi32>,
        %gather3A_402 = tpu.vector_load_idx %arg7[%get3A_401] : memref<100000xf32, #tpu.memory_space<vmem>>[vector<16xi32>], vector<16xf32>,
        %mul3A_403 = arith.constant 16 : i32
        %mul3A_404 = arith.muli %add3A_395, %mul3A_403 : i32
        %swap3A_405 = arith.constant 0 : i32
        %swap3A_406 = arith.index_cast %swap3A_405 : i32 to index
        %swap3A_407 = arith.index_cast %mul3A_404 : i32 to index
        %swap3A_408 = tpu.vector_load %arg9[%swap3A_406, %swap3A_407] {strides = array<i32>} : memref<2x4096xf32, #tpu.memory_space<vmem>>, vector<16xf32>,
        tpu.vector_store %arg9[%swap3A_406, %swap3A_407], %gather3A_402 {strides = array<i32>} : memref<2x4096xf32, #tpu.memory_space<vmem>>, vector<16xf32>,
        %scan3A_409 = arith.constant 5 : i32
        %scan3A_410 = arith.addi %scan3A_318, %scan3A_409 : i32
        %mul3A_411 = arith.constant 1 : i32
        %mul3A_412 = arith.muli %scan3A_410, %mul3A_411 : i32
        %add3A_413 = arith.constant 0 : i32
        %add3A_414 = arith.addi %add3A_413, %mul3A_412 : i32
        %mul3A_415 = arith.constant 16 : i32
        %mul3A_416 = arith.muli %add3A_414, %mul3A_415 : i32
        %add3A_417 = arith.constant 8192 : i32
        %add3A_418 = arith.addi %add3A_417, %mul3A_416 : i32
        %get3A_419 = arith.index_cast %add3A_418 : i32 to index
        %get3A_420 = tpu.vector_load %arg8[%get3A_419] {strides = array<i32>} : memref<16384xi32, #tpu.memory_space<vmem>>, vector<16xi32>,
        %gather3A_421 = tpu.vector_load_idx %arg7[%get3A_420] : memref<100000xf32, #tpu.memory_space<vmem>>[vector<16xi32>], vector<16xf32>,
        %mul3A_422 = arith.constant 16 : i32
        %mul3A_423 = arith.muli %add3A_414, %mul3A_422 : i32
        %swap3A_424 = arith.constant 0 : i32
        %swap3A_425 = arith.index_cast %swap3A_424 : i32 to index
        %swap3A_426 = arith.index_cast %mul3A_423 : i32 to index
        %swap3A_427 = tpu.vector_load %arg9[%swap3A_425, %swap3A_426] {strides = array<i32>} : memref<2x4096xf32, #tpu.memory_space<vmem>>, vector<16xf32>,
        tpu.vector_store %arg9[%swap3A_425, %swap3A_426], %gather3A_421 {strides = array<i32>} : memref<2x4096xf32, #tpu.memory_space<vmem>>, vector<16xf32>,
        %scan3A_428 = arith.constant 6 : i32
        %scan3A_429 = arith.addi %scan3A_318, %scan3A_428 : i32
        %mul3A_430 = arith.constant 1 : i32
        %mul3A_431 = arith.muli %scan3A_429, %mul3A_430 : i32
        %add3A_432 = arith.constant 0 : i32
        %add3A_433 = arith.addi %add3A_432, %mul3A_431 : i32
        %mul3A_434 = arith.constant 16 : i32
        %mul3A_435 = arith.muli %add3A_433, %mul3A_434 : i32
        %add3A_436 = arith.constant 8192 : i32
        %add3A_437 = arith.addi %add3A_436, %mul3A_435 : i32
        %get3A_438 = arith.index_cast %add3A_437 : i32 to index
        %get3A_439 = tpu.vector_load %arg8[%get3A_438] {strides = array<i32>} : memref<16384xi32, #tpu.memory_space<vmem>>, vector<16xi32>,
        %gather3A_440 = tpu.vector_load_idx %arg7[%get3A_439] : memref<100000xf32, #tpu.memory_space<vmem>>[vector<16xi32>], vector<16xf32>,
        %mul3A_441 = arith.constant 16 : i32
        %mul3A_442 = arith.muli %add3A_433, %mul3A_441 : i32
        %swap3A_443 = arith.constant 0 : i32
        %swap3A_444 = arith.index_cast %swap3A_443 : i32 to index
        %swap3A_445 = arith.index_cast %mul3A_442 : i32 to index
        %swap3A_446 = tpu.vector_load %arg9[%swap3A_444, %swap3A_445] {strides = array<i32>} : memref<2x4096xf32, #tpu.memory_space<vmem>>, vector<16xf32>,
        tpu.vector_store %arg9[%swap3A_444, %swap3A_445], %gather3A_440 {strides = array<i32>} : memref<2x4096xf32, #tpu.memory_space<vmem>>, vector<16xf32>,
        %scan3A_447 = arith.constant 7 : i32
        %scan3A_448 = arith.addi %scan3A_318, %scan3A_447 : i32
        %mul3A_449 = arith.constant 1 : i32
        %mul3A_450 = arith.muli %scan3A_448, %mul3A_449 : i32
        %add3A_451 = arith.constant 0 : i32
        %add3A_452 = arith.addi %add3A_451, %mul3A_450 : i32
        %mul3A_453 = arith.constant 16 : i32
        %mul3A_454 = arith.muli %add3A_452, %mul3A_453 : i32
        %add3A_455 = arith.constant 8192 : i32
        %add3A_456 = arith.addi %add3A_455, %mul3A_454 : i32
        %get3A_457 = arith.index_cast %add3A_456 : i32 to index
        %get3A_458 = tpu.vector_load %arg8[%get3A_457] {strides = array<i32>} : memref<16384xi32, #tpu.memory_space<vmem>>, vector<16xi32>,
        %gather3A_459 = tpu.vector_load_idx %arg7[%get3A_458] : memref<100000xf32, #tpu.memory_space<vmem>>[vector<16xi32>], vector<16xf32>,
        %mul3A_460 = arith.constant 16 : i32
        %mul3A_461 = arith.muli %add3A_452, %mul3A_460 : i32
        %swap3A_462 = arith.constant 0 : i32
        %swap3A_463 = arith.index_cast %swap3A_462 : i32 to index
        %swap3A_464 = arith.index_cast %mul3A_461 : i32 to index
        %swap3A_465 = tpu.vector_load %arg9[%swap3A_463, %swap3A_464] {strides = array<i32>} : memref<2x4096xf32, #tpu.memory_space<vmem>>, vector<16xf32>,
        tpu.vector_store %arg9[%swap3A_463, %swap3A_464], %gather3A_459 {strides = array<i32>} : memref<2x4096xf32, #tpu.memory_space<vmem>>, vector<16xf32>,
      }
      %scan3A_84 = arith.constant 256 : i32
      %dma_start3A_85 = arith.constant 0 : i32
      %dma_start3A_86 = arith.constant 0 : i32
      %dma_start3A_87 = arith.constant 0 : i32
      %dma_start3A_88 = tpu.memref_slice %arg9[%dma_start3A_85, %dma_start3A_87] : memref<2x4096xf32, #tpu.memory_space<vmem>> -> memref<1x4096xf32, #tpu.memory_space<vmem>>
      %dma_start3A_89 = tpu.memref_squeeze %dma_start3A_88 : memref<1x4096xf32, #tpu.memory_space<vmem>> -> memref<4096xf32, #tpu.memory_space<vmem>>
      %dma_start3A_90 = arith.constant 8192 : i32
      %dma_start3A_91 = tpu.memref_slice %arg6[%dma_start3A_86, %add3A_19, %dma_start3A_90] : memref<2x32x16384xf32, #tpu.memory_space<hbm>> -> memref<1x1x4096xf32, #tpu.memory_space<hbm>>
      %dma_start3A_92 = tpu.memref_squeeze %dma_start3A_91 : memref<1x1x4096xf32, #tpu.memory_space<hbm>> -> memref<4096xf32, #tpu.memory_space<hbm>>
      %dma_start3A_93 = arith.constant 8192 : i32
      %dma_start3A_94 = tpu.memref_slice %arg6[%dma_start3A_86, %add3A_19, %dma_start3A_93] : memref<2x32x16384xf32, #tpu.memory_space<hbm>> -> memref<1x1x4096xf32, #tpu.memory_space<hbm>>
      %dma_start3A_95 = tpu.memref_squeeze %dma_start3A_94 : memref<1x1x4096xf32, #tpu.memory_space<hbm>> -> memref<4096xf32, #tpu.memory_space<hbm>>
      %dma_start3A_96 = arith.constant 0 : i32
      %dma_start3A_97 = tpu.memref_slice %arg9[%dma_start3A_85, %dma_start3A_96] : memref<2x4096xf32, #tpu.memory_space<vmem>> -> memref<1x4096xf32, #tpu.memory_space<vmem>>
      %dma_start3A_98 = tpu.memref_squeeze %dma_start3A_97 : memref<1x4096xf32, #tpu.memory_space<vmem>> -> memref<4096xf32, #tpu.memory_space<vmem>>
      tpu.enqueue_dma source(%dma_start3A_98 : memref<4096xf32, #tpu.memory_space<vmem>>) target(%dma_start3A_95 : memref<4096xf32, #tpu.memory_space<hbm>>) target_semaphore(%arg12 : memref<!tpu.dma_semaphore, #tpu.memory_space<semaphore_mem>>)
      %dma_wait3A_99 = arith.constant 1 : i32
      %dma_wait3A_100 = arith.constant 0 : i32
      %dma_wait3A_101 = arith.constant 0 : i32
      %dma_wait3A_102 = tpu.memref_slice %arg9[%dma_wait3A_99, %dma_wait3A_101] : memref<2x4096xf32, #tpu.memory_space<vmem>> -> memref<1x4096xf32, #tpu.memory_space<vmem>>
      %dma_wait3A_103 = tpu.memref_squeeze %dma_wait3A_102 : memref<1x4096xf32, #tpu.memory_space<vmem>> -> memref<4096xf32, #tpu.memory_space<vmem>>
      %dma_wait3A_104 = arith.constant 4096 : i32
      %dma_wait3A_105 = tpu.memref_slice %arg6[%dma_wait3A_100, %add3A_19, %dma_wait3A_104] : memref<2x32x16384xf32, #tpu.memory_space<hbm>> -> memref<1x1x4096xf32, #tpu.memory_space<hbm>>
      %dma_wait3A_106 = tpu.memref_squeeze %dma_wait3A_105 : memref<1x1x4096xf32, #tpu.memory_space<hbm>> -> memref<4096xf32, #tpu.memory_space<hbm>>
      %dma_wait3A_107 = arith.constant 4096 : i32
      %dma_wait3A_108 = tpu.memref_slice %arg6[%dma_wait3A_100, %add3A_19, %dma_wait3A_107] : memref<2x32x16384xf32, #tpu.memory_space<hbm>> -> memref<1x1x4096xf32, #tpu.memory_space<hbm>>
      %dma_wait3A_109 = tpu.memref_squeeze %dma_wait3A_108 : memref<1x1x4096xf32, #tpu.memory_space<hbm>> -> memref<4096xf32, #tpu.memory_space<hbm>>
      %dma_wait3A_110 = arith.constant 0 : i32
      %dma_wait3A_111 = tpu.memref_slice %arg9[%dma_wait3A_99, %dma_wait3A_110] : memref<2x4096xf32, #tpu.memory_space<vmem>> -> memref<1x4096xf32, #tpu.memory_space<vmem>>
      %dma_wait3A_112 = tpu.memref_squeeze %dma_wait3A_111 : memref<1x4096xf32, #tpu.memory_space<vmem>> -> memref<4096xf32, #tpu.memory_space<vmem>>
      tpu.wait_dma2 semaphore(%arg12 : memref<!tpu.dma_semaphore, #tpu.memory_space<semaphore_mem>>) src(%dma_wait3A_112 : memref<4096xf32, #tpu.memory_space<vmem>>) dst(%dma_wait3A_109 : memref<4096xf32, #tpu.memory_space<hbm>>)
      %scan3A_113 = arith.constant 0 : i32
      %scan3A_114 = arith.constant 256 : i32
      %scan3A_115 = arith.addi %scan3A_113, %scan3A_114 : i32
      %scan3A_116 = arith.constant 8 : i32
      scf.for %scan3A_318 = %scan3A_113 to %scan3A_115 step %scan3A_116  : i32 {
        %mul3A_319 = arith.constant 1 : i32
        %mul3A_320 = arith.muli %scan3A_318, %mul3A_319 : i32
        %add3A_321 = arith.constant 0 : i32
        %add3A_322 = arith.addi %add3A_321, %mul3A_320 : i32
        %mul3A_323 = arith.constant 16 : i32
        %mul3A_324 = arith.muli %add3A_322, %mul3A_323 : i32
        %add3A_325 = arith.constant 12288 : i32
        %add3A_326 = arith.addi %add3A_325, %mul3A_324 : i32
        %get3A = arith.index_cast %add3A_326 : i32 to index
        %get3A_327 = tpu.vector_load %arg8[%get3A] {strides = array<i32>} : memref<16384xi32, #tpu.memory_space<vmem>>, vector<16xi32>,
        %gather3A = tpu.vector_load_idx %arg7[%get3A_327] : memref<100000xf32, #tpu.memory_space<vmem>>[vector<16xi32>], vector<16xf32>,
        %mul3A_328 = arith.constant 16 : i32
        %mul3A_329 = arith.muli %add3A_322, %mul3A_328 : i32
        %swap3A = arith.constant 1 : i32
        %swap3A_330 = arith.index_cast %swap3A : i32 to index
        %swap3A_331 = arith.index_cast %mul3A_329 : i32 to index
        %swap3A_332 = tpu.vector_load %arg9[%swap3A_330, %swap3A_331] {strides = array<i32>} : memref<2x4096xf32, #tpu.memory_space<vmem>>, vector<16xf32>,
        tpu.vector_store %arg9[%swap3A_330, %swap3A_331], %gather3A {strides = array<i32>} : memref<2x4096xf32, #tpu.memory_space<vmem>>, vector<16xf32>,
        %scan3A_333 = arith.constant 1 : i32
        %scan3A_334 = arith.addi %scan3A_318, %scan3A_333 : i32
        %mul3A_335 = arith.constant 1 : i32
        %mul3A_336 = arith.muli %scan3A_334, %mul3A_335 : i32
        %add3A_337 = arith.constant 0 : i32
        %add3A_338 = arith.addi %add3A_337, %mul3A_336 : i32
        %mul3A_339 = arith.constant 16 : i32
        %mul3A_340 = arith.muli %add3A_338, %mul3A_339 : i32
        %add3A_341 = arith.constant 12288 : i32
        %add3A_342 = arith.addi %add3A_341, %mul3A_340 : i32
        %get3A_343 = arith.index_cast %add3A_342 : i32 to index
        %get3A_344 = tpu.vector_load %arg8[%get3A_343] {strides = array<i32>} : memref<16384xi32, #tpu.memory_space<vmem>>, vector<16xi32>,
        %gather3A_345 = tpu.vector_load_idx %arg7[%get3A_344] : memref<100000xf32, #tpu.memory_space<vmem>>[vector<16xi32>], vector<16xf32>,
        %mul3A_346 = arith.constant 16 : i32
        %mul3A_347 = arith.muli %add3A_338, %mul3A_346 : i32
        %swap3A_348 = arith.constant 1 : i32
        %swap3A_349 = arith.index_cast %swap3A_348 : i32 to index
        %swap3A_350 = arith.index_cast %mul3A_347 : i32 to index
        %swap3A_351 = tpu.vector_load %arg9[%swap3A_349, %swap3A_350] {strides = array<i32>} : memref<2x4096xf32, #tpu.memory_space<vmem>>, vector<16xf32>,
        tpu.vector_store %arg9[%swap3A_349, %swap3A_350], %gather3A_345 {strides = array<i32>} : memref<2x4096xf32, #tpu.memory_space<vmem>>, vector<16xf32>,
        %scan3A_352 = arith.constant 2 : i32
        %scan3A_353 = arith.addi %scan3A_318, %scan3A_352 : i32
        %mul3A_354 = arith.constant 1 : i32
        %mul3A_355 = arith.muli %scan3A_353, %mul3A_354 : i32
        %add3A_356 = arith.constant 0 : i32
        %add3A_357 = arith.addi %add3A_356, %mul3A_355 : i32
        %mul3A_358 = arith.constant 16 : i32
        %mul3A_359 = arith.muli %add3A_357, %mul3A_358 : i32
        %add3A_360 = arith.constant 12288 : i32
        %add3A_361 = arith.addi %add3A_360, %mul3A_359 : i32
        %get3A_362 = arith.index_cast %add3A_361 : i32 to index
        %get3A_363 = tpu.vector_load %arg8[%get3A_362] {strides = array<i32>} : memref<16384xi32, #tpu.memory_space<vmem>>, vector<16xi32>,
        %gather3A_364 = tpu.vector_load_idx %arg7[%get3A_363] : memref<100000xf32, #tpu.memory_space<vmem>>[vector<16xi32>], vector<16xf32>,
        %mul3A_365 = arith.constant 16 : i32
        %mul3A_366 = arith.muli %add3A_357, %mul3A_365 : i32
        %swap3A_367 = arith.constant 1 : i32
        %swap3A_368 = arith.index_cast %swap3A_367 : i32 to index
        %swap3A_369 = arith.index_cast %mul3A_366 : i32 to index
        %swap3A_370 = tpu.vector_load %arg9[%swap3A_368, %swap3A_369] {strides = array<i32>} : memref<2x4096xf32, #tpu.memory_space<vmem>>, vector<16xf32>,
        tpu.vector_store %arg9[%swap3A_368, %swap3A_369], %gather3A_364 {strides = array<i32>} : memref<2x4096xf32, #tpu.memory_space<vmem>>, vector<16xf32>,
        %scan3A_371 = arith.constant 3 : i32
        %scan3A_372 = arith.addi %scan3A_318, %scan3A_371 : i32
        %mul3A_373 = arith.constant 1 : i32
        %mul3A_374 = arith.muli %scan3A_372, %mul3A_373 : i32
        %add3A_375 = arith.constant 0 : i32
        %add3A_376 = arith.addi %add3A_375, %mul3A_374 : i32
        %mul3A_377 = arith.constant 16 : i32
        %mul3A_378 = arith.muli %add3A_376, %mul3A_377 : i32
        %add3A_379 = arith.constant 12288 : i32
        %add3A_380 = arith.addi %add3A_379, %mul3A_378 : i32
        %get3A_381 = arith.index_cast %add3A_380 : i32 to index
        %get3A_382 = tpu.vector_load %arg8[%get3A_381] {strides = array<i32>} : memref<16384xi32, #tpu.memory_space<vmem>>, vector<16xi32>,
        %gather3A_383 = tpu.vector_load_idx %arg7[%get3A_382] : memref<100000xf32, #tpu.memory_space<vmem>>[vector<16xi32>], vector<16xf32>,
        %mul3A_384 = arith.constant 16 : i32
        %mul3A_385 = arith.muli %add3A_376, %mul3A_384 : i32
        %swap3A_386 = arith.constant 1 : i32
        %swap3A_387 = arith.index_cast %swap3A_386 : i32 to index
        %swap3A_388 = arith.index_cast %mul3A_385 : i32 to index
        %swap3A_389 = tpu.vector_load %arg9[%swap3A_387, %swap3A_388] {strides = array<i32>} : memref<2x4096xf32, #tpu.memory_space<vmem>>, vector<16xf32>,
        tpu.vector_store %arg9[%swap3A_387, %swap3A_388], %gather3A_383 {strides = array<i32>} : memref<2x4096xf32, #tpu.memory_space<vmem>>, vector<16xf32>,
        %scan3A_390 = arith.constant 4 : i32
        %scan3A_391 = arith.addi %scan3A_318, %scan3A_390 : i32
        %mul3A_392 = arith.constant 1 : i32
        %mul3A_393 = arith.muli %scan3A_391, %mul3A_392 : i32
        %add3A_394 = arith.constant 0 : i32
        %add3A_395 = arith.addi %add3A_394, %mul3A_393 : i32
        %mul3A_396 = arith.constant 16 : i32
        %mul3A_397 = arith.muli %add3A_395, %mul3A_396 : i32
        %add3A_398 = arith.constant 12288 : i32
        %add3A_399 = arith.addi %add3A_398, %mul3A_397 : i32
        %get3A_400 = arith.index_cast %add3A_399 : i32 to index
        %get3A_401 = tpu.vector_load %arg8[%get3A_400] {strides = array<i32>} : memref<16384xi32, #tpu.memory_space<vmem>>, vector<16xi32>,
        %gather3A_402 = tpu.vector_load_idx %arg7[%get3A_401] : memref<100000xf32, #tpu.memory_space<vmem>>[vector<16xi32>], vector<16xf32>,
        %mul3A_403 = arith.constant 16 : i32
        %mul3A_404 = arith.muli %add3A_395, %mul3A_403 : i32
        %swap3A_405 = arith.constant 1 : i32
        %swap3A_406 = arith.index_cast %swap3A_405 : i32 to index
        %swap3A_407 = arith.index_cast %mul3A_404 : i32 to index
        %swap3A_408 = tpu.vector_load %arg9[%swap3A_406, %swap3A_407] {strides = array<i32>} : memref<2x4096xf32, #tpu.memory_space<vmem>>, vector<16xf32>,
        tpu.vector_store %arg9[%swap3A_406, %swap3A_407], %gather3A_402 {strides = array<i32>} : memref<2x4096xf32, #tpu.memory_space<vmem>>, vector<16xf32>,
        %scan3A_409 = arith.constant 5 : i32
        %scan3A_410 = arith.addi %scan3A_318, %scan3A_409 : i32
        %mul3A_411 = arith.constant 1 : i32
        %mul3A_412 = arith.muli %scan3A_410, %mul3A_411 : i32
        %add3A_413 = arith.constant 0 : i32
        %add3A_414 = arith.addi %add3A_413, %mul3A_412 : i32
        %mul3A_415 = arith.constant 16 : i32
        %mul3A_416 = arith.muli %add3A_414, %mul3A_415 : i32
        %add3A_417 = arith.constant 12288 : i32
        %add3A_418 = arith.addi %add3A_417, %mul3A_416 : i32
        %get3A_419 = arith.index_cast %add3A_418 : i32 to index
        %get3A_420 = tpu.vector_load %arg8[%get3A_419] {strides = array<i32>} : memref<16384xi32, #tpu.memory_space<vmem>>, vector<16xi32>,
        %gather3A_421 = tpu.vector_load_idx %arg7[%get3A_420] : memref<100000xf32, #tpu.memory_space<vmem>>[vector<16xi32>], vector<16xf32>,
        %mul3A_422 = arith.constant 16 : i32
        %mul3A_423 = arith.muli %add3A_414, %mul3A_422 : i32
        %swap3A_424 = arith.constant 1 : i32
        %swap3A_425 = arith.index_cast %swap3A_424 : i32 to index
        %swap3A_426 = arith.index_cast %mul3A_423 : i32 to index
        %swap3A_427 = tpu.vector_load %arg9[%swap3A_425, %swap3A_426] {strides = array<i32>} : memref<2x4096xf32, #tpu.memory_space<vmem>>, vector<16xf32>,
        tpu.vector_store %arg9[%swap3A_425, %swap3A_426], %gather3A_421 {strides = array<i32>} : memref<2x4096xf32, #tpu.memory_space<vmem>>, vector<16xf32>,
        %scan3A_428 = arith.constant 6 : i32
        %scan3A_429 = arith.addi %scan3A_318, %scan3A_428 : i32
        %mul3A_430 = arith.constant 1 : i32
        %mul3A_431 = arith.muli %scan3A_429, %mul3A_430 : i32
        %add3A_432 = arith.constant 0 : i32
        %add3A_433 = arith.addi %add3A_432, %mul3A_431 : i32
        %mul3A_434 = arith.constant 16 : i32
        %mul3A_435 = arith.muli %add3A_433, %mul3A_434 : i32
        %add3A_436 = arith.constant 12288 : i32
        %add3A_437 = arith.addi %add3A_436, %mul3A_435 : i32
        %get3A_438 = arith.index_cast %add3A_437 : i32 to index
        %get3A_439 = tpu.vector_load %arg8[%get3A_438] {strides = array<i32>} : memref<16384xi32, #tpu.memory_space<vmem>>, vector<16xi32>,
        %gather3A_440 = tpu.vector_load_idx %arg7[%get3A_439] : memref<100000xf32, #tpu.memory_space<vmem>>[vector<16xi32>], vector<16xf32>,
        %mul3A_441 = arith.constant 16 : i32
        %mul3A_442 = arith.muli %add3A_433, %mul3A_441 : i32
        %swap3A_443 = arith.constant 1 : i32
        %swap3A_444 = arith.index_cast %swap3A_443 : i32 to index
        %swap3A_445 = arith.index_cast %mul3A_442 : i32 to index
        %swap3A_446 = tpu.vector_load %arg9[%swap3A_444, %swap3A_445] {strides = array<i32>} : memref<2x4096xf32, #tpu.memory_space<vmem>>, vector<16xf32>,
        tpu.vector_store %arg9[%swap3A_444, %swap3A_445], %gather3A_440 {strides = array<i32>} : memref<2x4096xf32, #tpu.memory_space<vmem>>, vector<16xf32>,
        %scan3A_447 = arith.constant 7 : i32
        %scan3A_448 = arith.addi %scan3A_318, %scan3A_447 : i32
        %mul3A_449 = arith.constant 1 : i32
        %mul3A_450 = arith.muli %scan3A_448, %mul3A_449 : i32
        %add3A_451 = arith.constant 0 : i32
        %add3A_452 = arith.addi %add3A_451, %mul3A_450 : i32
        %mul3A_453 = arith.constant 16 : i32
        %mul3A_454 = arith.muli %add3A_452, %mul3A_453 : i32
        %add3A_455 = arith.constant 12288 : i32
        %add3A_456 = arith.addi %add3A_455, %mul3A_454 : i32
        %get3A_457 = arith.index_cast %add3A_456 : i32 to index
        %get3A_458 = tpu.vector_load %arg8[%get3A_457] {strides = array<i32>} : memref<16384xi32, #tpu.memory_space<vmem>>, vector<16xi32>,
        %gather3A_459 = tpu.vector_load_idx %arg7[%get3A_458] : memref<100000xf32, #tpu.memory_space<vmem>>[vector<16xi32>], vector<16xf32>,
        %mul3A_460 = arith.constant 16 : i32
        %mul3A_461 = arith.muli %add3A_452, %mul3A_460 : i32
        %swap3A_462 = arith.constant 1 : i32
        %swap3A_463 = arith.index_cast %swap3A_462 : i32 to index
        %swap3A_464 = arith.index_cast %mul3A_461 : i32 to index
        %swap3A_465 = tpu.vector_load %arg9[%swap3A_463, %swap3A_464] {strides = array<i32>} : memref<2x4096xf32, #tpu.memory_space<vmem>>, vector<16xf32>,
        tpu.vector_store %arg9[%swap3A_463, %swap3A_464], %gather3A_459 {strides = array<i32>} : memref<2x4096xf32, #tpu.memory_space<vmem>>, vector<16xf32>,
      }
      %scan3A_117 = arith.constant 256 : i32
      %dma_start3A_118 = arith.constant 1 : i32
      %dma_start3A_119 = arith.constant 0 : i32
      %dma_start3A_120 = arith.constant 0 : i32
      %dma_start3A_121 = tpu.memref_slice %arg9[%dma_start3A_118, %dma_start3A_120] : memref<2x4096xf32, #tpu.memory_space<vmem>> -> memref<1x4096xf32, #tpu.memory_space<vmem>>
      %dma_start3A_122 = tpu.memref_squeeze %dma_start3A_121 : memref<1x4096xf32, #tpu.memory_space<vmem>> -> memref<4096xf32, #tpu.memory_space<vmem>>
      %dma_start3A_123 = arith.constant 12288 : i32
      %dma_start3A_124 = tpu.memref_slice %arg6[%dma_start3A_119, %add3A_19, %dma_start3A_123] : memref<2x32x16384xf32, #tpu.memory_space<hbm>> -> memref<1x1x4096xf32, #tpu.memory_space<hbm>>
      %dma_start3A_125 = tpu.memref_squeeze %dma_start3A_124 : memref<1x1x4096xf32, #tpu.memory_space<hbm>> -> memref<4096xf32, #tpu.memory_space<hbm>>
      %dma_start3A_126 = arith.constant 12288 : i32
      %dma_start3A_127 = tpu.memref_slice %arg6[%dma_start3A_119, %add3A_19, %dma_start3A_126] : memref<2x32x16384xf32, #tpu.memory_space<hbm>> -> memref<1x1x4096xf32, #tpu.memory_space<hbm>>
      %dma_start3A_128 = tpu.memref_squeeze %dma_start3A_127 : memref<1x1x4096xf32, #tpu.memory_space<hbm>> -> memref<4096xf32, #tpu.memory_space<hbm>>
      %dma_start3A_129 = arith.constant 0 : i32
      %dma_start3A_130 = tpu.memref_slice %arg9[%dma_start3A_118, %dma_start3A_129] : memref<2x4096xf32, #tpu.memory_space<vmem>> -> memref<1x4096xf32, #tpu.memory_space<vmem>>
      %dma_start3A_131 = tpu.memref_squeeze %dma_start3A_130 : memref<1x4096xf32, #tpu.memory_space<vmem>> -> memref<4096xf32, #tpu.memory_space<vmem>>
      tpu.enqueue_dma source(%dma_start3A_131 : memref<4096xf32, #tpu.memory_space<vmem>>) target(%dma_start3A_128 : memref<4096xf32, #tpu.memory_space<hbm>>) target_semaphore(%arg12 : memref<!tpu.dma_semaphore, #tpu.memory_space<semaphore_mem>>)
      %add3A_132 = arith.constant 1 : i32
      %add3A_133 = arith.addi %add3A_19, %add3A_132 : i32
      %dma_start3A_134 = arith.constant 0 : i32
      %dma_start3A_135 = tpu.memref_slice %arg7[%dma_start3A_134] : memref<100000xf32, #tpu.memory_space<vmem>> -> memref<16xf32, #tpu.memory_space<vmem>>
      %dma_start3A_136 = arith.constant 0 : i32
      %dma_start3A_137 = tpu.memref_slice %arg2[%add3A_133, %dma_start3A_136] : memref<32x100000xf32, #tpu.memory_space<hbm>> -> memref<1x16xf32, #tpu.memory_space<hbm>>
      %dma_start3A_138 = tpu.memref_squeeze %dma_start3A_137 : memref<1x16xf32, #tpu.memory_space<hbm>> -> memref<16xf32, #tpu.memory_space<hbm>>
      %dma_start3A_139 = arith.constant 0 : i32
      %dma_start3A_140 = tpu.memref_slice %arg7[%dma_start3A_139] : memref<100000xf32, #tpu.memory_space<vmem>> -> memref<16xf32, #tpu.memory_space<vmem>>
      %dma_start3A_141 = arith.constant 0 : i32
      %dma_start3A_142 = tpu.memref_slice %arg2[%add3A_133, %dma_start3A_141] : memref<32x100000xf32, #tpu.memory_space<hbm>> -> memref<1x16xf32, #tpu.memory_space<hbm>>
      %dma_start3A_143 = tpu.memref_squeeze %dma_start3A_142 : memref<1x16xf32, #tpu.memory_space<hbm>> -> memref<16xf32, #tpu.memory_space<hbm>>
      tpu.enqueue_dma source(%dma_start3A_143 : memref<16xf32, #tpu.memory_space<hbm>>) target(%dma_start3A_140 : memref<16xf32, #tpu.memory_space<vmem>>) target_semaphore(%arg11 : memref<!tpu.dma_semaphore, #tpu.memory_space<semaphore_mem>>)
      %mul3A_144 = arith.constant 2 : i32
      %mul3A_145 = arith.muli %arg1, %mul3A_144 : i32
      %add3A_146 = arith.constant 1 : i32
      %add3A_147 = arith.addi %mul3A_145, %add3A_146 : i32
      %dma_wait3A_148 = arith.constant 0 : i32
      %dma_wait3A_149 = tpu.memref_slice %arg7[%dma_wait3A_148] : memref<100000xf32, #tpu.memory_space<vmem>> -> memref<16xf32, #tpu.memory_space<vmem>>
      %dma_wait3A_150 = arith.constant 0 : i32
      %dma_wait3A_151 = tpu.memref_slice %arg2[%add3A_133, %dma_wait3A_150] : memref<32x100000xf32, #tpu.memory_space<hbm>> -> memref<1x16xf32, #tpu.memory_space<hbm>>
      %dma_wait3A_152 = tpu.memref_squeeze %dma_wait3A_151 : memref<1x16xf32, #tpu.memory_space<hbm>> -> memref<16xf32, #tpu.memory_space<hbm>>
      %dma_wait3A_153 = arith.constant 0 : i32
      %dma_wait3A_154 = tpu.memref_slice %arg7[%dma_wait3A_153] : memref<100000xf32, #tpu.memory_space<vmem>> -> memref<16xf32, #tpu.memory_space<vmem>>
      %dma_wait3A_155 = arith.constant 0 : i32
      %dma_wait3A_156 = tpu.memref_slice %arg2[%add3A_133, %dma_wait3A_155] : memref<32x100000xf32, #tpu.memory_space<hbm>> -> memref<1x16xf32, #tpu.memory_space<hbm>>
      %dma_wait3A_157 = tpu.memref_squeeze %dma_wait3A_156 : memref<1x16xf32, #tpu.memory_space<hbm>> -> memref<16xf32, #tpu.memory_space<hbm>>
      tpu.wait_dma2 semaphore(%arg11 : memref<!tpu.dma_semaphore, #tpu.memory_space<semaphore_mem>>) src(%dma_wait3A_157 : memref<16xf32, #tpu.memory_space<hbm>>) dst(%dma_wait3A_154 : memref<16xf32, #tpu.memory_space<vmem>>)
      %dma_wait3A_158 = arith.constant 0 : i32
      %dma_wait3A_159 = arith.constant 0 : i32
      %dma_wait3A_160 = arith.constant 0 : i32
      %dma_wait3A_161 = tpu.memref_slice %arg9[%dma_wait3A_158, %dma_wait3A_160] : memref<2x4096xf32, #tpu.memory_space<vmem>> -> memref<1x4096xf32, #tpu.memory_space<vmem>>
      %dma_wait3A_162 = tpu.memref_squeeze %dma_wait3A_161 : memref<1x4096xf32, #tpu.memory_space<vmem>> -> memref<4096xf32, #tpu.memory_space<vmem>>
      %dma_wait3A_163 = arith.constant 8192 : i32
      %dma_wait3A_164 = tpu.memref_slice %arg6[%dma_wait3A_159, %add3A_19, %dma_wait3A_163] : memref<2x32x16384xf32, #tpu.memory_space<hbm>> -> memref<1x1x4096xf32, #tpu.memory_space<hbm>>
      %dma_wait3A_165 = tpu.memref_squeeze %dma_wait3A_164 : memref<1x1x4096xf32, #tpu.memory_space<hbm>> -> memref<4096xf32, #tpu.memory_space<hbm>>
      %dma_wait3A_166 = arith.constant 8192 : i32
      %dma_wait3A_167 = tpu.memref_slice %arg6[%dma_wait3A_159, %add3A_19, %dma_wait3A_166] : memref<2x32x16384xf32, #tpu.memory_space<hbm>> -> memref<1x1x4096xf32, #tpu.memory_space<hbm>>
      %dma_wait3A_168 = tpu.memref_squeeze %dma_wait3A_167 : memref<1x1x4096xf32, #tpu.memory_space<hbm>> -> memref<4096xf32, #tpu.memory_space<hbm>>
      %dma_wait3A_169 = arith.constant 0 : i32
      %dma_wait3A_170 = tpu.memref_slice %arg9[%dma_wait3A_158, %dma_wait3A_169] : memref<2x4096xf32, #tpu.memory_space<vmem>> -> memref<1x4096xf32, #tpu.memory_space<vmem>>
      %dma_wait3A_171 = tpu.memref_squeeze %dma_wait3A_170 : memref<1x4096xf32, #tpu.memory_space<vmem>> -> memref<4096xf32, #tpu.memory_space<vmem>>
      tpu.wait_dma2 semaphore(%arg12 : memref<!tpu.dma_semaphore, #tpu.memory_space<semaphore_mem>>) src(%dma_wait3A_171 : memref<4096xf32, #tpu.memory_space<vmem>>) dst(%dma_wait3A_168 : memref<4096xf32, #tpu.memory_space<hbm>>)
      %scan3A_172 = arith.constant 0 : i32
      %scan3A_173 = arith.constant 256 : i32
      %scan3A_174 = arith.addi %scan3A_172, %scan3A_173 : i32
      %scan3A_175 = arith.constant 8 : i32
      scf.for %scan3A_318 = %scan3A_172 to %scan3A_174 step %scan3A_175  : i32 {
        %mul3A_319 = arith.constant 1 : i32
        %mul3A_320 = arith.muli %scan3A_318, %mul3A_319 : i32
        %add3A_321 = arith.constant 0 : i32
        %add3A_322 = arith.addi %add3A_321, %mul3A_320 : i32
        %mul3A_323 = arith.constant 16 : i32
        %mul3A_324 = arith.muli %add3A_322, %mul3A_323 : i32
        %add3A_325 = arith.constant 0 : i32
        %add3A_326 = arith.addi %add3A_325, %mul3A_324 : i32
        %get3A = arith.index_cast %add3A_326 : i32 to index
        %get3A_327 = tpu.vector_load %arg8[%get3A] {strides = array<i32>} : memref<16384xi32, #tpu.memory_space<vmem>>, vector<16xi32>,
        %gather3A = tpu.vector_load_idx %arg7[%get3A_327] : memref<100000xf32, #tpu.memory_space<vmem>>[vector<16xi32>], vector<16xf32>,
        %mul3A_328 = arith.constant 16 : i32
        %mul3A_329 = arith.muli %add3A_322, %mul3A_328 : i32
        %swap3A = arith.constant 0 : i32
        %swap3A_330 = arith.index_cast %swap3A : i32 to index
        %swap3A_331 = arith.index_cast %mul3A_329 : i32 to index
        %swap3A_332 = tpu.vector_load %arg9[%swap3A_330, %swap3A_331] {strides = array<i32>} : memref<2x4096xf32, #tpu.memory_space<vmem>>, vector<16xf32>,
        tpu.vector_store %arg9[%swap3A_330, %swap3A_331], %gather3A {strides = array<i32>} : memref<2x4096xf32, #tpu.memory_space<vmem>>, vector<16xf32>,
        %scan3A_333 = arith.constant 1 : i32
        %scan3A_334 = arith.addi %scan3A_318, %scan3A_333 : i32
        %mul3A_335 = arith.constant 1 : i32
        %mul3A_336 = arith.muli %scan3A_334, %mul3A_335 : i32
        %add3A_337 = arith.constant 0 : i32
        %add3A_338 = arith.addi %add3A_337, %mul3A_336 : i32
        %mul3A_339 = arith.constant 16 : i32
        %mul3A_340 = arith.muli %add3A_338, %mul3A_339 : i32
        %add3A_341 = arith.constant 0 : i32
        %add3A_342 = arith.addi %add3A_341, %mul3A_340 : i32
        %get3A_343 = arith.index_cast %add3A_342 : i32 to index
        %get3A_344 = tpu.vector_load %arg8[%get3A_343] {strides = array<i32>} : memref<16384xi32, #tpu.memory_space<vmem>>, vector<16xi32>,
        %gather3A_345 = tpu.vector_load_idx %arg7[%get3A_344] : memref<100000xf32, #tpu.memory_space<vmem>>[vector<16xi32>], vector<16xf32>,
        %mul3A_346 = arith.constant 16 : i32
        %mul3A_347 = arith.muli %add3A_338, %mul3A_346 : i32
        %swap3A_348 = arith.constant 0 : i32
        %swap3A_349 = arith.index_cast %swap3A_348 : i32 to index
        %swap3A_350 = arith.index_cast %mul3A_347 : i32 to index
        %swap3A_351 = tpu.vector_load %arg9[%swap3A_349, %swap3A_350] {strides = array<i32>} : memref<2x4096xf32, #tpu.memory_space<vmem>>, vector<16xf32>,
        tpu.vector_store %arg9[%swap3A_349, %swap3A_350], %gather3A_345 {strides = array<i32>} : memref<2x4096xf32, #tpu.memory_space<vmem>>, vector<16xf32>,
        %scan3A_352 = arith.constant 2 : i32
        %scan3A_353 = arith.addi %scan3A_318, %scan3A_352 : i32
        %mul3A_354 = arith.constant 1 : i32
        %mul3A_355 = arith.muli %scan3A_353, %mul3A_354 : i32
        %add3A_356 = arith.constant 0 : i32
        %add3A_357 = arith.addi %add3A_356, %mul3A_355 : i32
        %mul3A_358 = arith.constant 16 : i32
        %mul3A_359 = arith.muli %add3A_357, %mul3A_358 : i32
        %add3A_360 = arith.constant 0 : i32
        %add3A_361 = arith.addi %add3A_360, %mul3A_359 : i32
        %get3A_362 = arith.index_cast %add3A_361 : i32 to index
        %get3A_363 = tpu.vector_load %arg8[%get3A_362] {strides = array<i32>} : memref<16384xi32, #tpu.memory_space<vmem>>, vector<16xi32>,
        %gather3A_364 = tpu.vector_load_idx %arg7[%get3A_363] : memref<100000xf32, #tpu.memory_space<vmem>>[vector<16xi32>], vector<16xf32>,
        %mul3A_365 = arith.constant 16 : i32
        %mul3A_366 = arith.muli %add3A_357, %mul3A_365 : i32
        %swap3A_367 = arith.constant 0 : i32
        %swap3A_368 = arith.index_cast %swap3A_367 : i32 to index
        %swap3A_369 = arith.index_cast %mul3A_366 : i32 to index
        %swap3A_370 = tpu.vector_load %arg9[%swap3A_368, %swap3A_369] {strides = array<i32>} : memref<2x4096xf32, #tpu.memory_space<vmem>>, vector<16xf32>,
        tpu.vector_store %arg9[%swap3A_368, %swap3A_369], %gather3A_364 {strides = array<i32>} : memref<2x4096xf32, #tpu.memory_space<vmem>>, vector<16xf32>,
        %scan3A_371 = arith.constant 3 : i32
        %scan3A_372 = arith.addi %scan3A_318, %scan3A_371 : i32
        %mul3A_373 = arith.constant 1 : i32
        %mul3A_374 = arith.muli %scan3A_372, %mul3A_373 : i32
        %add3A_375 = arith.constant 0 : i32
        %add3A_376 = arith.addi %add3A_375, %mul3A_374 : i32
        %mul3A_377 = arith.constant 16 : i32
        %mul3A_378 = arith.muli %add3A_376, %mul3A_377 : i32
        %add3A_379 = arith.constant 0 : i32
        %add3A_380 = arith.addi %add3A_379, %mul3A_378 : i32
        %get3A_381 = arith.index_cast %add3A_380 : i32 to index
        %get3A_382 = tpu.vector_load %arg8[%get3A_381] {strides = array<i32>} : memref<16384xi32, #tpu.memory_space<vmem>>, vector<16xi32>,
        %gather3A_383 = tpu.vector_load_idx %arg7[%get3A_382] : memref<100000xf32, #tpu.memory_space<vmem>>[vector<16xi32>], vector<16xf32>,
        %mul3A_384 = arith.constant 16 : i32
        %mul3A_385 = arith.muli %add3A_376, %mul3A_384 : i32
        %swap3A_386 = arith.constant 0 : i32
        %swap3A_387 = arith.index_cast %swap3A_386 : i32 to index
        %swap3A_388 = arith.index_cast %mul3A_385 : i32 to index
        %swap3A_389 = tpu.vector_load %arg9[%swap3A_387, %swap3A_388] {strides = array<i32>} : memref<2x4096xf32, #tpu.memory_space<vmem>>, vector<16xf32>,
        tpu.vector_store %arg9[%swap3A_387, %swap3A_388], %gather3A_383 {strides = array<i32>} : memref<2x4096xf32, #tpu.memory_space<vmem>>, vector<16xf32>,
        %scan3A_390 = arith.constant 4 : i32
        %scan3A_391 = arith.addi %scan3A_318, %scan3A_390 : i32
        %mul3A_392 = arith.constant 1 : i32
        %mul3A_393 = arith.muli %scan3A_391, %mul3A_392 : i32
        %add3A_394 = arith.constant 0 : i32
        %add3A_395 = arith.addi %add3A_394, %mul3A_393 : i32
        %mul3A_396 = arith.constant 16 : i32
        %mul3A_397 = arith.muli %add3A_395, %mul3A_396 : i32
        %add3A_398 = arith.constant 0 : i32
        %add3A_399 = arith.addi %add3A_398, %mul3A_397 : i32
        %get3A_400 = arith.index_cast %add3A_399 : i32 to index
        %get3A_401 = tpu.vector_load %arg8[%get3A_400] {strides = array<i32>} : memref<16384xi32, #tpu.memory_space<vmem>>, vector<16xi32>,
        %gather3A_402 = tpu.vector_load_idx %arg7[%get3A_401] : memref<100000xf32, #tpu.memory_space<vmem>>[vector<16xi32>], vector<16xf32>,
        %mul3A_403 = arith.constant 16 : i32
        %mul3A_404 = arith.muli %add3A_395, %mul3A_403 : i32
        %swap3A_405 = arith.constant 0 : i32
        %swap3A_406 = arith.index_cast %swap3A_405 : i32 to index
        %swap3A_407 = arith.index_cast %mul3A_404 : i32 to index
        %swap3A_408 = tpu.vector_load %arg9[%swap3A_406, %swap3A_407] {strides = array<i32>} : memref<2x4096xf32, #tpu.memory_space<vmem>>, vector<16xf32>,
        tpu.vector_store %arg9[%swap3A_406, %swap3A_407], %gather3A_402 {strides = array<i32>} : memref<2x4096xf32, #tpu.memory_space<vmem>>, vector<16xf32>,
        %scan3A_409 = arith.constant 5 : i32
        %scan3A_410 = arith.addi %scan3A_318, %scan3A_409 : i32
        %mul3A_411 = arith.constant 1 : i32
        %mul3A_412 = arith.muli %scan3A_410, %mul3A_411 : i32
        %add3A_413 = arith.constant 0 : i32
        %add3A_414 = arith.addi %add3A_413, %mul3A_412 : i32
        %mul3A_415 = arith.constant 16 : i32
        %mul3A_416 = arith.muli %add3A_414, %mul3A_415 : i32
        %add3A_417 = arith.constant 0 : i32
        %add3A_418 = arith.addi %add3A_417, %mul3A_416 : i32
        %get3A_419 = arith.index_cast %add3A_418 : i32 to index
        %get3A_420 = tpu.vector_load %arg8[%get3A_419] {strides = array<i32>} : memref<16384xi32, #tpu.memory_space<vmem>>, vector<16xi32>,
        %gather3A_421 = tpu.vector_load_idx %arg7[%get3A_420] : memref<100000xf32, #tpu.memory_space<vmem>>[vector<16xi32>], vector<16xf32>,
        %mul3A_422 = arith.constant 16 : i32
        %mul3A_423 = arith.muli %add3A_414, %mul3A_422 : i32
        %swap3A_424 = arith.constant 0 : i32
        %swap3A_425 = arith.index_cast %swap3A_424 : i32 to index
        %swap3A_426 = arith.index_cast %mul3A_423 : i32 to index
        %swap3A_427 = tpu.vector_load %arg9[%swap3A_425, %swap3A_426] {strides = array<i32>} : memref<2x4096xf32, #tpu.memory_space<vmem>>, vector<16xf32>,
        tpu.vector_store %arg9[%swap3A_425, %swap3A_426], %gather3A_421 {strides = array<i32>} : memref<2x4096xf32, #tpu.memory_space<vmem>>, vector<16xf32>,
        %scan3A_428 = arith.constant 6 : i32
        %scan3A_429 = arith.addi %scan3A_318, %scan3A_428 : i32
        %mul3A_430 = arith.constant 1 : i32
        %mul3A_431 = arith.muli %scan3A_429, %mul3A_430 : i32
        %add3A_432 = arith.constant 0 : i32
        %add3A_433 = arith.addi %add3A_432, %mul3A_431 : i32
        %mul3A_434 = arith.constant 16 : i32
        %mul3A_435 = arith.muli %add3A_433, %mul3A_434 : i32
        %add3A_436 = arith.constant 0 : i32
        %add3A_437 = arith.addi %add3A_436, %mul3A_435 : i32
        %get3A_438 = arith.index_cast %add3A_437 : i32 to index
        %get3A_439 = tpu.vector_load %arg8[%get3A_438] {strides = array<i32>} : memref<16384xi32, #tpu.memory_space<vmem>>, vector<16xi32>,
        %gather3A_440 = tpu.vector_load_idx %arg7[%get3A_439] : memref<100000xf32, #tpu.memory_space<vmem>>[vector<16xi32>], vector<16xf32>,
        %mul3A_441 = arith.constant 16 : i32
        %mul3A_442 = arith.muli %add3A_433, %mul3A_441 : i32
        %swap3A_443 = arith.constant 0 : i32
        %swap3A_444 = arith.index_cast %swap3A_443 : i32 to index
        %swap3A_445 = arith.index_cast %mul3A_442 : i32 to index
        %swap3A_446 = tpu.vector_load %arg9[%swap3A_444, %swap3A_445] {strides = array<i32>} : memref<2x4096xf32, #tpu.memory_space<vmem>>, vector<16xf32>,
        tpu.vector_store %arg9[%swap3A_444, %swap3A_445], %gather3A_440 {strides = array<i32>} : memref<2x4096xf32, #tpu.memory_space<vmem>>, vector<16xf32>,
        %scan3A_447 = arith.constant 7 : i32
        %scan3A_448 = arith.addi %scan3A_318, %scan3A_447 : i32
        %mul3A_449 = arith.constant 1 : i32
        %mul3A_450 = arith.muli %scan3A_448, %mul3A_449 : i32
        %add3A_451 = arith.constant 0 : i32
        %add3A_452 = arith.addi %add3A_451, %mul3A_450 : i32
        %mul3A_453 = arith.constant 16 : i32
        %mul3A_454 = arith.muli %add3A_452, %mul3A_453 : i32
        %add3A_455 = arith.constant 0 : i32
        %add3A_456 = arith.addi %add3A_455, %mul3A_454 : i32
        %get3A_457 = arith.index_cast %add3A_456 : i32 to index
        %get3A_458 = tpu.vector_load %arg8[%get3A_457] {strides = array<i32>} : memref<16384xi32, #tpu.memory_space<vmem>>, vector<16xi32>,
        %gather3A_459 = tpu.vector_load_idx %arg7[%get3A_458] : memref<100000xf32, #tpu.memory_space<vmem>>[vector<16xi32>], vector<16xf32>,
        %mul3A_460 = arith.constant 16 : i32
        %mul3A_461 = arith.muli %add3A_452, %mul3A_460 : i32
        %swap3A_462 = arith.constant 0 : i32
        %swap3A_463 = arith.index_cast %swap3A_462 : i32 to index
        %swap3A_464 = arith.index_cast %mul3A_461 : i32 to index
        %swap3A_465 = tpu.vector_load %arg9[%swap3A_463, %swap3A_464] {strides = array<i32>} : memref<2x4096xf32, #tpu.memory_space<vmem>>, vector<16xf32>,
        tpu.vector_store %arg9[%swap3A_463, %swap3A_464], %gather3A_459 {strides = array<i32>} : memref<2x4096xf32, #tpu.memory_space<vmem>>, vector<16xf32>,
      }
      %scan3A_176 = arith.constant 256 : i32
      %dma_start3A_177 = arith.constant 0 : i32
      %dma_start3A_178 = arith.constant 0 : i32
      %dma_start3A_179 = arith.constant 0 : i32
      %dma_start3A_180 = tpu.memref_slice %arg9[%dma_start3A_177, %dma_start3A_179] : memref<2x4096xf32, #tpu.memory_space<vmem>> -> memref<1x4096xf32, #tpu.memory_space<vmem>>
      %dma_start3A_181 = tpu.memref_squeeze %dma_start3A_180 : memref<1x4096xf32, #tpu.memory_space<vmem>> -> memref<4096xf32, #tpu.memory_space<vmem>>
      %dma_start3A_182 = arith.constant 0 : i32
      %dma_start3A_183 = tpu.memref_slice %arg6[%dma_start3A_178, %add3A_147, %dma_start3A_182] : memref<2x32x16384xf32, #tpu.memory_space<hbm>> -> memref<1x1x4096xf32, #tpu.memory_space<hbm>>
      %dma_start3A_184 = tpu.memref_squeeze %dma_start3A_183 : memref<1x1x4096xf32, #tpu.memory_space<hbm>> -> memref<4096xf32, #tpu.memory_space<hbm>>
      %dma_start3A_185 = arith.constant 0 : i32
      %dma_start3A_186 = tpu.memref_slice %arg6[%dma_start3A_178, %add3A_147, %dma_start3A_185] : memref<2x32x16384xf32, #tpu.memory_space<hbm>> -> memref<1x1x4096xf32, #tpu.memory_space<hbm>>
      %dma_start3A_187 = tpu.memref_squeeze %dma_start3A_186 : memref<1x1x4096xf32, #tpu.memory_space<hbm>> -> memref<4096xf32, #tpu.memory_space<hbm>>
      %dma_start3A_188 = arith.constant 0 : i32
      %dma_start3A_189 = tpu.memref_slice %arg9[%dma_start3A_177, %dma_start3A_188] : memref<2x4096xf32, #tpu.memory_space<vmem>> -> memref<1x4096xf32, #tpu.memory_space<vmem>>
      %dma_start3A_190 = tpu.memref_squeeze %dma_start3A_189 : memref<1x4096xf32, #tpu.memory_space<vmem>> -> memref<4096xf32, #tpu.memory_space<vmem>>
      tpu.enqueue_dma source(%dma_start3A_190 : memref<4096xf32, #tpu.memory_space<vmem>>) target(%dma_start3A_187 : memref<4096xf32, #tpu.memory_space<hbm>>) target_semaphore(%arg12 : memref<!tpu.dma_semaphore, #tpu.memory_space<semaphore_mem>>)
      %dma_wait3A_191 = arith.constant 1 : i32
      %dma_wait3A_192 = arith.constant 0 : i32
      %dma_wait3A_193 = arith.constant 0 : i32
      %dma_wait3A_194 = tpu.memref_slice %arg9[%dma_wait3A_191, %dma_wait3A_193] : memref<2x4096xf32, #tpu.memory_space<vmem>> -> memref<1x4096xf32, #tpu.memory_space<vmem>>
      %dma_wait3A_195 = tpu.memref_squeeze %dma_wait3A_194 : memref<1x4096xf32, #tpu.memory_space<vmem>> -> memref<4096xf32, #tpu.memory_space<vmem>>
      %dma_wait3A_196 = arith.constant 12288 : i32
      %dma_wait3A_197 = tpu.memref_slice %arg6[%dma_wait3A_192, %add3A_19, %dma_wait3A_196] : memref<2x32x16384xf32, #tpu.memory_space<hbm>> -> memref<1x1x4096xf32, #tpu.memory_space<hbm>>
      %dma_wait3A_198 = tpu.memref_squeeze %dma_wait3A_197 : memref<1x1x4096xf32, #tpu.memory_space<hbm>> -> memref<4096xf32, #tpu.memory_space<hbm>>
      %dma_wait3A_199 = arith.constant 12288 : i32
      %dma_wait3A_200 = tpu.memref_slice %arg6[%dma_wait3A_192, %add3A_19, %dma_wait3A_199] : memref<2x32x16384xf32, #tpu.memory_space<hbm>> -> memref<1x1x4096xf32, #tpu.memory_space<hbm>>
      %dma_wait3A_201 = tpu.memref_squeeze %dma_wait3A_200 : memref<1x1x4096xf32, #tpu.memory_space<hbm>> -> memref<4096xf32, #tpu.memory_space<hbm>>
      %dma_wait3A_202 = arith.constant 0 : i32
      %dma_wait3A_203 = tpu.memref_slice %arg9[%dma_wait3A_191, %dma_wait3A_202] : memref<2x4096xf32, #tpu.memory_space<vmem>> -> memref<1x4096xf32, #tpu.memory_space<vmem>>
      %dma_wait3A_204 = tpu.memref_squeeze %dma_wait3A_203 : memref<1x4096xf32, #tpu.memory_space<vmem>> -> memref<4096xf32, #tpu.memory_space<vmem>>
      tpu.wait_dma2 semaphore(%arg12 : memref<!tpu.dma_semaphore, #tpu.memory_space<semaphore_mem>>) src(%dma_wait3A_204 : memref<4096xf32, #tpu.memory_space<vmem>>) dst(%dma_wait3A_201 : memref<4096xf32, #tpu.memory_space<hbm>>)
      %scan3A_205 = arith.constant 0 : i32
      %scan3A_206 = arith.constant 256 : i32
      %scan3A_207 = arith.addi %scan3A_205, %scan3A_206 : i32
      %scan3A_208 = arith.constant 8 : i32
      scf.for %scan3A_318 = %scan3A_205 to %scan3A_207 step %scan3A_208  : i32 {
        %mul3A_319 = arith.constant 1 : i32
        %mul3A_320 = arith.muli %scan3A_318, %mul3A_319 : i32
        %add3A_321 = arith.constant 0 : i32
        %add3A_322 = arith.addi %add3A_321, %mul3A_320 : i32
        %mul3A_323 = arith.constant 16 : i32
        %mul3A_324 = arith.muli %add3A_322, %mul3A_323 : i32
        %add3A_325 = arith.constant 4096 : i32
        %add3A_326 = arith.addi %add3A_325, %mul3A_324 : i32
        %get3A = arith.index_cast %add3A_326 : i32 to index
        %get3A_327 = tpu.vector_load %arg8[%get3A] {strides = array<i32>} : memref<16384xi32, #tpu.memory_space<vmem>>, vector<16xi32>,
        %gather3A = tpu.vector_load_idx %arg7[%get3A_327] : memref<100000xf32, #tpu.memory_space<vmem>>[vector<16xi32>], vector<16xf32>,
        %mul3A_328 = arith.constant 16 : i32
        %mul3A_329 = arith.muli %add3A_322, %mul3A_328 : i32
        %swap3A = arith.constant 1 : i32
        %swap3A_330 = arith.index_cast %swap3A : i32 to index
        %swap3A_331 = arith.index_cast %mul3A_329 : i32 to index
        %swap3A_332 = tpu.vector_load %arg9[%swap3A_330, %swap3A_331] {strides = array<i32>} : memref<2x4096xf32, #tpu.memory_space<vmem>>, vector<16xf32>,
        tpu.vector_store %arg9[%swap3A_330, %swap3A_331], %gather3A {strides = array<i32>} : memref<2x4096xf32, #tpu.memory_space<vmem>>, vector<16xf32>,
        %scan3A_333 = arith.constant 1 : i32
        %scan3A_334 = arith.addi %scan3A_318, %scan3A_333 : i32
        %mul3A_335 = arith.constant 1 : i32
        %mul3A_336 = arith.muli %scan3A_334, %mul3A_335 : i32
        %add3A_337 = arith.constant 0 : i32
        %add3A_338 = arith.addi %add3A_337, %mul3A_336 : i32
        %mul3A_339 = arith.constant 16 : i32
        %mul3A_340 = arith.muli %add3A_338, %mul3A_339 : i32
        %add3A_341 = arith.constant 4096 : i32
        %add3A_342 = arith.addi %add3A_341, %mul3A_340 : i32
        %get3A_343 = arith.index_cast %add3A_342 : i32 to index
        %get3A_344 = tpu.vector_load %arg8[%get3A_343] {strides = array<i32>} : memref<16384xi32, #tpu.memory_space<vmem>>, vector<16xi32>,
        %gather3A_345 = tpu.vector_load_idx %arg7[%get3A_344] : memref<100000xf32, #tpu.memory_space<vmem>>[vector<16xi32>], vector<16xf32>,
        %mul3A_346 = arith.constant 16 : i32
        %mul3A_347 = arith.muli %add3A_338, %mul3A_346 : i32
        %swap3A_348 = arith.constant 1 : i32
        %swap3A_349 = arith.index_cast %swap3A_348 : i32 to index
        %swap3A_350 = arith.index_cast %mul3A_347 : i32 to index
        %swap3A_351 = tpu.vector_load %arg9[%swap3A_349, %swap3A_350] {strides = array<i32>} : memref<2x4096xf32, #tpu.memory_space<vmem>>, vector<16xf32>,
        tpu.vector_store %arg9[%swap3A_349, %swap3A_350], %gather3A_345 {strides = array<i32>} : memref<2x4096xf32, #tpu.memory_space<vmem>>, vector<16xf32>,
        %scan3A_352 = arith.constant 2 : i32
        %scan3A_353 = arith.addi %scan3A_318, %scan3A_352 : i32
        %mul3A_354 = arith.constant 1 : i32
        %mul3A_355 = arith.muli %scan3A_353, %mul3A_354 : i32
        %add3A_356 = arith.constant 0 : i32
        %add3A_357 = arith.addi %add3A_356, %mul3A_355 : i32
        %mul3A_358 = arith.constant 16 : i32
        %mul3A_359 = arith.muli %add3A_357, %mul3A_358 : i32
        %add3A_360 = arith.constant 4096 : i32
        %add3A_361 = arith.addi %add3A_360, %mul3A_359 : i32
        %get3A_362 = arith.index_cast %add3A_361 : i32 to index
        %get3A_363 = tpu.vector_load %arg8[%get3A_362] {strides = array<i32>} : memref<16384xi32, #tpu.memory_space<vmem>>, vector<16xi32>,
        %gather3A_364 = tpu.vector_load_idx %arg7[%get3A_363] : memref<100000xf32, #tpu.memory_space<vmem>>[vector<16xi32>], vector<16xf32>,
        %mul3A_365 = arith.constant 16 : i32
        %mul3A_366 = arith.muli %add3A_357, %mul3A_365 : i32
        %swap3A_367 = arith.constant 1 : i32
        %swap3A_368 = arith.index_cast %swap3A_367 : i32 to index
        %swap3A_369 = arith.index_cast %mul3A_366 : i32 to index
        %swap3A_370 = tpu.vector_load %arg9[%swap3A_368, %swap3A_369] {strides = array<i32>} : memref<2x4096xf32, #tpu.memory_space<vmem>>, vector<16xf32>,
        tpu.vector_store %arg9[%swap3A_368, %swap3A_369], %gather3A_364 {strides = array<i32>} : memref<2x4096xf32, #tpu.memory_space<vmem>>, vector<16xf32>,
        %scan3A_371 = arith.constant 3 : i32
        %scan3A_372 = arith.addi %scan3A_318, %scan3A_371 : i32
        %mul3A_373 = arith.constant 1 : i32
        %mul3A_374 = arith.muli %scan3A_372, %mul3A_373 : i32
        %add3A_375 = arith.constant 0 : i32
        %add3A_376 = arith.addi %add3A_375, %mul3A_374 : i32
        %mul3A_377 = arith.constant 16 : i32
        %mul3A_378 = arith.muli %add3A_376, %mul3A_377 : i32
        %add3A_379 = arith.constant 4096 : i32
        %add3A_380 = arith.addi %add3A_379, %mul3A_378 : i32
        %get3A_381 = arith.index_cast %add3A_380 : i32 to index
        %get3A_382 = tpu.vector_load %arg8[%get3A_381] {strides = array<i32>} : memref<16384xi32, #tpu.memory_space<vmem>>, vector<16xi32>,
        %gather3A_383 = tpu.vector_load_idx %arg7[%get3A_382] : memref<100000xf32, #tpu.memory_space<vmem>>[vector<16xi32>], vector<16xf32>,
        %mul3A_384 = arith.constant 16 : i32
        %mul3A_385 = arith.muli %add3A_376, %mul3A_384 : i32
        %swap3A_386 = arith.constant 1 : i32
        %swap3A_387 = arith.index_cast %swap3A_386 : i32 to index
        %swap3A_388 = arith.index_cast %mul3A_385 : i32 to index
        %swap3A_389 = tpu.vector_load %arg9[%swap3A_387, %swap3A_388] {strides = array<i32>} : memref<2x4096xf32, #tpu.memory_space<vmem>>, vector<16xf32>,
        tpu.vector_store %arg9[%swap3A_387, %swap3A_388], %gather3A_383 {strides = array<i32>} : memref<2x4096xf32, #tpu.memory_space<vmem>>, vector<16xf32>,
        %scan3A_390 = arith.constant 4 : i32
        %scan3A_391 = arith.addi %scan3A_318, %scan3A_390 : i32
        %mul3A_392 = arith.constant 1 : i32
        %mul3A_393 = arith.muli %scan3A_391, %mul3A_392 : i32
        %add3A_394 = arith.constant 0 : i32
        %add3A_395 = arith.addi %add3A_394, %mul3A_393 : i32
        %mul3A_396 = arith.constant 16 : i32
        %mul3A_397 = arith.muli %add3A_395, %mul3A_396 : i32
        %add3A_398 = arith.constant 4096 : i32
        %add3A_399 = arith.addi %add3A_398, %mul3A_397 : i32
        %get3A_400 = arith.index_cast %add3A_399 : i32 to index
        %get3A_401 = tpu.vector_load %arg8[%get3A_400] {strides = array<i32>} : memref<16384xi32, #tpu.memory_space<vmem>>, vector<16xi32>,
        %gather3A_402 = tpu.vector_load_idx %arg7[%get3A_401] : memref<100000xf32, #tpu.memory_space<vmem>>[vector<16xi32>], vector<16xf32>,
        %mul3A_403 = arith.constant 16 : i32
        %mul3A_404 = arith.muli %add3A_395, %mul3A_403 : i32
        %swap3A_405 = arith.constant 1 : i32
        %swap3A_406 = arith.index_cast %swap3A_405 : i32 to index
        %swap3A_407 = arith.index_cast %mul3A_404 : i32 to index
        %swap3A_408 = tpu.vector_load %arg9[%swap3A_406, %swap3A_407] {strides = array<i32>} : memref<2x4096xf32, #tpu.memory_space<vmem>>, vector<16xf32>,
        tpu.vector_store %arg9[%swap3A_406, %swap3A_407], %gather3A_402 {strides = array<i32>} : memref<2x4096xf32, #tpu.memory_space<vmem>>, vector<16xf32>,
        %scan3A_409 = arith.constant 5 : i32
        %scan3A_410 = arith.addi %scan3A_318, %scan3A_409 : i32
        %mul3A_411 = arith.constant 1 : i32
        %mul3A_412 = arith.muli %scan3A_410, %mul3A_411 : i32
        %add3A_413 = arith.constant 0 : i32
        %add3A_414 = arith.addi %add3A_413, %mul3A_412 : i32
        %mul3A_415 = arith.constant 16 : i32
        %mul3A_416 = arith.muli %add3A_414, %mul3A_415 : i32
        %add3A_417 = arith.constant 4096 : i32
        %add3A_418 = arith.addi %add3A_417, %mul3A_416 : i32
        %get3A_419 = arith.index_cast %add3A_418 : i32 to index
        %get3A_420 = tpu.vector_load %arg8[%get3A_419] {strides = array<i32>} : memref<16384xi32, #tpu.memory_space<vmem>>, vector<16xi32>,
        %gather3A_421 = tpu.vector_load_idx %arg7[%get3A_420] : memref<100000xf32, #tpu.memory_space<vmem>>[vector<16xi32>], vector<16xf32>,
        %mul3A_422 = arith.constant 16 : i32
        %mul3A_423 = arith.muli %add3A_414, %mul3A_422 : i32
        %swap3A_424 = arith.constant 1 : i32
        %swap3A_425 = arith.index_cast %swap3A_424 : i32 to index
        %swap3A_426 = arith.index_cast %mul3A_423 : i32 to index
        %swap3A_427 = tpu.vector_load %arg9[%swap3A_425, %swap3A_426] {strides = array<i32>} : memref<2x4096xf32, #tpu.memory_space<vmem>>, vector<16xf32>,
        tpu.vector_store %arg9[%swap3A_425, %swap3A_426], %gather3A_421 {strides = array<i32>} : memref<2x4096xf32, #tpu.memory_space<vmem>>, vector<16xf32>,
        %scan3A_428 = arith.constant 6 : i32
        %scan3A_429 = arith.addi %scan3A_318, %scan3A_428 : i32
        %mul3A_430 = arith.constant 1 : i32
        %mul3A_431 = arith.muli %scan3A_429, %mul3A_430 : i32
        %add3A_432 = arith.constant 0 : i32
        %add3A_433 = arith.addi %add3A_432, %mul3A_431 : i32
        %mul3A_434 = arith.constant 16 : i32
        %mul3A_435 = arith.muli %add3A_433, %mul3A_434 : i32
        %add3A_436 = arith.constant 4096 : i32
        %add3A_437 = arith.addi %add3A_436, %mul3A_435 : i32
        %get3A_438 = arith.index_cast %add3A_437 : i32 to index
        %get3A_439 = tpu.vector_load %arg8[%get3A_438] {strides = array<i32>} : memref<16384xi32, #tpu.memory_space<vmem>>, vector<16xi32>,
        %gather3A_440 = tpu.vector_load_idx %arg7[%get3A_439] : memref<100000xf32, #tpu.memory_space<vmem>>[vector<16xi32>], vector<16xf32>,
        %mul3A_441 = arith.constant 16 : i32
        %mul3A_442 = arith.muli %add3A_433, %mul3A_441 : i32
        %swap3A_443 = arith.constant 1 : i32
        %swap3A_444 = arith.index_cast %swap3A_443 : i32 to index
        %swap3A_445 = arith.index_cast %mul3A_442 : i32 to index
        %swap3A_446 = tpu.vector_load %arg9[%swap3A_444, %swap3A_445] {strides = array<i32>} : memref<2x4096xf32, #tpu.memory_space<vmem>>, vector<16xf32>,
        tpu.vector_store %arg9[%swap3A_444, %swap3A_445], %gather3A_440 {strides = array<i32>} : memref<2x4096xf32, #tpu.memory_space<vmem>>, vector<16xf32>,
        %scan3A_447 = arith.constant 7 : i32
        %scan3A_448 = arith.addi %scan3A_318, %scan3A_447 : i32
        %mul3A_449 = arith.constant 1 : i32
        %mul3A_450 = arith.muli %scan3A_448, %mul3A_449 : i32
        %add3A_451 = arith.constant 0 : i32
        %add3A_452 = arith.addi %add3A_451, %mul3A_450 : i32
        %mul3A_453 = arith.constant 16 : i32
        %mul3A_454 = arith.muli %add3A_452, %mul3A_453 : i32
        %add3A_455 = arith.constant 4096 : i32
        %add3A_456 = arith.addi %add3A_455, %mul3A_454 : i32
        %get3A_457 = arith.index_cast %add3A_456 : i32 to index
        %get3A_458 = tpu.vector_load %arg8[%get3A_457] {strides = array<i32>} : memref<16384xi32, #tpu.memory_space<vmem>>, vector<16xi32>,
        %gather3A_459 = tpu.vector_load_idx %arg7[%get3A_458] : memref<100000xf32, #tpu.memory_space<vmem>>[vector<16xi32>], vector<16xf32>,
        %mul3A_460 = arith.constant 16 : i32
        %mul3A_461 = arith.muli %add3A_452, %mul3A_460 : i32
        %swap3A_462 = arith.constant 1 : i32
        %swap3A_463 = arith.index_cast %swap3A_462 : i32 to index
        %swap3A_464 = arith.index_cast %mul3A_461 : i32 to index
        %swap3A_465 = tpu.vector_load %arg9[%swap3A_463, %swap3A_464] {strides = array<i32>} : memref<2x4096xf32, #tpu.memory_space<vmem>>, vector<16xf32>,
        tpu.vector_store %arg9[%swap3A_463, %swap3A_464], %gather3A_459 {strides = array<i32>} : memref<2x4096xf32, #tpu.memory_space<vmem>>, vector<16xf32>,
      }
      %scan3A_209 = arith.constant 256 : i32
      %dma_start3A_210 = arith.constant 1 : i32
      %dma_start3A_211 = arith.constant 0 : i32
      %dma_start3A_212 = arith.constant 0 : i32
      %dma_start3A_213 = tpu.memref_slice %arg9[%dma_start3A_210, %dma_start3A_212] : memref<2x4096xf32, #tpu.memory_space<vmem>> -> memref<1x4096xf32, #tpu.memory_space<vmem>>
      %dma_start3A_214 = tpu.memref_squeeze %dma_start3A_213 : memref<1x4096xf32, #tpu.memory_space<vmem>> -> memref<4096xf32, #tpu.memory_space<vmem>>
      %dma_start3A_215 = arith.constant 4096 : i32
      %dma_start3A_216 = tpu.memref_slice %arg6[%dma_start3A_211, %add3A_147, %dma_start3A_215] : memref<2x32x16384xf32, #tpu.memory_space<hbm>> -> memref<1x1x4096xf32, #tpu.memory_space<hbm>>
      %dma_start3A_217 = tpu.memref_squeeze %dma_start3A_216 : memref<1x1x4096xf32, #tpu.memory_space<hbm>> -> memref<4096xf32, #tpu.memory_space<hbm>>
      %dma_start3A_218 = arith.constant 4096 : i32
      %dma_start3A_219 = tpu.memref_slice %arg6[%dma_start3A_211, %add3A_147, %dma_start3A_218] : memref<2x32x16384xf32, #tpu.memory_space<hbm>> -> memref<1x1x4096xf32, #tpu.memory_space<hbm>>
      %dma_start3A_220 = tpu.memref_squeeze %dma_start3A_219 : memref<1x1x4096xf32, #tpu.memory_space<hbm>> -> memref<4096xf32, #tpu.memory_space<hbm>>
      %dma_start3A_221 = arith.constant 0 : i32
      %dma_start3A_222 = tpu.memref_slice %arg9[%dma_start3A_210, %dma_start3A_221] : memref<2x4096xf32, #tpu.memory_space<vmem>> -> memref<1x4096xf32, #tpu.memory_space<vmem>>
      %dma_start3A_223 = tpu.memref_squeeze %dma_start3A_222 : memref<1x4096xf32, #tpu.memory_space<vmem>> -> memref<4096xf32, #tpu.memory_space<vmem>>
      tpu.enqueue_dma source(%dma_start3A_223 : memref<4096xf32, #tpu.memory_space<vmem>>) target(%dma_start3A_220 : memref<4096xf32, #tpu.memory_space<hbm>>) target_semaphore(%arg12 : memref<!tpu.dma_semaphore, #tpu.memory_space<semaphore_mem>>)
      %dma_wait3A_224 = arith.constant 0 : i32
      %dma_wait3A_225 = arith.constant 0 : i32
      %dma_wait3A_226 = arith.constant 0 : i32
      %dma_wait3A_227 = tpu.memref_slice %arg9[%dma_wait3A_224, %dma_wait3A_226] : memref<2x4096xf32, #tpu.memory_space<vmem>> -> memref<1x4096xf32, #tpu.memory_space<vmem>>
      %dma_wait3A_228 = tpu.memref_squeeze %dma_wait3A_227 : memref<1x4096xf32, #tpu.memory_space<vmem>> -> memref<4096xf32, #tpu.memory_space<vmem>>
      %dma_wait3A_229 = arith.constant 0 : i32
      %dma_wait3A_230 = tpu.memref_slice %arg6[%dma_wait3A_225, %add3A_147, %dma_wait3A_229] : memref<2x32x16384xf32, #tpu.memory_space<hbm>> -> memref<1x1x4096xf32, #tpu.memory_space<hbm>>
      %dma_wait3A_231 = tpu.memref_squeeze %dma_wait3A_230 : memref<1x1x4096xf32, #tpu.memory_space<hbm>> -> memref<4096xf32, #tpu.memory_space<hbm>>
      %dma_wait3A_232 = arith.constant 0 : i32
      %dma_wait3A_233 = tpu.memref_slice %arg6[%dma_wait3A_225, %add3A_147, %dma_wait3A_232] : memref<2x32x16384xf32, #tpu.memory_space<hbm>> -> memref<1x1x4096xf32, #tpu.memory_space<hbm>>
      %dma_wait3A_234 = tpu.memref_squeeze %dma_wait3A_233 : memref<1x1x4096xf32, #tpu.memory_space<hbm>> -> memref<4096xf32, #tpu.memory_space<hbm>>
      %dma_wait3A_235 = arith.constant 0 : i32
      %dma_wait3A_236 = tpu.memref_slice %arg9[%dma_wait3A_224, %dma_wait3A_235] : memref<2x4096xf32, #tpu.memory_space<vmem>> -> memref<1x4096xf32, #tpu.memory_space<vmem>>
      %dma_wait3A_237 = tpu.memref_squeeze %dma_wait3A_236 : memref<1x4096xf32, #tpu.memory_space<vmem>> -> memref<4096xf32, #tpu.memory_space<vmem>>
      tpu.wait_dma2 semaphore(%arg12 : memref<!tpu.dma_semaphore, #tpu.memory_space<semaphore_mem>>) src(%dma_wait3A_237 : memref<4096xf32, #tpu.memory_space<vmem>>) dst(%dma_wait3A_234 : memref<4096xf32, #tpu.memory_space<hbm>>)
      %scan3A_238 = arith.constant 0 : i32
      %scan3A_239 = arith.constant 256 : i32
      %scan3A_240 = arith.addi %scan3A_238, %scan3A_239 : i32
      %scan3A_241 = arith.constant 8 : i32
      scf.for %scan3A_318 = %scan3A_238 to %scan3A_240 step %scan3A_241  : i32 {
        %mul3A_319 = arith.constant 1 : i32
        %mul3A_320 = arith.muli %scan3A_318, %mul3A_319 : i32
        %add3A_321 = arith.constant 0 : i32
        %add3A_322 = arith.addi %add3A_321, %mul3A_320 : i32
        %mul3A_323 = arith.constant 16 : i32
        %mul3A_324 = arith.muli %add3A_322, %mul3A_323 : i32
        %add3A_325 = arith.constant 8192 : i32
        %add3A_326 = arith.addi %add3A_325, %mul3A_324 : i32
        %get3A = arith.index_cast %add3A_326 : i32 to index
        %get3A_327 = tpu.vector_load %arg8[%get3A] {strides = array<i32>} : memref<16384xi32, #tpu.memory_space<vmem>>, vector<16xi32>,
        %gather3A = tpu.vector_load_idx %arg7[%get3A_327] : memref<100000xf32, #tpu.memory_space<vmem>>[vector<16xi32>], vector<16xf32>,
        %mul3A_328 = arith.constant 16 : i32
        %mul3A_329 = arith.muli %add3A_322, %mul3A_328 : i32
        %swap3A = arith.constant 0 : i32
        %swap3A_330 = arith.index_cast %swap3A : i32 to index
        %swap3A_331 = arith.index_cast %mul3A_329 : i32 to index
        %swap3A_332 = tpu.vector_load %arg9[%swap3A_330, %swap3A_331] {strides = array<i32>} : memref<2x4096xf32, #tpu.memory_space<vmem>>, vector<16xf32>,
        tpu.vector_store %arg9[%swap3A_330, %swap3A_331], %gather3A {strides = array<i32>} : memref<2x4096xf32, #tpu.memory_space<vmem>>, vector<16xf32>,
        %scan3A_333 = arith.constant 1 : i32
        %scan3A_334 = arith.addi %scan3A_318, %scan3A_333 : i32
        %mul3A_335 = arith.constant 1 : i32
        %mul3A_336 = arith.muli %scan3A_334, %mul3A_335 : i32
        %add3A_337 = arith.constant 0 : i32
        %add3A_338 = arith.addi %add3A_337, %mul3A_336 : i32
        %mul3A_339 = arith.constant 16 : i32
        %mul3A_340 = arith.muli %add3A_338, %mul3A_339 : i32
        %add3A_341 = arith.constant 8192 : i32
        %add3A_342 = arith.addi %add3A_341, %mul3A_340 : i32
        %get3A_343 = arith.index_cast %add3A_342 : i32 to index
        %get3A_344 = tpu.vector_load %arg8[%get3A_343] {strides = array<i32>} : memref<16384xi32, #tpu.memory_space<vmem>>, vector<16xi32>,
        %gather3A_345 = tpu.vector_load_idx %arg7[%get3A_344] : memref<100000xf32, #tpu.memory_space<vmem>>[vector<16xi32>], vector<16xf32>,
        %mul3A_346 = arith.constant 16 : i32
        %mul3A_347 = arith.muli %add3A_338, %mul3A_346 : i32
        %swap3A_348 = arith.constant 0 : i32
        %swap3A_349 = arith.index_cast %swap3A_348 : i32 to index
        %swap3A_350 = arith.index_cast %mul3A_347 : i32 to index
        %swap3A_351 = tpu.vector_load %arg9[%swap3A_349, %swap3A_350] {strides = array<i32>} : memref<2x4096xf32, #tpu.memory_space<vmem>>, vector<16xf32>,
        tpu.vector_store %arg9[%swap3A_349, %swap3A_350], %gather3A_345 {strides = array<i32>} : memref<2x4096xf32, #tpu.memory_space<vmem>>, vector<16xf32>,
        %scan3A_352 = arith.constant 2 : i32
        %scan3A_353 = arith.addi %scan3A_318, %scan3A_352 : i32
        %mul3A_354 = arith.constant 1 : i32
        %mul3A_355 = arith.muli %scan3A_353, %mul3A_354 : i32
        %add3A_356 = arith.constant 0 : i32
        %add3A_357 = arith.addi %add3A_356, %mul3A_355 : i32
        %mul3A_358 = arith.constant 16 : i32
        %mul3A_359 = arith.muli %add3A_357, %mul3A_358 : i32
        %add3A_360 = arith.constant 8192 : i32
        %add3A_361 = arith.addi %add3A_360, %mul3A_359 : i32
        %get3A_362 = arith.index_cast %add3A_361 : i32 to index
        %get3A_363 = tpu.vector_load %arg8[%get3A_362] {strides = array<i32>} : memref<16384xi32, #tpu.memory_space<vmem>>, vector<16xi32>,
        %gather3A_364 = tpu.vector_load_idx %arg7[%get3A_363] : memref<100000xf32, #tpu.memory_space<vmem>>[vector<16xi32>], vector<16xf32>,
        %mul3A_365 = arith.constant 16 : i32
        %mul3A_366 = arith.muli %add3A_357, %mul3A_365 : i32
        %swap3A_367 = arith.constant 0 : i32
        %swap3A_368 = arith.index_cast %swap3A_367 : i32 to index
        %swap3A_369 = arith.index_cast %mul3A_366 : i32 to index
        %swap3A_370 = tpu.vector_load %arg9[%swap3A_368, %swap3A_369] {strides = array<i32>} : memref<2x4096xf32, #tpu.memory_space<vmem>>, vector<16xf32>,
        tpu.vector_store %arg9[%swap3A_368, %swap3A_369], %gather3A_364 {strides = array<i32>} : memref<2x4096xf32, #tpu.memory_space<vmem>>, vector<16xf32>,
        %scan3A_371 = arith.constant 3 : i32
        %scan3A_372 = arith.addi %scan3A_318, %scan3A_371 : i32
        %mul3A_373 = arith.constant 1 : i32
        %mul3A_374 = arith.muli %scan3A_372, %mul3A_373 : i32
        %add3A_375 = arith.constant 0 : i32
        %add3A_376 = arith.addi %add3A_375, %mul3A_374 : i32
        %mul3A_377 = arith.constant 16 : i32
        %mul3A_378 = arith.muli %add3A_376, %mul3A_377 : i32
        %add3A_379 = arith.constant 8192 : i32
        %add3A_380 = arith.addi %add3A_379, %mul3A_378 : i32
        %get3A_381 = arith.index_cast %add3A_380 : i32 to index
        %get3A_382 = tpu.vector_load %arg8[%get3A_381] {strides = array<i32>} : memref<16384xi32, #tpu.memory_space<vmem>>, vector<16xi32>,
        %gather3A_383 = tpu.vector_load_idx %arg7[%get3A_382] : memref<100000xf32, #tpu.memory_space<vmem>>[vector<16xi32>], vector<16xf32>,
        %mul3A_384 = arith.constant 16 : i32
        %mul3A_385 = arith.muli %add3A_376, %mul3A_384 : i32
        %swap3A_386 = arith.constant 0 : i32
        %swap3A_387 = arith.index_cast %swap3A_386 : i32 to index
        %swap3A_388 = arith.index_cast %mul3A_385 : i32 to index
        %swap3A_389 = tpu.vector_load %arg9[%swap3A_387, %swap3A_388] {strides = array<i32>} : memref<2x4096xf32, #tpu.memory_space<vmem>>, vector<16xf32>,
        tpu.vector_store %arg9[%swap3A_387, %swap3A_388], %gather3A_383 {strides = array<i32>} : memref<2x4096xf32, #tpu.memory_space<vmem>>, vector<16xf32>,
        %scan3A_390 = arith.constant 4 : i32
        %scan3A_391 = arith.addi %scan3A_318, %scan3A_390 : i32
        %mul3A_392 = arith.constant 1 : i32
        %mul3A_393 = arith.muli %scan3A_391, %mul3A_392 : i32
        %add3A_394 = arith.constant 0 : i32
        %add3A_395 = arith.addi %add3A_394, %mul3A_393 : i32
        %mul3A_396 = arith.constant 16 : i32
        %mul3A_397 = arith.muli %add3A_395, %mul3A_396 : i32
        %add3A_398 = arith.constant 8192 : i32
        %add3A_399 = arith.addi %add3A_398, %mul3A_397 : i32
        %get3A_400 = arith.index_cast %add3A_399 : i32 to index
        %get3A_401 = tpu.vector_load %arg8[%get3A_400] {strides = array<i32>} : memref<16384xi32, #tpu.memory_space<vmem>>, vector<16xi32>,
        %gather3A_402 = tpu.vector_load_idx %arg7[%get3A_401] : memref<100000xf32, #tpu.memory_space<vmem>>[vector<16xi32>], vector<16xf32>,
        %mul3A_403 = arith.constant 16 : i32
        %mul3A_404 = arith.muli %add3A_395, %mul3A_403 : i32
        %swap3A_405 = arith.constant 0 : i32
        %swap3A_406 = arith.index_cast %swap3A_405 : i32 to index
        %swap3A_407 = arith.index_cast %mul3A_404 : i32 to index
        %swap3A_408 = tpu.vector_load %arg9[%swap3A_406, %swap3A_407] {strides = array<i32>} : memref<2x4096xf32, #tpu.memory_space<vmem>>, vector<16xf32>,
        tpu.vector_store %arg9[%swap3A_406, %swap3A_407], %gather3A_402 {strides = array<i32>} : memref<2x4096xf32, #tpu.memory_space<vmem>>, vector<16xf32>,
        %scan3A_409 = arith.constant 5 : i32
        %scan3A_410 = arith.addi %scan3A_318, %scan3A_409 : i32
        %mul3A_411 = arith.constant 1 : i32
        %mul3A_412 = arith.muli %scan3A_410, %mul3A_411 : i32
        %add3A_413 = arith.constant 0 : i32
        %add3A_414 = arith.addi %add3A_413, %mul3A_412 : i32
        %mul3A_415 = arith.constant 16 : i32
        %mul3A_416 = arith.muli %add3A_414, %mul3A_415 : i32
        %add3A_417 = arith.constant 8192 : i32
        %add3A_418 = arith.addi %add3A_417, %mul3A_416 : i32
        %get3A_419 = arith.index_cast %add3A_418 : i32 to index
        %get3A_420 = tpu.vector_load %arg8[%get3A_419] {strides = array<i32>} : memref<16384xi32, #tpu.memory_space<vmem>>, vector<16xi32>,
        %gather3A_421 = tpu.vector_load_idx %arg7[%get3A_420] : memref<100000xf32, #tpu.memory_space<vmem>>[vector<16xi32>], vector<16xf32>,
        %mul3A_422 = arith.constant 16 : i32
        %mul3A_423 = arith.muli %add3A_414, %mul3A_422 : i32
        %swap3A_424 = arith.constant 0 : i32
        %swap3A_425 = arith.index_cast %swap3A_424 : i32 to index
        %swap3A_426 = arith.index_cast %mul3A_423 : i32 to index
        %swap3A_427 = tpu.vector_load %arg9[%swap3A_425, %swap3A_426] {strides = array<i32>} : memref<2x4096xf32, #tpu.memory_space<vmem>>, vector<16xf32>,
        tpu.vector_store %arg9[%swap3A_425, %swap3A_426], %gather3A_421 {strides = array<i32>} : memref<2x4096xf32, #tpu.memory_space<vmem>>, vector<16xf32>,
        %scan3A_428 = arith.constant 6 : i32
        %scan3A_429 = arith.addi %scan3A_318, %scan3A_428 : i32
        %mul3A_430 = arith.constant 1 : i32
        %mul3A_431 = arith.muli %scan3A_429, %mul3A_430 : i32
        %add3A_432 = arith.constant 0 : i32
        %add3A_433 = arith.addi %add3A_432, %mul3A_431 : i32
        %mul3A_434 = arith.constant 16 : i32
        %mul3A_435 = arith.muli %add3A_433, %mul3A_434 : i32
        %add3A_436 = arith.constant 8192 : i32
        %add3A_437 = arith.addi %add3A_436, %mul3A_435 : i32
        %get3A_438 = arith.index_cast %add3A_437 : i32 to index
        %get3A_439 = tpu.vector_load %arg8[%get3A_438] {strides = array<i32>} : memref<16384xi32, #tpu.memory_space<vmem>>, vector<16xi32>,
        %gather3A_440 = tpu.vector_load_idx %arg7[%get3A_439] : memref<100000xf32, #tpu.memory_space<vmem>>[vector<16xi32>], vector<16xf32>,
        %mul3A_441 = arith.constant 16 : i32
        %mul3A_442 = arith.muli %add3A_433, %mul3A_441 : i32
        %swap3A_443 = arith.constant 0 : i32
        %swap3A_444 = arith.index_cast %swap3A_443 : i32 to index
        %swap3A_445 = arith.index_cast %mul3A_442 : i32 to index
        %swap3A_446 = tpu.vector_load %arg9[%swap3A_444, %swap3A_445] {strides = array<i32>} : memref<2x4096xf32, #tpu.memory_space<vmem>>, vector<16xf32>,
        tpu.vector_store %arg9[%swap3A_444, %swap3A_445], %gather3A_440 {strides = array<i32>} : memref<2x4096xf32, #tpu.memory_space<vmem>>, vector<16xf32>,
        %scan3A_447 = arith.constant 7 : i32
        %scan3A_448 = arith.addi %scan3A_318, %scan3A_447 : i32
        %mul3A_449 = arith.constant 1 : i32
        %mul3A_450 = arith.muli %scan3A_448, %mul3A_449 : i32
        %add3A_451 = arith.constant 0 : i32
        %add3A_452 = arith.addi %add3A_451, %mul3A_450 : i32
        %mul3A_453 = arith.constant 16 : i32
        %mul3A_454 = arith.muli %add3A_452, %mul3A_453 : i32
        %add3A_455 = arith.constant 8192 : i32
        %add3A_456 = arith.addi %add3A_455, %mul3A_454 : i32
        %get3A_457 = arith.index_cast %add3A_456 : i32 to index
        %get3A_458 = tpu.vector_load %arg8[%get3A_457] {strides = array<i32>} : memref<16384xi32, #tpu.memory_space<vmem>>, vector<16xi32>,
        %gather3A_459 = tpu.vector_load_idx %arg7[%get3A_458] : memref<100000xf32, #tpu.memory_space<vmem>>[vector<16xi32>], vector<16xf32>,
        %mul3A_460 = arith.constant 16 : i32
        %mul3A_461 = arith.muli %add3A_452, %mul3A_460 : i32
        %swap3A_462 = arith.constant 0 : i32
        %swap3A_463 = arith.index_cast %swap3A_462 : i32 to index
        %swap3A_464 = arith.index_cast %mul3A_461 : i32 to index
        %swap3A_465 = tpu.vector_load %arg9[%swap3A_463, %swap3A_464] {strides = array<i32>} : memref<2x4096xf32, #tpu.memory_space<vmem>>, vector<16xf32>,
        tpu.vector_store %arg9[%swap3A_463, %swap3A_464], %gather3A_459 {strides = array<i32>} : memref<2x4096xf32, #tpu.memory_space<vmem>>, vector<16xf32>,
      }
      %scan3A_242 = arith.constant 256 : i32
      %dma_start3A_243 = arith.constant 0 : i32
      %dma_start3A_244 = arith.constant 0 : i32
      %dma_start3A_245 = arith.constant 0 : i32
      %dma_start3A_246 = tpu.memref_slice %arg9[%dma_start3A_243, %dma_start3A_245] : memref<2x4096xf32, #tpu.memory_space<vmem>> -> memref<1x4096xf32, #tpu.memory_space<vmem>>
      %dma_start3A_247 = tpu.memref_squeeze %dma_start3A_246 : memref<1x4096xf32, #tpu.memory_space<vmem>> -> memref<4096xf32, #tpu.memory_space<vmem>>
      %dma_start3A_248 = arith.constant 8192 : i32
      %dma_start3A_249 = tpu.memref_slice %arg6[%dma_start3A_244, %add3A_147, %dma_start3A_248] : memref<2x32x16384xf32, #tpu.memory_space<hbm>> -> memref<1x1x4096xf32, #tpu.memory_space<hbm>>
      %dma_start3A_250 = tpu.memref_squeeze %dma_start3A_249 : memref<1x1x4096xf32, #tpu.memory_space<hbm>> -> memref<4096xf32, #tpu.memory_space<hbm>>
      %dma_start3A_251 = arith.constant 8192 : i32
      %dma_start3A_252 = tpu.memref_slice %arg6[%dma_start3A_244, %add3A_147, %dma_start3A_251] : memref<2x32x16384xf32, #tpu.memory_space<hbm>> -> memref<1x1x4096xf32, #tpu.memory_space<hbm>>
      %dma_start3A_253 = tpu.memref_squeeze %dma_start3A_252 : memref<1x1x4096xf32, #tpu.memory_space<hbm>> -> memref<4096xf32, #tpu.memory_space<hbm>>
      %dma_start3A_254 = arith.constant 0 : i32
      %dma_start3A_255 = tpu.memref_slice %arg9[%dma_start3A_243, %dma_start3A_254] : memref<2x4096xf32, #tpu.memory_space<vmem>> -> memref<1x4096xf32, #tpu.memory_space<vmem>>
      %dma_start3A_256 = tpu.memref_squeeze %dma_start3A_255 : memref<1x4096xf32, #tpu.memory_space<vmem>> -> memref<4096xf32, #tpu.memory_space<vmem>>
      tpu.enqueue_dma source(%dma_start3A_256 : memref<4096xf32, #tpu.memory_space<vmem>>) target(%dma_start3A_253 : memref<4096xf32, #tpu.memory_space<hbm>>) target_semaphore(%arg12 : memref<!tpu.dma_semaphore, #tpu.memory_space<semaphore_mem>>)
      %dma_wait3A_257 = arith.constant 1 : i32
      %dma_wait3A_258 = arith.constant 0 : i32
      %dma_wait3A_259 = arith.constant 0 : i32
      %dma_wait3A_260 = tpu.memref_slice %arg9[%dma_wait3A_257, %dma_wait3A_259] : memref<2x4096xf32, #tpu.memory_space<vmem>> -> memref<1x4096xf32, #tpu.memory_space<vmem>>
      %dma_wait3A_261 = tpu.memref_squeeze %dma_wait3A_260 : memref<1x4096xf32, #tpu.memory_space<vmem>> -> memref<4096xf32, #tpu.memory_space<vmem>>
      %dma_wait3A_262 = arith.constant 4096 : i32
      %dma_wait3A_263 = tpu.memref_slice %arg6[%dma_wait3A_258, %add3A_147, %dma_wait3A_262] : memref<2x32x16384xf32, #tpu.memory_space<hbm>> -> memref<1x1x4096xf32, #tpu.memory_space<hbm>>
      %dma_wait3A_264 = tpu.memref_squeeze %dma_wait3A_263 : memref<1x1x4096xf32, #tpu.memory_space<hbm>> -> memref<4096xf32, #tpu.memory_space<hbm>>
      %dma_wait3A_265 = arith.constant 4096 : i32
      %dma_wait3A_266 = tpu.memref_slice %arg6[%dma_wait3A_258, %add3A_147, %dma_wait3A_265] : memref<2x32x16384xf32, #tpu.memory_space<hbm>> -> memref<1x1x4096xf32, #tpu.memory_space<hbm>>
      %dma_wait3A_267 = tpu.memref_squeeze %dma_wait3A_266 : memref<1x1x4096xf32, #tpu.memory_space<hbm>> -> memref<4096xf32, #tpu.memory_space<hbm>>
      %dma_wait3A_268 = arith.constant 0 : i32
      %dma_wait3A_269 = tpu.memref_slice %arg9[%dma_wait3A_257, %dma_wait3A_268] : memref<2x4096xf32, #tpu.memory_space<vmem>> -> memref<1x4096xf32, #tpu.memory_space<vmem>>
      %dma_wait3A_270 = tpu.memref_squeeze %dma_wait3A_269 : memref<1x4096xf32, #tpu.memory_space<vmem>> -> memref<4096xf32, #tpu.memory_space<vmem>>
      tpu.wait_dma2 semaphore(%arg12 : memref<!tpu.dma_semaphore, #tpu.memory_space<semaphore_mem>>) src(%dma_wait3A_270 : memref<4096xf32, #tpu.memory_space<vmem>>) dst(%dma_wait3A_267 : memref<4096xf32, #tpu.memory_space<hbm>>)
      %scan3A_271 = arith.constant 0 : i32
      %scan3A_272 = arith.constant 256 : i32
      %scan3A_273 = arith.addi %scan3A_271, %scan3A_272 : i32
      %scan3A_274 = arith.constant 8 : i32
      scf.for %scan3A_318 = %scan3A_271 to %scan3A_273 step %scan3A_274  : i32 {
        %mul3A_319 = arith.constant 1 : i32
        %mul3A_320 = arith.muli %scan3A_318, %mul3A_319 : i32
        %add3A_321 = arith.constant 0 : i32
        %add3A_322 = arith.addi %add3A_321, %mul3A_320 : i32
        %mul3A_323 = arith.constant 16 : i32
        %mul3A_324 = arith.muli %add3A_322, %mul3A_323 : i32
        %add3A_325 = arith.constant 12288 : i32
        %add3A_326 = arith.addi %add3A_325, %mul3A_324 : i32
        %get3A = arith.index_cast %add3A_326 : i32 to index
        %get3A_327 = tpu.vector_load %arg8[%get3A] {strides = array<i32>} : memref<16384xi32, #tpu.memory_space<vmem>>, vector<16xi32>,
        %gather3A = tpu.vector_load_idx %arg7[%get3A_327] : memref<100000xf32, #tpu.memory_space<vmem>>[vector<16xi32>], vector<16xf32>,
        %mul3A_328 = arith.constant 16 : i32
        %mul3A_329 = arith.muli %add3A_322, %mul3A_328 : i32
        %swap3A = arith.constant 1 : i32
        %swap3A_330 = arith.index_cast %swap3A : i32 to index
        %swap3A_331 = arith.index_cast %mul3A_329 : i32 to index
        %swap3A_332 = tpu.vector_load %arg9[%swap3A_330, %swap3A_331] {strides = array<i32>} : memref<2x4096xf32, #tpu.memory_space<vmem>>, vector<16xf32>,
        tpu.vector_store %arg9[%swap3A_330, %swap3A_331], %gather3A {strides = array<i32>} : memref<2x4096xf32, #tpu.memory_space<vmem>>, vector<16xf32>,
        %scan3A_333 = arith.constant 1 : i32
        %scan3A_334 = arith.addi %scan3A_318, %scan3A_333 : i32
        %mul3A_335 = arith.constant 1 : i32
        %mul3A_336 = arith.muli %scan3A_334, %mul3A_335 : i32
        %add3A_337 = arith.constant 0 : i32
        %add3A_338 = arith.addi %add3A_337, %mul3A_336 : i32
        %mul3A_339 = arith.constant 16 : i32
        %mul3A_340 = arith.muli %add3A_338, %mul3A_339 : i32
        %add3A_341 = arith.constant 12288 : i32
        %add3A_342 = arith.addi %add3A_341, %mul3A_340 : i32
        %get3A_343 = arith.index_cast %add3A_342 : i32 to index
        %get3A_344 = tpu.vector_load %arg8[%get3A_343] {strides = array<i32>} : memref<16384xi32, #tpu.memory_space<vmem>>, vector<16xi32>,
        %gather3A_345 = tpu.vector_load_idx %arg7[%get3A_344] : memref<100000xf32, #tpu.memory_space<vmem>>[vector<16xi32>], vector<16xf32>,
        %mul3A_346 = arith.constant 16 : i32
        %mul3A_347 = arith.muli %add3A_338, %mul3A_346 : i32
        %swap3A_348 = arith.constant 1 : i32
        %swap3A_349 = arith.index_cast %swap3A_348 : i32 to index
        %swap3A_350 = arith.index_cast %mul3A_347 : i32 to index
        %swap3A_351 = tpu.vector_load %arg9[%swap3A_349, %swap3A_350] {strides = array<i32>} : memref<2x4096xf32, #tpu.memory_space<vmem>>, vector<16xf32>,
        tpu.vector_store %arg9[%swap3A_349, %swap3A_350], %gather3A_345 {strides = array<i32>} : memref<2x4096xf32, #tpu.memory_space<vmem>>, vector<16xf32>,
        %scan3A_352 = arith.constant 2 : i32
        %scan3A_353 = arith.addi %scan3A_318, %scan3A_352 : i32
        %mul3A_354 = arith.constant 1 : i32
        %mul3A_355 = arith.muli %scan3A_353, %mul3A_354 : i32
        %add3A_356 = arith.constant 0 : i32
        %add3A_357 = arith.addi %add3A_356, %mul3A_355 : i32
        %mul3A_358 = arith.constant 16 : i32
        %mul3A_359 = arith.muli %add3A_357, %mul3A_358 : i32
        %add3A_360 = arith.constant 12288 : i32
        %add3A_361 = arith.addi %add3A_360, %mul3A_359 : i32
        %get3A_362 = arith.index_cast %add3A_361 : i32 to index
        %get3A_363 = tpu.vector_load %arg8[%get3A_362] {strides = array<i32>} : memref<16384xi32, #tpu.memory_space<vmem>>, vector<16xi32>,
        %gather3A_364 = tpu.vector_load_idx %arg7[%get3A_363] : memref<100000xf32, #tpu.memory_space<vmem>>[vector<16xi32>], vector<16xf32>,
        %mul3A_365 = arith.constant 16 : i32
        %mul3A_366 = arith.muli %add3A_357, %mul3A_365 : i32
        %swap3A_367 = arith.constant 1 : i32
        %swap3A_368 = arith.index_cast %swap3A_367 : i32 to index
        %swap3A_369 = arith.index_cast %mul3A_366 : i32 to index
        %swap3A_370 = tpu.vector_load %arg9[%swap3A_368, %swap3A_369] {strides = array<i32>} : memref<2x4096xf32, #tpu.memory_space<vmem>>, vector<16xf32>,
        tpu.vector_store %arg9[%swap3A_368, %swap3A_369], %gather3A_364 {strides = array<i32>} : memref<2x4096xf32, #tpu.memory_space<vmem>>, vector<16xf32>,
        %scan3A_371 = arith.constant 3 : i32
        %scan3A_372 = arith.addi %scan3A_318, %scan3A_371 : i32
        %mul3A_373 = arith.constant 1 : i32
        %mul3A_374 = arith.muli %scan3A_372, %mul3A_373 : i32
        %add3A_375 = arith.constant 0 : i32
        %add3A_376 = arith.addi %add3A_375, %mul3A_374 : i32
        %mul3A_377 = arith.constant 16 : i32
        %mul3A_378 = arith.muli %add3A_376, %mul3A_377 : i32
        %add3A_379 = arith.constant 12288 : i32
        %add3A_380 = arith.addi %add3A_379, %mul3A_378 : i32
        %get3A_381 = arith.index_cast %add3A_380 : i32 to index
        %get3A_382 = tpu.vector_load %arg8[%get3A_381] {strides = array<i32>} : memref<16384xi32, #tpu.memory_space<vmem>>, vector<16xi32>,
        %gather3A_383 = tpu.vector_load_idx %arg7[%get3A_382] : memref<100000xf32, #tpu.memory_space<vmem>>[vector<16xi32>], vector<16xf32>,
        %mul3A_384 = arith.constant 16 : i32
        %mul3A_385 = arith.muli %add3A_376, %mul3A_384 : i32
        %swap3A_386 = arith.constant 1 : i32
        %swap3A_387 = arith.index_cast %swap3A_386 : i32 to index
        %swap3A_388 = arith.index_cast %mul3A_385 : i32 to index
        %swap3A_389 = tpu.vector_load %arg9[%swap3A_387, %swap3A_388] {strides = array<i32>} : memref<2x4096xf32, #tpu.memory_space<vmem>>, vector<16xf32>,
        tpu.vector_store %arg9[%swap3A_387, %swap3A_388], %gather3A_383 {strides = array<i32>} : memref<2x4096xf32, #tpu.memory_space<vmem>>, vector<16xf32>,
        %scan3A_390 = arith.constant 4 : i32
        %scan3A_391 = arith.addi %scan3A_318, %scan3A_390 : i32
        %mul3A_392 = arith.constant 1 : i32
        %mul3A_393 = arith.muli %scan3A_391, %mul3A_392 : i32
        %add3A_394 = arith.constant 0 : i32
        %add3A_395 = arith.addi %add3A_394, %mul3A_393 : i32
        %mul3A_396 = arith.constant 16 : i32
        %mul3A_397 = arith.muli %add3A_395, %mul3A_396 : i32
        %add3A_398 = arith.constant 12288 : i32
        %add3A_399 = arith.addi %add3A_398, %mul3A_397 : i32
        %get3A_400 = arith.index_cast %add3A_399 : i32 to index
        %get3A_401 = tpu.vector_load %arg8[%get3A_400] {strides = array<i32>} : memref<16384xi32, #tpu.memory_space<vmem>>, vector<16xi32>,
        %gather3A_402 = tpu.vector_load_idx %arg7[%get3A_401] : memref<100000xf32, #tpu.memory_space<vmem>>[vector<16xi32>], vector<16xf32>,
        %mul3A_403 = arith.constant 16 : i32
        %mul3A_404 = arith.muli %add3A_395, %mul3A_403 : i32
        %swap3A_405 = arith.constant 1 : i32
        %swap3A_406 = arith.index_cast %swap3A_405 : i32 to index
        %swap3A_407 = arith.index_cast %mul3A_404 : i32 to index
        %swap3A_408 = tpu.vector_load %arg9[%swap3A_406, %swap3A_407] {strides = array<i32>} : memref<2x4096xf32, #tpu.memory_space<vmem>>, vector<16xf32>,
        tpu.vector_store %arg9[%swap3A_406, %swap3A_407], %gather3A_402 {strides = array<i32>} : memref<2x4096xf32, #tpu.memory_space<vmem>>, vector<16xf32>,
        %scan3A_409 = arith.constant 5 : i32
        %scan3A_410 = arith.addi %scan3A_318, %scan3A_409 : i32
        %mul3A_411 = arith.constant 1 : i32
        %mul3A_412 = arith.muli %scan3A_410, %mul3A_411 : i32
        %add3A_413 = arith.constant 0 : i32
        %add3A_414 = arith.addi %add3A_413, %mul3A_412 : i32
        %mul3A_415 = arith.constant 16 : i32
        %mul3A_416 = arith.muli %add3A_414, %mul3A_415 : i32
        %add3A_417 = arith.constant 12288 : i32
        %add3A_418 = arith.addi %add3A_417, %mul3A_416 : i32
        %get3A_419 = arith.index_cast %add3A_418 : i32 to index
        %get3A_420 = tpu.vector_load %arg8[%get3A_419] {strides = array<i32>} : memref<16384xi32, #tpu.memory_space<vmem>>, vector<16xi32>,
        %gather3A_421 = tpu.vector_load_idx %arg7[%get3A_420] : memref<100000xf32, #tpu.memory_space<vmem>>[vector<16xi32>], vector<16xf32>,
        %mul3A_422 = arith.constant 16 : i32
        %mul3A_423 = arith.muli %add3A_414, %mul3A_422 : i32
        %swap3A_424 = arith.constant 1 : i32
        %swap3A_425 = arith.index_cast %swap3A_424 : i32 to index
        %swap3A_426 = arith.index_cast %mul3A_423 : i32 to index
        %swap3A_427 = tpu.vector_load %arg9[%swap3A_425, %swap3A_426] {strides = array<i32>} : memref<2x4096xf32, #tpu.memory_space<vmem>>, vector<16xf32>,
        tpu.vector_store %arg9[%swap3A_425, %swap3A_426], %gather3A_421 {strides = array<i32>} : memref<2x4096xf32, #tpu.memory_space<vmem>>, vector<16xf32>,
        %scan3A_428 = arith.constant 6 : i32
        %scan3A_429 = arith.addi %scan3A_318, %scan3A_428 : i32
        %mul3A_430 = arith.constant 1 : i32
        %mul3A_431 = arith.muli %scan3A_429, %mul3A_430 : i32
        %add3A_432 = arith.constant 0 : i32
        %add3A_433 = arith.addi %add3A_432, %mul3A_431 : i32
        %mul3A_434 = arith.constant 16 : i32
        %mul3A_435 = arith.muli %add3A_433, %mul3A_434 : i32
        %add3A_436 = arith.constant 12288 : i32
        %add3A_437 = arith.addi %add3A_436, %mul3A_435 : i32
        %get3A_438 = arith.index_cast %add3A_437 : i32 to index
        %get3A_439 = tpu.vector_load %arg8[%get3A_438] {strides = array<i32>} : memref<16384xi32, #tpu.memory_space<vmem>>, vector<16xi32>,
        %gather3A_440 = tpu.vector_load_idx %arg7[%get3A_439] : memref<100000xf32, #tpu.memory_space<vmem>>[vector<16xi32>], vector<16xf32>,
        %mul3A_441 = arith.constant 16 : i32
        %mul3A_442 = arith.muli %add3A_433, %mul3A_441 : i32
        %swap3A_443 = arith.constant 1 : i32
        %swap3A_444 = arith.index_cast %swap3A_443 : i32 to index
        %swap3A_445 = arith.index_cast %mul3A_442 : i32 to index
        %swap3A_446 = tpu.vector_load %arg9[%swap3A_444, %swap3A_445] {strides = array<i32>} : memref<2x4096xf32, #tpu.memory_space<vmem>>, vector<16xf32>,
        tpu.vector_store %arg9[%swap3A_444, %swap3A_445], %gather3A_440 {strides = array<i32>} : memref<2x4096xf32, #tpu.memory_space<vmem>>, vector<16xf32>,
        %scan3A_447 = arith.constant 7 : i32
        %scan3A_448 = arith.addi %scan3A_318, %scan3A_447 : i32
        %mul3A_449 = arith.constant 1 : i32
        %mul3A_450 = arith.muli %scan3A_448, %mul3A_449 : i32
        %add3A_451 = arith.constant 0 : i32
        %add3A_452 = arith.addi %add3A_451, %mul3A_450 : i32
        %mul3A_453 = arith.constant 16 : i32
        %mul3A_454 = arith.muli %add3A_452, %mul3A_453 : i32
        %add3A_455 = arith.constant 12288 : i32
        %add3A_456 = arith.addi %add3A_455, %mul3A_454 : i32
        %get3A_457 = arith.index_cast %add3A_456 : i32 to index
        %get3A_458 = tpu.vector_load %arg8[%get3A_457] {strides = array<i32>} : memref<16384xi32, #tpu.memory_space<vmem>>, vector<16xi32>,
        %gather3A_459 = tpu.vector_load_idx %arg7[%get3A_458] : memref<100000xf32, #tpu.memory_space<vmem>>[vector<16xi32>], vector<16xf32>,
        %mul3A_460 = arith.constant 16 : i32
        %mul3A_461 = arith.muli %add3A_452, %mul3A_460 : i32
        %swap3A_462 = arith.constant 1 : i32
        %swap3A_463 = arith.index_cast %swap3A_462 : i32 to index
        %swap3A_464 = arith.index_cast %mul3A_461 : i32 to index
        %swap3A_465 = tpu.vector_load %arg9[%swap3A_463, %swap3A_464] {strides = array<i32>} : memref<2x4096xf32, #tpu.memory_space<vmem>>, vector<16xf32>,
        tpu.vector_store %arg9[%swap3A_463, %swap3A_464], %gather3A_459 {strides = array<i32>} : memref<2x4096xf32, #tpu.memory_space<vmem>>, vector<16xf32>,
      }
      %scan3A_275 = arith.constant 256 : i32
      %dma_start3A_276 = arith.constant 1 : i32
      %dma_start3A_277 = arith.constant 0 : i32
      %dma_start3A_278 = arith.constant 0 : i32
      %dma_start3A_279 = tpu.memref_slice %arg9[%dma_start3A_276, %dma_start3A_278] : memref<2x4096xf32, #tpu.memory_space<vmem>> -> memref<1x4096xf32, #tpu.memory_space<vmem>>
      %dma_start3A_280 = tpu.memref_squeeze %dma_start3A_279 : memref<1x4096xf32, #tpu.memory_space<vmem>> -> memref<4096xf32, #tpu.memory_space<vmem>>
      %dma_start3A_281 = arith.constant 12288 : i32
      %dma_start3A_282 = tpu.memref_slice %arg6[%dma_start3A_277, %add3A_147, %dma_start3A_281] : memref<2x32x16384xf32, #tpu.memory_space<hbm>> -> memref<1x1x4096xf32, #tpu.memory_space<hbm>>
      %dma_start3A_283 = tpu.memref_squeeze %dma_start3A_282 : memref<1x1x4096xf32, #tpu.memory_space<hbm>> -> memref<4096xf32, #tpu.memory_space<hbm>>
      %dma_start3A_284 = arith.constant 12288 : i32
      %dma_start3A_285 = tpu.memref_slice %arg6[%dma_start3A_277, %add3A_147, %dma_start3A_284] : memref<2x32x16384xf32, #tpu.memory_space<hbm>> -> memref<1x1x4096xf32, #tpu.memory_space<hbm>>
      %dma_start3A_286 = tpu.memref_squeeze %dma_start3A_285 : memref<1x1x4096xf32, #tpu.memory_space<hbm>> -> memref<4096xf32, #tpu.memory_space<hbm>>
      %dma_start3A_287 = arith.constant 0 : i32
      %dma_start3A_288 = tpu.memref_slice %arg9[%dma_start3A_276, %dma_start3A_287] : memref<2x4096xf32, #tpu.memory_space<vmem>> -> memref<1x4096xf32, #tpu.memory_space<vmem>>
      %dma_start3A_289 = tpu.memref_squeeze %dma_start3A_288 : memref<1x4096xf32, #tpu.memory_space<vmem>> -> memref<4096xf32, #tpu.memory_space<vmem>>
      tpu.enqueue_dma source(%dma_start3A_289 : memref<4096xf32, #tpu.memory_space<vmem>>) target(%dma_start3A_286 : memref<4096xf32, #tpu.memory_space<hbm>>) target_semaphore(%arg12 : memref<!tpu.dma_semaphore, #tpu.memory_space<semaphore_mem>>)
      %dma_wait3A_290 = arith.constant 0 : i32
      %dma_wait3A_291 = arith.constant 0 : i32
      %dma_wait3A_292 = arith.constant 0 : i32
      %dma_wait3A_293 = tpu.memref_slice %arg9[%dma_wait3A_290, %dma_wait3A_292] : memref<2x4096xf32, #tpu.memory_space<vmem>> -> memref<1x4096xf32, #tpu.memory_space<vmem>>
      %dma_wait3A_294 = tpu.memref_squeeze %dma_wait3A_293 : memref<1x4096xf32, #tpu.memory_space<vmem>> -> memref<4096xf32, #tpu.memory_space<vmem>>
      %dma_wait3A_295 = arith.constant 8192 : i32
      %dma_wait3A_296 = tpu.memref_slice %arg6[%dma_wait3A_291, %add3A_147, %dma_wait3A_295] : memref<2x32x16384xf32, #tpu.memory_space<hbm>> -> memref<1x1x4096xf32, #tpu.memory_space<hbm>>
      %dma_wait3A_297 = tpu.memref_squeeze %dma_wait3A_296 : memref<1x1x4096xf32, #tpu.memory_space<hbm>> -> memref<4096xf32, #tpu.memory_space<hbm>>
      %dma_wait3A_298 = arith.constant 8192 : i32
      %dma_wait3A_299 = tpu.memref_slice %arg6[%dma_wait3A_291, %add3A_147, %dma_wait3A_298] : memref<2x32x16384xf32, #tpu.memory_space<hbm>> -> memref<1x1x4096xf32, #tpu.memory_space<hbm>>
      %dma_wait3A_300 = tpu.memref_squeeze %dma_wait3A_299 : memref<1x1x4096xf32, #tpu.memory_space<hbm>> -> memref<4096xf32, #tpu.memory_space<hbm>>
      %dma_wait3A_301 = arith.constant 0 : i32
      %dma_wait3A_302 = tpu.memref_slice %arg9[%dma_wait3A_290, %dma_wait3A_301] : memref<2x4096xf32, #tpu.memory_space<vmem>> -> memref<1x4096xf32, #tpu.memory_space<vmem>>
      %dma_wait3A_303 = tpu.memref_squeeze %dma_wait3A_302 : memref<1x4096xf32, #tpu.memory_space<vmem>> -> memref<4096xf32, #tpu.memory_space<vmem>>
      tpu.wait_dma2 semaphore(%arg12 : memref<!tpu.dma_semaphore, #tpu.memory_space<semaphore_mem>>) src(%dma_wait3A_303 : memref<4096xf32, #tpu.memory_space<vmem>>) dst(%dma_wait3A_300 : memref<4096xf32, #tpu.memory_space<hbm>>)
      %dma_wait3A_304 = arith.constant 1 : i32
      %dma_wait3A_305 = arith.constant 0 : i32
      %dma_wait3A_306 = arith.constant 0 : i32
      %dma_wait3A_307 = tpu.memref_slice %arg9[%dma_wait3A_304, %dma_wait3A_306] : memref<2x4096xf32, #tpu.memory_space<vmem>> -> memref<1x4096xf32, #tpu.memory_space<vmem>>
      %dma_wait3A_308 = tpu.memref_squeeze %dma_wait3A_307 : memref<1x4096xf32, #tpu.memory_space<vmem>> -> memref<4096xf32, #tpu.memory_space<vmem>>
      %dma_wait3A_309 = arith.constant 12288 : i32
      %dma_wait3A_310 = tpu.memref_slice %arg6[%dma_wait3A_305, %add3A_147, %dma_wait3A_309] : memref<2x32x16384xf32, #tpu.memory_space<hbm>> -> memref<1x1x4096xf32, #tpu.memory_space<hbm>>
      %dma_wait3A_311 = tpu.memref_squeeze %dma_wait3A_310 : memref<1x1x4096xf32, #tpu.memory_space<hbm>> -> memref<4096xf32, #tpu.memory_space<hbm>>
      %dma_wait3A_312 = arith.constant 12288 : i32
      %dma_wait3A_313 = tpu.memref_slice %arg6[%dma_wait3A_305, %add3A_147, %dma_wait3A_312] : memref<2x32x16384xf32, #tpu.memory_space<hbm>> -> memref<1x1x4096xf32, #tpu.memory_space<hbm>>
      %dma_wait3A_314 = tpu.memref_squeeze %dma_wait3A_313 : memref<1x1x4096xf32, #tpu.memory_space<hbm>> -> memref<4096xf32, #tpu.memory_space<hbm>>
      %dma_wait3A_315 = arith.constant 0 : i32
      %dma_wait3A_316 = tpu.memref_slice %arg9[%dma_wait3A_304, %dma_wait3A_315] : memref<2x4096xf32, #tpu.memory_space<vmem>> -> memref<1x4096xf32, #tpu.memory_space<vmem>>
      %dma_wait3A_317 = tpu.memref_squeeze %dma_wait3A_316 : memref<1x4096xf32, #tpu.memory_space<vmem>> -> memref<4096xf32, #tpu.memory_space<vmem>>
      tpu.wait_dma2 semaphore(%arg12 : memref<!tpu.dma_semaphore, #tpu.memory_space<semaphore_mem>>) src(%dma_wait3A_317 : memref<4096xf32, #tpu.memory_space<vmem>>) dst(%dma_wait3A_314 : memref<4096xf32, #tpu.memory_space<hbm>>)
    } else {
    }
    %eq3A_2 = arith.constant 1 : i32
    %eq3A_3 = arith.cmpi eq, %arg0, %eq3A_2 : i32
    %convert_element_type3A_4 = arith.extui %eq3A_3 : i1 to i32
    %cond3A_5 = arith.constant 0 : i32
    %cond3A_6 = arith.cmpi ne, %convert_element_type3A_4, %cond3A_5 : i32
    scf.if %cond3A_6 {
      tpu.enqueue_dma source(%arg5 : memref<16384xi32, #tpu.memory_space<hbm>>) target(%arg8 : memref<16384xi32, #tpu.memory_space<vmem>>) target_semaphore(%arg10 : memref<!tpu.dma_semaphore, #tpu.memory_space<semaphore_mem>>)
      %mul3A = arith.constant 2 : i32
      %mul3A_7 = arith.muli %arg1, %mul3A : i32
      %dma_start3A = arith.constant 0 : i32
      %dma_start3A_8 = tpu.memref_slice %arg7[%dma_start3A] : memref<100000xf32, #tpu.memory_space<vmem>> -> memref<16xf32, #tpu.memory_space<vmem>>
      %dma_start3A_9 = arith.constant 0 : i32
      %dma_start3A_10 = tpu.memref_slice %arg3[%mul3A_7, %dma_start3A_9] : memref<32x100000xf32, #tpu.memory_space<hbm>> -> memref<1x16xf32, #tpu.memory_space<hbm>>
      %dma_start3A_11 = tpu.memref_squeeze %dma_start3A_10 : memref<1x16xf32, #tpu.memory_space<hbm>> -> memref<16xf32, #tpu.memory_space<hbm>>
      %dma_start3A_12 = arith.constant 0 : i32
      %dma_start3A_13 = tpu.memref_slice %arg7[%dma_start3A_12] : memref<100000xf32, #tpu.memory_space<vmem>> -> memref<16xf32, #tpu.memory_space<vmem>>
      %dma_start3A_14 = arith.constant 0 : i32
      %dma_start3A_15 = tpu.memref_slice %arg3[%mul3A_7, %dma_start3A_14] : memref<32x100000xf32, #tpu.memory_space<hbm>> -> memref<1x16xf32, #tpu.memory_space<hbm>>
      %dma_start3A_16 = tpu.memref_squeeze %dma_start3A_15 : memref<1x16xf32, #tpu.memory_space<hbm>> -> memref<16xf32, #tpu.memory_space<hbm>>
      tpu.enqueue_dma source(%dma_start3A_16 : memref<16xf32, #tpu.memory_space<hbm>>) target(%dma_start3A_13 : memref<16xf32, #tpu.memory_space<vmem>>) target_semaphore(%arg11 : memref<!tpu.dma_semaphore, #tpu.memory_space<semaphore_mem>>)
      tpu.wait_dma2 semaphore(%arg10 : memref<!tpu.dma_semaphore, #tpu.memory_space<semaphore_mem>>) src(%arg5 : memref<16384xi32, #tpu.memory_space<hbm>>) dst(%arg8 : memref<16384xi32, #tpu.memory_space<vmem>>)
      %mul3A_17 = arith.constant 2 : i32
      %mul3A_18 = arith.muli %arg1, %mul3A_17 : i32
      %add3A = arith.constant 0 : i32
      %add3A_19 = arith.addi %mul3A_18, %add3A : i32
      %dma_wait3A = arith.constant 0 : i32
      %dma_wait3A_20 = tpu.memref_slice %arg7[%dma_wait3A] : memref<100000xf32, #tpu.memory_space<vmem>> -> memref<16xf32, #tpu.memory_space<vmem>>
      %dma_wait3A_21 = arith.constant 0 : i32
      %dma_wait3A_22 = tpu.memref_slice %arg3[%mul3A_7, %dma_wait3A_21] : memref<32x100000xf32, #tpu.memory_space<hbm>> -> memref<1x16xf32, #tpu.memory_space<hbm>>
      %dma_wait3A_23 = tpu.memref_squeeze %dma_wait3A_22 : memref<1x16xf32, #tpu.memory_space<hbm>> -> memref<16xf32, #tpu.memory_space<hbm>>
      %dma_wait3A_24 = arith.constant 0 : i32
      %dma_wait3A_25 = tpu.memref_slice %arg7[%dma_wait3A_24] : memref<100000xf32, #tpu.memory_space<vmem>> -> memref<16xf32, #tpu.memory_space<vmem>>
      %dma_wait3A_26 = arith.constant 0 : i32
      %dma_wait3A_27 = tpu.memref_slice %arg3[%mul3A_7, %dma_wait3A_26] : memref<32x100000xf32, #tpu.memory_space<hbm>> -> memref<1x16xf32, #tpu.memory_space<hbm>>
      %dma_wait3A_28 = tpu.memref_squeeze %dma_wait3A_27 : memref<1x16xf32, #tpu.memory_space<hbm>> -> memref<16xf32, #tpu.memory_space<hbm>>
      tpu.wait_dma2 semaphore(%arg11 : memref<!tpu.dma_semaphore, #tpu.memory_space<semaphore_mem>>) src(%dma_wait3A_28 : memref<16xf32, #tpu.memory_space<hbm>>) dst(%dma_wait3A_25 : memref<16xf32, #tpu.memory_space<vmem>>)
      %scan3A = arith.constant 0 : i32
      %scan3A_29 = arith.constant 256 : i32
      %scan3A_30 = arith.addi %scan3A, %scan3A_29 : i32
      %scan3A_31 = arith.constant 8 : i32
      scf.for %scan3A_318 = %scan3A to %scan3A_30 step %scan3A_31  : i32 {
        %mul3A_319 = arith.constant 1 : i32
        %mul3A_320 = arith.muli %scan3A_318, %mul3A_319 : i32
        %add3A_321 = arith.constant 0 : i32
        %add3A_322 = arith.addi %add3A_321, %mul3A_320 : i32
        %mul3A_323 = arith.constant 16 : i32
        %mul3A_324 = arith.muli %add3A_322, %mul3A_323 : i32
        %add3A_325 = arith.constant 0 : i32
        %add3A_326 = arith.addi %add3A_325, %mul3A_324 : i32
        %get3A = arith.index_cast %add3A_326 : i32 to index
        %get3A_327 = tpu.vector_load %arg8[%get3A] {strides = array<i32>} : memref<16384xi32, #tpu.memory_space<vmem>>, vector<16xi32>,
        %gather3A = tpu.vector_load_idx %arg7[%get3A_327] : memref<100000xf32, #tpu.memory_space<vmem>>[vector<16xi32>], vector<16xf32>,
        %mul3A_328 = arith.constant 16 : i32
        %mul3A_329 = arith.muli %add3A_322, %mul3A_328 : i32
        %swap3A = arith.constant 0 : i32
        %swap3A_330 = arith.index_cast %swap3A : i32 to index
        %swap3A_331 = arith.index_cast %mul3A_329 : i32 to index
        %swap3A_332 = tpu.vector_load %arg9[%swap3A_330, %swap3A_331] {strides = array<i32>} : memref<2x4096xf32, #tpu.memory_space<vmem>>, vector<16xf32>,
        tpu.vector_store %arg9[%swap3A_330, %swap3A_331], %gather3A {strides = array<i32>} : memref<2x4096xf32, #tpu.memory_space<vmem>>, vector<16xf32>,
        %scan3A_333 = arith.constant 1 : i32
        %scan3A_334 = arith.addi %scan3A_318, %scan3A_333 : i32
        %mul3A_335 = arith.constant 1 : i32
        %mul3A_336 = arith.muli %scan3A_334, %mul3A_335 : i32
        %add3A_337 = arith.constant 0 : i32
        %add3A_338 = arith.addi %add3A_337, %mul3A_336 : i32
        %mul3A_339 = arith.constant 16 : i32
        %mul3A_340 = arith.muli %add3A_338, %mul3A_339 : i32
        %add3A_341 = arith.constant 0 : i32
        %add3A_342 = arith.addi %add3A_341, %mul3A_340 : i32
        %get3A_343 = arith.index_cast %add3A_342 : i32 to index
        %get3A_344 = tpu.vector_load %arg8[%get3A_343] {strides = array<i32>} : memref<16384xi32, #tpu.memory_space<vmem>>, vector<16xi32>,
        %gather3A_345 = tpu.vector_load_idx %arg7[%get3A_344] : memref<100000xf32, #tpu.memory_space<vmem>>[vector<16xi32>], vector<16xf32>,
        %mul3A_346 = arith.constant 16 : i32
        %mul3A_347 = arith.muli %add3A_338, %mul3A_346 : i32
        %swap3A_348 = arith.constant 0 : i32
        %swap3A_349 = arith.index_cast %swap3A_348 : i32 to index
        %swap3A_350 = arith.index_cast %mul3A_347 : i32 to index
        %swap3A_351 = tpu.vector_load %arg9[%swap3A_349, %swap3A_350] {strides = array<i32>} : memref<2x4096xf32, #tpu.memory_space<vmem>>, vector<16xf32>,
        tpu.vector_store %arg9[%swap3A_349, %swap3A_350], %gather3A_345 {strides = array<i32>} : memref<2x4096xf32, #tpu.memory_space<vmem>>, vector<16xf32>,
        %scan3A_352 = arith.constant 2 : i32
        %scan3A_353 = arith.addi %scan3A_318, %scan3A_352 : i32
        %mul3A_354 = arith.constant 1 : i32
        %mul3A_355 = arith.muli %scan3A_353, %mul3A_354 : i32
        %add3A_356 = arith.constant 0 : i32
        %add3A_357 = arith.addi %add3A_356, %mul3A_355 : i32
        %mul3A_358 = arith.constant 16 : i32
        %mul3A_359 = arith.muli %add3A_357, %mul3A_358 : i32
        %add3A_360 = arith.constant 0 : i32
        %add3A_361 = arith.addi %add3A_360, %mul3A_359 : i32
        %get3A_362 = arith.index_cast %add3A_361 : i32 to index
        %get3A_363 = tpu.vector_load %arg8[%get3A_362] {strides = array<i32>} : memref<16384xi32, #tpu.memory_space<vmem>>, vector<16xi32>,
        %gather3A_364 = tpu.vector_load_idx %arg7[%get3A_363] : memref<100000xf32, #tpu.memory_space<vmem>>[vector<16xi32>], vector<16xf32>,
        %mul3A_365 = arith.constant 16 : i32
        %mul3A_366 = arith.muli %add3A_357, %mul3A_365 : i32
        %swap3A_367 = arith.constant 0 : i32
        %swap3A_368 = arith.index_cast %swap3A_367 : i32 to index
        %swap3A_369 = arith.index_cast %mul3A_366 : i32 to index
        %swap3A_370 = tpu.vector_load %arg9[%swap3A_368, %swap3A_369] {strides = array<i32>} : memref<2x4096xf32, #tpu.memory_space<vmem>>, vector<16xf32>,
        tpu.vector_store %arg9[%swap3A_368, %swap3A_369], %gather3A_364 {strides = array<i32>} : memref<2x4096xf32, #tpu.memory_space<vmem>>, vector<16xf32>,
        %scan3A_371 = arith.constant 3 : i32
        %scan3A_372 = arith.addi %scan3A_318, %scan3A_371 : i32
        %mul3A_373 = arith.constant 1 : i32
        %mul3A_374 = arith.muli %scan3A_372, %mul3A_373 : i32
        %add3A_375 = arith.constant 0 : i32
        %add3A_376 = arith.addi %add3A_375, %mul3A_374 : i32
        %mul3A_377 = arith.constant 16 : i32
        %mul3A_378 = arith.muli %add3A_376, %mul3A_377 : i32
        %add3A_379 = arith.constant 0 : i32
        %add3A_380 = arith.addi %add3A_379, %mul3A_378 : i32
        %get3A_381 = arith.index_cast %add3A_380 : i32 to index
        %get3A_382 = tpu.vector_load %arg8[%get3A_381] {strides = array<i32>} : memref<16384xi32, #tpu.memory_space<vmem>>, vector<16xi32>,
        %gather3A_383 = tpu.vector_load_idx %arg7[%get3A_382] : memref<100000xf32, #tpu.memory_space<vmem>>[vector<16xi32>], vector<16xf32>,
        %mul3A_384 = arith.constant 16 : i32
        %mul3A_385 = arith.muli %add3A_376, %mul3A_384 : i32
        %swap3A_386 = arith.constant 0 : i32
        %swap3A_387 = arith.index_cast %swap3A_386 : i32 to index
        %swap3A_388 = arith.index_cast %mul3A_385 : i32 to index
        %swap3A_389 = tpu.vector_load %arg9[%swap3A_387, %swap3A_388] {strides = array<i32>} : memref<2x4096xf32, #tpu.memory_space<vmem>>, vector<16xf32>,
        tpu.vector_store %arg9[%swap3A_387, %swap3A_388], %gather3A_383 {strides = array<i32>} : memref<2x4096xf32, #tpu.memory_space<vmem>>, vector<16xf32>,
        %scan3A_390 = arith.constant 4 : i32
        %scan3A_391 = arith.addi %scan3A_318, %scan3A_390 : i32
        %mul3A_392 = arith.constant 1 : i32
        %mul3A_393 = arith.muli %scan3A_391, %mul3A_392 : i32
        %add3A_394 = arith.constant 0 : i32
        %add3A_395 = arith.addi %add3A_394, %mul3A_393 : i32
        %mul3A_396 = arith.constant 16 : i32
        %mul3A_397 = arith.muli %add3A_395, %mul3A_396 : i32
        %add3A_398 = arith.constant 0 : i32
        %add3A_399 = arith.addi %add3A_398, %mul3A_397 : i32
        %get3A_400 = arith.index_cast %add3A_399 : i32 to index
        %get3A_401 = tpu.vector_load %arg8[%get3A_400] {strides = array<i32>} : memref<16384xi32, #tpu.memory_space<vmem>>, vector<16xi32>,
        %gather3A_402 = tpu.vector_load_idx %arg7[%get3A_401] : memref<100000xf32, #tpu.memory_space<vmem>>[vector<16xi32>], vector<16xf32>,
        %mul3A_403 = arith.constant 16 : i32
        %mul3A_404 = arith.muli %add3A_395, %mul3A_403 : i32
        %swap3A_405 = arith.constant 0 : i32
        %swap3A_406 = arith.index_cast %swap3A_405 : i32 to index
        %swap3A_407 = arith.index_cast %mul3A_404 : i32 to index
        %swap3A_408 = tpu.vector_load %arg9[%swap3A_406, %swap3A_407] {strides = array<i32>} : memref<2x4096xf32, #tpu.memory_space<vmem>>, vector<16xf32>,
        tpu.vector_store %arg9[%swap3A_406, %swap3A_407], %gather3A_402 {strides = array<i32>} : memref<2x4096xf32, #tpu.memory_space<vmem>>, vector<16xf32>,
        %scan3A_409 = arith.constant 5 : i32
        %scan3A_410 = arith.addi %scan3A_318, %scan3A_409 : i32
        %mul3A_411 = arith.constant 1 : i32
        %mul3A_412 = arith.muli %scan3A_410, %mul3A_411 : i32
        %add3A_413 = arith.constant 0 : i32
        %add3A_414 = arith.addi %add3A_413, %mul3A_412 : i32
        %mul3A_415 = arith.constant 16 : i32
        %mul3A_416 = arith.muli %add3A_414, %mul3A_415 : i32
        %add3A_417 = arith.constant 0 : i32
        %add3A_418 = arith.addi %add3A_417, %mul3A_416 : i32
        %get3A_419 = arith.index_cast %add3A_418 : i32 to index
        %get3A_420 = tpu.vector_load %arg8[%get3A_419] {strides = array<i32>} : memref<16384xi32, #tpu.memory_space<vmem>>, vector<16xi32>,
        %gather3A_421 = tpu.vector_load_idx %arg7[%get3A_420] : memref<100000xf32, #tpu.memory_space<vmem>>[vector<16xi32>], vector<16xf32>,
        %mul3A_422 = arith.constant 16 : i32
        %mul3A_423 = arith.muli %add3A_414, %mul3A_422 : i32
        %swap3A_424 = arith.constant 0 : i32
        %swap3A_425 = arith.index_cast %swap3A_424 : i32 to index
        %swap3A_426 = arith.index_cast %mul3A_423 : i32 to index
        %swap3A_427 = tpu.vector_load %arg9[%swap3A_425, %swap3A_426] {strides = array<i32>} : memref<2x4096xf32, #tpu.memory_space<vmem>>, vector<16xf32>,
        tpu.vector_store %arg9[%swap3A_425, %swap3A_426], %gather3A_421 {strides = array<i32>} : memref<2x4096xf32, #tpu.memory_space<vmem>>, vector<16xf32>,
        %scan3A_428 = arith.constant 6 : i32
        %scan3A_429 = arith.addi %scan3A_318, %scan3A_428 : i32
        %mul3A_430 = arith.constant 1 : i32
        %mul3A_431 = arith.muli %scan3A_429, %mul3A_430 : i32
        %add3A_432 = arith.constant 0 : i32
        %add3A_433 = arith.addi %add3A_432, %mul3A_431 : i32
        %mul3A_434 = arith.constant 16 : i32
        %mul3A_435 = arith.muli %add3A_433, %mul3A_434 : i32
        %add3A_436 = arith.constant 0 : i32
        %add3A_437 = arith.addi %add3A_436, %mul3A_435 : i32
        %get3A_438 = arith.index_cast %add3A_437 : i32 to index
        %get3A_439 = tpu.vector_load %arg8[%get3A_438] {strides = array<i32>} : memref<16384xi32, #tpu.memory_space<vmem>>, vector<16xi32>,
        %gather3A_440 = tpu.vector_load_idx %arg7[%get3A_439] : memref<100000xf32, #tpu.memory_space<vmem>>[vector<16xi32>], vector<16xf32>,
        %mul3A_441 = arith.constant 16 : i32
        %mul3A_442 = arith.muli %add3A_433, %mul3A_441 : i32
        %swap3A_443 = arith.constant 0 : i32
        %swap3A_444 = arith.index_cast %swap3A_443 : i32 to index
        %swap3A_445 = arith.index_cast %mul3A_442 : i32 to index
        %swap3A_446 = tpu.vector_load %arg9[%swap3A_444, %swap3A_445] {strides = array<i32>} : memref<2x4096xf32, #tpu.memory_space<vmem>>, vector<16xf32>,
        tpu.vector_store %arg9[%swap3A_444, %swap3A_445], %gather3A_440 {strides = array<i32>} : memref<2x4096xf32, #tpu.memory_space<vmem>>, vector<16xf32>,
        %scan3A_447 = arith.constant 7 : i32
        %scan3A_448 = arith.addi %scan3A_318, %scan3A_447 : i32
        %mul3A_449 = arith.constant 1 : i32
        %mul3A_450 = arith.muli %scan3A_448, %mul3A_449 : i32
        %add3A_451 = arith.constant 0 : i32
        %add3A_452 = arith.addi %add3A_451, %mul3A_450 : i32
        %mul3A_453 = arith.constant 16 : i32
        %mul3A_454 = arith.muli %add3A_452, %mul3A_453 : i32
        %add3A_455 = arith.constant 0 : i32
        %add3A_456 = arith.addi %add3A_455, %mul3A_454 : i32
        %get3A_457 = arith.index_cast %add3A_456 : i32 to index
        %get3A_458 = tpu.vector_load %arg8[%get3A_457] {strides = array<i32>} : memref<16384xi32, #tpu.memory_space<vmem>>, vector<16xi32>,
        %gather3A_459 = tpu.vector_load_idx %arg7[%get3A_458] : memref<100000xf32, #tpu.memory_space<vmem>>[vector<16xi32>], vector<16xf32>,
        %mul3A_460 = arith.constant 16 : i32
        %mul3A_461 = arith.muli %add3A_452, %mul3A_460 : i32
        %swap3A_462 = arith.constant 0 : i32
        %swap3A_463 = arith.index_cast %swap3A_462 : i32 to index
        %swap3A_464 = arith.index_cast %mul3A_461 : i32 to index
        %swap3A_465 = tpu.vector_load %arg9[%swap3A_463, %swap3A_464] {strides = array<i32>} : memref<2x4096xf32, #tpu.memory_space<vmem>>, vector<16xf32>,
        tpu.vector_store %arg9[%swap3A_463, %swap3A_464], %gather3A_459 {strides = array<i32>} : memref<2x4096xf32, #tpu.memory_space<vmem>>, vector<16xf32>,
      }
      %scan3A_32 = arith.constant 256 : i32
      %dma_start3A_33 = arith.constant 0 : i32
      %dma_start3A_34 = arith.constant 1 : i32
      %dma_start3A_35 = arith.constant 0 : i32
      %dma_start3A_36 = tpu.memref_slice %arg9[%dma_start3A_33, %dma_start3A_35] : memref<2x4096xf32, #tpu.memory_space<vmem>> -> memref<1x4096xf32, #tpu.memory_space<vmem>>
      %dma_start3A_37 = tpu.memref_squeeze %dma_start3A_36 : memref<1x4096xf32, #tpu.memory_space<vmem>> -> memref<4096xf32, #tpu.memory_space<vmem>>
      %dma_start3A_38 = arith.constant 0 : i32
      %dma_start3A_39 = tpu.memref_slice %arg6[%dma_start3A_34, %add3A_19, %dma_start3A_38] : memref<2x32x16384xf32, #tpu.memory_space<hbm>> -> memref<1x1x4096xf32, #tpu.memory_space<hbm>>
      %dma_start3A_40 = tpu.memref_squeeze %dma_start3A_39 : memref<1x1x4096xf32, #tpu.memory_space<hbm>> -> memref<4096xf32, #tpu.memory_space<hbm>>
      %dma_start3A_41 = arith.constant 0 : i32
      %dma_start3A_42 = tpu.memref_slice %arg6[%dma_start3A_34, %add3A_19, %dma_start3A_41] : memref<2x32x16384xf32, #tpu.memory_space<hbm>> -> memref<1x1x4096xf32, #tpu.memory_space<hbm>>
      %dma_start3A_43 = tpu.memref_squeeze %dma_start3A_42 : memref<1x1x4096xf32, #tpu.memory_space<hbm>> -> memref<4096xf32, #tpu.memory_space<hbm>>
      %dma_start3A_44 = arith.constant 0 : i32
      %dma_start3A_45 = tpu.memref_slice %arg9[%dma_start3A_33, %dma_start3A_44] : memref<2x4096xf32, #tpu.memory_space<vmem>> -> memref<1x4096xf32, #tpu.memory_space<vmem>>
      %dma_start3A_46 = tpu.memref_squeeze %dma_start3A_45 : memref<1x4096xf32, #tpu.memory_space<vmem>> -> memref<4096xf32, #tpu.memory_space<vmem>>
      tpu.enqueue_dma source(%dma_start3A_46 : memref<4096xf32, #tpu.memory_space<vmem>>) target(%dma_start3A_43 : memref<4096xf32, #tpu.memory_space<hbm>>) target_semaphore(%arg12 : memref<!tpu.dma_semaphore, #tpu.memory_space<semaphore_mem>>)
      %scan3A_47 = arith.constant 0 : i32
      %scan3A_48 = arith.constant 256 : i32
      %scan3A_49 = arith.addi %scan3A_47, %scan3A_48 : i32
      %scan3A_50 = arith.constant 8 : i32
      scf.for %scan3A_318 = %scan3A_47 to %scan3A_49 step %scan3A_50  : i32 {
        %mul3A_319 = arith.constant 1 : i32
        %mul3A_320 = arith.muli %scan3A_318, %mul3A_319 : i32
        %add3A_321 = arith.constant 0 : i32
        %add3A_322 = arith.addi %add3A_321, %mul3A_320 : i32
        %mul3A_323 = arith.constant 16 : i32
        %mul3A_324 = arith.muli %add3A_322, %mul3A_323 : i32
        %add3A_325 = arith.constant 4096 : i32
        %add3A_326 = arith.addi %add3A_325, %mul3A_324 : i32
        %get3A = arith.index_cast %add3A_326 : i32 to index
        %get3A_327 = tpu.vector_load %arg8[%get3A] {strides = array<i32>} : memref<16384xi32, #tpu.memory_space<vmem>>, vector<16xi32>,
        %gather3A = tpu.vector_load_idx %arg7[%get3A_327] : memref<100000xf32, #tpu.memory_space<vmem>>[vector<16xi32>], vector<16xf32>,
        %mul3A_328 = arith.constant 16 : i32
        %mul3A_329 = arith.muli %add3A_322, %mul3A_328 : i32
        %swap3A = arith.constant 1 : i32
        %swap3A_330 = arith.index_cast %swap3A : i32 to index
        %swap3A_331 = arith.index_cast %mul3A_329 : i32 to index
        %swap3A_332 = tpu.vector_load %arg9[%swap3A_330, %swap3A_331] {strides = array<i32>} : memref<2x4096xf32, #tpu.memory_space<vmem>>, vector<16xf32>,
        tpu.vector_store %arg9[%swap3A_330, %swap3A_331], %gather3A {strides = array<i32>} : memref<2x4096xf32, #tpu.memory_space<vmem>>, vector<16xf32>,
        %scan3A_333 = arith.constant 1 : i32
        %scan3A_334 = arith.addi %scan3A_318, %scan3A_333 : i32
        %mul3A_335 = arith.constant 1 : i32
        %mul3A_336 = arith.muli %scan3A_334, %mul3A_335 : i32
        %add3A_337 = arith.constant 0 : i32
        %add3A_338 = arith.addi %add3A_337, %mul3A_336 : i32
        %mul3A_339 = arith.constant 16 : i32
        %mul3A_340 = arith.muli %add3A_338, %mul3A_339 : i32
        %add3A_341 = arith.constant 4096 : i32
        %add3A_342 = arith.addi %add3A_341, %mul3A_340 : i32
        %get3A_343 = arith.index_cast %add3A_342 : i32 to index
        %get3A_344 = tpu.vector_load %arg8[%get3A_343] {strides = array<i32>} : memref<16384xi32, #tpu.memory_space<vmem>>, vector<16xi32>,
        %gather3A_345 = tpu.vector_load_idx %arg7[%get3A_344] : memref<100000xf32, #tpu.memory_space<vmem>>[vector<16xi32>], vector<16xf32>,
        %mul3A_346 = arith.constant 16 : i32
        %mul3A_347 = arith.muli %add3A_338, %mul3A_346 : i32
        %swap3A_348 = arith.constant 1 : i32
        %swap3A_349 = arith.index_cast %swap3A_348 : i32 to index
        %swap3A_350 = arith.index_cast %mul3A_347 : i32 to index
        %swap3A_351 = tpu.vector_load %arg9[%swap3A_349, %swap3A_350] {strides = array<i32>} : memref<2x4096xf32, #tpu.memory_space<vmem>>, vector<16xf32>,
        tpu.vector_store %arg9[%swap3A_349, %swap3A_350], %gather3A_345 {strides = array<i32>} : memref<2x4096xf32, #tpu.memory_space<vmem>>, vector<16xf32>,
        %scan3A_352 = arith.constant 2 : i32
        %scan3A_353 = arith.addi %scan3A_318, %scan3A_352 : i32
        %mul3A_354 = arith.constant 1 : i32
        %mul3A_355 = arith.muli %scan3A_353, %mul3A_354 : i32
        %add3A_356 = arith.constant 0 : i32
        %add3A_357 = arith.addi %add3A_356, %mul3A_355 : i32
        %mul3A_358 = arith.constant 16 : i32
        %mul3A_359 = arith.muli %add3A_357, %mul3A_358 : i32
        %add3A_360 = arith.constant 4096 : i32
        %add3A_361 = arith.addi %add3A_360, %mul3A_359 : i32
        %get3A_362 = arith.index_cast %add3A_361 : i32 to index
        %get3A_363 = tpu.vector_load %arg8[%get3A_362] {strides = array<i32>} : memref<16384xi32, #tpu.memory_space<vmem>>, vector<16xi32>,
        %gather3A_364 = tpu.vector_load_idx %arg7[%get3A_363] : memref<100000xf32, #tpu.memory_space<vmem>>[vector<16xi32>], vector<16xf32>,
        %mul3A_365 = arith.constant 16 : i32
        %mul3A_366 = arith.muli %add3A_357, %mul3A_365 : i32
        %swap3A_367 = arith.constant 1 : i32
        %swap3A_368 = arith.index_cast %swap3A_367 : i32 to index
        %swap3A_369 = arith.index_cast %mul3A_366 : i32 to index
        %swap3A_370 = tpu.vector_load %arg9[%swap3A_368, %swap3A_369] {strides = array<i32>} : memref<2x4096xf32, #tpu.memory_space<vmem>>, vector<16xf32>,
        tpu.vector_store %arg9[%swap3A_368, %swap3A_369], %gather3A_364 {strides = array<i32>} : memref<2x4096xf32, #tpu.memory_space<vmem>>, vector<16xf32>,
        %scan3A_371 = arith.constant 3 : i32
        %scan3A_372 = arith.addi %scan3A_318, %scan3A_371 : i32
        %mul3A_373 = arith.constant 1 : i32
        %mul3A_374 = arith.muli %scan3A_372, %mul3A_373 : i32
        %add3A_375 = arith.constant 0 : i32
        %add3A_376 = arith.addi %add3A_375, %mul3A_374 : i32
        %mul3A_377 = arith.constant 16 : i32
        %mul3A_378 = arith.muli %add3A_376, %mul3A_377 : i32
        %add3A_379 = arith.constant 4096 : i32
        %add3A_380 = arith.addi %add3A_379, %mul3A_378 : i32
        %get3A_381 = arith.index_cast %add3A_380 : i32 to index
        %get3A_382 = tpu.vector_load %arg8[%get3A_381] {strides = array<i32>} : memref<16384xi32, #tpu.memory_space<vmem>>, vector<16xi32>,
        %gather3A_383 = tpu.vector_load_idx %arg7[%get3A_382] : memref<100000xf32, #tpu.memory_space<vmem>>[vector<16xi32>], vector<16xf32>,
        %mul3A_384 = arith.constant 16 : i32
        %mul3A_385 = arith.muli %add3A_376, %mul3A_384 : i32
        %swap3A_386 = arith.constant 1 : i32
        %swap3A_387 = arith.index_cast %swap3A_386 : i32 to index
        %swap3A_388 = arith.index_cast %mul3A_385 : i32 to index
        %swap3A_389 = tpu.vector_load %arg9[%swap3A_387, %swap3A_388] {strides = array<i32>} : memref<2x4096xf32, #tpu.memory_space<vmem>>, vector<16xf32>,
        tpu.vector_store %arg9[%swap3A_387, %swap3A_388], %gather3A_383 {strides = array<i32>} : memref<2x4096xf32, #tpu.memory_space<vmem>>, vector<16xf32>,
        %scan3A_390 = arith.constant 4 : i32
        %scan3A_391 = arith.addi %scan3A_318, %scan3A_390 : i32
        %mul3A_392 = arith.constant 1 : i32
        %mul3A_393 = arith.muli %scan3A_391, %mul3A_392 : i32
        %add3A_394 = arith.constant 0 : i32
        %add3A_395 = arith.addi %add3A_394, %mul3A_393 : i32
        %mul3A_396 = arith.constant 16 : i32
        %mul3A_397 = arith.muli %add3A_395, %mul3A_396 : i32
        %add3A_398 = arith.constant 4096 : i32
        %add3A_399 = arith.addi %add3A_398, %mul3A_397 : i32
        %get3A_400 = arith.index_cast %add3A_399 : i32 to index
        %get3A_401 = tpu.vector_load %arg8[%get3A_400] {strides = array<i32>} : memref<16384xi32, #tpu.memory_space<vmem>>, vector<16xi32>,
        %gather3A_402 = tpu.vector_load_idx %arg7[%get3A_401] : memref<100000xf32, #tpu.memory_space<vmem>>[vector<16xi32>], vector<16xf32>,
        %mul3A_403 = arith.constant 16 : i32
        %mul3A_404 = arith.muli %add3A_395, %mul3A_403 : i32
        %swap3A_405 = arith.constant 1 : i32
        %swap3A_406 = arith.index_cast %swap3A_405 : i32 to index
        %swap3A_407 = arith.index_cast %mul3A_404 : i32 to index
        %swap3A_408 = tpu.vector_load %arg9[%swap3A_406, %swap3A_407] {strides = array<i32>} : memref<2x4096xf32, #tpu.memory_space<vmem>>, vector<16xf32>,
        tpu.vector_store %arg9[%swap3A_406, %swap3A_407], %gather3A_402 {strides = array<i32>} : memref<2x4096xf32, #tpu.memory_space<vmem>>, vector<16xf32>,
        %scan3A_409 = arith.constant 5 : i32
        %scan3A_410 = arith.addi %scan3A_318, %scan3A_409 : i32
        %mul3A_411 = arith.constant 1 : i32
        %mul3A_412 = arith.muli %scan3A_410, %mul3A_411 : i32
        %add3A_413 = arith.constant 0 : i32
        %add3A_414 = arith.addi %add3A_413, %mul3A_412 : i32
        %mul3A_415 = arith.constant 16 : i32
        %mul3A_416 = arith.muli %add3A_414, %mul3A_415 : i32
        %add3A_417 = arith.constant 4096 : i32
        %add3A_418 = arith.addi %add3A_417, %mul3A_416 : i32
        %get3A_419 = arith.index_cast %add3A_418 : i32 to index
        %get3A_420 = tpu.vector_load %arg8[%get3A_419] {strides = array<i32>} : memref<16384xi32, #tpu.memory_space<vmem>>, vector<16xi32>,
        %gather3A_421 = tpu.vector_load_idx %arg7[%get3A_420] : memref<100000xf32, #tpu.memory_space<vmem>>[vector<16xi32>], vector<16xf32>,
        %mul3A_422 = arith.constant 16 : i32
        %mul3A_423 = arith.muli %add3A_414, %mul3A_422 : i32
        %swap3A_424 = arith.constant 1 : i32
        %swap3A_425 = arith.index_cast %swap3A_424 : i32 to index
        %swap3A_426 = arith.index_cast %mul3A_423 : i32 to index
        %swap3A_427 = tpu.vector_load %arg9[%swap3A_425, %swap3A_426] {strides = array<i32>} : memref<2x4096xf32, #tpu.memory_space<vmem>>, vector<16xf32>,
        tpu.vector_store %arg9[%swap3A_425, %swap3A_426], %gather3A_421 {strides = array<i32>} : memref<2x4096xf32, #tpu.memory_space<vmem>>, vector<16xf32>,
        %scan3A_428 = arith.constant 6 : i32
        %scan3A_429 = arith.addi %scan3A_318, %scan3A_428 : i32
        %mul3A_430 = arith.constant 1 : i32
        %mul3A_431 = arith.muli %scan3A_429, %mul3A_430 : i32
        %add3A_432 = arith.constant 0 : i32
        %add3A_433 = arith.addi %add3A_432, %mul3A_431 : i32
        %mul3A_434 = arith.constant 16 : i32
        %mul3A_435 = arith.muli %add3A_433, %mul3A_434 : i32
        %add3A_436 = arith.constant 4096 : i32
        %add3A_437 = arith.addi %add3A_436, %mul3A_435 : i32
        %get3A_438 = arith.index_cast %add3A_437 : i32 to index
        %get3A_439 = tpu.vector_load %arg8[%get3A_438] {strides = array<i32>} : memref<16384xi32, #tpu.memory_space<vmem>>, vector<16xi32>,
        %gather3A_440 = tpu.vector_load_idx %arg7[%get3A_439] : memref<100000xf32, #tpu.memory_space<vmem>>[vector<16xi32>], vector<16xf32>,
        %mul3A_441 = arith.constant 16 : i32
        %mul3A_442 = arith.muli %add3A_433, %mul3A_441 : i32
        %swap3A_443 = arith.constant 1 : i32
        %swap3A_444 = arith.index_cast %swap3A_443 : i32 to index
        %swap3A_445 = arith.index_cast %mul3A_442 : i32 to index
        %swap3A_446 = tpu.vector_load %arg9[%swap3A_444, %swap3A_445] {strides = array<i32>} : memref<2x4096xf32, #tpu.memory_space<vmem>>, vector<16xf32>,
        tpu.vector_store %arg9[%swap3A_444, %swap3A_445], %gather3A_440 {strides = array<i32>} : memref<2x4096xf32, #tpu.memory_space<vmem>>, vector<16xf32>,
        %scan3A_447 = arith.constant 7 : i32
        %scan3A_448 = arith.addi %scan3A_318, %scan3A_447 : i32
        %mul3A_449 = arith.constant 1 : i32
        %mul3A_450 = arith.muli %scan3A_448, %mul3A_449 : i32
        %add3A_451 = arith.constant 0 : i32
        %add3A_452 = arith.addi %add3A_451, %mul3A_450 : i32
        %mul3A_453 = arith.constant 16 : i32
        %mul3A_454 = arith.muli %add3A_452, %mul3A_453 : i32
        %add3A_455 = arith.constant 4096 : i32
        %add3A_456 = arith.addi %add3A_455, %mul3A_454 : i32
        %get3A_457 = arith.index_cast %add3A_456 : i32 to index
        %get3A_458 = tpu.vector_load %arg8[%get3A_457] {strides = array<i32>} : memref<16384xi32, #tpu.memory_space<vmem>>, vector<16xi32>,
        %gather3A_459 = tpu.vector_load_idx %arg7[%get3A_458] : memref<100000xf32, #tpu.memory_space<vmem>>[vector<16xi32>], vector<16xf32>,
        %mul3A_460 = arith.constant 16 : i32
        %mul3A_461 = arith.muli %add3A_452, %mul3A_460 : i32
        %swap3A_462 = arith.constant 1 : i32
        %swap3A_463 = arith.index_cast %swap3A_462 : i32 to index
        %swap3A_464 = arith.index_cast %mul3A_461 : i32 to index
        %swap3A_465 = tpu.vector_load %arg9[%swap3A_463, %swap3A_464] {strides = array<i32>} : memref<2x4096xf32, #tpu.memory_space<vmem>>, vector<16xf32>,
        tpu.vector_store %arg9[%swap3A_463, %swap3A_464], %gather3A_459 {strides = array<i32>} : memref<2x4096xf32, #tpu.memory_space<vmem>>, vector<16xf32>,
      }
      %scan3A_51 = arith.constant 256 : i32
      %dma_start3A_52 = arith.constant 1 : i32
      %dma_start3A_53 = arith.constant 1 : i32
      %dma_start3A_54 = arith.constant 0 : i32
      %dma_start3A_55 = tpu.memref_slice %arg9[%dma_start3A_52, %dma_start3A_54] : memref<2x4096xf32, #tpu.memory_space<vmem>> -> memref<1x4096xf32, #tpu.memory_space<vmem>>
      %dma_start3A_56 = tpu.memref_squeeze %dma_start3A_55 : memref<1x4096xf32, #tpu.memory_space<vmem>> -> memref<4096xf32, #tpu.memory_space<vmem>>
      %dma_start3A_57 = arith.constant 4096 : i32
      %dma_start3A_58 = tpu.memref_slice %arg6[%dma_start3A_53, %add3A_19, %dma_start3A_57] : memref<2x32x16384xf32, #tpu.memory_space<hbm>> -> memref<1x1x4096xf32, #tpu.memory_space<hbm>>
      %dma_start3A_59 = tpu.memref_squeeze %dma_start3A_58 : memref<1x1x4096xf32, #tpu.memory_space<hbm>> -> memref<4096xf32, #tpu.memory_space<hbm>>
      %dma_start3A_60 = arith.constant 4096 : i32
      %dma_start3A_61 = tpu.memref_slice %arg6[%dma_start3A_53, %add3A_19, %dma_start3A_60] : memref<2x32x16384xf32, #tpu.memory_space<hbm>> -> memref<1x1x4096xf32, #tpu.memory_space<hbm>>
      %dma_start3A_62 = tpu.memref_squeeze %dma_start3A_61 : memref<1x1x4096xf32, #tpu.memory_space<hbm>> -> memref<4096xf32, #tpu.memory_space<hbm>>
      %dma_start3A_63 = arith.constant 0 : i32
      %dma_start3A_64 = tpu.memref_slice %arg9[%dma_start3A_52, %dma_start3A_63] : memref<2x4096xf32, #tpu.memory_space<vmem>> -> memref<1x4096xf32, #tpu.memory_space<vmem>>
      %dma_start3A_65 = tpu.memref_squeeze %dma_start3A_64 : memref<1x4096xf32, #tpu.memory_space<vmem>> -> memref<4096xf32, #tpu.memory_space<vmem>>
      tpu.enqueue_dma source(%dma_start3A_65 : memref<4096xf32, #tpu.memory_space<vmem>>) target(%dma_start3A_62 : memref<4096xf32, #tpu.memory_space<hbm>>) target_semaphore(%arg12 : memref<!tpu.dma_semaphore, #tpu.memory_space<semaphore_mem>>)
      %dma_wait3A_66 = arith.constant 0 : i32
      %dma_wait3A_67 = arith.constant 1 : i32
      %dma_wait3A_68 = arith.constant 0 : i32
      %dma_wait3A_69 = tpu.memref_slice %arg9[%dma_wait3A_66, %dma_wait3A_68] : memref<2x4096xf32, #tpu.memory_space<vmem>> -> memref<1x4096xf32, #tpu.memory_space<vmem>>
      %dma_wait3A_70 = tpu.memref_squeeze %dma_wait3A_69 : memref<1x4096xf32, #tpu.memory_space<vmem>> -> memref<4096xf32, #tpu.memory_space<vmem>>
      %dma_wait3A_71 = arith.constant 0 : i32
      %dma_wait3A_72 = tpu.memref_slice %arg6[%dma_wait3A_67, %add3A_19, %dma_wait3A_71] : memref<2x32x16384xf32, #tpu.memory_space<hbm>> -> memref<1x1x4096xf32, #tpu.memory_space<hbm>>
      %dma_wait3A_73 = tpu.memref_squeeze %dma_wait3A_72 : memref<1x1x4096xf32, #tpu.memory_space<hbm>> -> memref<4096xf32, #tpu.memory_space<hbm>>
      %dma_wait3A_74 = arith.constant 0 : i32
      %dma_wait3A_75 = tpu.memref_slice %arg6[%dma_wait3A_67, %add3A_19, %dma_wait3A_74] : memref<2x32x16384xf32, #tpu.memory_space<hbm>> -> memref<1x1x4096xf32, #tpu.memory_space<hbm>>
      %dma_wait3A_76 = tpu.memref_squeeze %dma_wait3A_75 : memref<1x1x4096xf32, #tpu.memory_space<hbm>> -> memref<4096xf32, #tpu.memory_space<hbm>>
      %dma_wait3A_77 = arith.constant 0 : i32
      %dma_wait3A_78 = tpu.memref_slice %arg9[%dma_wait3A_66, %dma_wait3A_77] : memref<2x4096xf32, #tpu.memory_space<vmem>> -> memref<1x4096xf32, #tpu.memory_space<vmem>>
      %dma_wait3A_79 = tpu.memref_squeeze %dma_wait3A_78 : memref<1x4096xf32, #tpu.memory_space<vmem>> -> memref<4096xf32, #tpu.memory_space<vmem>>
      tpu.wait_dma2 semaphore(%arg12 : memref<!tpu.dma_semaphore, #tpu.memory_space<semaphore_mem>>) src(%dma_wait3A_79 : memref<4096xf32, #tpu.memory_space<vmem>>) dst(%dma_wait3A_76 : memref<4096xf32, #tpu.memory_space<hbm>>)
      %scan3A_80 = arith.constant 0 : i32
      %scan3A_81 = arith.constant 256 : i32
      %scan3A_82 = arith.addi %scan3A_80, %scan3A_81 : i32
      %scan3A_83 = arith.constant 8 : i32
      scf.for %scan3A_318 = %scan3A_80 to %scan3A_82 step %scan3A_83  : i32 {
        %mul3A_319 = arith.constant 1 : i32
        %mul3A_320 = arith.muli %scan3A_318, %mul3A_319 : i32
        %add3A_321 = arith.constant 0 : i32
        %add3A_322 = arith.addi %add3A_321, %mul3A_320 : i32
        %mul3A_323 = arith.constant 16 : i32
        %mul3A_324 = arith.muli %add3A_322, %mul3A_323 : i32
        %add3A_325 = arith.constant 8192 : i32
        %add3A_326 = arith.addi %add3A_325, %mul3A_324 : i32
        %get3A = arith.index_cast %add3A_326 : i32 to index
        %get3A_327 = tpu.vector_load %arg8[%get3A] {strides = array<i32>} : memref<16384xi32, #tpu.memory_space<vmem>>, vector<16xi32>,
        %gather3A = tpu.vector_load_idx %arg7[%get3A_327] : memref<100000xf32, #tpu.memory_space<vmem>>[vector<16xi32>], vector<16xf32>,
        %mul3A_328 = arith.constant 16 : i32
        %mul3A_329 = arith.muli %add3A_322, %mul3A_328 : i32
        %swap3A = arith.constant 0 : i32
        %swap3A_330 = arith.index_cast %swap3A : i32 to index
        %swap3A_331 = arith.index_cast %mul3A_329 : i32 to index
        %swap3A_332 = tpu.vector_load %arg9[%swap3A_330, %swap3A_331] {strides = array<i32>} : memref<2x4096xf32, #tpu.memory_space<vmem>>, vector<16xf32>,
        tpu.vector_store %arg9[%swap3A_330, %swap3A_331], %gather3A {strides = array<i32>} : memref<2x4096xf32, #tpu.memory_space<vmem>>, vector<16xf32>,
        %scan3A_333 = arith.constant 1 : i32
        %scan3A_334 = arith.addi %scan3A_318, %scan3A_333 : i32
        %mul3A_335 = arith.constant 1 : i32
        %mul3A_336 = arith.muli %scan3A_334, %mul3A_335 : i32
        %add3A_337 = arith.constant 0 : i32
        %add3A_338 = arith.addi %add3A_337, %mul3A_336 : i32
        %mul3A_339 = arith.constant 16 : i32
        %mul3A_340 = arith.muli %add3A_338, %mul3A_339 : i32
        %add3A_341 = arith.constant 8192 : i32
        %add3A_342 = arith.addi %add3A_341, %mul3A_340 : i32
        %get3A_343 = arith.index_cast %add3A_342 : i32 to index
        %get3A_344 = tpu.vector_load %arg8[%get3A_343] {strides = array<i32>} : memref<16384xi32, #tpu.memory_space<vmem>>, vector<16xi32>,
        %gather3A_345 = tpu.vector_load_idx %arg7[%get3A_344] : memref<100000xf32, #tpu.memory_space<vmem>>[vector<16xi32>], vector<16xf32>,
        %mul3A_346 = arith.constant 16 : i32
        %mul3A_347 = arith.muli %add3A_338, %mul3A_346 : i32
        %swap3A_348 = arith.constant 0 : i32
        %swap3A_349 = arith.index_cast %swap3A_348 : i32 to index
        %swap3A_350 = arith.index_cast %mul3A_347 : i32 to index
        %swap3A_351 = tpu.vector_load %arg9[%swap3A_349, %swap3A_350] {strides = array<i32>} : memref<2x4096xf32, #tpu.memory_space<vmem>>, vector<16xf32>,
        tpu.vector_store %arg9[%swap3A_349, %swap3A_350], %gather3A_345 {strides = array<i32>} : memref<2x4096xf32, #tpu.memory_space<vmem>>, vector<16xf32>,
        %scan3A_352 = arith.constant 2 : i32
        %scan3A_353 = arith.addi %scan3A_318, %scan3A_352 : i32
        %mul3A_354 = arith.constant 1 : i32
        %mul3A_355 = arith.muli %scan3A_353, %mul3A_354 : i32
        %add3A_356 = arith.constant 0 : i32
        %add3A_357 = arith.addi %add3A_356, %mul3A_355 : i32
        %mul3A_358 = arith.constant 16 : i32
        %mul3A_359 = arith.muli %add3A_357, %mul3A_358 : i32
        %add3A_360 = arith.constant 8192 : i32
        %add3A_361 = arith.addi %add3A_360, %mul3A_359 : i32
        %get3A_362 = arith.index_cast %add3A_361 : i32 to index
        %get3A_363 = tpu.vector_load %arg8[%get3A_362] {strides = array<i32>} : memref<16384xi32, #tpu.memory_space<vmem>>, vector<16xi32>,
        %gather3A_364 = tpu.vector_load_idx %arg7[%get3A_363] : memref<100000xf32, #tpu.memory_space<vmem>>[vector<16xi32>], vector<16xf32>,
        %mul3A_365 = arith.constant 16 : i32
        %mul3A_366 = arith.muli %add3A_357, %mul3A_365 : i32
        %swap3A_367 = arith.constant 0 : i32
        %swap3A_368 = arith.index_cast %swap3A_367 : i32 to index
        %swap3A_369 = arith.index_cast %mul3A_366 : i32 to index
        %swap3A_370 = tpu.vector_load %arg9[%swap3A_368, %swap3A_369] {strides = array<i32>} : memref<2x4096xf32, #tpu.memory_space<vmem>>, vector<16xf32>,
        tpu.vector_store %arg9[%swap3A_368, %swap3A_369], %gather3A_364 {strides = array<i32>} : memref<2x4096xf32, #tpu.memory_space<vmem>>, vector<16xf32>,
        %scan3A_371 = arith.constant 3 : i32
        %scan3A_372 = arith.addi %scan3A_318, %scan3A_371 : i32
        %mul3A_373 = arith.constant 1 : i32
        %mul3A_374 = arith.muli %scan3A_372, %mul3A_373 : i32
        %add3A_375 = arith.constant 0 : i32
        %add3A_376 = arith.addi %add3A_375, %mul3A_374 : i32
        %mul3A_377 = arith.constant 16 : i32
        %mul3A_378 = arith.muli %add3A_376, %mul3A_377 : i32
        %add3A_379 = arith.constant 8192 : i32
        %add3A_380 = arith.addi %add3A_379, %mul3A_378 : i32
        %get3A_381 = arith.index_cast %add3A_380 : i32 to index
        %get3A_382 = tpu.vector_load %arg8[%get3A_381] {strides = array<i32>} : memref<16384xi32, #tpu.memory_space<vmem>>, vector<16xi32>,
        %gather3A_383 = tpu.vector_load_idx %arg7[%get3A_382] : memref<100000xf32, #tpu.memory_space<vmem>>[vector<16xi32>], vector<16xf32>,
        %mul3A_384 = arith.constant 16 : i32
        %mul3A_385 = arith.muli %add3A_376, %mul3A_384 : i32
        %swap3A_386 = arith.constant 0 : i32
        %swap3A_387 = arith.index_cast %swap3A_386 : i32 to index
        %swap3A_388 = arith.index_cast %mul3A_385 : i32 to index
        %swap3A_389 = tpu.vector_load %arg9[%swap3A_387, %swap3A_388] {strides = array<i32>} : memref<2x4096xf32, #tpu.memory_space<vmem>>, vector<16xf32>,
        tpu.vector_store %arg9[%swap3A_387, %swap3A_388], %gather3A_383 {strides = array<i32>} : memref<2x4096xf32, #tpu.memory_space<vmem>>, vector<16xf32>,
        %scan3A_390 = arith.constant 4 : i32
        %scan3A_391 = arith.addi %scan3A_318, %scan3A_390 : i32
        %mul3A_392 = arith.constant 1 : i32
        %mul3A_393 = arith.muli %scan3A_391, %mul3A_392 : i32
        %add3A_394 = arith.constant 0 : i32
        %add3A_395 = arith.addi %add3A_394, %mul3A_393 : i32
        %mul3A_396 = arith.constant 16 : i32
        %mul3A_397 = arith.muli %add3A_395, %mul3A_396 : i32
        %add3A_398 = arith.constant 8192 : i32
        %add3A_399 = arith.addi %add3A_398, %mul3A_397 : i32
        %get3A_400 = arith.index_cast %add3A_399 : i32 to index
        %get3A_401 = tpu.vector_load %arg8[%get3A_400] {strides = array<i32>} : memref<16384xi32, #tpu.memory_space<vmem>>, vector<16xi32>,
        %gather3A_402 = tpu.vector_load_idx %arg7[%get3A_401] : memref<100000xf32, #tpu.memory_space<vmem>>[vector<16xi32>], vector<16xf32>,
        %mul3A_403 = arith.constant 16 : i32
        %mul3A_404 = arith.muli %add3A_395, %mul3A_403 : i32
        %swap3A_405 = arith.constant 0 : i32
        %swap3A_406 = arith.index_cast %swap3A_405 : i32 to index
        %swap3A_407 = arith.index_cast %mul3A_404 : i32 to index
        %swap3A_408 = tpu.vector_load %arg9[%swap3A_406, %swap3A_407] {strides = array<i32>} : memref<2x4096xf32, #tpu.memory_space<vmem>>, vector<16xf32>,
        tpu.vector_store %arg9[%swap3A_406, %swap3A_407], %gather3A_402 {strides = array<i32>} : memref<2x4096xf32, #tpu.memory_space<vmem>>, vector<16xf32>,
        %scan3A_409 = arith.constant 5 : i32
        %scan3A_410 = arith.addi %scan3A_318, %scan3A_409 : i32
        %mul3A_411 = arith.constant 1 : i32
        %mul3A_412 = arith.muli %scan3A_410, %mul3A_411 : i32
        %add3A_413 = arith.constant 0 : i32
        %add3A_414 = arith.addi %add3A_413, %mul3A_412 : i32
        %mul3A_415 = arith.constant 16 : i32
        %mul3A_416 = arith.muli %add3A_414, %mul3A_415 : i32
        %add3A_417 = arith.constant 8192 : i32
        %add3A_418 = arith.addi %add3A_417, %mul3A_416 : i32
        %get3A_419 = arith.index_cast %add3A_418 : i32 to index
        %get3A_420 = tpu.vector_load %arg8[%get3A_419] {strides = array<i32>} : memref<16384xi32, #tpu.memory_space<vmem>>, vector<16xi32>,
        %gather3A_421 = tpu.vector_load_idx %arg7[%get3A_420] : memref<100000xf32, #tpu.memory_space<vmem>>[vector<16xi32>], vector<16xf32>,
        %mul3A_422 = arith.constant 16 : i32
        %mul3A_423 = arith.muli %add3A_414, %mul3A_422 : i32
        %swap3A_424 = arith.constant 0 : i32
        %swap3A_425 = arith.index_cast %swap3A_424 : i32 to index
        %swap3A_426 = arith.index_cast %mul3A_423 : i32 to index
        %swap3A_427 = tpu.vector_load %arg9[%swap3A_425, %swap3A_426] {strides = array<i32>} : memref<2x4096xf32, #tpu.memory_space<vmem>>, vector<16xf32>,
        tpu.vector_store %arg9[%swap3A_425, %swap3A_426], %gather3A_421 {strides = array<i32>} : memref<2x4096xf32, #tpu.memory_space<vmem>>, vector<16xf32>,
        %scan3A_428 = arith.constant 6 : i32
        %scan3A_429 = arith.addi %scan3A_318, %scan3A_428 : i32
        %mul3A_430 = arith.constant 1 : i32
        %mul3A_431 = arith.muli %scan3A_429, %mul3A_430 : i32
        %add3A_432 = arith.constant 0 : i32
        %add3A_433 = arith.addi %add3A_432, %mul3A_431 : i32
        %mul3A_434 = arith.constant 16 : i32
        %mul3A_435 = arith.muli %add3A_433, %mul3A_434 : i32
        %add3A_436 = arith.constant 8192 : i32
        %add3A_437 = arith.addi %add3A_436, %mul3A_435 : i32
        %get3A_438 = arith.index_cast %add3A_437 : i32 to index
        %get3A_439 = tpu.vector_load %arg8[%get3A_438] {strides = array<i32>} : memref<16384xi32, #tpu.memory_space<vmem>>, vector<16xi32>,
        %gather3A_440 = tpu.vector_load_idx %arg7[%get3A_439] : memref<100000xf32, #tpu.memory_space<vmem>>[vector<16xi32>], vector<16xf32>,
        %mul3A_441 = arith.constant 16 : i32
        %mul3A_442 = arith.muli %add3A_433, %mul3A_441 : i32
        %swap3A_443 = arith.constant 0 : i32
        %swap3A_444 = arith.index_cast %swap3A_443 : i32 to index
        %swap3A_445 = arith.index_cast %mul3A_442 : i32 to index
        %swap3A_446 = tpu.vector_load %arg9[%swap3A_444, %swap3A_445] {strides = array<i32>} : memref<2x4096xf32, #tpu.memory_space<vmem>>, vector<16xf32>,
        tpu.vector_store %arg9[%swap3A_444, %swap3A_445], %gather3A_440 {strides = array<i32>} : memref<2x4096xf32, #tpu.memory_space<vmem>>, vector<16xf32>,
        %scan3A_447 = arith.constant 7 : i32
        %scan3A_448 = arith.addi %scan3A_318, %scan3A_447 : i32
        %mul3A_449 = arith.constant 1 : i32
        %mul3A_450 = arith.muli %scan3A_448, %mul3A_449 : i32
        %add3A_451 = arith.constant 0 : i32
        %add3A_452 = arith.addi %add3A_451, %mul3A_450 : i32
        %mul3A_453 = arith.constant 16 : i32
        %mul3A_454 = arith.muli %add3A_452, %mul3A_453 : i32
        %add3A_455 = arith.constant 8192 : i32
        %add3A_456 = arith.addi %add3A_455, %mul3A_454 : i32
        %get3A_457 = arith.index_cast %add3A_456 : i32 to index
        %get3A_458 = tpu.vector_load %arg8[%get3A_457] {strides = array<i32>} : memref<16384xi32, #tpu.memory_space<vmem>>, vector<16xi32>,
        %gather3A_459 = tpu.vector_load_idx %arg7[%get3A_458] : memref<100000xf32, #tpu.memory_space<vmem>>[vector<16xi32>], vector<16xf32>,
        %mul3A_460 = arith.constant 16 : i32
        %mul3A_461 = arith.muli %add3A_452, %mul3A_460 : i32
        %swap3A_462 = arith.constant 0 : i32
        %swap3A_463 = arith.index_cast %swap3A_462 : i32 to index
        %swap3A_464 = arith.index_cast %mul3A_461 : i32 to index
        %swap3A_465 = tpu.vector_load %arg9[%swap3A_463, %swap3A_464] {strides = array<i32>} : memref<2x4096xf32, #tpu.memory_space<vmem>>, vector<16xf32>,
        tpu.vector_store %arg9[%swap3A_463, %swap3A_464], %gather3A_459 {strides = array<i32>} : memref<2x4096xf32, #tpu.memory_space<vmem>>, vector<16xf32>,
      }
      %scan3A_84 = arith.constant 256 : i32
      %dma_start3A_85 = arith.constant 0 : i32
      %dma_start3A_86 = arith.constant 1 : i32
      %dma_start3A_87 = arith.constant 0 : i32
      %dma_start3A_88 = tpu.memref_slice %arg9[%dma_start3A_85, %dma_start3A_87] : memref<2x4096xf32, #tpu.memory_space<vmem>> -> memref<1x4096xf32, #tpu.memory_space<vmem>>
      %dma_start3A_89 = tpu.memref_squeeze %dma_start3A_88 : memref<1x4096xf32, #tpu.memory_space<vmem>> -> memref<4096xf32, #tpu.memory_space<vmem>>
      %dma_start3A_90 = arith.constant 8192 : i32
      %dma_start3A_91 = tpu.memref_slice %arg6[%dma_start3A_86, %add3A_19, %dma_start3A_90] : memref<2x32x16384xf32, #tpu.memory_space<hbm>> -> memref<1x1x4096xf32, #tpu.memory_space<hbm>>
      %dma_start3A_92 = tpu.memref_squeeze %dma_start3A_91 : memref<1x1x4096xf32, #tpu.memory_space<hbm>> -> memref<4096xf32, #tpu.memory_space<hbm>>
      %dma_start3A_93 = arith.constant 8192 : i32
      %dma_start3A_94 = tpu.memref_slice %arg6[%dma_start3A_86, %add3A_19, %dma_start3A_93] : memref<2x32x16384xf32, #tpu.memory_space<hbm>> -> memref<1x1x4096xf32, #tpu.memory_space<hbm>>
      %dma_start3A_95 = tpu.memref_squeeze %dma_start3A_94 : memref<1x1x4096xf32, #tpu.memory_space<hbm>> -> memref<4096xf32, #tpu.memory_space<hbm>>
      %dma_start3A_96 = arith.constant 0 : i32
      %dma_start3A_97 = tpu.memref_slice %arg9[%dma_start3A_85, %dma_start3A_96] : memref<2x4096xf32, #tpu.memory_space<vmem>> -> memref<1x4096xf32, #tpu.memory_space<vmem>>
      %dma_start3A_98 = tpu.memref_squeeze %dma_start3A_97 : memref<1x4096xf32, #tpu.memory_space<vmem>> -> memref<4096xf32, #tpu.memory_space<vmem>>
      tpu.enqueue_dma source(%dma_start3A_98 : memref<4096xf32, #tpu.memory_space<vmem>>) target(%dma_start3A_95 : memref<4096xf32, #tpu.memory_space<hbm>>) target_semaphore(%arg12 : memref<!tpu.dma_semaphore, #tpu.memory_space<semaphore_mem>>)
      %dma_wait3A_99 = arith.constant 1 : i32
      %dma_wait3A_100 = arith.constant 1 : i32
      %dma_wait3A_101 = arith.constant 0 : i32
      %dma_wait3A_102 = tpu.memref_slice %arg9[%dma_wait3A_99, %dma_wait3A_101] : memref<2x4096xf32, #tpu.memory_space<vmem>> -> memref<1x4096xf32, #tpu.memory_space<vmem>>
      %dma_wait3A_103 = tpu.memref_squeeze %dma_wait3A_102 : memref<1x4096xf32, #tpu.memory_space<vmem>> -> memref<4096xf32, #tpu.memory_space<vmem>>
      %dma_wait3A_104 = arith.constant 4096 : i32
      %dma_wait3A_105 = tpu.memref_slice %arg6[%dma_wait3A_100, %add3A_19, %dma_wait3A_104] : memref<2x32x16384xf32, #tpu.memory_space<hbm>> -> memref<1x1x4096xf32, #tpu.memory_space<hbm>>
      %dma_wait3A_106 = tpu.memref_squeeze %dma_wait3A_105 : memref<1x1x4096xf32, #tpu.memory_space<hbm>> -> memref<4096xf32, #tpu.memory_space<hbm>>
      %dma_wait3A_107 = arith.constant 4096 : i32
      %dma_wait3A_108 = tpu.memref_slice %arg6[%dma_wait3A_100, %add3A_19, %dma_wait3A_107] : memref<2x32x16384xf32, #tpu.memory_space<hbm>> -> memref<1x1x4096xf32, #tpu.memory_space<hbm>>
      %dma_wait3A_109 = tpu.memref_squeeze %dma_wait3A_108 : memref<1x1x4096xf32, #tpu.memory_space<hbm>> -> memref<4096xf32, #tpu.memory_space<hbm>>
      %dma_wait3A_110 = arith.constant 0 : i32
      %dma_wait3A_111 = tpu.memref_slice %arg9[%dma_wait3A_99, %dma_wait3A_110] : memref<2x4096xf32, #tpu.memory_space<vmem>> -> memref<1x4096xf32, #tpu.memory_space<vmem>>
      %dma_wait3A_112 = tpu.memref_squeeze %dma_wait3A_111 : memref<1x4096xf32, #tpu.memory_space<vmem>> -> memref<4096xf32, #tpu.memory_space<vmem>>
      tpu.wait_dma2 semaphore(%arg12 : memref<!tpu.dma_semaphore, #tpu.memory_space<semaphore_mem>>) src(%dma_wait3A_112 : memref<4096xf32, #tpu.memory_space<vmem>>) dst(%dma_wait3A_109 : memref<4096xf32, #tpu.memory_space<hbm>>)
      %scan3A_113 = arith.constant 0 : i32
      %scan3A_114 = arith.constant 256 : i32
      %scan3A_115 = arith.addi %scan3A_113, %scan3A_114 : i32
      %scan3A_116 = arith.constant 8 : i32
      scf.for %scan3A_318 = %scan3A_113 to %scan3A_115 step %scan3A_116  : i32 {
        %mul3A_319 = arith.constant 1 : i32
        %mul3A_320 = arith.muli %scan3A_318, %mul3A_319 : i32
        %add3A_321 = arith.constant 0 : i32
        %add3A_322 = arith.addi %add3A_321, %mul3A_320 : i32
        %mul3A_323 = arith.constant 16 : i32
        %mul3A_324 = arith.muli %add3A_322, %mul3A_323 : i32
        %add3A_325 = arith.constant 12288 : i32
        %add3A_326 = arith.addi %add3A_325, %mul3A_324 : i32
        %get3A = arith.index_cast %add3A_326 : i32 to index
        %get3A_327 = tpu.vector_load %arg8[%get3A] {strides = array<i32>} : memref<16384xi32, #tpu.memory_space<vmem>>, vector<16xi32>,
        %gather3A = tpu.vector_load_idx %arg7[%get3A_327] : memref<100000xf32, #tpu.memory_space<vmem>>[vector<16xi32>], vector<16xf32>,
        %mul3A_328 = arith.constant 16 : i32
        %mul3A_329 = arith.muli %add3A_322, %mul3A_328 : i32
        %swap3A = arith.constant 1 : i32
        %swap3A_330 = arith.index_cast %swap3A : i32 to index
        %swap3A_331 = arith.index_cast %mul3A_329 : i32 to index
        %swap3A_332 = tpu.vector_load %arg9[%swap3A_330, %swap3A_331] {strides = array<i32>} : memref<2x4096xf32, #tpu.memory_space<vmem>>, vector<16xf32>,
        tpu.vector_store %arg9[%swap3A_330, %swap3A_331], %gather3A {strides = array<i32>} : memref<2x4096xf32, #tpu.memory_space<vmem>>, vector<16xf32>,
        %scan3A_333 = arith.constant 1 : i32
        %scan3A_334 = arith.addi %scan3A_318, %scan3A_333 : i32
        %mul3A_335 = arith.constant 1 : i32
        %mul3A_336 = arith.muli %scan3A_334, %mul3A_335 : i32
        %add3A_337 = arith.constant 0 : i32
        %add3A_338 = arith.addi %add3A_337, %mul3A_336 : i32
        %mul3A_339 = arith.constant 16 : i32
        %mul3A_340 = arith.muli %add3A_338, %mul3A_339 : i32
        %add3A_341 = arith.constant 12288 : i32
        %add3A_342 = arith.addi %add3A_341, %mul3A_340 : i32
        %get3A_343 = arith.index_cast %add3A_342 : i32 to index
        %get3A_344 = tpu.vector_load %arg8[%get3A_343] {strides = array<i32>} : memref<16384xi32, #tpu.memory_space<vmem>>, vector<16xi32>,
        %gather3A_345 = tpu.vector_load_idx %arg7[%get3A_344] : memref<100000xf32, #tpu.memory_space<vmem>>[vector<16xi32>], vector<16xf32>,
        %mul3A_346 = arith.constant 16 : i32
        %mul3A_347 = arith.muli %add3A_338, %mul3A_346 : i32
        %swap3A_348 = arith.constant 1 : i32
        %swap3A_349 = arith.index_cast %swap3A_348 : i32 to index
        %swap3A_350 = arith.index_cast %mul3A_347 : i32 to index
        %swap3A_351 = tpu.vector_load %arg9[%swap3A_349, %swap3A_350] {strides = array<i32>} : memref<2x4096xf32, #tpu.memory_space<vmem>>, vector<16xf32>,
        tpu.vector_store %arg9[%swap3A_349, %swap3A_350], %gather3A_345 {strides = array<i32>} : memref<2x4096xf32, #tpu.memory_space<vmem>>, vector<16xf32>,
        %scan3A_352 = arith.constant 2 : i32
        %scan3A_353 = arith.addi %scan3A_318, %scan3A_352 : i32
        %mul3A_354 = arith.constant 1 : i32
        %mul3A_355 = arith.muli %scan3A_353, %mul3A_354 : i32
        %add3A_356 = arith.constant 0 : i32
        %add3A_357 = arith.addi %add3A_356, %mul3A_355 : i32
        %mul3A_358 = arith.constant 16 : i32
        %mul3A_359 = arith.muli %add3A_357, %mul3A_358 : i32
        %add3A_360 = arith.constant 12288 : i32
        %add3A_361 = arith.addi %add3A_360, %mul3A_359 : i32
        %get3A_362 = arith.index_cast %add3A_361 : i32 to index
        %get3A_363 = tpu.vector_load %arg8[%get3A_362] {strides = array<i32>} : memref<16384xi32, #tpu.memory_space<vmem>>, vector<16xi32>,
        %gather3A_364 = tpu.vector_load_idx %arg7[%get3A_363] : memref<100000xf32, #tpu.memory_space<vmem>>[vector<16xi32>], vector<16xf32>,
        %mul3A_365 = arith.constant 16 : i32
        %mul3A_366 = arith.muli %add3A_357, %mul3A_365 : i32
        %swap3A_367 = arith.constant 1 : i32
        %swap3A_368 = arith.index_cast %swap3A_367 : i32 to index
        %swap3A_369 = arith.index_cast %mul3A_366 : i32 to index
        %swap3A_370 = tpu.vector_load %arg9[%swap3A_368, %swap3A_369] {strides = array<i32>} : memref<2x4096xf32, #tpu.memory_space<vmem>>, vector<16xf32>,
        tpu.vector_store %arg9[%swap3A_368, %swap3A_369], %gather3A_364 {strides = array<i32>} : memref<2x4096xf32, #tpu.memory_space<vmem>>, vector<16xf32>,
        %scan3A_371 = arith.constant 3 : i32
        %scan3A_372 = arith.addi %scan3A_318, %scan3A_371 : i32
        %mul3A_373 = arith.constant 1 : i32
        %mul3A_374 = arith.muli %scan3A_372, %mul3A_373 : i32
        %add3A_375 = arith.constant 0 : i32
        %add3A_376 = arith.addi %add3A_375, %mul3A_374 : i32
        %mul3A_377 = arith.constant 16 : i32
        %mul3A_378 = arith.muli %add3A_376, %mul3A_377 : i32
        %add3A_379 = arith.constant 12288 : i32
        %add3A_380 = arith.addi %add3A_379, %mul3A_378 : i32
        %get3A_381 = arith.index_cast %add3A_380 : i32 to index
        %get3A_382 = tpu.vector_load %arg8[%get3A_381] {strides = array<i32>} : memref<16384xi32, #tpu.memory_space<vmem>>, vector<16xi32>,
        %gather3A_383 = tpu.vector_load_idx %arg7[%get3A_382] : memref<100000xf32, #tpu.memory_space<vmem>>[vector<16xi32>], vector<16xf32>,
        %mul3A_384 = arith.constant 16 : i32
        %mul3A_385 = arith.muli %add3A_376, %mul3A_384 : i32
        %swap3A_386 = arith.constant 1 : i32
        %swap3A_387 = arith.index_cast %swap3A_386 : i32 to index
        %swap3A_388 = arith.index_cast %mul3A_385 : i32 to index
        %swap3A_389 = tpu.vector_load %arg9[%swap3A_387, %swap3A_388] {strides = array<i32>} : memref<2x4096xf32, #tpu.memory_space<vmem>>, vector<16xf32>,
        tpu.vector_store %arg9[%swap3A_387, %swap3A_388], %gather3A_383 {strides = array<i32>} : memref<2x4096xf32, #tpu.memory_space<vmem>>, vector<16xf32>,
        %scan3A_390 = arith.constant 4 : i32
        %scan3A_391 = arith.addi %scan3A_318, %scan3A_390 : i32
        %mul3A_392 = arith.constant 1 : i32
        %mul3A_393 = arith.muli %scan3A_391, %mul3A_392 : i32
        %add3A_394 = arith.constant 0 : i32
        %add3A_395 = arith.addi %add3A_394, %mul3A_393 : i32
        %mul3A_396 = arith.constant 16 : i32
        %mul3A_397 = arith.muli %add3A_395, %mul3A_396 : i32
        %add3A_398 = arith.constant 12288 : i32
        %add3A_399 = arith.addi %add3A_398, %mul3A_397 : i32
        %get3A_400 = arith.index_cast %add3A_399 : i32 to index
        %get3A_401 = tpu.vector_load %arg8[%get3A_400] {strides = array<i32>} : memref<16384xi32, #tpu.memory_space<vmem>>, vector<16xi32>,
        %gather3A_402 = tpu.vector_load_idx %arg7[%get3A_401] : memref<100000xf32, #tpu.memory_space<vmem>>[vector<16xi32>], vector<16xf32>,
        %mul3A_403 = arith.constant 16 : i32
        %mul3A_404 = arith.muli %add3A_395, %mul3A_403 : i32
        %swap3A_405 = arith.constant 1 : i32
        %swap3A_406 = arith.index_cast %swap3A_405 : i32 to index
        %swap3A_407 = arith.index_cast %mul3A_404 : i32 to index
        %swap3A_408 = tpu.vector_load %arg9[%swap3A_406, %swap3A_407] {strides = array<i32>} : memref<2x4096xf32, #tpu.memory_space<vmem>>, vector<16xf32>,
        tpu.vector_store %arg9[%swap3A_406, %swap3A_407], %gather3A_402 {strides = array<i32>} : memref<2x4096xf32, #tpu.memory_space<vmem>>, vector<16xf32>,
        %scan3A_409 = arith.constant 5 : i32
        %scan3A_410 = arith.addi %scan3A_318, %scan3A_409 : i32
        %mul3A_411 = arith.constant 1 : i32
        %mul3A_412 = arith.muli %scan3A_410, %mul3A_411 : i32
        %add3A_413 = arith.constant 0 : i32
        %add3A_414 = arith.addi %add3A_413, %mul3A_412 : i32
        %mul3A_415 = arith.constant 16 : i32
        %mul3A_416 = arith.muli %add3A_414, %mul3A_415 : i32
        %add3A_417 = arith.constant 12288 : i32
        %add3A_418 = arith.addi %add3A_417, %mul3A_416 : i32
        %get3A_419 = arith.index_cast %add3A_418 : i32 to index
        %get3A_420 = tpu.vector_load %arg8[%get3A_419] {strides = array<i32>} : memref<16384xi32, #tpu.memory_space<vmem>>, vector<16xi32>,
        %gather3A_421 = tpu.vector_load_idx %arg7[%get3A_420] : memref<100000xf32, #tpu.memory_space<vmem>>[vector<16xi32>], vector<16xf32>,
        %mul3A_422 = arith.constant 16 : i32
        %mul3A_423 = arith.muli %add3A_414, %mul3A_422 : i32
        %swap3A_424 = arith.constant 1 : i32
        %swap3A_425 = arith.index_cast %swap3A_424 : i32 to index
        %swap3A_426 = arith.index_cast %mul3A_423 : i32 to index
        %swap3A_427 = tpu.vector_load %arg9[%swap3A_425, %swap3A_426] {strides = array<i32>} : memref<2x4096xf32, #tpu.memory_space<vmem>>, vector<16xf32>,
        tpu.vector_store %arg9[%swap3A_425, %swap3A_426], %gather3A_421 {strides = array<i32>} : memref<2x4096xf32, #tpu.memory_space<vmem>>, vector<16xf32>,
        %scan3A_428 = arith.constant 6 : i32
        %scan3A_429 = arith.addi %scan3A_318, %scan3A_428 : i32
        %mul3A_430 = arith.constant 1 : i32
        %mul3A_431 = arith.muli %scan3A_429, %mul3A_430 : i32
        %add3A_432 = arith.constant 0 : i32
        %add3A_433 = arith.addi %add3A_432, %mul3A_431 : i32
        %mul3A_434 = arith.constant 16 : i32
        %mul3A_435 = arith.muli %add3A_433, %mul3A_434 : i32
        %add3A_436 = arith.constant 12288 : i32
        %add3A_437 = arith.addi %add3A_436, %mul3A_435 : i32
        %get3A_438 = arith.index_cast %add3A_437 : i32 to index
        %get3A_439 = tpu.vector_load %arg8[%get3A_438] {strides = array<i32>} : memref<16384xi32, #tpu.memory_space<vmem>>, vector<16xi32>,
        %gather3A_440 = tpu.vector_load_idx %arg7[%get3A_439] : memref<100000xf32, #tpu.memory_space<vmem>>[vector<16xi32>], vector<16xf32>,
        %mul3A_441 = arith.constant 16 : i32
        %mul3A_442 = arith.muli %add3A_433, %mul3A_441 : i32
        %swap3A_443 = arith.constant 1 : i32
        %swap3A_444 = arith.index_cast %swap3A_443 : i32 to index
        %swap3A_445 = arith.index_cast %mul3A_442 : i32 to index
        %swap3A_446 = tpu.vector_load %arg9[%swap3A_444, %swap3A_445] {strides = array<i32>} : memref<2x4096xf32, #tpu.memory_space<vmem>>, vector<16xf32>,
        tpu.vector_store %arg9[%swap3A_444, %swap3A_445], %gather3A_440 {strides = array<i32>} : memref<2x4096xf32, #tpu.memory_space<vmem>>, vector<16xf32>,
        %scan3A_447 = arith.constant 7 : i32
        %scan3A_448 = arith.addi %scan3A_318, %scan3A_447 : i32
        %mul3A_449 = arith.constant 1 : i32
        %mul3A_450 = arith.muli %scan3A_448, %mul3A_449 : i32
        %add3A_451 = arith.constant 0 : i32
        %add3A_452 = arith.addi %add3A_451, %mul3A_450 : i32
        %mul3A_453 = arith.constant 16 : i32
        %mul3A_454 = arith.muli %add3A_452, %mul3A_453 : i32
        %add3A_455 = arith.constant 12288 : i32
        %add3A_456 = arith.addi %add3A_455, %mul3A_454 : i32
        %get3A_457 = arith.index_cast %add3A_456 : i32 to index
        %get3A_458 = tpu.vector_load %arg8[%get3A_457] {strides = array<i32>} : memref<16384xi32, #tpu.memory_space<vmem>>, vector<16xi32>,
        %gather3A_459 = tpu.vector_load_idx %arg7[%get3A_458] : memref<100000xf32, #tpu.memory_space<vmem>>[vector<16xi32>], vector<16xf32>,
        %mul3A_460 = arith.constant 16 : i32
        %mul3A_461 = arith.muli %add3A_452, %mul3A_460 : i32
        %swap3A_462 = arith.constant 1 : i32
        %swap3A_463 = arith.index_cast %swap3A_462 : i32 to index
        %swap3A_464 = arith.index_cast %mul3A_461 : i32 to index
        %swap3A_465 = tpu.vector_load %arg9[%swap3A_463, %swap3A_464] {strides = array<i32>} : memref<2x4096xf32, #tpu.memory_space<vmem>>, vector<16xf32>,
        tpu.vector_store %arg9[%swap3A_463, %swap3A_464], %gather3A_459 {strides = array<i32>} : memref<2x4096xf32, #tpu.memory_space<vmem>>, vector<16xf32>,
      }
      %scan3A_117 = arith.constant 256 : i32
      %dma_start3A_118 = arith.constant 1 : i32
      %dma_start3A_119 = arith.constant 1 : i32
      %dma_start3A_120 = arith.constant 0 : i32
      %dma_start3A_121 = tpu.memref_slice %arg9[%dma_start3A_118, %dma_start3A_120] : memref<2x4096xf32, #tpu.memory_space<vmem>> -> memref<1x4096xf32, #tpu.memory_space<vmem>>
      %dma_start3A_122 = tpu.memref_squeeze %dma_start3A_121 : memref<1x4096xf32, #tpu.memory_space<vmem>> -> memref<4096xf32, #tpu.memory_space<vmem>>
      %dma_start3A_123 = arith.constant 12288 : i32
      %dma_start3A_124 = tpu.memref_slice %arg6[%dma_start3A_119, %add3A_19, %dma_start3A_123] : memref<2x32x16384xf32, #tpu.memory_space<hbm>> -> memref<1x1x4096xf32, #tpu.memory_space<hbm>>
      %dma_start3A_125 = tpu.memref_squeeze %dma_start3A_124 : memref<1x1x4096xf32, #tpu.memory_space<hbm>> -> memref<4096xf32, #tpu.memory_space<hbm>>
      %dma_start3A_126 = arith.constant 12288 : i32
      %dma_start3A_127 = tpu.memref_slice %arg6[%dma_start3A_119, %add3A_19, %dma_start3A_126] : memref<2x32x16384xf32, #tpu.memory_space<hbm>> -> memref<1x1x4096xf32, #tpu.memory_space<hbm>>
      %dma_start3A_128 = tpu.memref_squeeze %dma_start3A_127 : memref<1x1x4096xf32, #tpu.memory_space<hbm>> -> memref<4096xf32, #tpu.memory_space<hbm>>
      %dma_start3A_129 = arith.constant 0 : i32
      %dma_start3A_130 = tpu.memref_slice %arg9[%dma_start3A_118, %dma_start3A_129] : memref<2x4096xf32, #tpu.memory_space<vmem>> -> memref<1x4096xf32, #tpu.memory_space<vmem>>
      %dma_start3A_131 = tpu.memref_squeeze %dma_start3A_130 : memref<1x4096xf32, #tpu.memory_space<vmem>> -> memref<4096xf32, #tpu.memory_space<vmem>>
      tpu.enqueue_dma source(%dma_start3A_131 : memref<4096xf32, #tpu.memory_space<vmem>>) target(%dma_start3A_128 : memref<4096xf32, #tpu.memory_space<hbm>>) target_semaphore(%arg12 : memref<!tpu.dma_semaphore, #tpu.memory_space<semaphore_mem>>)
      %add3A_132 = arith.constant 1 : i32
      %add3A_133 = arith.addi %add3A_19, %add3A_132 : i32
      %dma_start3A_134 = arith.constant 0 : i32
      %dma_start3A_135 = tpu.memref_slice %arg7[%dma_start3A_134] : memref<100000xf32, #tpu.memory_space<vmem>> -> memref<16xf32, #tpu.memory_space<vmem>>
      %dma_start3A_136 = arith.constant 0 : i32
      %dma_start3A_137 = tpu.memref_slice %arg3[%add3A_133, %dma_start3A_136] : memref<32x100000xf32, #tpu.memory_space<hbm>> -> memref<1x16xf32, #tpu.memory_space<hbm>>
      %dma_start3A_138 = tpu.memref_squeeze %dma_start3A_137 : memref<1x16xf32, #tpu.memory_space<hbm>> -> memref<16xf32, #tpu.memory_space<hbm>>
      %dma_start3A_139 = arith.constant 0 : i32
      %dma_start3A_140 = tpu.memref_slice %arg7[%dma_start3A_139] : memref<100000xf32, #tpu.memory_space<vmem>> -> memref<16xf32, #tpu.memory_space<vmem>>
      %dma_start3A_141 = arith.constant 0 : i32
      %dma_start3A_142 = tpu.memref_slice %arg3[%add3A_133, %dma_start3A_141] : memref<32x100000xf32, #tpu.memory_space<hbm>> -> memref<1x16xf32, #tpu.memory_space<hbm>>
      %dma_start3A_143 = tpu.memref_squeeze %dma_start3A_142 : memref<1x16xf32, #tpu.memory_space<hbm>> -> memref<16xf32, #tpu.memory_space<hbm>>
      tpu.enqueue_dma source(%dma_start3A_143 : memref<16xf32, #tpu.memory_space<hbm>>) target(%dma_start3A_140 : memref<16xf32, #tpu.memory_space<vmem>>) target_semaphore(%arg11 : memref<!tpu.dma_semaphore, #tpu.memory_space<semaphore_mem>>)
      %mul3A_144 = arith.constant 2 : i32
      %mul3A_145 = arith.muli %arg1, %mul3A_144 : i32
      %add3A_146 = arith.constant 1 : i32
      %add3A_147 = arith.addi %mul3A_145, %add3A_146 : i32
      %dma_wait3A_148 = arith.constant 0 : i32
      %dma_wait3A_149 = tpu.memref_slice %arg7[%dma_wait3A_148] : memref<100000xf32, #tpu.memory_space<vmem>> -> memref<16xf32, #tpu.memory_space<vmem>>
      %dma_wait3A_150 = arith.constant 0 : i32
      %dma_wait3A_151 = tpu.memref_slice %arg3[%add3A_133, %dma_wait3A_150] : memref<32x100000xf32, #tpu.memory_space<hbm>> -> memref<1x16xf32, #tpu.memory_space<hbm>>
      %dma_wait3A_152 = tpu.memref_squeeze %dma_wait3A_151 : memref<1x16xf32, #tpu.memory_space<hbm>> -> memref<16xf32, #tpu.memory_space<hbm>>
      %dma_wait3A_153 = arith.constant 0 : i32
      %dma_wait3A_154 = tpu.memref_slice %arg7[%dma_wait3A_153] : memref<100000xf32, #tpu.memory_space<vmem>> -> memref<16xf32, #tpu.memory_space<vmem>>
      %dma_wait3A_155 = arith.constant 0 : i32
      %dma_wait3A_156 = tpu.memref_slice %arg3[%add3A_133, %dma_wait3A_155] : memref<32x100000xf32, #tpu.memory_space<hbm>> -> memref<1x16xf32, #tpu.memory_space<hbm>>
      %dma_wait3A_157 = tpu.memref_squeeze %dma_wait3A_156 : memref<1x16xf32, #tpu.memory_space<hbm>> -> memref<16xf32, #tpu.memory_space<hbm>>
      tpu.wait_dma2 semaphore(%arg11 : memref<!tpu.dma_semaphore, #tpu.memory_space<semaphore_mem>>) src(%dma_wait3A_157 : memref<16xf32, #tpu.memory_space<hbm>>) dst(%dma_wait3A_154 : memref<16xf32, #tpu.memory_space<vmem>>)
      %dma_wait3A_158 = arith.constant 0 : i32
      %dma_wait3A_159 = arith.constant 1 : i32
      %dma_wait3A_160 = arith.constant 0 : i32
      %dma_wait3A_161 = tpu.memref_slice %arg9[%dma_wait3A_158, %dma_wait3A_160] : memref<2x4096xf32, #tpu.memory_space<vmem>> -> memref<1x4096xf32, #tpu.memory_space<vmem>>
      %dma_wait3A_162 = tpu.memref_squeeze %dma_wait3A_161 : memref<1x4096xf32, #tpu.memory_space<vmem>> -> memref<4096xf32, #tpu.memory_space<vmem>>
      %dma_wait3A_163 = arith.constant 8192 : i32
      %dma_wait3A_164 = tpu.memref_slice %arg6[%dma_wait3A_159, %add3A_19, %dma_wait3A_163] : memref<2x32x16384xf32, #tpu.memory_space<hbm>> -> memref<1x1x4096xf32, #tpu.memory_space<hbm>>
      %dma_wait3A_165 = tpu.memref_squeeze %dma_wait3A_164 : memref<1x1x4096xf32, #tpu.memory_space<hbm>> -> memref<4096xf32, #tpu.memory_space<hbm>>
      %dma_wait3A_166 = arith.constant 8192 : i32
      %dma_wait3A_167 = tpu.memref_slice %arg6[%dma_wait3A_159, %add3A_19, %dma_wait3A_166] : memref<2x32x16384xf32, #tpu.memory_space<hbm>> -> memref<1x1x4096xf32, #tpu.memory_space<hbm>>
      %dma_wait3A_168 = tpu.memref_squeeze %dma_wait3A_167 : memref<1x1x4096xf32, #tpu.memory_space<hbm>> -> memref<4096xf32, #tpu.memory_space<hbm>>
      %dma_wait3A_169 = arith.constant 0 : i32
      %dma_wait3A_170 = tpu.memref_slice %arg9[%dma_wait3A_158, %dma_wait3A_169] : memref<2x4096xf32, #tpu.memory_space<vmem>> -> memref<1x4096xf32, #tpu.memory_space<vmem>>
      %dma_wait3A_171 = tpu.memref_squeeze %dma_wait3A_170 : memref<1x4096xf32, #tpu.memory_space<vmem>> -> memref<4096xf32, #tpu.memory_space<vmem>>
      tpu.wait_dma2 semaphore(%arg12 : memref<!tpu.dma_semaphore, #tpu.memory_space<semaphore_mem>>) src(%dma_wait3A_171 : memref<4096xf32, #tpu.memory_space<vmem>>) dst(%dma_wait3A_168 : memref<4096xf32, #tpu.memory_space<hbm>>)
      %scan3A_172 = arith.constant 0 : i32
      %scan3A_173 = arith.constant 256 : i32
      %scan3A_174 = arith.addi %scan3A_172, %scan3A_173 : i32
      %scan3A_175 = arith.constant 8 : i32
      scf.for %scan3A_318 = %scan3A_172 to %scan3A_174 step %scan3A_175  : i32 {
        %mul3A_319 = arith.constant 1 : i32
        %mul3A_320 = arith.muli %scan3A_318, %mul3A_319 : i32
        %add3A_321 = arith.constant 0 : i32
        %add3A_322 = arith.addi %add3A_321, %mul3A_320 : i32
        %mul3A_323 = arith.constant 16 : i32
        %mul3A_324 = arith.muli %add3A_322, %mul3A_323 : i32
        %add3A_325 = arith.constant 0 : i32
        %add3A_326 = arith.addi %add3A_325, %mul3A_324 : i32
        %get3A = arith.index_cast %add3A_326 : i32 to index
        %get3A_327 = tpu.vector_load %arg8[%get3A] {strides = array<i32>} : memref<16384xi32, #tpu.memory_space<vmem>>, vector<16xi32>,
        %gather3A = tpu.vector_load_idx %arg7[%get3A_327] : memref<100000xf32, #tpu.memory_space<vmem>>[vector<16xi32>], vector<16xf32>,
        %mul3A_328 = arith.constant 16 : i32
        %mul3A_329 = arith.muli %add3A_322, %mul3A_328 : i32
        %swap3A = arith.constant 0 : i32
        %swap3A_330 = arith.index_cast %swap3A : i32 to index
        %swap3A_331 = arith.index_cast %mul3A_329 : i32 to index
        %swap3A_332 = tpu.vector_load %arg9[%swap3A_330, %swap3A_331] {strides = array<i32>} : memref<2x4096xf32, #tpu.memory_space<vmem>>, vector<16xf32>,
        tpu.vector_store %arg9[%swap3A_330, %swap3A_331], %gather3A {strides = array<i32>} : memref<2x4096xf32, #tpu.memory_space<vmem>>, vector<16xf32>,
        %scan3A_333 = arith.constant 1 : i32
        %scan3A_334 = arith.addi %scan3A_318, %scan3A_333 : i32
        %mul3A_335 = arith.constant 1 : i32
        %mul3A_336 = arith.muli %scan3A_334, %mul3A_335 : i32
        %add3A_337 = arith.constant 0 : i32
        %add3A_338 = arith.addi %add3A_337, %mul3A_336 : i32
        %mul3A_339 = arith.constant 16 : i32
        %mul3A_340 = arith.muli %add3A_338, %mul3A_339 : i32
        %add3A_341 = arith.constant 0 : i32
        %add3A_342 = arith.addi %add3A_341, %mul3A_340 : i32
        %get3A_343 = arith.index_cast %add3A_342 : i32 to index
        %get3A_344 = tpu.vector_load %arg8[%get3A_343] {strides = array<i32>} : memref<16384xi32, #tpu.memory_space<vmem>>, vector<16xi32>,
        %gather3A_345 = tpu.vector_load_idx %arg7[%get3A_344] : memref<100000xf32, #tpu.memory_space<vmem>>[vector<16xi32>], vector<16xf32>,
        %mul3A_346 = arith.constant 16 : i32
        %mul3A_347 = arith.muli %add3A_338, %mul3A_346 : i32
        %swap3A_348 = arith.constant 0 : i32
        %swap3A_349 = arith.index_cast %swap3A_348 : i32 to index
        %swap3A_350 = arith.index_cast %mul3A_347 : i32 to index
        %swap3A_351 = tpu.vector_load %arg9[%swap3A_349, %swap3A_350] {strides = array<i32>} : memref<2x4096xf32, #tpu.memory_space<vmem>>, vector<16xf32>,
        tpu.vector_store %arg9[%swap3A_349, %swap3A_350], %gather3A_345 {strides = array<i32>} : memref<2x4096xf32, #tpu.memory_space<vmem>>, vector<16xf32>,
        %scan3A_352 = arith.constant 2 : i32
        %scan3A_353 = arith.addi %scan3A_318, %scan3A_352 : i32
        %mul3A_354 = arith.constant 1 : i32
        %mul3A_355 = arith.muli %scan3A_353, %mul3A_354 : i32
        %add3A_356 = arith.constant 0 : i32
        %add3A_357 = arith.addi %add3A_356, %mul3A_355 : i32
        %mul3A_358 = arith.constant 16 : i32
        %mul3A_359 = arith.muli %add3A_357, %mul3A_358 : i32
        %add3A_360 = arith.constant 0 : i32
        %add3A_361 = arith.addi %add3A_360, %mul3A_359 : i32
        %get3A_362 = arith.index_cast %add3A_361 : i32 to index
        %get3A_363 = tpu.vector_load %arg8[%get3A_362] {strides = array<i32>} : memref<16384xi32, #tpu.memory_space<vmem>>, vector<16xi32>,
        %gather3A_364 = tpu.vector_load_idx %arg7[%get3A_363] : memref<100000xf32, #tpu.memory_space<vmem>>[vector<16xi32>], vector<16xf32>,
        %mul3A_365 = arith.constant 16 : i32
        %mul3A_366 = arith.muli %add3A_357, %mul3A_365 : i32
        %swap3A_367 = arith.constant 0 : i32
        %swap3A_368 = arith.index_cast %swap3A_367 : i32 to index
        %swap3A_369 = arith.index_cast %mul3A_366 : i32 to index
        %swap3A_370 = tpu.vector_load %arg9[%swap3A_368, %swap3A_369] {strides = array<i32>} : memref<2x4096xf32, #tpu.memory_space<vmem>>, vector<16xf32>,
        tpu.vector_store %arg9[%swap3A_368, %swap3A_369], %gather3A_364 {strides = array<i32>} : memref<2x4096xf32, #tpu.memory_space<vmem>>, vector<16xf32>,
        %scan3A_371 = arith.constant 3 : i32
        %scan3A_372 = arith.addi %scan3A_318, %scan3A_371 : i32
        %mul3A_373 = arith.constant 1 : i32
        %mul3A_374 = arith.muli %scan3A_372, %mul3A_373 : i32
        %add3A_375 = arith.constant 0 : i32
        %add3A_376 = arith.addi %add3A_375, %mul3A_374 : i32
        %mul3A_377 = arith.constant 16 : i32
        %mul3A_378 = arith.muli %add3A_376, %mul3A_377 : i32
        %add3A_379 = arith.constant 0 : i32
        %add3A_380 = arith.addi %add3A_379, %mul3A_378 : i32
        %get3A_381 = arith.index_cast %add3A_380 : i32 to index
        %get3A_382 = tpu.vector_load %arg8[%get3A_381] {strides = array<i32>} : memref<16384xi32, #tpu.memory_space<vmem>>, vector<16xi32>,
        %gather3A_383 = tpu.vector_load_idx %arg7[%get3A_382] : memref<100000xf32, #tpu.memory_space<vmem>>[vector<16xi32>], vector<16xf32>,
        %mul3A_384 = arith.constant 16 : i32
        %mul3A_385 = arith.muli %add3A_376, %mul3A_384 : i32
        %swap3A_386 = arith.constant 0 : i32
        %swap3A_387 = arith.index_cast %swap3A_386 : i32 to index
        %swap3A_388 = arith.index_cast %mul3A_385 : i32 to index
        %swap3A_389 = tpu.vector_load %arg9[%swap3A_387, %swap3A_388] {strides = array<i32>} : memref<2x4096xf32, #tpu.memory_space<vmem>>, vector<16xf32>,
        tpu.vector_store %arg9[%swap3A_387, %swap3A_388], %gather3A_383 {strides = array<i32>} : memref<2x4096xf32, #tpu.memory_space<vmem>>, vector<16xf32>,
        %scan3A_390 = arith.constant 4 : i32
        %scan3A_391 = arith.addi %scan3A_318, %scan3A_390 : i32
        %mul3A_392 = arith.constant 1 : i32
        %mul3A_393 = arith.muli %scan3A_391, %mul3A_392 : i32
        %add3A_394 = arith.constant 0 : i32
        %add3A_395 = arith.addi %add3A_394, %mul3A_393 : i32
        %mul3A_396 = arith.constant 16 : i32
        %mul3A_397 = arith.muli %add3A_395, %mul3A_396 : i32
        %add3A_398 = arith.constant 0 : i32
        %add3A_399 = arith.addi %add3A_398, %mul3A_397 : i32
        %get3A_400 = arith.index_cast %add3A_399 : i32 to index
        %get3A_401 = tpu.vector_load %arg8[%get3A_400] {strides = array<i32>} : memref<16384xi32, #tpu.memory_space<vmem>>, vector<16xi32>,
        %gather3A_402 = tpu.vector_load_idx %arg7[%get3A_401] : memref<100000xf32, #tpu.memory_space<vmem>>[vector<16xi32>], vector<16xf32>,
        %mul3A_403 = arith.constant 16 : i32
        %mul3A_404 = arith.muli %add3A_395, %mul3A_403 : i32
        %swap3A_405 = arith.constant 0 : i32
        %swap3A_406 = arith.index_cast %swap3A_405 : i32 to index
        %swap3A_407 = arith.index_cast %mul3A_404 : i32 to index
        %swap3A_408 = tpu.vector_load %arg9[%swap3A_406, %swap3A_407] {strides = array<i32>} : memref<2x4096xf32, #tpu.memory_space<vmem>>, vector<16xf32>,
        tpu.vector_store %arg9[%swap3A_406, %swap3A_407], %gather3A_402 {strides = array<i32>} : memref<2x4096xf32, #tpu.memory_space<vmem>>, vector<16xf32>,
        %scan3A_409 = arith.constant 5 : i32
        %scan3A_410 = arith.addi %scan3A_318, %scan3A_409 : i32
        %mul3A_411 = arith.constant 1 : i32
        %mul3A_412 = arith.muli %scan3A_410, %mul3A_411 : i32
        %add3A_413 = arith.constant 0 : i32
        %add3A_414 = arith.addi %add3A_413, %mul3A_412 : i32
        %mul3A_415 = arith.constant 16 : i32
        %mul3A_416 = arith.muli %add3A_414, %mul3A_415 : i32
        %add3A_417 = arith.constant 0 : i32
        %add3A_418 = arith.addi %add3A_417, %mul3A_416 : i32
        %get3A_419 = arith.index_cast %add3A_418 : i32 to index
        %get3A_420 = tpu.vector_load %arg8[%get3A_419] {strides = array<i32>} : memref<16384xi32, #tpu.memory_space<vmem>>, vector<16xi32>,
        %gather3A_421 = tpu.vector_load_idx %arg7[%get3A_420] : memref<100000xf32, #tpu.memory_space<vmem>>[vector<16xi32>], vector<16xf32>,
        %mul3A_422 = arith.constant 16 : i32
        %mul3A_423 = arith.muli %add3A_414, %mul3A_422 : i32
        %swap3A_424 = arith.constant 0 : i32
        %swap3A_425 = arith.index_cast %swap3A_424 : i32 to index
        %swap3A_426 = arith.index_cast %mul3A_423 : i32 to index
        %swap3A_427 = tpu.vector_load %arg9[%swap3A_425, %swap3A_426] {strides = array<i32>} : memref<2x4096xf32, #tpu.memory_space<vmem>>, vector<16xf32>,
        tpu.vector_store %arg9[%swap3A_425, %swap3A_426], %gather3A_421 {strides = array<i32>} : memref<2x4096xf32, #tpu.memory_space<vmem>>, vector<16xf32>,
        %scan3A_428 = arith.constant 6 : i32
        %scan3A_429 = arith.addi %scan3A_318, %scan3A_428 : i32
        %mul3A_430 = arith.constant 1 : i32
        %mul3A_431 = arith.muli %scan3A_429, %mul3A_430 : i32
        %add3A_432 = arith.constant 0 : i32
        %add3A_433 = arith.addi %add3A_432, %mul3A_431 : i32
        %mul3A_434 = arith.constant 16 : i32
        %mul3A_435 = arith.muli %add3A_433, %mul3A_434 : i32
        %add3A_436 = arith.constant 0 : i32
        %add3A_437 = arith.addi %add3A_436, %mul3A_435 : i32
        %get3A_438 = arith.index_cast %add3A_437 : i32 to index
        %get3A_439 = tpu.vector_load %arg8[%get3A_438] {strides = array<i32>} : memref<16384xi32, #tpu.memory_space<vmem>>, vector<16xi32>,
        %gather3A_440 = tpu.vector_load_idx %arg7[%get3A_439] : memref<100000xf32, #tpu.memory_space<vmem>>[vector<16xi32>], vector<16xf32>,
        %mul3A_441 = arith.constant 16 : i32
        %mul3A_442 = arith.muli %add3A_433, %mul3A_441 : i32
        %swap3A_443 = arith.constant 0 : i32
        %swap3A_444 = arith.index_cast %swap3A_443 : i32 to index
        %swap3A_445 = arith.index_cast %mul3A_442 : i32 to index
        %swap3A_446 = tpu.vector_load %arg9[%swap3A_444, %swap3A_445] {strides = array<i32>} : memref<2x4096xf32, #tpu.memory_space<vmem>>, vector<16xf32>,
        tpu.vector_store %arg9[%swap3A_444, %swap3A_445], %gather3A_440 {strides = array<i32>} : memref<2x4096xf32, #tpu.memory_space<vmem>>, vector<16xf32>,
        %scan3A_447 = arith.constant 7 : i32
        %scan3A_448 = arith.addi %scan3A_318, %scan3A_447 : i32
        %mul3A_449 = arith.constant 1 : i32
        %mul3A_450 = arith.muli %scan3A_448, %mul3A_449 : i32
        %add3A_451 = arith.constant 0 : i32
        %add3A_452 = arith.addi %add3A_451, %mul3A_450 : i32
        %mul3A_453 = arith.constant 16 : i32
        %mul3A_454 = arith.muli %add3A_452, %mul3A_453 : i32
        %add3A_455 = arith.constant 0 : i32
        %add3A_456 = arith.addi %add3A_455, %mul3A_454 : i32
        %get3A_457 = arith.index_cast %add3A_456 : i32 to index
        %get3A_458 = tpu.vector_load %arg8[%get3A_457] {strides = array<i32>} : memref<16384xi32, #tpu.memory_space<vmem>>, vector<16xi32>,
        %gather3A_459 = tpu.vector_load_idx %arg7[%get3A_458] : memref<100000xf32, #tpu.memory_space<vmem>>[vector<16xi32>], vector<16xf32>,
        %mul3A_460 = arith.constant 16 : i32
        %mul3A_461 = arith.muli %add3A_452, %mul3A_460 : i32
        %swap3A_462 = arith.constant 0 : i32
        %swap3A_463 = arith.index_cast %swap3A_462 : i32 to index
        %swap3A_464 = arith.index_cast %mul3A_461 : i32 to index
        %swap3A_465 = tpu.vector_load %arg9[%swap3A_463, %swap3A_464] {strides = array<i32>} : memref<2x4096xf32, #tpu.memory_space<vmem>>, vector<16xf32>,
        tpu.vector_store %arg9[%swap3A_463, %swap3A_464], %gather3A_459 {strides = array<i32>} : memref<2x4096xf32, #tpu.memory_space<vmem>>, vector<16xf32>,
      }
      %scan3A_176 = arith.constant 256 : i32
      %dma_start3A_177 = arith.constant 0 : i32
      %dma_start3A_178 = arith.constant 1 : i32
      %dma_start3A_179 = arith.constant 0 : i32
      %dma_start3A_180 = tpu.memref_slice %arg9[%dma_start3A_177, %dma_start3A_179] : memref<2x4096xf32, #tpu.memory_space<vmem>> -> memref<1x4096xf32, #tpu.memory_space<vmem>>
      %dma_start3A_181 = tpu.memref_squeeze %dma_start3A_180 : memref<1x4096xf32, #tpu.memory_space<vmem>> -> memref<4096xf32, #tpu.memory_space<vmem>>
      %dma_start3A_182 = arith.constant 0 : i32
      %dma_start3A_183 = tpu.memref_slice %arg6[%dma_start3A_178, %add3A_147, %dma_start3A_182] : memref<2x32x16384xf32, #tpu.memory_space<hbm>> -> memref<1x1x4096xf32, #tpu.memory_space<hbm>>
      %dma_start3A_184 = tpu.memref_squeeze %dma_start3A_183 : memref<1x1x4096xf32, #tpu.memory_space<hbm>> -> memref<4096xf32, #tpu.memory_space<hbm>>
      %dma_start3A_185 = arith.constant 0 : i32
      %dma_start3A_186 = tpu.memref_slice %arg6[%dma_start3A_178, %add3A_147, %dma_start3A_185] : memref<2x32x16384xf32, #tpu.memory_space<hbm>> -> memref<1x1x4096xf32, #tpu.memory_space<hbm>>
      %dma_start3A_187 = tpu.memref_squeeze %dma_start3A_186 : memref<1x1x4096xf32, #tpu.memory_space<hbm>> -> memref<4096xf32, #tpu.memory_space<hbm>>
      %dma_start3A_188 = arith.constant 0 : i32
      %dma_start3A_189 = tpu.memref_slice %arg9[%dma_start3A_177, %dma_start3A_188] : memref<2x4096xf32, #tpu.memory_space<vmem>> -> memref<1x4096xf32, #tpu.memory_space<vmem>>
      %dma_start3A_190 = tpu.memref_squeeze %dma_start3A_189 : memref<1x4096xf32, #tpu.memory_space<vmem>> -> memref<4096xf32, #tpu.memory_space<vmem>>
      tpu.enqueue_dma source(%dma_start3A_190 : memref<4096xf32, #tpu.memory_space<vmem>>) target(%dma_start3A_187 : memref<4096xf32, #tpu.memory_space<hbm>>) target_semaphore(%arg12 : memref<!tpu.dma_semaphore, #tpu.memory_space<semaphore_mem>>)
      %dma_wait3A_191 = arith.constant 1 : i32
      %dma_wait3A_192 = arith.constant 1 : i32
      %dma_wait3A_193 = arith.constant 0 : i32
      %dma_wait3A_194 = tpu.memref_slice %arg9[%dma_wait3A_191, %dma_wait3A_193] : memref<2x4096xf32, #tpu.memory_space<vmem>> -> memref<1x4096xf32, #tpu.memory_space<vmem>>
      %dma_wait3A_195 = tpu.memref_squeeze %dma_wait3A_194 : memref<1x4096xf32, #tpu.memory_space<vmem>> -> memref<4096xf32, #tpu.memory_space<vmem>>
      %dma_wait3A_196 = arith.constant 12288 : i32
      %dma_wait3A_197 = tpu.memref_slice %arg6[%dma_wait3A_192, %add3A_19, %dma_wait3A_196] : memref<2x32x16384xf32, #tpu.memory_space<hbm>> -> memref<1x1x4096xf32, #tpu.memory_space<hbm>>
      %dma_wait3A_198 = tpu.memref_squeeze %dma_wait3A_197 : memref<1x1x4096xf32, #tpu.memory_space<hbm>> -> memref<4096xf32, #tpu.memory_space<hbm>>
      %dma_wait3A_199 = arith.constant 12288 : i32
      %dma_wait3A_200 = tpu.memref_slice %arg6[%dma_wait3A_192, %add3A_19, %dma_wait3A_199] : memref<2x32x16384xf32, #tpu.memory_space<hbm>> -> memref<1x1x4096xf32, #tpu.memory_space<hbm>>
      %dma_wait3A_201 = tpu.memref_squeeze %dma_wait3A_200 : memref<1x1x4096xf32, #tpu.memory_space<hbm>> -> memref<4096xf32, #tpu.memory_space<hbm>>
      %dma_wait3A_202 = arith.constant 0 : i32
      %dma_wait3A_203 = tpu.memref_slice %arg9[%dma_wait3A_191, %dma_wait3A_202] : memref<2x4096xf32, #tpu.memory_space<vmem>> -> memref<1x4096xf32, #tpu.memory_space<vmem>>
      %dma_wait3A_204 = tpu.memref_squeeze %dma_wait3A_203 : memref<1x4096xf32, #tpu.memory_space<vmem>> -> memref<4096xf32, #tpu.memory_space<vmem>>
      tpu.wait_dma2 semaphore(%arg12 : memref<!tpu.dma_semaphore, #tpu.memory_space<semaphore_mem>>) src(%dma_wait3A_204 : memref<4096xf32, #tpu.memory_space<vmem>>) dst(%dma_wait3A_201 : memref<4096xf32, #tpu.memory_space<hbm>>)
      %scan3A_205 = arith.constant 0 : i32
      %scan3A_206 = arith.constant 256 : i32
      %scan3A_207 = arith.addi %scan3A_205, %scan3A_206 : i32
      %scan3A_208 = arith.constant 8 : i32
      scf.for %scan3A_318 = %scan3A_205 to %scan3A_207 step %scan3A_208  : i32 {
        %mul3A_319 = arith.constant 1 : i32
        %mul3A_320 = arith.muli %scan3A_318, %mul3A_319 : i32
        %add3A_321 = arith.constant 0 : i32
        %add3A_322 = arith.addi %add3A_321, %mul3A_320 : i32
        %mul3A_323 = arith.constant 16 : i32
        %mul3A_324 = arith.muli %add3A_322, %mul3A_323 : i32
        %add3A_325 = arith.constant 4096 : i32
        %add3A_326 = arith.addi %add3A_325, %mul3A_324 : i32
        %get3A = arith.index_cast %add3A_326 : i32 to index
        %get3A_327 = tpu.vector_load %arg8[%get3A] {strides = array<i32>} : memref<16384xi32, #tpu.memory_space<vmem>>, vector<16xi32>,
        %gather3A = tpu.vector_load_idx %arg7[%get3A_327] : memref<100000xf32, #tpu.memory_space<vmem>>[vector<16xi32>], vector<16xf32>,
        %mul3A_328 = arith.constant 16 : i32
        %mul3A_329 = arith.muli %add3A_322, %mul3A_328 : i32
        %swap3A = arith.constant 1 : i32
        %swap3A_330 = arith.index_cast %swap3A : i32 to index
        %swap3A_331 = arith.index_cast %mul3A_329 : i32 to index
        %swap3A_332 = tpu.vector_load %arg9[%swap3A_330, %swap3A_331] {strides = array<i32>} : memref<2x4096xf32, #tpu.memory_space<vmem>>, vector<16xf32>,
        tpu.vector_store %arg9[%swap3A_330, %swap3A_331], %gather3A {strides = array<i32>} : memref<2x4096xf32, #tpu.memory_space<vmem>>, vector<16xf32>,
        %scan3A_333 = arith.constant 1 : i32
        %scan3A_334 = arith.addi %scan3A_318, %scan3A_333 : i32
        %mul3A_335 = arith.constant 1 : i32
        %mul3A_336 = arith.muli %scan3A_334, %mul3A_335 : i32
        %add3A_337 = arith.constant 0 : i32
        %add3A_338 = arith.addi %add3A_337, %mul3A_336 : i32
        %mul3A_339 = arith.constant 16 : i32
        %mul3A_340 = arith.muli %add3A_338, %mul3A_339 : i32
        %add3A_341 = arith.constant 4096 : i32
        %add3A_342 = arith.addi %add3A_341, %mul3A_340 : i32
        %get3A_343 = arith.index_cast %add3A_342 : i32 to index
        %get3A_344 = tpu.vector_load %arg8[%get3A_343] {strides = array<i32>} : memref<16384xi32, #tpu.memory_space<vmem>>, vector<16xi32>,
        %gather3A_345 = tpu.vector_load_idx %arg7[%get3A_344] : memref<100000xf32, #tpu.memory_space<vmem>>[vector<16xi32>], vector<16xf32>,
        %mul3A_346 = arith.constant 16 : i32
        %mul3A_347 = arith.muli %add3A_338, %mul3A_346 : i32
        %swap3A_348 = arith.constant 1 : i32
        %swap3A_349 = arith.index_cast %swap3A_348 : i32 to index
        %swap3A_350 = arith.index_cast %mul3A_347 : i32 to index
        %swap3A_351 = tpu.vector_load %arg9[%swap3A_349, %swap3A_350] {strides = array<i32>} : memref<2x4096xf32, #tpu.memory_space<vmem>>, vector<16xf32>,
        tpu.vector_store %arg9[%swap3A_349, %swap3A_350], %gather3A_345 {strides = array<i32>} : memref<2x4096xf32, #tpu.memory_space<vmem>>, vector<16xf32>,
        %scan3A_352 = arith.constant 2 : i32
        %scan3A_353 = arith.addi %scan3A_318, %scan3A_352 : i32
        %mul3A_354 = arith.constant 1 : i32
        %mul3A_355 = arith.muli %scan3A_353, %mul3A_354 : i32
        %add3A_356 = arith.constant 0 : i32
        %add3A_357 = arith.addi %add3A_356, %mul3A_355 : i32
        %mul3A_358 = arith.constant 16 : i32
        %mul3A_359 = arith.muli %add3A_357, %mul3A_358 : i32
        %add3A_360 = arith.constant 4096 : i32
        %add3A_361 = arith.addi %add3A_360, %mul3A_359 : i32
        %get3A_362 = arith.index_cast %add3A_361 : i32 to index
        %get3A_363 = tpu.vector_load %arg8[%get3A_362] {strides = array<i32>} : memref<16384xi32, #tpu.memory_space<vmem>>, vector<16xi32>,
        %gather3A_364 = tpu.vector_load_idx %arg7[%get3A_363] : memref<100000xf32, #tpu.memory_space<vmem>>[vector<16xi32>], vector<16xf32>,
        %mul3A_365 = arith.constant 16 : i32
        %mul3A_366 = arith.muli %add3A_357, %mul3A_365 : i32
        %swap3A_367 = arith.constant 1 : i32
        %swap3A_368 = arith.index_cast %swap3A_367 : i32 to index
        %swap3A_369 = arith.index_cast %mul3A_366 : i32 to index
        %swap3A_370 = tpu.vector_load %arg9[%swap3A_368, %swap3A_369] {strides = array<i32>} : memref<2x4096xf32, #tpu.memory_space<vmem>>, vector<16xf32>,
        tpu.vector_store %arg9[%swap3A_368, %swap3A_369], %gather3A_364 {strides = array<i32>} : memref<2x4096xf32, #tpu.memory_space<vmem>>, vector<16xf32>,
        %scan3A_371 = arith.constant 3 : i32
        %scan3A_372 = arith.addi %scan3A_318, %scan3A_371 : i32
        %mul3A_373 = arith.constant 1 : i32
        %mul3A_374 = arith.muli %scan3A_372, %mul3A_373 : i32
        %add3A_375 = arith.constant 0 : i32
        %add3A_376 = arith.addi %add3A_375, %mul3A_374 : i32
        %mul3A_377 = arith.constant 16 : i32
        %mul3A_378 = arith.muli %add3A_376, %mul3A_377 : i32
        %add3A_379 = arith.constant 4096 : i32
        %add3A_380 = arith.addi %add3A_379, %mul3A_378 : i32
        %get3A_381 = arith.index_cast %add3A_380 : i32 to index
        %get3A_382 = tpu.vector_load %arg8[%get3A_381] {strides = array<i32>} : memref<16384xi32, #tpu.memory_space<vmem>>, vector<16xi32>,
        %gather3A_383 = tpu.vector_load_idx %arg7[%get3A_382] : memref<100000xf32, #tpu.memory_space<vmem>>[vector<16xi32>], vector<16xf32>,
        %mul3A_384 = arith.constant 16 : i32
        %mul3A_385 = arith.muli %add3A_376, %mul3A_384 : i32
        %swap3A_386 = arith.constant 1 : i32
        %swap3A_387 = arith.index_cast %swap3A_386 : i32 to index
        %swap3A_388 = arith.index_cast %mul3A_385 : i32 to index
        %swap3A_389 = tpu.vector_load %arg9[%swap3A_387, %swap3A_388] {strides = array<i32>} : memref<2x4096xf32, #tpu.memory_space<vmem>>, vector<16xf32>,
        tpu.vector_store %arg9[%swap3A_387, %swap3A_388], %gather3A_383 {strides = array<i32>} : memref<2x4096xf32, #tpu.memory_space<vmem>>, vector<16xf32>,
        %scan3A_390 = arith.constant 4 : i32
        %scan3A_391 = arith.addi %scan3A_318, %scan3A_390 : i32
        %mul3A_392 = arith.constant 1 : i32
        %mul3A_393 = arith.muli %scan3A_391, %mul3A_392 : i32
        %add3A_394 = arith.constant 0 : i32
        %add3A_395 = arith.addi %add3A_394, %mul3A_393 : i32
        %mul3A_396 = arith.constant 16 : i32
        %mul3A_397 = arith.muli %add3A_395, %mul3A_396 : i32
        %add3A_398 = arith.constant 4096 : i32
        %add3A_399 = arith.addi %add3A_398, %mul3A_397 : i32
        %get3A_400 = arith.index_cast %add3A_399 : i32 to index
        %get3A_401 = tpu.vector_load %arg8[%get3A_400] {strides = array<i32>} : memref<16384xi32, #tpu.memory_space<vmem>>, vector<16xi32>,
        %gather3A_402 = tpu.vector_load_idx %arg7[%get3A_401] : memref<100000xf32, #tpu.memory_space<vmem>>[vector<16xi32>], vector<16xf32>,
        %mul3A_403 = arith.constant 16 : i32
        %mul3A_404 = arith.muli %add3A_395, %mul3A_403 : i32
        %swap3A_405 = arith.constant 1 : i32
        %swap3A_406 = arith.index_cast %swap3A_405 : i32 to index
        %swap3A_407 = arith.index_cast %mul3A_404 : i32 to index
        %swap3A_408 = tpu.vector_load %arg9[%swap3A_406, %swap3A_407] {strides = array<i32>} : memref<2x4096xf32, #tpu.memory_space<vmem>>, vector<16xf32>,
        tpu.vector_store %arg9[%swap3A_406, %swap3A_407], %gather3A_402 {strides = array<i32>} : memref<2x4096xf32, #tpu.memory_space<vmem>>, vector<16xf32>,
        %scan3A_409 = arith.constant 5 : i32
        %scan3A_410 = arith.addi %scan3A_318, %scan3A_409 : i32
        %mul3A_411 = arith.constant 1 : i32
        %mul3A_412 = arith.muli %scan3A_410, %mul3A_411 : i32
        %add3A_413 = arith.constant 0 : i32
        %add3A_414 = arith.addi %add3A_413, %mul3A_412 : i32
        %mul3A_415 = arith.constant 16 : i32
        %mul3A_416 = arith.muli %add3A_414, %mul3A_415 : i32
        %add3A_417 = arith.constant 4096 : i32
        %add3A_418 = arith.addi %add3A_417, %mul3A_416 : i32
        %get3A_419 = arith.index_cast %add3A_418 : i32 to index
        %get3A_420 = tpu.vector_load %arg8[%get3A_419] {strides = array<i32>} : memref<16384xi32, #tpu.memory_space<vmem>>, vector<16xi32>,
        %gather3A_421 = tpu.vector_load_idx %arg7[%get3A_420] : memref<100000xf32, #tpu.memory_space<vmem>>[vector<16xi32>], vector<16xf32>,
        %mul3A_422 = arith.constant 16 : i32
        %mul3A_423 = arith.muli %add3A_414, %mul3A_422 : i32
        %swap3A_424 = arith.constant 1 : i32
        %swap3A_425 = arith.index_cast %swap3A_424 : i32 to index
        %swap3A_426 = arith.index_cast %mul3A_423 : i32 to index
        %swap3A_427 = tpu.vector_load %arg9[%swap3A_425, %swap3A_426] {strides = array<i32>} : memref<2x4096xf32, #tpu.memory_space<vmem>>, vector<16xf32>,
        tpu.vector_store %arg9[%swap3A_425, %swap3A_426], %gather3A_421 {strides = array<i32>} : memref<2x4096xf32, #tpu.memory_space<vmem>>, vector<16xf32>,
        %scan3A_428 = arith.constant 6 : i32
        %scan3A_429 = arith.addi %scan3A_318, %scan3A_428 : i32
        %mul3A_430 = arith.constant 1 : i32
        %mul3A_431 = arith.muli %scan3A_429, %mul3A_430 : i32
        %add3A_432 = arith.constant 0 : i32
        %add3A_433 = arith.addi %add3A_432, %mul3A_431 : i32
        %mul3A_434 = arith.constant 16 : i32
        %mul3A_435 = arith.muli %add3A_433, %mul3A_434 : i32
        %add3A_436 = arith.constant 4096 : i32
        %add3A_437 = arith.addi %add3A_436, %mul3A_435 : i32
        %get3A_438 = arith.index_cast %add3A_437 : i32 to index
        %get3A_439 = tpu.vector_load %arg8[%get3A_438] {strides = array<i32>} : memref<16384xi32, #tpu.memory_space<vmem>>, vector<16xi32>,
        %gather3A_440 = tpu.vector_load_idx %arg7[%get3A_439] : memref<100000xf32, #tpu.memory_space<vmem>>[vector<16xi32>], vector<16xf32>,
        %mul3A_441 = arith.constant 16 : i32
        %mul3A_442 = arith.muli %add3A_433, %mul3A_441 : i32
        %swap3A_443 = arith.constant 1 : i32
        %swap3A_444 = arith.index_cast %swap3A_443 : i32 to index
        %swap3A_445 = arith.index_cast %mul3A_442 : i32 to index
        %swap3A_446 = tpu.vector_load %arg9[%swap3A_444, %swap3A_445] {strides = array<i32>} : memref<2x4096xf32, #tpu.memory_space<vmem>>, vector<16xf32>,
        tpu.vector_store %arg9[%swap3A_444, %swap3A_445], %gather3A_440 {strides = array<i32>} : memref<2x4096xf32, #tpu.memory_space<vmem>>, vector<16xf32>,
        %scan3A_447 = arith.constant 7 : i32
        %scan3A_448 = arith.addi %scan3A_318, %scan3A_447 : i32
        %mul3A_449 = arith.constant 1 : i32
        %mul3A_450 = arith.muli %scan3A_448, %mul3A_449 : i32
        %add3A_451 = arith.constant 0 : i32
        %add3A_452 = arith.addi %add3A_451, %mul3A_450 : i32
        %mul3A_453 = arith.constant 16 : i32
        %mul3A_454 = arith.muli %add3A_452, %mul3A_453 : i32
        %add3A_455 = arith.constant 4096 : i32
        %add3A_456 = arith.addi %add3A_455, %mul3A_454 : i32
        %get3A_457 = arith.index_cast %add3A_456 : i32 to index
        %get3A_458 = tpu.vector_load %arg8[%get3A_457] {strides = array<i32>} : memref<16384xi32, #tpu.memory_space<vmem>>, vector<16xi32>,
        %gather3A_459 = tpu.vector_load_idx %arg7[%get3A_458] : memref<100000xf32, #tpu.memory_space<vmem>>[vector<16xi32>], vector<16xf32>,
        %mul3A_460 = arith.constant 16 : i32
        %mul3A_461 = arith.muli %add3A_452, %mul3A_460 : i32
        %swap3A_462 = arith.constant 1 : i32
        %swap3A_463 = arith.index_cast %swap3A_462 : i32 to index
        %swap3A_464 = arith.index_cast %mul3A_461 : i32 to index
        %swap3A_465 = tpu.vector_load %arg9[%swap3A_463, %swap3A_464] {strides = array<i32>} : memref<2x4096xf32, #tpu.memory_space<vmem>>, vector<16xf32>,
        tpu.vector_store %arg9[%swap3A_463, %swap3A_464], %gather3A_459 {strides = array<i32>} : memref<2x4096xf32, #tpu.memory_space<vmem>>, vector<16xf32>,
      }
      %scan3A_209 = arith.constant 256 : i32
      %dma_start3A_210 = arith.constant 1 : i32
      %dma_start3A_211 = arith.constant 1 : i32
      %dma_start3A_212 = arith.constant 0 : i32
      %dma_start3A_213 = tpu.memref_slice %arg9[%dma_start3A_210, %dma_start3A_212] : memref<2x4096xf32, #tpu.memory_space<vmem>> -> memref<1x4096xf32, #tpu.memory_space<vmem>>
      %dma_start3A_214 = tpu.memref_squeeze %dma_start3A_213 : memref<1x4096xf32, #tpu.memory_space<vmem>> -> memref<4096xf32, #tpu.memory_space<vmem>>
      %dma_start3A_215 = arith.constant 4096 : i32
      %dma_start3A_216 = tpu.memref_slice %arg6[%dma_start3A_211, %add3A_147, %dma_start3A_215] : memref<2x32x16384xf32, #tpu.memory_space<hbm>> -> memref<1x1x4096xf32, #tpu.memory_space<hbm>>
      %dma_start3A_217 = tpu.memref_squeeze %dma_start3A_216 : memref<1x1x4096xf32, #tpu.memory_space<hbm>> -> memref<4096xf32, #tpu.memory_space<hbm>>
      %dma_start3A_218 = arith.constant 4096 : i32
      %dma_start3A_219 = tpu.memref_slice %arg6[%dma_start3A_211, %add3A_147, %dma_start3A_218] : memref<2x32x16384xf32, #tpu.memory_space<hbm>> -> memref<1x1x4096xf32, #tpu.memory_space<hbm>>
      %dma_start3A_220 = tpu.memref_squeeze %dma_start3A_219 : memref<1x1x4096xf32, #tpu.memory_space<hbm>> -> memref<4096xf32, #tpu.memory_space<hbm>>
      %dma_start3A_221 = arith.constant 0 : i32
      %dma_start3A_222 = tpu.memref_slice %arg9[%dma_start3A_210, %dma_start3A_221] : memref<2x4096xf32, #tpu.memory_space<vmem>> -> memref<1x4096xf32, #tpu.memory_space<vmem>>
      %dma_start3A_223 = tpu.memref_squeeze %dma_start3A_222 : memref<1x4096xf32, #tpu.memory_space<vmem>> -> memref<4096xf32, #tpu.memory_space<vmem>>
      tpu.enqueue_dma source(%dma_start3A_223 : memref<4096xf32, #tpu.memory_space<vmem>>) target(%dma_start3A_220 : memref<4096xf32, #tpu.memory_space<hbm>>) target_semaphore(%arg12 : memref<!tpu.dma_semaphore, #tpu.memory_space<semaphore_mem>>)
      %dma_wait3A_224 = arith.constant 0 : i32
      %dma_wait3A_225 = arith.constant 1 : i32
      %dma_wait3A_226 = arith.constant 0 : i32
      %dma_wait3A_227 = tpu.memref_slice %arg9[%dma_wait3A_224, %dma_wait3A_226] : memref<2x4096xf32, #tpu.memory_space<vmem>> -> memref<1x4096xf32, #tpu.memory_space<vmem>>
      %dma_wait3A_228 = tpu.memref_squeeze %dma_wait3A_227 : memref<1x4096xf32, #tpu.memory_space<vmem>> -> memref<4096xf32, #tpu.memory_space<vmem>>
      %dma_wait3A_229 = arith.constant 0 : i32
      %dma_wait3A_230 = tpu.memref_slice %arg6[%dma_wait3A_225, %add3A_147, %dma_wait3A_229] : memref<2x32x16384xf32, #tpu.memory_space<hbm>> -> memref<1x1x4096xf32, #tpu.memory_space<hbm>>
      %dma_wait3A_231 = tpu.memref_squeeze %dma_wait3A_230 : memref<1x1x4096xf32, #tpu.memory_space<hbm>> -> memref<4096xf32, #tpu.memory_space<hbm>>
      %dma_wait3A_232 = arith.constant 0 : i32
      %dma_wait3A_233 = tpu.memref_slice %arg6[%dma_wait3A_225, %add3A_147, %dma_wait3A_232] : memref<2x32x16384xf32, #tpu.memory_space<hbm>> -> memref<1x1x4096xf32, #tpu.memory_space<hbm>>
      %dma_wait3A_234 = tpu.memref_squeeze %dma_wait3A_233 : memref<1x1x4096xf32, #tpu.memory_space<hbm>> -> memref<4096xf32, #tpu.memory_space<hbm>>
      %dma_wait3A_235 = arith.constant 0 : i32
      %dma_wait3A_236 = tpu.memref_slice %arg9[%dma_wait3A_224, %dma_wait3A_235] : memref<2x4096xf32, #tpu.memory_space<vmem>> -> memref<1x4096xf32, #tpu.memory_space<vmem>>
      %dma_wait3A_237 = tpu.memref_squeeze %dma_wait3A_236 : memref<1x4096xf32, #tpu.memory_space<vmem>> -> memref<4096xf32, #tpu.memory_space<vmem>>
      tpu.wait_dma2 semaphore(%arg12 : memref<!tpu.dma_semaphore, #tpu.memory_space<semaphore_mem>>) src(%dma_wait3A_237 : memref<4096xf32, #tpu.memory_space<vmem>>) dst(%dma_wait3A_234 : memref<4096xf32, #tpu.memory_space<hbm>>)
      %scan3A_238 = arith.constant 0 : i32
      %scan3A_239 = arith.constant 256 : i32
      %scan3A_240 = arith.addi %scan3A_238, %scan3A_239 : i32
      %scan3A_241 = arith.constant 8 : i32
      scf.for %scan3A_318 = %scan3A_238 to %scan3A_240 step %scan3A_241  : i32 {
        %mul3A_319 = arith.constant 1 : i32
        %mul3A_320 = arith.muli %scan3A_318, %mul3A_319 : i32
        %add3A_321 = arith.constant 0 : i32
        %add3A_322 = arith.addi %add3A_321, %mul3A_320 : i32
        %mul3A_323 = arith.constant 16 : i32
        %mul3A_324 = arith.muli %add3A_322, %mul3A_323 : i32
        %add3A_325 = arith.constant 8192 : i32
        %add3A_326 = arith.addi %add3A_325, %mul3A_324 : i32
        %get3A = arith.index_cast %add3A_326 : i32 to index
        %get3A_327 = tpu.vector_load %arg8[%get3A] {strides = array<i32>} : memref<16384xi32, #tpu.memory_space<vmem>>, vector<16xi32>,
        %gather3A = tpu.vector_load_idx %arg7[%get3A_327] : memref<100000xf32, #tpu.memory_space<vmem>>[vector<16xi32>], vector<16xf32>,
        %mul3A_328 = arith.constant 16 : i32
        %mul3A_329 = arith.muli %add3A_322, %mul3A_328 : i32
        %swap3A = arith.constant 0 : i32
        %swap3A_330 = arith.index_cast %swap3A : i32 to index
        %swap3A_331 = arith.index_cast %mul3A_329 : i32 to index
        %swap3A_332 = tpu.vector_load %arg9[%swap3A_330, %swap3A_331] {strides = array<i32>} : memref<2x4096xf32, #tpu.memory_space<vmem>>, vector<16xf32>,
        tpu.vector_store %arg9[%swap3A_330, %swap3A_331], %gather3A {strides = array<i32>} : memref<2x4096xf32, #tpu.memory_space<vmem>>, vector<16xf32>,
        %scan3A_333 = arith.constant 1 : i32
        %scan3A_334 = arith.addi %scan3A_318, %scan3A_333 : i32
        %mul3A_335 = arith.constant 1 : i32
        %mul3A_336 = arith.muli %scan3A_334, %mul3A_335 : i32
        %add3A_337 = arith.constant 0 : i32
        %add3A_338 = arith.addi %add3A_337, %mul3A_336 : i32
        %mul3A_339 = arith.constant 16 : i32
        %mul3A_340 = arith.muli %add3A_338, %mul3A_339 : i32
        %add3A_341 = arith.constant 8192 : i32
        %add3A_342 = arith.addi %add3A_341, %mul3A_340 : i32
        %get3A_343 = arith.index_cast %add3A_342 : i32 to index
        %get3A_344 = tpu.vector_load %arg8[%get3A_343] {strides = array<i32>} : memref<16384xi32, #tpu.memory_space<vmem>>, vector<16xi32>,
        %gather3A_345 = tpu.vector_load_idx %arg7[%get3A_344] : memref<100000xf32, #tpu.memory_space<vmem>>[vector<16xi32>], vector<16xf32>,
        %mul3A_346 = arith.constant 16 : i32
        %mul3A_347 = arith.muli %add3A_338, %mul3A_346 : i32
        %swap3A_348 = arith.constant 0 : i32
        %swap3A_349 = arith.index_cast %swap3A_348 : i32 to index
        %swap3A_350 = arith.index_cast %mul3A_347 : i32 to index
        %swap3A_351 = tpu.vector_load %arg9[%swap3A_349, %swap3A_350] {strides = array<i32>} : memref<2x4096xf32, #tpu.memory_space<vmem>>, vector<16xf32>,
        tpu.vector_store %arg9[%swap3A_349, %swap3A_350], %gather3A_345 {strides = array<i32>} : memref<2x4096xf32, #tpu.memory_space<vmem>>, vector<16xf32>,
        %scan3A_352 = arith.constant 2 : i32
        %scan3A_353 = arith.addi %scan3A_318, %scan3A_352 : i32
        %mul3A_354 = arith.constant 1 : i32
        %mul3A_355 = arith.muli %scan3A_353, %mul3A_354 : i32
        %add3A_356 = arith.constant 0 : i32
        %add3A_357 = arith.addi %add3A_356, %mul3A_355 : i32
        %mul3A_358 = arith.constant 16 : i32
        %mul3A_359 = arith.muli %add3A_357, %mul3A_358 : i32
        %add3A_360 = arith.constant 8192 : i32
        %add3A_361 = arith.addi %add3A_360, %mul3A_359 : i32
        %get3A_362 = arith.index_cast %add3A_361 : i32 to index
        %get3A_363 = tpu.vector_load %arg8[%get3A_362] {strides = array<i32>} : memref<16384xi32, #tpu.memory_space<vmem>>, vector<16xi32>,
        %gather3A_364 = tpu.vector_load_idx %arg7[%get3A_363] : memref<100000xf32, #tpu.memory_space<vmem>>[vector<16xi32>], vector<16xf32>,
        %mul3A_365 = arith.constant 16 : i32
        %mul3A_366 = arith.muli %add3A_357, %mul3A_365 : i32
        %swap3A_367 = arith.constant 0 : i32
        %swap3A_368 = arith.index_cast %swap3A_367 : i32 to index
        %swap3A_369 = arith.index_cast %mul3A_366 : i32 to index
        %swap3A_370 = tpu.vector_load %arg9[%swap3A_368, %swap3A_369] {strides = array<i32>} : memref<2x4096xf32, #tpu.memory_space<vmem>>, vector<16xf32>,
        tpu.vector_store %arg9[%swap3A_368, %swap3A_369], %gather3A_364 {strides = array<i32>} : memref<2x4096xf32, #tpu.memory_space<vmem>>, vector<16xf32>,
        %scan3A_371 = arith.constant 3 : i32
        %scan3A_372 = arith.addi %scan3A_318, %scan3A_371 : i32
        %mul3A_373 = arith.constant 1 : i32
        %mul3A_374 = arith.muli %scan3A_372, %mul3A_373 : i32
        %add3A_375 = arith.constant 0 : i32
        %add3A_376 = arith.addi %add3A_375, %mul3A_374 : i32
        %mul3A_377 = arith.constant 16 : i32
        %mul3A_378 = arith.muli %add3A_376, %mul3A_377 : i32
        %add3A_379 = arith.constant 8192 : i32
        %add3A_380 = arith.addi %add3A_379, %mul3A_378 : i32
        %get3A_381 = arith.index_cast %add3A_380 : i32 to index
        %get3A_382 = tpu.vector_load %arg8[%get3A_381] {strides = array<i32>} : memref<16384xi32, #tpu.memory_space<vmem>>, vector<16xi32>,
        %gather3A_383 = tpu.vector_load_idx %arg7[%get3A_382] : memref<100000xf32, #tpu.memory_space<vmem>>[vector<16xi32>], vector<16xf32>,
        %mul3A_384 = arith.constant 16 : i32
        %mul3A_385 = arith.muli %add3A_376, %mul3A_384 : i32
        %swap3A_386 = arith.constant 0 : i32
        %swap3A_387 = arith.index_cast %swap3A_386 : i32 to index
        %swap3A_388 = arith.index_cast %mul3A_385 : i32 to index
        %swap3A_389 = tpu.vector_load %arg9[%swap3A_387, %swap3A_388] {strides = array<i32>} : memref<2x4096xf32, #tpu.memory_space<vmem>>, vector<16xf32>,
        tpu.vector_store %arg9[%swap3A_387, %swap3A_388], %gather3A_383 {strides = array<i32>} : memref<2x4096xf32, #tpu.memory_space<vmem>>, vector<16xf32>,
        %scan3A_390 = arith.constant 4 : i32
        %scan3A_391 = arith.addi %scan3A_318, %scan3A_390 : i32
        %mul3A_392 = arith.constant 1 : i32
        %mul3A_393 = arith.muli %scan3A_391, %mul3A_392 : i32
        %add3A_394 = arith.constant 0 : i32
        %add3A_395 = arith.addi %add3A_394, %mul3A_393 : i32
        %mul3A_396 = arith.constant 16 : i32
        %mul3A_397 = arith.muli %add3A_395, %mul3A_396 : i32
        %add3A_398 = arith.constant 8192 : i32
        %add3A_399 = arith.addi %add3A_398, %mul3A_397 : i32
        %get3A_400 = arith.index_cast %add3A_399 : i32 to index
        %get3A_401 = tpu.vector_load %arg8[%get3A_400] {strides = array<i32>} : memref<16384xi32, #tpu.memory_space<vmem>>, vector<16xi32>,
        %gather3A_402 = tpu.vector_load_idx %arg7[%get3A_401] : memref<100000xf32, #tpu.memory_space<vmem>>[vector<16xi32>], vector<16xf32>,
        %mul3A_403 = arith.constant 16 : i32
        %mul3A_404 = arith.muli %add3A_395, %mul3A_403 : i32
        %swap3A_405 = arith.constant 0 : i32
        %swap3A_406 = arith.index_cast %swap3A_405 : i32 to index
        %swap3A_407 = arith.index_cast %mul3A_404 : i32 to index
        %swap3A_408 = tpu.vector_load %arg9[%swap3A_406, %swap3A_407] {strides = array<i32>} : memref<2x4096xf32, #tpu.memory_space<vmem>>, vector<16xf32>,
        tpu.vector_store %arg9[%swap3A_406, %swap3A_407], %gather3A_402 {strides = array<i32>} : memref<2x4096xf32, #tpu.memory_space<vmem>>, vector<16xf32>,
        %scan3A_409 = arith.constant 5 : i32
        %scan3A_410 = arith.addi %scan3A_318, %scan3A_409 : i32
        %mul3A_411 = arith.constant 1 : i32
        %mul3A_412 = arith.muli %scan3A_410, %mul3A_411 : i32
        %add3A_413 = arith.constant 0 : i32
        %add3A_414 = arith.addi %add3A_413, %mul3A_412 : i32
        %mul3A_415 = arith.constant 16 : i32
        %mul3A_416 = arith.muli %add3A_414, %mul3A_415 : i32
        %add3A_417 = arith.constant 8192 : i32
        %add3A_418 = arith.addi %add3A_417, %mul3A_416 : i32
        %get3A_419 = arith.index_cast %add3A_418 : i32 to index
        %get3A_420 = tpu.vector_load %arg8[%get3A_419] {strides = array<i32>} : memref<16384xi32, #tpu.memory_space<vmem>>, vector<16xi32>,
        %gather3A_421 = tpu.vector_load_idx %arg7[%get3A_420] : memref<100000xf32, #tpu.memory_space<vmem>>[vector<16xi32>], vector<16xf32>,
        %mul3A_422 = arith.constant 16 : i32
        %mul3A_423 = arith.muli %add3A_414, %mul3A_422 : i32
        %swap3A_424 = arith.constant 0 : i32
        %swap3A_425 = arith.index_cast %swap3A_424 : i32 to index
        %swap3A_426 = arith.index_cast %mul3A_423 : i32 to index
        %swap3A_427 = tpu.vector_load %arg9[%swap3A_425, %swap3A_426] {strides = array<i32>} : memref<2x4096xf32, #tpu.memory_space<vmem>>, vector<16xf32>,
        tpu.vector_store %arg9[%swap3A_425, %swap3A_426], %gather3A_421 {strides = array<i32>} : memref<2x4096xf32, #tpu.memory_space<vmem>>, vector<16xf32>,
        %scan3A_428 = arith.constant 6 : i32
        %scan3A_429 = arith.addi %scan3A_318, %scan3A_428 : i32
        %mul3A_430 = arith.constant 1 : i32
        %mul3A_431 = arith.muli %scan3A_429, %mul3A_430 : i32
        %add3A_432 = arith.constant 0 : i32
        %add3A_433 = arith.addi %add3A_432, %mul3A_431 : i32
        %mul3A_434 = arith.constant 16 : i32
        %mul3A_435 = arith.muli %add3A_433, %mul3A_434 : i32
        %add3A_436 = arith.constant 8192 : i32
        %add3A_437 = arith.addi %add3A_436, %mul3A_435 : i32
        %get3A_438 = arith.index_cast %add3A_437 : i32 to index
        %get3A_439 = tpu.vector_load %arg8[%get3A_438] {strides = array<i32>} : memref<16384xi32, #tpu.memory_space<vmem>>, vector<16xi32>,
        %gather3A_440 = tpu.vector_load_idx %arg7[%get3A_439] : memref<100000xf32, #tpu.memory_space<vmem>>[vector<16xi32>], vector<16xf32>,
        %mul3A_441 = arith.constant 16 : i32
        %mul3A_442 = arith.muli %add3A_433, %mul3A_441 : i32
        %swap3A_443 = arith.constant 0 : i32
        %swap3A_444 = arith.index_cast %swap3A_443 : i32 to index
        %swap3A_445 = arith.index_cast %mul3A_442 : i32 to index
        %swap3A_446 = tpu.vector_load %arg9[%swap3A_444, %swap3A_445] {strides = array<i32>} : memref<2x4096xf32, #tpu.memory_space<vmem>>, vector<16xf32>,
        tpu.vector_store %arg9[%swap3A_444, %swap3A_445], %gather3A_440 {strides = array<i32>} : memref<2x4096xf32, #tpu.memory_space<vmem>>, vector<16xf32>,
        %scan3A_447 = arith.constant 7 : i32
        %scan3A_448 = arith.addi %scan3A_318, %scan3A_447 : i32
        %mul3A_449 = arith.constant 1 : i32
        %mul3A_450 = arith.muli %scan3A_448, %mul3A_449 : i32
        %add3A_451 = arith.constant 0 : i32
        %add3A_452 = arith.addi %add3A_451, %mul3A_450 : i32
        %mul3A_453 = arith.constant 16 : i32
        %mul3A_454 = arith.muli %add3A_452, %mul3A_453 : i32
        %add3A_455 = arith.constant 8192 : i32
        %add3A_456 = arith.addi %add3A_455, %mul3A_454 : i32
        %get3A_457 = arith.index_cast %add3A_456 : i32 to index
        %get3A_458 = tpu.vector_load %arg8[%get3A_457] {strides = array<i32>} : memref<16384xi32, #tpu.memory_space<vmem>>, vector<16xi32>,
        %gather3A_459 = tpu.vector_load_idx %arg7[%get3A_458] : memref<100000xf32, #tpu.memory_space<vmem>>[vector<16xi32>], vector<16xf32>,
        %mul3A_460 = arith.constant 16 : i32
        %mul3A_461 = arith.muli %add3A_452, %mul3A_460 : i32
        %swap3A_462 = arith.constant 0 : i32
        %swap3A_463 = arith.index_cast %swap3A_462 : i32 to index
        %swap3A_464 = arith.index_cast %mul3A_461 : i32 to index
        %swap3A_465 = tpu.vector_load %arg9[%swap3A_463, %swap3A_464] {strides = array<i32>} : memref<2x4096xf32, #tpu.memory_space<vmem>>, vector<16xf32>,
        tpu.vector_store %arg9[%swap3A_463, %swap3A_464], %gather3A_459 {strides = array<i32>} : memref<2x4096xf32, #tpu.memory_space<vmem>>, vector<16xf32>,
      }
      %scan3A_242 = arith.constant 256 : i32
      %dma_start3A_243 = arith.constant 0 : i32
      %dma_start3A_244 = arith.constant 1 : i32
      %dma_start3A_245 = arith.constant 0 : i32
      %dma_start3A_246 = tpu.memref_slice %arg9[%dma_start3A_243, %dma_start3A_245] : memref<2x4096xf32, #tpu.memory_space<vmem>> -> memref<1x4096xf32, #tpu.memory_space<vmem>>
      %dma_start3A_247 = tpu.memref_squeeze %dma_start3A_246 : memref<1x4096xf32, #tpu.memory_space<vmem>> -> memref<4096xf32, #tpu.memory_space<vmem>>
      %dma_start3A_248 = arith.constant 8192 : i32
      %dma_start3A_249 = tpu.memref_slice %arg6[%dma_start3A_244, %add3A_147, %dma_start3A_248] : memref<2x32x16384xf32, #tpu.memory_space<hbm>> -> memref<1x1x4096xf32, #tpu.memory_space<hbm>>
      %dma_start3A_250 = tpu.memref_squeeze %dma_start3A_249 : memref<1x1x4096xf32, #tpu.memory_space<hbm>> -> memref<4096xf32, #tpu.memory_space<hbm>>
      %dma_start3A_251 = arith.constant 8192 : i32
      %dma_start3A_252 = tpu.memref_slice %arg6[%dma_start3A_244, %add3A_147, %dma_start3A_251] : memref<2x32x16384xf32, #tpu.memory_space<hbm>> -> memref<1x1x4096xf32, #tpu.memory_space<hbm>>
      %dma_start3A_253 = tpu.memref_squeeze %dma_start3A_252 : memref<1x1x4096xf32, #tpu.memory_space<hbm>> -> memref<4096xf32, #tpu.memory_space<hbm>>
      %dma_start3A_254 = arith.constant 0 : i32
      %dma_start3A_255 = tpu.memref_slice %arg9[%dma_start3A_243, %dma_start3A_254] : memref<2x4096xf32, #tpu.memory_space<vmem>> -> memref<1x4096xf32, #tpu.memory_space<vmem>>
      %dma_start3A_256 = tpu.memref_squeeze %dma_start3A_255 : memref<1x4096xf32, #tpu.memory_space<vmem>> -> memref<4096xf32, #tpu.memory_space<vmem>>
      tpu.enqueue_dma source(%dma_start3A_256 : memref<4096xf32, #tpu.memory_space<vmem>>) target(%dma_start3A_253 : memref<4096xf32, #tpu.memory_space<hbm>>) target_semaphore(%arg12 : memref<!tpu.dma_semaphore, #tpu.memory_space<semaphore_mem>>)
      %dma_wait3A_257 = arith.constant 1 : i32
      %dma_wait3A_258 = arith.constant 1 : i32
      %dma_wait3A_259 = arith.constant 0 : i32
      %dma_wait3A_260 = tpu.memref_slice %arg9[%dma_wait3A_257, %dma_wait3A_259] : memref<2x4096xf32, #tpu.memory_space<vmem>> -> memref<1x4096xf32, #tpu.memory_space<vmem>>
      %dma_wait3A_261 = tpu.memref_squeeze %dma_wait3A_260 : memref<1x4096xf32, #tpu.memory_space<vmem>> -> memref<4096xf32, #tpu.memory_space<vmem>>
      %dma_wait3A_262 = arith.constant 4096 : i32
      %dma_wait3A_263 = tpu.memref_slice %arg6[%dma_wait3A_258, %add3A_147, %dma_wait3A_262] : memref<2x32x16384xf32, #tpu.memory_space<hbm>> -> memref<1x1x4096xf32, #tpu.memory_space<hbm>>
      %dma_wait3A_264 = tpu.memref_squeeze %dma_wait3A_263 : memref<1x1x4096xf32, #tpu.memory_space<hbm>> -> memref<4096xf32, #tpu.memory_space<hbm>>
      %dma_wait3A_265 = arith.constant 4096 : i32
      %dma_wait3A_266 = tpu.memref_slice %arg6[%dma_wait3A_258, %add3A_147, %dma_wait3A_265] : memref<2x32x16384xf32, #tpu.memory_space<hbm>> -> memref<1x1x4096xf32, #tpu.memory_space<hbm>>
      %dma_wait3A_267 = tpu.memref_squeeze %dma_wait3A_266 : memref<1x1x4096xf32, #tpu.memory_space<hbm>> -> memref<4096xf32, #tpu.memory_space<hbm>>
      %dma_wait3A_268 = arith.constant 0 : i32
      %dma_wait3A_269 = tpu.memref_slice %arg9[%dma_wait3A_257, %dma_wait3A_268] : memref<2x4096xf32, #tpu.memory_space<vmem>> -> memref<1x4096xf32, #tpu.memory_space<vmem>>
      %dma_wait3A_270 = tpu.memref_squeeze %dma_wait3A_269 : memref<1x4096xf32, #tpu.memory_space<vmem>> -> memref<4096xf32, #tpu.memory_space<vmem>>
      tpu.wait_dma2 semaphore(%arg12 : memref<!tpu.dma_semaphore, #tpu.memory_space<semaphore_mem>>) src(%dma_wait3A_270 : memref<4096xf32, #tpu.memory_space<vmem>>) dst(%dma_wait3A_267 : memref<4096xf32, #tpu.memory_space<hbm>>)
      %scan3A_271 = arith.constant 0 : i32
      %scan3A_272 = arith.constant 256 : i32
      %scan3A_273 = arith.addi %scan3A_271, %scan3A_272 : i32
      %scan3A_274 = arith.constant 8 : i32
      scf.for %scan3A_318 = %scan3A_271 to %scan3A_273 step %scan3A_274  : i32 {
        %mul3A_319 = arith.constant 1 : i32
        %mul3A_320 = arith.muli %scan3A_318, %mul3A_319 : i32
        %add3A_321 = arith.constant 0 : i32
        %add3A_322 = arith.addi %add3A_321, %mul3A_320 : i32
        %mul3A_323 = arith.constant 16 : i32
        %mul3A_324 = arith.muli %add3A_322, %mul3A_323 : i32
        %add3A_325 = arith.constant 12288 : i32
        %add3A_326 = arith.addi %add3A_325, %mul3A_324 : i32
        %get3A = arith.index_cast %add3A_326 : i32 to index
        %get3A_327 = tpu.vector_load %arg8[%get3A] {strides = array<i32>} : memref<16384xi32, #tpu.memory_space<vmem>>, vector<16xi32>,
        %gather3A = tpu.vector_load_idx %arg7[%get3A_327] : memref<100000xf32, #tpu.memory_space<vmem>>[vector<16xi32>], vector<16xf32>,
        %mul3A_328 = arith.constant 16 : i32
        %mul3A_329 = arith.muli %add3A_322, %mul3A_328 : i32
        %swap3A = arith.constant 1 : i32
        %swap3A_330 = arith.index_cast %swap3A : i32 to index
        %swap3A_331 = arith.index_cast %mul3A_329 : i32 to index
        %swap3A_332 = tpu.vector_load %arg9[%swap3A_330, %swap3A_331] {strides = array<i32>} : memref<2x4096xf32, #tpu.memory_space<vmem>>, vector<16xf32>,
        tpu.vector_store %arg9[%swap3A_330, %swap3A_331], %gather3A {strides = array<i32>} : memref<2x4096xf32, #tpu.memory_space<vmem>>, vector<16xf32>,
        %scan3A_333 = arith.constant 1 : i32
        %scan3A_334 = arith.addi %scan3A_318, %scan3A_333 : i32
        %mul3A_335 = arith.constant 1 : i32
        %mul3A_336 = arith.muli %scan3A_334, %mul3A_335 : i32
        %add3A_337 = arith.constant 0 : i32
        %add3A_338 = arith.addi %add3A_337, %mul3A_336 : i32
        %mul3A_339 = arith.constant 16 : i32
        %mul3A_340 = arith.muli %add3A_338, %mul3A_339 : i32
        %add3A_341 = arith.constant 12288 : i32
        %add3A_342 = arith.addi %add3A_341, %mul3A_340 : i32
        %get3A_343 = arith.index_cast %add3A_342 : i32 to index
        %get3A_344 = tpu.vector_load %arg8[%get3A_343] {strides = array<i32>} : memref<16384xi32, #tpu.memory_space<vmem>>, vector<16xi32>,
        %gather3A_345 = tpu.vector_load_idx %arg7[%get3A_344] : memref<100000xf32, #tpu.memory_space<vmem>>[vector<16xi32>], vector<16xf32>,
        %mul3A_346 = arith.constant 16 : i32
        %mul3A_347 = arith.muli %add3A_338, %mul3A_346 : i32
        %swap3A_348 = arith.constant 1 : i32
        %swap3A_349 = arith.index_cast %swap3A_348 : i32 to index
        %swap3A_350 = arith.index_cast %mul3A_347 : i32 to index
        %swap3A_351 = tpu.vector_load %arg9[%swap3A_349, %swap3A_350] {strides = array<i32>} : memref<2x4096xf32, #tpu.memory_space<vmem>>, vector<16xf32>,
        tpu.vector_store %arg9[%swap3A_349, %swap3A_350], %gather3A_345 {strides = array<i32>} : memref<2x4096xf32, #tpu.memory_space<vmem>>, vector<16xf32>,
        %scan3A_352 = arith.constant 2 : i32
        %scan3A_353 = arith.addi %scan3A_318, %scan3A_352 : i32
        %mul3A_354 = arith.constant 1 : i32
        %mul3A_355 = arith.muli %scan3A_353, %mul3A_354 : i32
        %add3A_356 = arith.constant 0 : i32
        %add3A_357 = arith.addi %add3A_356, %mul3A_355 : i32
        %mul3A_358 = arith.constant 16 : i32
        %mul3A_359 = arith.muli %add3A_357, %mul3A_358 : i32
        %add3A_360 = arith.constant 12288 : i32
        %add3A_361 = arith.addi %add3A_360, %mul3A_359 : i32
        %get3A_362 = arith.index_cast %add3A_361 : i32 to index
        %get3A_363 = tpu.vector_load %arg8[%get3A_362] {strides = array<i32>} : memref<16384xi32, #tpu.memory_space<vmem>>, vector<16xi32>,
        %gather3A_364 = tpu.vector_load_idx %arg7[%get3A_363] : memref<100000xf32, #tpu.memory_space<vmem>>[vector<16xi32>], vector<16xf32>,
        %mul3A_365 = arith.constant 16 : i32
        %mul3A_366 = arith.muli %add3A_357, %mul3A_365 : i32
        %swap3A_367 = arith.constant 1 : i32
        %swap3A_368 = arith.index_cast %swap3A_367 : i32 to index
        %swap3A_369 = arith.index_cast %mul3A_366 : i32 to index
        %swap3A_370 = tpu.vector_load %arg9[%swap3A_368, %swap3A_369] {strides = array<i32>} : memref<2x4096xf32, #tpu.memory_space<vmem>>, vector<16xf32>,
        tpu.vector_store %arg9[%swap3A_368, %swap3A_369], %gather3A_364 {strides = array<i32>} : memref<2x4096xf32, #tpu.memory_space<vmem>>, vector<16xf32>,
        %scan3A_371 = arith.constant 3 : i32
        %scan3A_372 = arith.addi %scan3A_318, %scan3A_371 : i32
        %mul3A_373 = arith.constant 1 : i32
        %mul3A_374 = arith.muli %scan3A_372, %mul3A_373 : i32
        %add3A_375 = arith.constant 0 : i32
        %add3A_376 = arith.addi %add3A_375, %mul3A_374 : i32
        %mul3A_377 = arith.constant 16 : i32
        %mul3A_378 = arith.muli %add3A_376, %mul3A_377 : i32
        %add3A_379 = arith.constant 12288 : i32
        %add3A_380 = arith.addi %add3A_379, %mul3A_378 : i32
        %get3A_381 = arith.index_cast %add3A_380 : i32 to index
        %get3A_382 = tpu.vector_load %arg8[%get3A_381] {strides = array<i32>} : memref<16384xi32, #tpu.memory_space<vmem>>, vector<16xi32>,
        %gather3A_383 = tpu.vector_load_idx %arg7[%get3A_382] : memref<100000xf32, #tpu.memory_space<vmem>>[vector<16xi32>], vector<16xf32>,
        %mul3A_384 = arith.constant 16 : i32
        %mul3A_385 = arith.muli %add3A_376, %mul3A_384 : i32
        %swap3A_386 = arith.constant 1 : i32
        %swap3A_387 = arith.index_cast %swap3A_386 : i32 to index
        %swap3A_388 = arith.index_cast %mul3A_385 : i32 to index
        %swap3A_389 = tpu.vector_load %arg9[%swap3A_387, %swap3A_388] {strides = array<i32>} : memref<2x4096xf32, #tpu.memory_space<vmem>>, vector<16xf32>,
        tpu.vector_store %arg9[%swap3A_387, %swap3A_388], %gather3A_383 {strides = array<i32>} : memref<2x4096xf32, #tpu.memory_space<vmem>>, vector<16xf32>,
        %scan3A_390 = arith.constant 4 : i32
        %scan3A_391 = arith.addi %scan3A_318, %scan3A_390 : i32
        %mul3A_392 = arith.constant 1 : i32
        %mul3A_393 = arith.muli %scan3A_391, %mul3A_392 : i32
        %add3A_394 = arith.constant 0 : i32
        %add3A_395 = arith.addi %add3A_394, %mul3A_393 : i32
        %mul3A_396 = arith.constant 16 : i32
        %mul3A_397 = arith.muli %add3A_395, %mul3A_396 : i32
        %add3A_398 = arith.constant 12288 : i32
        %add3A_399 = arith.addi %add3A_398, %mul3A_397 : i32
        %get3A_400 = arith.index_cast %add3A_399 : i32 to index
        %get3A_401 = tpu.vector_load %arg8[%get3A_400] {strides = array<i32>} : memref<16384xi32, #tpu.memory_space<vmem>>, vector<16xi32>,
        %gather3A_402 = tpu.vector_load_idx %arg7[%get3A_401] : memref<100000xf32, #tpu.memory_space<vmem>>[vector<16xi32>], vector<16xf32>,
        %mul3A_403 = arith.constant 16 : i32
        %mul3A_404 = arith.muli %add3A_395, %mul3A_403 : i32
        %swap3A_405 = arith.constant 1 : i32
        %swap3A_406 = arith.index_cast %swap3A_405 : i32 to index
        %swap3A_407 = arith.index_cast %mul3A_404 : i32 to index
        %swap3A_408 = tpu.vector_load %arg9[%swap3A_406, %swap3A_407] {strides = array<i32>} : memref<2x4096xf32, #tpu.memory_space<vmem>>, vector<16xf32>,
        tpu.vector_store %arg9[%swap3A_406, %swap3A_407], %gather3A_402 {strides = array<i32>} : memref<2x4096xf32, #tpu.memory_space<vmem>>, vector<16xf32>,
        %scan3A_409 = arith.constant 5 : i32
        %scan3A_410 = arith.addi %scan3A_318, %scan3A_409 : i32
        %mul3A_411 = arith.constant 1 : i32
        %mul3A_412 = arith.muli %scan3A_410, %mul3A_411 : i32
        %add3A_413 = arith.constant 0 : i32
        %add3A_414 = arith.addi %add3A_413, %mul3A_412 : i32
        %mul3A_415 = arith.constant 16 : i32
        %mul3A_416 = arith.muli %add3A_414, %mul3A_415 : i32
        %add3A_417 = arith.constant 12288 : i32
        %add3A_418 = arith.addi %add3A_417, %mul3A_416 : i32
        %get3A_419 = arith.index_cast %add3A_418 : i32 to index
        %get3A_420 = tpu.vector_load %arg8[%get3A_419] {strides = array<i32>} : memref<16384xi32, #tpu.memory_space<vmem>>, vector<16xi32>,
        %gather3A_421 = tpu.vector_load_idx %arg7[%get3A_420] : memref<100000xf32, #tpu.memory_space<vmem>>[vector<16xi32>], vector<16xf32>,
        %mul3A_422 = arith.constant 16 : i32
        %mul3A_423 = arith.muli %add3A_414, %mul3A_422 : i32
        %swap3A_424 = arith.constant 1 : i32
        %swap3A_425 = arith.index_cast %swap3A_424 : i32 to index
        %swap3A_426 = arith.index_cast %mul3A_423 : i32 to index
        %swap3A_427 = tpu.vector_load %arg9[%swap3A_425, %swap3A_426] {strides = array<i32>} : memref<2x4096xf32, #tpu.memory_space<vmem>>, vector<16xf32>,
        tpu.vector_store %arg9[%swap3A_425, %swap3A_426], %gather3A_421 {strides = array<i32>} : memref<2x4096xf32, #tpu.memory_space<vmem>>, vector<16xf32>,
        %scan3A_428 = arith.constant 6 : i32
        %scan3A_429 = arith.addi %scan3A_318, %scan3A_428 : i32
        %mul3A_430 = arith.constant 1 : i32
        %mul3A_431 = arith.muli %scan3A_429, %mul3A_430 : i32
        %add3A_432 = arith.constant 0 : i32
        %add3A_433 = arith.addi %add3A_432, %mul3A_431 : i32
        %mul3A_434 = arith.constant 16 : i32
        %mul3A_435 = arith.muli %add3A_433, %mul3A_434 : i32
        %add3A_436 = arith.constant 12288 : i32
        %add3A_437 = arith.addi %add3A_436, %mul3A_435 : i32
        %get3A_438 = arith.index_cast %add3A_437 : i32 to index
        %get3A_439 = tpu.vector_load %arg8[%get3A_438] {strides = array<i32>} : memref<16384xi32, #tpu.memory_space<vmem>>, vector<16xi32>,
        %gather3A_440 = tpu.vector_load_idx %arg7[%get3A_439] : memref<100000xf32, #tpu.memory_space<vmem>>[vector<16xi32>], vector<16xf32>,
        %mul3A_441 = arith.constant 16 : i32
        %mul3A_442 = arith.muli %add3A_433, %mul3A_441 : i32
        %swap3A_443 = arith.constant 1 : i32
        %swap3A_444 = arith.index_cast %swap3A_443 : i32 to index
        %swap3A_445 = arith.index_cast %mul3A_442 : i32 to index
        %swap3A_446 = tpu.vector_load %arg9[%swap3A_444, %swap3A_445] {strides = array<i32>} : memref<2x4096xf32, #tpu.memory_space<vmem>>, vector<16xf32>,
        tpu.vector_store %arg9[%swap3A_444, %swap3A_445], %gather3A_440 {strides = array<i32>} : memref<2x4096xf32, #tpu.memory_space<vmem>>, vector<16xf32>,
        %scan3A_447 = arith.constant 7 : i32
        %scan3A_448 = arith.addi %scan3A_318, %scan3A_447 : i32
        %mul3A_449 = arith.constant 1 : i32
        %mul3A_450 = arith.muli %scan3A_448, %mul3A_449 : i32
        %add3A_451 = arith.constant 0 : i32
        %add3A_452 = arith.addi %add3A_451, %mul3A_450 : i32
        %mul3A_453 = arith.constant 16 : i32
        %mul3A_454 = arith.muli %add3A_452, %mul3A_453 : i32
        %add3A_455 = arith.constant 12288 : i32
        %add3A_456 = arith.addi %add3A_455, %mul3A_454 : i32
        %get3A_457 = arith.index_cast %add3A_456 : i32 to index
        %get3A_458 = tpu.vector_load %arg8[%get3A_457] {strides = array<i32>} : memref<16384xi32, #tpu.memory_space<vmem>>, vector<16xi32>,
        %gather3A_459 = tpu.vector_load_idx %arg7[%get3A_458] : memref<100000xf32, #tpu.memory_space<vmem>>[vector<16xi32>], vector<16xf32>,
        %mul3A_460 = arith.constant 16 : i32
        %mul3A_461 = arith.muli %add3A_452, %mul3A_460 : i32
        %swap3A_462 = arith.constant 1 : i32
        %swap3A_463 = arith.index_cast %swap3A_462 : i32 to index
        %swap3A_464 = arith.index_cast %mul3A_461 : i32 to index
        %swap3A_465 = tpu.vector_load %arg9[%swap3A_463, %swap3A_464] {strides = array<i32>} : memref<2x4096xf32, #tpu.memory_space<vmem>>, vector<16xf32>,
        tpu.vector_store %arg9[%swap3A_463, %swap3A_464], %gather3A_459 {strides = array<i32>} : memref<2x4096xf32, #tpu.memory_space<vmem>>, vector<16xf32>,
      }
      %scan3A_275 = arith.constant 256 : i32
      %dma_start3A_276 = arith.constant 1 : i32
      %dma_start3A_277 = arith.constant 1 : i32
      %dma_start3A_278 = arith.constant 0 : i32
      %dma_start3A_279 = tpu.memref_slice %arg9[%dma_start3A_276, %dma_start3A_278] : memref<2x4096xf32, #tpu.memory_space<vmem>> -> memref<1x4096xf32, #tpu.memory_space<vmem>>
      %dma_start3A_280 = tpu.memref_squeeze %dma_start3A_279 : memref<1x4096xf32, #tpu.memory_space<vmem>> -> memref<4096xf32, #tpu.memory_space<vmem>>
      %dma_start3A_281 = arith.constant 12288 : i32
      %dma_start3A_282 = tpu.memref_slice %arg6[%dma_start3A_277, %add3A_147, %dma_start3A_281] : memref<2x32x16384xf32, #tpu.memory_space<hbm>> -> memref<1x1x4096xf32, #tpu.memory_space<hbm>>
      %dma_start3A_283 = tpu.memref_squeeze %dma_start3A_282 : memref<1x1x4096xf32, #tpu.memory_space<hbm>> -> memref<4096xf32, #tpu.memory_space<hbm>>
      %dma_start3A_284 = arith.constant 12288 : i32
      %dma_start3A_285 = tpu.memref_slice %arg6[%dma_start3A_277, %add3A_147, %dma_start3A_284] : memref<2x32x16384xf32, #tpu.memory_space<hbm>> -> memref<1x1x4096xf32, #tpu.memory_space<hbm>>
      %dma_start3A_286 = tpu.memref_squeeze %dma_start3A_285 : memref<1x1x4096xf32, #tpu.memory_space<hbm>> -> memref<4096xf32, #tpu.memory_space<hbm>>
      %dma_start3A_287 = arith.constant 0 : i32
      %dma_start3A_288 = tpu.memref_slice %arg9[%dma_start3A_276, %dma_start3A_287] : memref<2x4096xf32, #tpu.memory_space<vmem>> -> memref<1x4096xf32, #tpu.memory_space<vmem>>
      %dma_start3A_289 = tpu.memref_squeeze %dma_start3A_288 : memref<1x4096xf32, #tpu.memory_space<vmem>> -> memref<4096xf32, #tpu.memory_space<vmem>>
      tpu.enqueue_dma source(%dma_start3A_289 : memref<4096xf32, #tpu.memory_space<vmem>>) target(%dma_start3A_286 : memref<4096xf32, #tpu.memory_space<hbm>>) target_semaphore(%arg12 : memref<!tpu.dma_semaphore, #tpu.memory_space<semaphore_mem>>)
      %dma_wait3A_290 = arith.constant 0 : i32
      %dma_wait3A_291 = arith.constant 1 : i32
      %dma_wait3A_292 = arith.constant 0 : i32
      %dma_wait3A_293 = tpu.memref_slice %arg9[%dma_wait3A_290, %dma_wait3A_292] : memref<2x4096xf32, #tpu.memory_space<vmem>> -> memref<1x4096xf32, #tpu.memory_space<vmem>>
      %dma_wait3A_294 = tpu.memref_squeeze %dma_wait3A_293 : memref<1x4096xf32, #tpu.memory_space<vmem>> -> memref<4096xf32, #tpu.memory_space<vmem>>
      %dma_wait3A_295 = arith.constant 8192 : i32
      %dma_wait3A_296 = tpu.memref_slice %arg6[%dma_wait3A_291, %add3A_147, %dma_wait3A_295] : memref<2x32x16384xf32, #tpu.memory_space<hbm>> -> memref<1x1x4096xf32, #tpu.memory_space<hbm>>
      %dma_wait3A_297 = tpu.memref_squeeze %dma_wait3A_296 : memref<1x1x4096xf32, #tpu.memory_space<hbm>> -> memref<4096xf32, #tpu.memory_space<hbm>>
      %dma_wait3A_298 = arith.constant 8192 : i32
      %dma_wait3A_299 = tpu.memref_slice %arg6[%dma_wait3A_291, %add3A_147, %dma_wait3A_298] : memref<2x32x16384xf32, #tpu.memory_space<hbm>> -> memref<1x1x4096xf32, #tpu.memory_space<hbm>>
      %dma_wait3A_300 = tpu.memref_squeeze %dma_wait3A_299 : memref<1x1x4096xf32, #tpu.memory_space<hbm>> -> memref<4096xf32, #tpu.memory_space<hbm>>
      %dma_wait3A_301 = arith.constant 0 : i32
      %dma_wait3A_302 = tpu.memref_slice %arg9[%dma_wait3A_290, %dma_wait3A_301] : memref<2x4096xf32, #tpu.memory_space<vmem>> -> memref<1x4096xf32, #tpu.memory_space<vmem>>
      %dma_wait3A_303 = tpu.memref_squeeze %dma_wait3A_302 : memref<1x4096xf32, #tpu.memory_space<vmem>> -> memref<4096xf32, #tpu.memory_space<vmem>>
      tpu.wait_dma2 semaphore(%arg12 : memref<!tpu.dma_semaphore, #tpu.memory_space<semaphore_mem>>) src(%dma_wait3A_303 : memref<4096xf32, #tpu.memory_space<vmem>>) dst(%dma_wait3A_300 : memref<4096xf32, #tpu.memory_space<hbm>>)
      %dma_wait3A_304 = arith.constant 1 : i32
      %dma_wait3A_305 = arith.constant 1 : i32
      %dma_wait3A_306 = arith.constant 0 : i32
      %dma_wait3A_307 = tpu.memref_slice %arg9[%dma_wait3A_304, %dma_wait3A_306] : memref<2x4096xf32, #tpu.memory_space<vmem>> -> memref<1x4096xf32, #tpu.memory_space<vmem>>
      %dma_wait3A_308 = tpu.memref_squeeze %dma_wait3A_307 : memref<1x4096xf32, #tpu.memory_space<vmem>> -> memref<4096xf32, #tpu.memory_space<vmem>>
      %dma_wait3A_309 = arith.constant 12288 : i32
      %dma_wait3A_310 = tpu.memref_slice %arg6[%dma_wait3A_305, %add3A_147, %dma_wait3A_309] : memref<2x32x16384xf32, #tpu.memory_space<hbm>> -> memref<1x1x4096xf32, #tpu.memory_space<hbm>>
      %dma_wait3A_311 = tpu.memref_squeeze %dma_wait3A_310 : memref<1x1x4096xf32, #tpu.memory_space<hbm>> -> memref<4096xf32, #tpu.memory_space<hbm>>
      %dma_wait3A_312 = arith.constant 12288 : i32
      %dma_wait3A_313 = tpu.memref_slice %arg6[%dma_wait3A_305, %add3A_147, %dma_wait3A_312] : memref<2x32x16384xf32, #tpu.memory_space<hbm>> -> memref<1x1x4096xf32, #tpu.memory_space<hbm>>
      %dma_wait3A_314 = tpu.memref_squeeze %dma_wait3A_313 : memref<1x1x4096xf32, #tpu.memory_space<hbm>> -> memref<4096xf32, #tpu.memory_space<hbm>>
      %dma_wait3A_315 = arith.constant 0 : i32
      %dma_wait3A_316 = tpu.memref_slice %arg9[%dma_wait3A_304, %dma_wait3A_315] : memref<2x4096xf32, #tpu.memory_space<vmem>> -> memref<1x4096xf32, #tpu.memory_space<vmem>>
      %dma_wait3A_317 = tpu.memref_squeeze %dma_wait3A_316 : memref<1x4096xf32, #tpu.memory_space<vmem>> -> memref<4096xf32, #tpu.memory_space<vmem>>
      tpu.wait_dma2 semaphore(%arg12 : memref<!tpu.dma_semaphore, #tpu.memory_space<semaphore_mem>>) src(%dma_wait3A_317 : memref<4096xf32, #tpu.memory_space<vmem>>) dst(%dma_wait3A_314 : memref<4096xf32, #tpu.memory_space<hbm>>)
    } else {
    }
    return
  }
}

</mosaic_0001>

<sc_bundles>
// kernel: kernel.3.cloned.1.call-start
scs
__scs_entry_jumppad:
0x0: {  	(pc) =	sbr.rel $0x88, $3  }
0x1: {  	(tag) =	ssettag $0x0;
	lr =	simm.s32 $0x1  }
0x2: {  	[smem:$0x3F9E] =	sst lr;
	_ =	strace $0xD0000000  }
0x3: {  	_ = 	snop  }
0x4: {  	_ = 	snop  }
0x5: {  	_ = 	snop  }
0x6: {  	_ = 	snop  }
0x7: {  	_ = 	snop  }
__scs_overlays_trampoline_lowered:
0x8: {  	[smem:$0x3FAD] =	sst s0  }
0x9: {  	[smem:$0x3FAE] =	sst s1  }
0xa: {  	[smem:$0x3FAF] =	sst s2  }
0xb: {  	[smem:$0x3FB0] =	sst s3  }
0xc: {  	[smem:$0x3FB1] =	sst s4  }
0xd: {  	[smem:$0x3FB2] =	sst s5  }
0xe: {  	[smem:$0x3FB3] =	sst s6  }
0xf: {  	[smem:$0x3FB4] =	sst s7  }
0x10: {  	[smem:$0x3FB5] =	sst s8  }
0x11: {  	[smem:$0x3FB6] =	sst s9;
	s0 =	simm.s32 @!p0 $0x0  }
0x12: {  	s1 =	sld [smem:$0x3F9C];
	s0 =	simm.s32 @p0 $0x1  }
0x13: {  	[smem:$0x3FB7] =	sst s0;
	s0 =	simm.s32 @!p1 $0x0  }
0x14: {  	s2 =	sld [smem:$0x3F9B];
	s0 =	simm.s32 @p1 $0x1  }
0x15: {  	[smem:$0x3FB8] =	sst s0;
	s0 =	simm.s32 @!p2 $0x0  }
0x16: {  	s3 =	sld [smem:$0x3FDB];
	s0 =	simm.s32 @p2 $0x1  }
0x17: {  	s4 =	simm.s32 $0x1BF5;
	[smem:$0x3FBA] =	sst s0  }
0x18: {  	s0 =	sld [smem:$0x3F9D];
	_ =	swait.ge [sflag:s4], $0x0  }
0x19: {  	s7 =	sld [smem:$0x3F9E]  }
0x1a: {  	s8 =	sadd.s32 $0xFFFFE003, lr  }
0x1b: {  	s9 =	sadd.s32 $0xFFFFFEF7, lr;
	s5 =	simm.s32 $0xFFFFFFFF;
	p2 =	slt.u32 s8, $0xFFFFF086  }
0x1c: {  	p1 =	slt.u32 s9, $0xF7A;
	s5 =	simm.s32 @!p2 $0x0  }
0x1d: {  	s5 =	simm.s32 @p1 $0x1;
	p0 =	seq.s32 s7, s2  }
0x1e: {  	s7 =	smul.u32 @!p0 $0xF7A, s2;
	p2 =	seq.s32 @!p0 s5, $0x0  }
0x1f: {  	s9 =	smul.u32 $0xF7A, s1;
	s8 =	simm.s32 @!p0 $0x1BF5;
	p2 =	por !p2, p0  }
0x20: {  	[sflag:s8] =	ssyncset.s32 @!p0 $0xFFFFF086;
	s6 =	sadd.s32 @!p0 s3, s7;
	s7 =	simm.s32 @!p0 $0x108  }
0x21: {  	s3 =	sadd.s32 s3, s9;
	s6 =	sadd.s32 @!p0 $0x88, s6;
	s7 =	simm.s32 @p2 $0x1082  }
0x22: {  	[simem:s7], [sflag:s8] =	dma.local @!p0 [hbm:s6], $0xF7A  }
0x23: {  	s9 =	sor.u32 $0xD0000000, s2;
	s6 =	simm.s32 $0x108;
	_ =	swait.ge @!p0 [sflag:s8], $0x0  }
0x24: {  	s3 =	sadd.s32 $0x88, s3;
	s6 =	simm.s32 @!p1 $0x1082;
	[sflag:s4] =	ssyncset.s32 $0xFFFFF086  }
0x25: {  	[simem:s6], [sflag:s4] =	dma.local [hbm:s3], $0xF7A  }
0x26: {  	[smem:$0x3F9E] =	sst s1;
	(tag) =	ssettag s2;
	_ =	strace s9  }
0x27: {  	s1 =	sld [smem:$0x3FAE]  }
0x28: {  	s2 =	sld [smem:$0x3FAF]  }
0x29: {  	s4 =	sld [smem:$0x3FB1]  }
0x2a: {  	p0 =	seq.s32 s5, $0x0;
	s5 =	sld [smem:$0x3FB2]  }
0x2b: {  	s6 =	sld [smem:$0x3FB3]  }
0x2c: {  	s7 =	sld [smem:$0x3FB4]  }
0x2d: {  	s3 =	simm.s32 $0x108;
	s8 =	sld [smem:$0x3FB5]  }
0x2e: {  	s3 =	simm.s32 @!p0 $0x1082;
	s9 =	sld [smem:$0x3FB6]  }
0x2f: {  	lr =	sadd.s32 s0, s3;
	s0 =	sld [smem:$0x3FAD]  }
0x30: {  	s3 =	sld [smem:$0x3FB0]  }
0x31: {  	[smem:$0x3FB9] =	sst s10  }
0x32: {  	s10 =	sld [smem:$0x3FB7];
	_ =	sdelay $0x3  }
0x33: {  	p0 =	seq.s32 s10, $0x1;
	s10 =	sld [smem:$0x3FB9];
	_ =	sdelay $0x3  }
0x34: {  	[smem:$0x3FB9] =	sst s10  }
0x35: {  	s10 =	sld [smem:$0x3FB8];
	_ =	sdelay $0x3  }
0x36: {  	p1 =	seq.s32 s10, $0x1;
	s10 =	sld [smem:$0x3FB9];
	_ =	sdelay $0x3  }
0x37: {  	[smem:$0x3FB9] =	sst s10  }
0x38: {  	s10 =	sld [smem:$0x3FBA]  }
0x39: {  	_ = 	snop;
	(pc) =	sbr.ind lr, $3  }
0x3a: {  	_ = 	snop  }
0x3b: {  	_ = 	snop  }
0x3c: {  	p2 =	seq.s32 s10, $0x1;
	s10 =	sld [smem:$0x3FB9]  }
0x3d: {  	_ =	shalt  }
0x3e: {  	_ =	shalt  }
0x3f: {  	_ =	shalt  }
0x40: {  	_ =	shalt  }
0x41: {  	_ =	shalt  }
0x42: {  	_ =	shalt  }
0x43: {  	_ =	shalt  }
0x44: {  	_ =	shalt  }
0x45: {  	_ =	shalt  }
0x46: {  	_ =	shalt  }
0x47: {  	_ =	shalt  }
0x48: {  	_ =	shalt  }
0x49: {  	_ =	shalt  }
0x4a: {  	_ =	shalt  }
0x4b: {  	_ =	shalt  }
0x4c: {  	_ =	shalt  }
0x4d: {  	_ =	shalt  }
0x4e: {  	_ =	shalt  }
0x4f: {  	_ =	shalt  }
0x50: {  	_ =	shalt  }
0x51: {  	_ =	shalt  }
0x52: {  	_ =	shalt  }
0x53: {  	_ =	shalt  }
0x54: {  	_ =	shalt  }
0x55: {  	_ =	shalt  }
0x56: {  	_ =	shalt  }
0x57: {  	_ =	shalt  }
0x58: {  	_ =	shalt  }
0x59: {  	_ =	shalt  }
0x5a: {  	_ =	shalt  }
0x5b: {  	_ =	shalt  }
0x5c: {  	_ =	shalt  }
0x5d: {  	_ =	shalt  }
0x5e: {  	_ =	shalt  }
0x5f: {  	_ =	shalt  }
0x60: {  	_ =	shalt  }
0x61: {  	_ =	shalt  }
0x62: {  	_ =	shalt  }
0x63: {  	_ =	shalt  }
0x64: {  	_ =	shalt  }
0x65: {  	_ =	shalt  }
0x66: {  	_ =	shalt  }
0x67: {  	_ =	shalt  }
0x68: {  	_ =	shalt  }
0x69: {  	_ =	shalt  }
0x6a: {  	_ =	shalt  }
0x6b: {  	_ =	shalt  }
0x6c: {  	_ =	shalt  }
0x6d: {  	_ =	shalt  }
0x6e: {  	_ =	shalt  }
0x6f: {  	_ =	shalt  }
0x70: {  	_ =	shalt  }
0x71: {  	_ =	shalt  }
0x72: {  	_ =	shalt  }
0x73: {  	_ =	shalt  }
0x74: {  	_ =	shalt  }
0x75: {  	_ =	shalt  }
0x76: {  	_ =	shalt  }
0x77: {  	_ =	shalt  }
0x78: {  	_ =	shalt  }
0x79: {  	_ =	shalt  }
0x7a: {  	_ =	shalt  }
0x7b: {  	_ =	shalt  }
0x7c: {  	_ =	shalt  }
0x7d: {  	_ =	shalt  }
0x7e: {  	_ =	shalt  }
0x7f: {  	_ =	shalt  }
0x80: {  	_ =	shalt  }
0x81: {  	_ =	shalt  }
0x82: {  	_ =	shalt  }
0x83: {  	_ =	shalt  }
0x84: {  	_ =	shalt  }
0x85: {  	_ =	shalt  }
0x86: {  	_ =	shalt  }
0x87: {  	_ =	shalt  }
.Lfunc_end0:
.L_simem_size_0:
called_computation_lowered:
.L_overlay_start_0:
0x88: {  	s2 =	sld [smem:$0x3FD9]  }
0x89: {  	s3 =	sld [smem:$0x3FFE];
	_ =	sdelay $0x1  }
0x8a: {  	s1 =	srdreg.scid  }
0x8b: {  	s0 =	sand.u32 $0x1, s1  }
0x8c: {  	s17 =	sshll.u32 s0, $0xA;
	s2 =	sadd.s32 s3, s2  }
0x8d: {  	s2 =	sadd.s32 s2, s17  }
0x8e: {  	[smem:$0x3FC5] =	sst s2  }
0x8f: {  	_ = 	snop  }
0x90: {  	s2 =	sld [smem:$0x3FC8]  }
0x91: {  	s18 =	sld [smem:$0x3FC7]  }
0x92: {  	s4 =	sld [smem:$0x3FD0];
	(tm) =	ssettm $0x1  }
0x93: {  	s5 =	sld [smem:$0x3FFB];
	_ =	sdelay $0x3  }
0x94: {  	_ =	strace s5  }
0x95: {  	s5 =	sld [smem:$0x3FFC];
	_ =	sdelay $0x3  }
0x96: {  	_ =	strace s5  }
0x97: {  	s5 =	sld [smem:$0x3FFD];
	_ =	sdelay $0x3  }
0x98: {  	_ =	strace s5  }
0x99: {  	_ =	strace $0x8FFFFFFF  }
0x9a: {  	s19 =	sld [smem:$0x3FDB];
	_ =	sdelay $0x1  }
0x9b: {  	s6 =	simm.s32 $_scs_section_size  }
0x9c: {  	s7 =	simm.s32 $_size__tile_overlayer_lowered;
	s8 =	simm.s32 $_tile_overlayer_lowered  }
0x9d: {  	s22 =	simm.s32 $0x1BFF;
	s21 =	sshll.u32 s8, $0x1;
	s5 =	sadd.s32 s6, s19  }
0x9e: {  	s9 =	simm.s32 $0x0;
	s20 =	sshll.u32 s7, $0x1;
	s7 =	sadd.s32 s21, s5  }
0x9f: {  	[timem:s9], [sflag:s22] =	dma.local [hbm:s7], s20  }
0xa0: {  	_ =	swait.ge [sflag:s22], s20  }
0xa1: {  	s6 =	ssub.s32 $0x0, s20;
	[sflag:s22] =	ssyncset.done $0x0  }
0xa2: {  	[sflag:s22] =	ssyncadd.s32 s6;
	_ =	sdelay $0x1  }
0xa3: {  	s23 =	simm.s32 $0x1B8B  }
0xa4: {  	_ =	swait.ge [sflag:s23], $0x1  }
0xa5: {  	[sflag:s23] =	ssyncset.done $0x0  }
0xa6: {  	s25 =	simm.s32 $0x1B8E;
	s24 =	sld [smem:$0x3FFE];
	[sflag:s23] =	ssyncadd.s32 $0xFFFFFFFF  }
0xa7: {  	s26 =	simm.s32 $execute0_lowered;
	[smem:$0x3FD2] =	sst s25  }
0xa8: {  	s7 =	sshll.u32 s26, $0x1;
	_ =	strace $0x80000046;
	[dreg:$0x1] =	wrdreg $0xFFFFFFFF  }
0xa9: {  	s28 =	simm.s32 $_size_execute0_lowered;
	s5 =	sadd.s32 s5, s7;
	[dreg:$0x0] =	wrdreg $0x0  }
0xaa: {  	s7 =	sshll.u32 s28, $0x1;
	[dreg:$0x2] =	wrdreg s5  }
0xab: {  	[dreg:$0x3] =	wrdreg s7  }
0xac: {  	[dreg:$0x4] =	wrdreg $0xC0  }
0xad: {  	_ =	task [dreg:s9], $0x5FFFF  }
0xae: {  	[dreg:$0x1] =	wrdreg $0xFFFFFFFF  }
0xaf: {  	[dreg:$0x0] =	wrdreg $0x60  }
0xb0: {  	[dreg:$0x2] =	wrdreg s2  }
0xb1: {  	[dreg:$0x3] =	wrdreg s18  }
0xb2: {  	[dreg:$0x4] =	wrdreg s24  }
0xb3: {  	[dreg:$0x5] =	wrdreg s4  }
0xb4: {  	[dreg:$0x6] =	wrdreg $0x9  }
0xb5: {  	_ =	task.clear_ibuf [dreg:s9], $0x7FFFF;
	_ =	strace $0x90000046  }
0xb6: {  	s29 =	simm.s32 $0x9;
	_ =	strace $0x80000048  }
0xb7: {  	_ =	swait.ge [sflag:s29], $0x1  }
0xb8: {  	[sflag:s29] =	ssyncadd.s32 $0xFFFFFFFF  }
0xb9: {  	_ =	strace $0x90000048  }
0xba: {  	_ =	sfence  }
0xbb: {  	s30 =	sld [smem:$0x0];
	_ =	sdelay $0x2  }
0xbc: {  	s31 =	sshll.u32 s1, $0xD;
	s1 =	sshrl.u32 s1, $0x2  }
0xbd: {  	s3 =	sand.u32 $0x4000, s31;
	s1 =	sadd.s32 s1, s30  }
0xbe: {  	s0 =	sor.u32 s3, s0;
	s1 =	sshll.u32 s1, $0x11  }
0xbf: {  	s0 =	sor.u32 s1, s0  }
0xc0: {  	s0 =	sadd.s32 $0x8F2B, s0  }
0xc1: {  	[sflag:s0] =	ssyncadd.remote.s32 $0x1  }
0xc2: {  	_ =	sfence.sel $0xFFFF  }
0xc3: {  	[dreg:$0x0] =	wrdreg $0xFFFFFFFF;
	(pc) =	sbr.abs _section_cstart, $3  }
0xc4: {  	[dreg:$0x1] =	wrdreg $0xFFFFFFFF  }
0xc5: {  	_ =	task.clear_ibuf [dreg:s9], $0x2FFFF;
	_ =	strace $0x9FFFFFFF  }
0xc6: {  	(tm) =	ssettm $0x7FFFFFFF  }
0xc7: {  	_ =	shalt  }
tec
execute0_lowered:
.L_overlay_start_1:
0x0: {  	(tag) =	ssettag $0x1  }
0x1: {  	s0 =	rddreg [dreg:$0x0]  }
0x2: {  	s1 =	rddreg [dreg:$0x1]  }
0x3: {  	s24 =	rddreg [dreg:$0x2]  }
0x4: {  	s22 =	rddreg [dreg:$0x3]  }
0x5: {  	s2 =	simm.s32 $0x0;
	s3 =	srdreg.scid;
	s6 =	stileid.u32  }
0x6: {  	s28 =	simm.s32 $0x1;
	s29 =	simm.s32 $0x2;
	s30 =	simm.s32 $0x3  }
0x7: {  	s31 =	simm.s32 $0x0;
	[smem:$0x7FF] =	sst s2;
	s3 =	sand.u32 $0x1, s3  }
0x8: {  	s4 =	sshrl.u32 s6, $0x2;
	s6 =	sshll.u32 s6, $0x8;
	s11 =	sadd.s32 $0x1000, s22  }
0x9: {  	s12 =	sadd.s32 $0x2000, s22;
	s14 =	sadd.s32 $0x3000, s22;
	s5 =	ssub.s32 $0x2, s3  }
0xa: {  	s7 =	smul.u32 $0xC3800, s4;
	_ =	strace $0x80000047;
	s6 =	sand.u32 $0x300, s6  }
0xb: {  	s23 =	sshll.u32 s4, $0x11;
	p0 =	seq.s32 s3, $0x1;
	s8 =	sshrl.u32 s5, $0x1  }
0xc: {  	s4 =	sor.u32 s6, s23;
	s9 =	sor.u32 $0x80, s6;
	s15 =	sor.u32 $0x80000, s23  }
0xd: {  	s18 =	sor.u32 $0x90000, s23;
	s19 =	sor.u32 $0x98000, s23;
	s25 =	ssub.s32 s5, s8  }
0xe: {  	s21 =	sor.u32 s6, s7;
	s10 =	sshrl.u32 s4, $0x3;
	s7 =	sor.u32 s7, s9  }
0xf: {  	s16 =	sor.u32 s23, s9;
	s3 =	sor.u32 s6, s15;
	s20 =	sor.u32 s9, s15  }
0x10: {  	s26 =	sshrl.u32 s21, $0x3;
	s4 =	sadd.s32 s22, s10;
	s13 =	sshrl.u32 s7, $0x3  }
0x11: {  	s3 =	sshrl.u32 s3, $0x3;
	s20 =	sshrl.u32 s20, $0x3;
	s25 =	smax.u32 s25, $0x1  }
0x12: {  	s5 =	sadd.s32 s0, s26;
	s0 =	sadd.s32 s0, s13;
	s7 =	sadd.s32 s1, s26  }
0x13: {  	s8 =	sadd.s32 s1, s13;
	s1 =	sor.u32 s6, s18;
	s26 =	sor.u32 s9, s19  }
0x14: {  	s15 =	sadd.s32 s22, s3;
	[dreg:$0x5] =	wrdreg s5;
	s5 =	sadd.s32 s10, s11  }
0x15: {  	[dreg:$0x6] =	wrdreg s0;
	s0 =	sshrl.u32 s16, $0x3;
	s16 =	sor.u32 $0x88000, s23  }
0x16: {  	s23 =	sor.u32 s9, s18;
	s18 =	sshrl.u32 s1, $0x3;
	s26 =	sshrl.u32 s26, $0x3  }
0x17: {  	s17 =	sor.u32 s6, s16;
	s6 =	sor.u32 s6, s19;
	s21 =	sor.u32 s9, s16  }
0x18: {  	s9 =	sadd.s32 s10, s12;
	s10 =	sadd.s32 s10, s14;
	s11 =	sadd.s32 s0, s11  }
0x19: {  	s12 =	sadd.s32 s0, s12;
	s13 =	sadd.s32 s0, s14;
	s14 =	sadd.s32 s22, s0  }
.Ltmp0:
0x1a: {  	s23 =	sshrl.u32 s23, $0x3;
	s17 =	sshrl.u32 s17, $0x3;
	(pc) =	sbr.rel .LBB2_1-.Ltmp0, $4  }
0x1b: {  	s19 =	sshrl.u32 s6, $0x3;
	s21 =	sshrl.u32 s21, $0x3;
	s16 =	sadd.s32 s22, s17  }
0x1c: {  	s17 =	sadd.s32 s22, s18;
	s18 =	sadd.s32 s22, s19;
	s19 =	sadd.s32 s22, s20  }
0x1d: {  	s20 =	sadd.s32 s22, s21;
	s21 =	sadd.s32 s22, s23;
	s22 =	sadd.s32 s22, s26  }
0x1e: {  	s23 =	sadd.s32 $0xE00, s24;
	s24 =	sadd.s32 $0x600, s24;
	s26 =	simm.s32 $0x18700  }
.LBB2_67:
0x1f: {  	[hbm4b:s6+s2] =	stream.linear.scatter [tilespmem:s0], [sflag:$0x3], $0x80, $0x38;
	[tilespmem:$0x1E700] =	vst v63  }
.LBB2_68:
0x20: {  	s31 =	sadd.s32 $0x1, s31  }
0x21: {  	_ =	swait.ge [sflag:s30], $0x1000;
	p1 =	sne.s32 s31, s25  }
.Ltmp1:
0x22: {  	[sflag:s30] =	ssyncset.done $0x0;
	(pc) =	sbr.rel @!p1 .LBB2_69-.Ltmp1, $4  }
0x23: {  	[sflag:s30] =	ssyncadd.s32 $0xFFFFF000  }
0x24: {  	_ =	swait.ge [sflag:s30], $0x1000  }
0x25: {  	[sflag:s30] =	ssyncset.done $0x0  }
0x26: {  	[sflag:s30] =	ssyncadd.s32 $0xFFFFF000  }
.LBB2_1:
.Ltmp2:
0x27: {  	(pc) =	sbr.rel @!p0 .LBB2_2-.Ltmp2, $1  }
0x28: {  	_ =	sdelay $0x3  }
0x29: {  	[tilespmem:s26], [sflag:$0x1] =	stream.linear.gather [hbm4b:s24+s2], $0x4000, $0x38;
	[tilespmem:$0x1E700] =	vst v63  }
0x2a: {  	_ = 	snop  }
0x2b: {  	[tilespmem:s2], [sflag:$0x2] =	stream.linear.gather [hbm4b:s7+s2], $0x10, $0x38;
	[tilespmem:$0x1E700] =	vst v63  }
0x2c: {  	_ =	swait.ge [sflag:s28], $0x4000  }
0x2d: {  	[sflag:s28] =	ssyncset.done $0x0  }
0x2e: {  	[sflag:s28] =	ssyncadd.s32 $0xFFFFC000  }
0x2f: {  	_ =	swait.ge [sflag:s29], $0x10  }
0x30: {  	s0 =	simm.s32 $0xFFFFFFF8;
	[sflag:s29] =	ssyncset.done $0x0  }
0x31: {  	s1 =	simm.s32 $0x18740;
	s3 =	simm.s32 $0x1C740;
	[sflag:s29] =	ssyncadd.s32 $0xFFFFFFF0  }
.LBB2_36:
0x32: {  	v0 =	vld [tilespmem:s1+$0xFFFFFFC0];
	_ =	sdelay $0x7  }
0x33: {  	v0 =	vld.idx.msk [tilespmem:v0+s2+$0x0], $0xffff;
	_ =	sdelay $0x4  }
0x34: {  	[tilespmem:s3+$0xFFFFFFC0] =	vst v0  }
0x35: {  	v0 =	vld [tilespmem:s1+$0xFFFFFFD0];
	_ =	sdelay $0x7  }
0x36: {  	v0 =	vld.idx.msk [tilespmem:v0+s2+$0x0], $0xffff;
	_ =	sdelay $0x4  }
0x37: {  	[tilespmem:s3+$0xFFFFFFD0] =	vst v0  }
0x38: {  	v0 =	vld [tilespmem:s1+$0xFFFFFFE0];
	_ =	sdelay $0x7  }
0x39: {  	v0 =	vld.idx.msk [tilespmem:v0+s2+$0x0], $0xffff;
	_ =	sdelay $0x4  }
0x3a: {  	[tilespmem:s3+$0xFFFFFFE0] =	vst v0  }
0x3b: {  	v0 =	vld [tilespmem:s1+$0xFFFFFFF0];
	_ =	sdelay $0x7  }
0x3c: {  	v0 =	vld.idx.msk [tilespmem:v0+s2+$0x0], $0xffff;
	_ =	sdelay $0x4  }
0x3d: {  	[tilespmem:s3+$0xFFFFFFF0] =	vst v0  }
0x3e: {  	v0 =	vld [tilespmem:s1+$0x0];
	_ =	sdelay $0x7  }
0x3f: {  	v0 =	vld.idx.msk [tilespmem:v0+s2+$0x0], $0xffff;
	_ =	sdelay $0x4  }
0x40: {  	[tilespmem:s3+$0x0] =	vst v0  }
0x41: {  	v0 =	vld [tilespmem:s1+$0x10];
	_ =	sdelay $0x7  }
0x42: {  	v0 =	vld.idx.msk [tilespmem:v0+s2+$0x0], $0xffff;
	_ =	sdelay $0x4  }
0x43: {  	[tilespmem:s3+$0x10] =	vst v0  }
0x44: {  	v0 =	vld [tilespmem:s1+$0x20];
	_ =	sdelay $0x7  }
0x45: {  	v0 =	vld.idx.msk [tilespmem:v0+s2+$0x0], $0xffff;
	_ =	sdelay $0x4  }
0x46: {  	[tilespmem:s3+$0x20] =	vst v0  }
0x47: {  	v0 =	vld [tilespmem:s1+$0x30];
	_ =	sdelay $0x6  }
0x48: {  	s0 =	sadd.s32 $0x8, s0  }
0x49: {  	p1 =	slt.u32 s0, $0xF8;
	v0 =	vld.idx.msk [tilespmem:v0+s2+$0x0], $0xffff  }
.Ltmp3:
0x4a: {  	_ = 	snop;
	(pc) =	sbr.rel @p1 .LBB2_36-.Ltmp3, $2  }
0x4b: {  	_ =	sdelay $0x2  }
0x4c: {  	s1 =	sadd.s32 $0x80, s1;
	[tilespmem:s3+$0x30] =	vst v0;
	s3 =	sadd.s32 $0x100, s3  }
0x4d: {  	s0 =	simm.s32 $0x0;
	s1 =	simm.s32 $0x1C700  }
.LBB2_38:
0x4e: {  	p1 =	sne.s32 s0, $0xF80  }
.Ltmp4:
0x4f: {  	_ = 	snop;
	(pc) =	sbr.rel @p1 .LBB2_38-.Ltmp4, $4  }
0x50: {  	_ = 	snop  }
0x51: {  	s3 =	sadd.s32 s0, s15  }
0x52: {  	[hbm4b:s3+s2] =	stream.linear.scatter [tilespmem:s1], [sflag:$0x3], $0x80, $0x38;
	[tilespmem:$0x1E700] =	vst v63  }
0x53: {  	s0 =	sadd.s32 $0x80, s0;
	s1 =	sadd.s32 $0x100, s1  }
0x54: {  	s0 =	simm.s32 $0xFFFFFFF8;
	s1 =	simm.s32 $0x19770;
	s3 =	simm.s32 $0x1C7F0  }
.LBB2_40:
0x55: {  	v0 =	vld [tilespmem:s1+$0xFFFFFF90];
	_ =	sdelay $0x7  }
0x56: {  	v0 =	vld.idx.msk [tilespmem:v0+s2+$0x0], $0xffff;
	_ =	sdelay $0x4  }
0x57: {  	[tilespmem:s3+$0xFFFFFF90] =	vst v0  }
0x58: {  	v0 =	vld [tilespmem:s1+$0xFFFFFFA0];
	_ =	sdelay $0x7  }
0x59: {  	v0 =	vld.idx.msk [tilespmem:v0+s2+$0x0], $0xffff;
	_ =	sdelay $0x4  }
0x5a: {  	[tilespmem:s3+$0xFFFFFFA0] =	vst v0  }
0x5b: {  	v0 =	vld [tilespmem:s1+$0xFFFFFFB0];
	_ =	sdelay $0x7  }
0x5c: {  	v0 =	vld.idx.msk [tilespmem:v0+s2+$0x0], $0xffff;
	_ =	sdelay $0x4  }
0x5d: {  	[tilespmem:s3+$0xFFFFFFB0] =	vst v0  }
0x5e: {  	v0 =	vld [tilespmem:s1+$0xFFFFFFC0];
	_ =	sdelay $0x7  }
0x5f: {  	v0 =	vld.idx.msk [tilespmem:v0+s2+$0x0], $0xffff;
	_ =	sdelay $0x4  }
0x60: {  	[tilespmem:s3+$0xFFFFFFC0] =	vst v0  }
0x61: {  	v0 =	vld [tilespmem:s1+$0xFFFFFFD0];
	_ =	sdelay $0x7  }
0x62: {  	v0 =	vld.idx.msk [tilespmem:v0+s2+$0x0], $0xffff;
	_ =	sdelay $0x4  }
0x63: {  	[tilespmem:s3+$0xFFFFFFD0] =	vst v0  }
0x64: {  	v0 =	vld [tilespmem:s1+$0xFFFFFFE0];
	_ =	sdelay $0x7  }
0x65: {  	v0 =	vld.idx.msk [tilespmem:v0+s2+$0x0], $0xffff;
	_ =	sdelay $0x4  }
0x66: {  	[tilespmem:s3+$0xFFFFFFE0] =	vst v0  }
0x67: {  	v0 =	vld [tilespmem:s1+$0xFFFFFFF0];
	_ =	sdelay $0x7  }
0x68: {  	v0 =	vld.idx.msk [tilespmem:v0+s2+$0x0], $0xffff;
	_ =	sdelay $0x4  }
0x69: {  	[tilespmem:s3+$0xFFFFFFF0] =	vst v0  }
0x6a: {  	v0 =	vld [tilespmem:s1+$0x0];
	_ =	sdelay $0x6  }
0x6b: {  	s0 =	sadd.s32 $0x8, s0  }
0x6c: {  	p1 =	slt.u32 s0, $0xF8;
	v0 =	vld.idx.msk [tilespmem:v0+s2+$0x0], $0xffff  }
.Ltmp5:
0x6d: {  	_ = 	snop;
	(pc) =	sbr.rel @p1 .LBB2_40-.Ltmp5, $2  }
0x6e: {  	_ =	sdelay $0x2  }
0x6f: {  	s1 =	sadd.s32 $0x80, s1;
	[tilespmem:s3+$0x0] =	vst v0;
	s3 =	sadd.s32 $0x100, s3  }
0x70: {  	s0 =	simm.s32 $0x1C780  }
0x71: {  	s1 =	simm.s32 $0x80;
	s6 =	sadd.s32 $0x0, s16;
	s3 =	simm.s32 $0x1C880  }
.LBB2_42:
0x72: {  	[hbm4b:s6+s2] =	stream.linear.scatter [tilespmem:s0], [sflag:$0x3], $0x80, $0x38;
	[tilespmem:$0x1E700] =	vst v63  }
0x73: {  	s6 =	smov.u32 s1;
	s0 =	smov.u32 s3;
	p1 =	sne.s32 s1, $0xF80  }
.Ltmp6:
0x74: {  	s1 =	sadd.s32 $0x80, s1;
	(pc) =	sbr.rel @p1 .LBB2_42-.Ltmp6, $2  }
0x75: {  	_ =	sdelay $0x2  }
0x76: {  	s3 =	sadd.s32 $0x100, s3;
	s6 =	sadd.s32 s6, s16  }
0x77: {  	[hbm4b:s6+s2] =	stream.linear.scatter [tilespmem:s0], [sflag:$0x3], $0x80, $0x38;
	[tilespmem:$0x1E700] =	vst v63  }
0x78: {  	_ =	swait.ge [sflag:s30], $0x1000  }
0x79: {  	s0 =	simm.s32 $0xFFFFFFF8;
	[sflag:s30] =	ssyncset.done $0x0  }
0x7a: {  	s1 =	simm.s32 $0x1A770;
	s3 =	simm.s32 $0x1C740;
	[sflag:s30] =	ssyncadd.s32 $0xFFFFF000  }
.LBB2_44:
0x7b: {  	v0 =	vld [tilespmem:s1+$0xFFFFFF90];
	_ =	sdelay $0x7  }
0x7c: {  	v0 =	vld.idx.msk [tilespmem:v0+s2+$0x0], $0xffff;
	_ =	sdelay $0x4  }
0x7d: {  	[tilespmem:s3+$0xFFFFFFC0] =	vst v0  }
0x7e: {  	v0 =	vld [tilespmem:s1+$0xFFFFFFA0];
	_ =	sdelay $0x7  }
0x7f: {  	v0 =	vld.idx.msk [tilespmem:v0+s2+$0x0], $0xffff;
	_ =	sdelay $0x4  }
0x80: {  	[tilespmem:s3+$0xFFFFFFD0] =	vst v0  }
0x81: {  	v0 =	vld [tilespmem:s1+$0xFFFFFFB0];
	_ =	sdelay $0x7  }
0x82: {  	v0 =	vld.idx.msk [tilespmem:v0+s2+$0x0], $0xffff;
	_ =	sdelay $0x4  }
0x83: {  	[tilespmem:s3+$0xFFFFFFE0] =	vst v0  }
0x84: {  	v0 =	vld [tilespmem:s1+$0xFFFFFFC0];
	_ =	sdelay $0x7  }
0x85: {  	v0 =	vld.idx.msk [tilespmem:v0+s2+$0x0], $0xffff;
	_ =	sdelay $0x4  }
0x86: {  	[tilespmem:s3+$0xFFFFFFF0] =	vst v0  }
0x87: {  	v0 =	vld [tilespmem:s1+$0xFFFFFFD0];
	_ =	sdelay $0x7  }
0x88: {  	v0 =	vld.idx.msk [tilespmem:v0+s2+$0x0], $0xffff;
	_ =	sdelay $0x4  }
0x89: {  	[tilespmem:s3+$0x0] =	vst v0  }
0x8a: {  	v0 =	vld [tilespmem:s1+$0xFFFFFFE0];
	_ =	sdelay $0x7  }
0x8b: {  	v0 =	vld.idx.msk [tilespmem:v0+s2+$0x0], $0xffff;
	_ =	sdelay $0x4  }
0x8c: {  	[tilespmem:s3+$0x10] =	vst v0  }
0x8d: {  	v0 =	vld [tilespmem:s1+$0xFFFFFFF0];
	_ =	sdelay $0x7  }
0x8e: {  	v0 =	vld.idx.msk [tilespmem:v0+s2+$0x0], $0xffff;
	_ =	sdelay $0x4  }
0x8f: {  	[tilespmem:s3+$0x20] =	vst v0  }
0x90: {  	v0 =	vld [tilespmem:s1+$0x0];
	_ =	sdelay $0x6  }
0x91: {  	s0 =	sadd.s32 $0x8, s0  }
0x92: {  	p1 =	slt.u32 s0, $0xF8;
	v0 =	vld.idx.msk [tilespmem:v0+s2+$0x0], $0xffff  }
.Ltmp7:
0x93: {  	_ = 	snop;
	(pc) =	sbr.rel @p1 .LBB2_44-.Ltmp7, $2  }
0x94: {  	_ =	sdelay $0x2  }
0x95: {  	s1 =	sadd.s32 $0x80, s1;
	[tilespmem:s3+$0x30] =	vst v0;
	s3 =	sadd.s32 $0x100, s3  }
0x96: {  	s0 =	simm.s32 $0x1C700  }
0x97: {  	s1 =	simm.s32 $0x80;
	s6 =	sadd.s32 $0x0, s17;
	s3 =	simm.s32 $0x1C800  }
.LBB2_46:
0x98: {  	[hbm4b:s6+s2] =	stream.linear.scatter [tilespmem:s0], [sflag:$0x3], $0x80, $0x38;
	[tilespmem:$0x1E700] =	vst v63  }
0x99: {  	s6 =	smov.u32 s1;
	s0 =	smov.u32 s3;
	p1 =	sne.s32 s1, $0xF80  }
.Ltmp8:
0x9a: {  	s1 =	sadd.s32 $0x80, s1;
	(pc) =	sbr.rel @p1 .LBB2_46-.Ltmp8, $2  }
0x9b: {  	_ =	sdelay $0x2  }
0x9c: {  	s3 =	sadd.s32 $0x100, s3;
	s6 =	sadd.s32 s6, s17  }
0x9d: {  	[hbm4b:s6+s2] =	stream.linear.scatter [tilespmem:s0], [sflag:$0x3], $0x80, $0x38;
	[tilespmem:$0x1E700] =	vst v63  }
0x9e: {  	_ =	swait.ge [sflag:s30], $0x1000  }
0x9f: {  	s0 =	simm.s32 $0xFFFFFFF8;
	[sflag:s30] =	ssyncset.done $0x0  }
0xa0: {  	s1 =	simm.s32 $0x1B770;
	s3 =	simm.s32 $0x1C7F0;
	[sflag:s30] =	ssyncadd.s32 $0xFFFFF000  }
.LBB2_48:
0xa1: {  	v0 =	vld [tilespmem:s1+$0xFFFFFF90];
	_ =	sdelay $0x7  }
0xa2: {  	v0 =	vld.idx.msk [tilespmem:v0+s2+$0x0], $0xffff;
	_ =	sdelay $0x4  }
0xa3: {  	[tilespmem:s3+$0xFFFFFF90] =	vst v0  }
0xa4: {  	v0 =	vld [tilespmem:s1+$0xFFFFFFA0];
	_ =	sdelay $0x7  }
0xa5: {  	v0 =	vld.idx.msk [tilespmem:v0+s2+$0x0], $0xffff;
	_ =	sdelay $0x4  }
0xa6: {  	[tilespmem:s3+$0xFFFFFFA0] =	vst v0  }
0xa7: {  	v0 =	vld [tilespmem:s1+$0xFFFFFFB0];
	_ =	sdelay $0x7  }
0xa8: {  	v0 =	vld.idx.msk [tilespmem:v0+s2+$0x0], $0xffff;
	_ =	sdelay $0x4  }
0xa9: {  	[tilespmem:s3+$0xFFFFFFB0] =	vst v0  }
0xaa: {  	v0 =	vld [tilespmem:s1+$0xFFFFFFC0];
	_ =	sdelay $0x7  }
0xab: {  	v0 =	vld.idx.msk [tilespmem:v0+s2+$0x0], $0xffff;
	_ =	sdelay $0x4  }
0xac: {  	[tilespmem:s3+$0xFFFFFFC0] =	vst v0  }
0xad: {  	v0 =	vld [tilespmem:s1+$0xFFFFFFD0];
	_ =	sdelay $0x7  }
0xae: {  	v0 =	vld.idx.msk [tilespmem:v0+s2+$0x0], $0xffff;
	_ =	sdelay $0x4  }
0xaf: {  	[tilespmem:s3+$0xFFFFFFD0] =	vst v0  }
0xb0: {  	v0 =	vld [tilespmem:s1+$0xFFFFFFE0];
	_ =	sdelay $0x7  }
0xb1: {  	v0 =	vld.idx.msk [tilespmem:v0+s2+$0x0], $0xffff;
	_ =	sdelay $0x4  }
0xb2: {  	[tilespmem:s3+$0xFFFFFFE0] =	vst v0  }
0xb3: {  	v0 =	vld [tilespmem:s1+$0xFFFFFFF0];
	_ =	sdelay $0x7  }
0xb4: {  	v0 =	vld.idx.msk [tilespmem:v0+s2+$0x0], $0xffff;
	_ =	sdelay $0x4  }
0xb5: {  	[tilespmem:s3+$0xFFFFFFF0] =	vst v0  }
0xb6: {  	v0 =	vld [tilespmem:s1+$0x0];
	_ =	sdelay $0x6  }
0xb7: {  	s0 =	sadd.s32 $0x8, s0  }
0xb8: {  	p1 =	slt.u32 s0, $0xF8;
	v0 =	vld.idx.msk [tilespmem:v0+s2+$0x0], $0xffff  }
.Ltmp9:
0xb9: {  	_ = 	snop;
	(pc) =	sbr.rel @p1 .LBB2_48-.Ltmp9, $2  }
0xba: {  	_ =	sdelay $0x2  }
0xbb: {  	s1 =	sadd.s32 $0x80, s1;
	[tilespmem:s3+$0x0] =	vst v0;
	s3 =	sadd.s32 $0x100, s3  }
0xbc: {  	s0 =	simm.s32 $0x1C780  }
0xbd: {  	s1 =	simm.s32 $0x80;
	s6 =	sadd.s32 $0x0, s18;
	s3 =	simm.s32 $0x1C880  }
.LBB2_50:
0xbe: {  	[hbm4b:s6+s2] =	stream.linear.scatter [tilespmem:s0], [sflag:$0x3], $0x80, $0x38;
	[tilespmem:$0x1E700] =	vst v63  }
0xbf: {  	s6 =	smov.u32 s1;
	s0 =	smov.u32 s3;
	p1 =	sne.s32 s1, $0xF80  }
.Ltmp10:
0xc0: {  	s1 =	sadd.s32 $0x80, s1;
	(pc) =	sbr.rel @p1 .LBB2_50-.Ltmp10, $2  }
0xc1: {  	_ =	sdelay $0x2  }
0xc2: {  	s3 =	sadd.s32 $0x100, s3;
	s6 =	sadd.s32 s6, s18  }
0xc3: {  	[hbm4b:s6+s2] =	stream.linear.scatter [tilespmem:s0], [sflag:$0x3], $0x80, $0x38;
	[tilespmem:$0x1E700] =	vst v63  }
0xc4: {  	_ = 	snop  }
0xc5: {  	[tilespmem:s2], [sflag:$0x2] =	stream.linear.gather [hbm4b:s8+s2], $0x10, $0x38;
	[tilespmem:$0x1E700] =	vst v63  }
0xc6: {  	_ =	swait.ge [sflag:s29], $0x10  }
0xc7: {  	[sflag:s29] =	ssyncset.done $0x0  }
0xc8: {  	[sflag:s29] =	ssyncadd.s32 $0xFFFFFFF0  }
0xc9: {  	_ =	swait.ge [sflag:s30], $0x1000  }
0xca: {  	s0 =	simm.s32 $0xFFFFFFF8;
	[sflag:s30] =	ssyncset.done $0x0  }
0xcb: {  	s1 =	simm.s32 $0x18740;
	s3 =	simm.s32 $0x1C740;
	[sflag:s30] =	ssyncadd.s32 $0xFFFFF000  }
.LBB2_52:
0xcc: {  	v0 =	vld [tilespmem:s1+$0xFFFFFFC0];
	_ =	sdelay $0x7  }
0xcd: {  	v0 =	vld.idx.msk [tilespmem:v0+s2+$0x0], $0xffff;
	_ =	sdelay $0x4  }
0xce: {  	[tilespmem:s3+$0xFFFFFFC0] =	vst v0  }
0xcf: {  	v0 =	vld [tilespmem:s1+$0xFFFFFFD0];
	_ =	sdelay $0x7  }
0xd0: {  	v0 =	vld.idx.msk [tilespmem:v0+s2+$0x0], $0xffff;
	_ =	sdelay $0x4  }
0xd1: {  	[tilespmem:s3+$0xFFFFFFD0] =	vst v0  }
0xd2: {  	v0 =	vld [tilespmem:s1+$0xFFFFFFE0];
	_ =	sdelay $0x7  }
0xd3: {  	v0 =	vld.idx.msk [tilespmem:v0+s2+$0x0], $0xffff;
	_ =	sdelay $0x4  }
0xd4: {  	[tilespmem:s3+$0xFFFFFFE0] =	vst v0  }
0xd5: {  	v0 =	vld [tilespmem:s1+$0xFFFFFFF0];
	_ =	sdelay $0x7  }
0xd6: {  	v0 =	vld.idx.msk [tilespmem:v0+s2+$0x0], $0xffff;
	_ =	sdelay $0x4  }
0xd7: {  	[tilespmem:s3+$0xFFFFFFF0] =	vst v0  }
0xd8: {  	v0 =	vld [tilespmem:s1+$0x0];
	_ =	sdelay $0x7  }
0xd9: {  	v0 =	vld.idx.msk [tilespmem:v0+s2+$0x0], $0xffff;
	_ =	sdelay $0x4  }
0xda: {  	[tilespmem:s3+$0x0] =	vst v0  }
0xdb: {  	v0 =	vld [tilespmem:s1+$0x10];
	_ =	sdelay $0x7  }
0xdc: {  	v0 =	vld.idx.msk [tilespmem:v0+s2+$0x0], $0xffff;
	_ =	sdelay $0x4  }
0xdd: {  	[tilespmem:s3+$0x10] =	vst v0  }
0xde: {  	v0 =	vld [tilespmem:s1+$0x20];
	_ =	sdelay $0x7  }
0xdf: {  	v0 =	vld.idx.msk [tilespmem:v0+s2+$0x0], $0xffff;
	_ =	sdelay $0x4  }
0xe0: {  	[tilespmem:s3+$0x20] =	vst v0  }
0xe1: {  	v0 =	vld [tilespmem:s1+$0x30];
	_ =	sdelay $0x6  }
0xe2: {  	s0 =	sadd.s32 $0x8, s0  }
0xe3: {  	p1 =	slt.u32 s0, $0xF8;
	v0 =	vld.idx.msk [tilespmem:v0+s2+$0x0], $0xffff  }
.Ltmp11:
0xe4: {  	_ = 	snop;
	(pc) =	sbr.rel @p1 .LBB2_52-.Ltmp11, $2  }
0xe5: {  	_ =	sdelay $0x2  }
0xe6: {  	s1 =	sadd.s32 $0x80, s1;
	[tilespmem:s3+$0x30] =	vst v0;
	s3 =	sadd.s32 $0x100, s3  }
0xe7: {  	s0 =	simm.s32 $0x1C700  }
0xe8: {  	s1 =	simm.s32 $0x80;
	s6 =	sadd.s32 $0x0, s19;
	s3 =	simm.s32 $0x1C800  }
.LBB2_54:
0xe9: {  	[hbm4b:s6+s2] =	stream.linear.scatter [tilespmem:s0], [sflag:$0x3], $0x80, $0x38;
	[tilespmem:$0x1E700] =	vst v63  }
0xea: {  	s6 =	smov.u32 s1;
	s0 =	smov.u32 s3;
	p1 =	sne.s32 s1, $0xF80  }
.Ltmp12:
0xeb: {  	s1 =	sadd.s32 $0x80, s1;
	(pc) =	sbr.rel @p1 .LBB2_54-.Ltmp12, $2  }
0xec: {  	_ =	sdelay $0x2  }
0xed: {  	s3 =	sadd.s32 $0x100, s3;
	s6 =	sadd.s32 s6, s19  }
0xee: {  	[hbm4b:s6+s2] =	stream.linear.scatter [tilespmem:s0], [sflag:$0x3], $0x80, $0x38;
	[tilespmem:$0x1E700] =	vst v63  }
0xef: {  	_ =	swait.ge [sflag:s30], $0x1000  }
0xf0: {  	s0 =	simm.s32 $0xFFFFFFF8;
	[sflag:s30] =	ssyncset.done $0x0  }
0xf1: {  	s1 =	simm.s32 $0x19770;
	s3 =	simm.s32 $0x1C7F0;
	[sflag:s30] =	ssyncadd.s32 $0xFFFFF000  }
.LBB2_56:
0xf2: {  	v0 =	vld [tilespmem:s1+$0xFFFFFF90];
	_ =	sdelay $0x7  }
0xf3: {  	v0 =	vld.idx.msk [tilespmem:v0+s2+$0x0], $0xffff;
	_ =	sdelay $0x4  }
0xf4: {  	[tilespmem:s3+$0xFFFFFF90] =	vst v0  }
0xf5: {  	v0 =	vld [tilespmem:s1+$0xFFFFFFA0];
	_ =	sdelay $0x7  }
0xf6: {  	v0 =	vld.idx.msk [tilespmem:v0+s2+$0x0], $0xffff;
	_ =	sdelay $0x4  }
0xf7: {  	[tilespmem:s3+$0xFFFFFFA0] =	vst v0  }
0xf8: {  	v0 =	vld [tilespmem:s1+$0xFFFFFFB0];
	_ =	sdelay $0x7  }
0xf9: {  	v0 =	vld.idx.msk [tilespmem:v0+s2+$0x0], $0xffff;
	_ =	sdelay $0x4  }
0xfa: {  	[tilespmem:s3+$0xFFFFFFB0] =	vst v0  }
0xfb: {  	v0 =	vld [tilespmem:s1+$0xFFFFFFC0];
	_ =	sdelay $0x7  }
0xfc: {  	v0 =	vld.idx.msk [tilespmem:v0+s2+$0x0], $0xffff;
	_ =	sdelay $0x4  }
0xfd: {  	[tilespmem:s3+$0xFFFFFFC0] =	vst v0  }
0xfe: {  	v0 =	vld [tilespmem:s1+$0xFFFFFFD0];
	_ =	sdelay $0x7  }
0xff: {  	v0 =	vld.idx.msk [tilespmem:v0+s2+$0x0], $0xffff;
	_ =	sdelay $0x4  }
0x100: {  	[tilespmem:s3+$0xFFFFFFD0] =	vst v0  }
0x101: {  	v0 =	vld [tilespmem:s1+$0xFFFFFFE0];
	_ =	sdelay $0x7  }
0x102: {  	v0 =	vld.idx.msk [tilespmem:v0+s2+$0x0], $0xffff;
	_ =	sdelay $0x4  }
0x103: {  	[tilespmem:s3+$0xFFFFFFE0] =	vst v0  }
0x104: {  	v0 =	vld [tilespmem:s1+$0xFFFFFFF0];
	_ =	sdelay $0x7  }
0x105: {  	v0 =	vld.idx.msk [tilespmem:v0+s2+$0x0], $0xffff;
	_ =	sdelay $0x4  }
0x106: {  	[tilespmem:s3+$0xFFFFFFF0] =	vst v0  }
0x107: {  	v0 =	vld [tilespmem:s1+$0x0];
	_ =	sdelay $0x6  }
0x108: {  	s0 =	sadd.s32 $0x8, s0  }
0x109: {  	p1 =	slt.u32 s0, $0xF8;
	v0 =	vld.idx.msk [tilespmem:v0+s2+$0x0], $0xffff  }
.Ltmp13:
0x10a: {  	_ = 	snop;
	(pc) =	sbr.rel @p1 .LBB2_56-.Ltmp13, $2  }
0x10b: {  	_ =	sdelay $0x2  }
0x10c: {  	s1 =	sadd.s32 $0x80, s1;
	[tilespmem:s3+$0x0] =	vst v0;
	s3 =	sadd.s32 $0x100, s3  }
0x10d: {  	s0 =	simm.s32 $0x1C780  }
0x10e: {  	s1 =	simm.s32 $0x80;
	s6 =	sadd.s32 $0x0, s20;
	s3 =	simm.s32 $0x1C880  }
.LBB2_58:
0x10f: {  	[hbm4b:s6+s2] =	stream.linear.scatter [tilespmem:s0], [sflag:$0x3], $0x80, $0x38;
	[tilespmem:$0x1E700] =	vst v63  }
0x110: {  	s6 =	smov.u32 s1;
	s0 =	smov.u32 s3;
	p1 =	sne.s32 s1, $0xF80  }
.Ltmp14:
0x111: {  	s1 =	sadd.s32 $0x80, s1;
	(pc) =	sbr.rel @p1 .LBB2_58-.Ltmp14, $2  }
0x112: {  	_ =	sdelay $0x2  }
0x113: {  	s3 =	sadd.s32 $0x100, s3;
	s6 =	sadd.s32 s6, s20  }
0x114: {  	[hbm4b:s6+s2] =	stream.linear.scatter [tilespmem:s0], [sflag:$0x3], $0x80, $0x38;
	[tilespmem:$0x1E700] =	vst v63  }
0x115: {  	_ =	swait.ge [sflag:s30], $0x1000  }
0x116: {  	s0 =	simm.s32 $0xFFFFFFF8;
	[sflag:s30] =	ssyncset.done $0x0  }
0x117: {  	s1 =	simm.s32 $0x1A770;
	s3 =	simm.s32 $0x1C740;
	[sflag:s30] =	ssyncadd.s32 $0xFFFFF000  }
.LBB2_60:
0x118: {  	v0 =	vld [tilespmem:s1+$0xFFFFFF90];
	_ =	sdelay $0x7  }
0x119: {  	v0 =	vld.idx.msk [tilespmem:v0+s2+$0x0], $0xffff;
	_ =	sdelay $0x4  }
0x11a: {  	[tilespmem:s3+$0xFFFFFFC0] =	vst v0  }
0x11b: {  	v0 =	vld [tilespmem:s1+$0xFFFFFFA0];
	_ =	sdelay $0x7  }
0x11c: {  	v0 =	vld.idx.msk [tilespmem:v0+s2+$0x0], $0xffff;
	_ =	sdelay $0x4  }
0x11d: {  	[tilespmem:s3+$0xFFFFFFD0] =	vst v0  }
0x11e: {  	v0 =	vld [tilespmem:s1+$0xFFFFFFB0];
	_ =	sdelay $0x7  }
0x11f: {  	v0 =	vld.idx.msk [tilespmem:v0+s2+$0x0], $0xffff;
	_ =	sdelay $0x4  }
0x120: {  	[tilespmem:s3+$0xFFFFFFE0] =	vst v0  }
0x121: {  	v0 =	vld [tilespmem:s1+$0xFFFFFFC0];
	_ =	sdelay $0x7  }
0x122: {  	v0 =	vld.idx.msk [tilespmem:v0+s2+$0x0], $0xffff;
	_ =	sdelay $0x4  }
0x123: {  	[tilespmem:s3+$0xFFFFFFF0] =	vst v0  }
0x124: {  	v0 =	vld [tilespmem:s1+$0xFFFFFFD0];
	_ =	sdelay $0x7  }
0x125: {  	v0 =	vld.idx.msk [tilespmem:v0+s2+$0x0], $0xffff;
	_ =	sdelay $0x4  }
0x126: {  	[tilespmem:s3+$0x0] =	vst v0  }
0x127: {  	v0 =	vld [tilespmem:s1+$0xFFFFFFE0];
	_ =	sdelay $0x7  }
0x128: {  	v0 =	vld.idx.msk [tilespmem:v0+s2+$0x0], $0xffff;
	_ =	sdelay $0x4  }
0x129: {  	[tilespmem:s3+$0x10] =	vst v0  }
0x12a: {  	v0 =	vld [tilespmem:s1+$0xFFFFFFF0];
	_ =	sdelay $0x7  }
0x12b: {  	v0 =	vld.idx.msk [tilespmem:v0+s2+$0x0], $0xffff;
	_ =	sdelay $0x4  }
0x12c: {  	[tilespmem:s3+$0x20] =	vst v0  }
0x12d: {  	v0 =	vld [tilespmem:s1+$0x0];
	_ =	sdelay $0x6  }
0x12e: {  	s0 =	sadd.s32 $0x8, s0  }
0x12f: {  	p1 =	slt.u32 s0, $0xF8;
	v0 =	vld.idx.msk [tilespmem:v0+s2+$0x0], $0xffff  }
.Ltmp15:
0x130: {  	_ = 	snop;
	(pc) =	sbr.rel @p1 .LBB2_60-.Ltmp15, $2  }
0x131: {  	_ =	sdelay $0x2  }
0x132: {  	s1 =	sadd.s32 $0x80, s1;
	[tilespmem:s3+$0x30] =	vst v0;
	s3 =	sadd.s32 $0x100, s3  }
0x133: {  	s0 =	simm.s32 $0x1C700  }
0x134: {  	s1 =	simm.s32 $0x80;
	s6 =	sadd.s32 $0x0, s21;
	s3 =	simm.s32 $0x1C800  }
.LBB2_62:
0x135: {  	[hbm4b:s6+s2] =	stream.linear.scatter [tilespmem:s0], [sflag:$0x3], $0x80, $0x38;
	[tilespmem:$0x1E700] =	vst v63  }
0x136: {  	s6 =	smov.u32 s1;
	s0 =	smov.u32 s3;
	p1 =	sne.s32 s1, $0xF80  }
.Ltmp16:
0x137: {  	s1 =	sadd.s32 $0x80, s1;
	(pc) =	sbr.rel @p1 .LBB2_62-.Ltmp16, $2  }
0x138: {  	_ =	sdelay $0x2  }
0x139: {  	s3 =	sadd.s32 $0x100, s3;
	s6 =	sadd.s32 s6, s21  }
0x13a: {  	[hbm4b:s6+s2] =	stream.linear.scatter [tilespmem:s0], [sflag:$0x3], $0x80, $0x38;
	[tilespmem:$0x1E700] =	vst v63  }
0x13b: {  	_ =	swait.ge [sflag:s30], $0x1000  }
0x13c: {  	s0 =	simm.s32 $0xFFFFFFF8;
	[sflag:s30] =	ssyncset.done $0x0  }
0x13d: {  	s1 =	simm.s32 $0x1B770;
	s3 =	simm.s32 $0x1C7F0;
	[sflag:s30] =	ssyncadd.s32 $0xFFFFF000  }
.LBB2_64:
0x13e: {  	v0 =	vld [tilespmem:s1+$0xFFFFFF90];
	_ =	sdelay $0x7  }
0x13f: {  	v0 =	vld.idx.msk [tilespmem:v0+s2+$0x0], $0xffff;
	_ =	sdelay $0x4  }
0x140: {  	[tilespmem:s3+$0xFFFFFF90] =	vst v0  }
0x141: {  	v0 =	vld [tilespmem:s1+$0xFFFFFFA0];
	_ =	sdelay $0x7  }
0x142: {  	v0 =	vld.idx.msk [tilespmem:v0+s2+$0x0], $0xffff;
	_ =	sdelay $0x4  }
0x143: {  	[tilespmem:s3+$0xFFFFFFA0] =	vst v0  }
0x144: {  	v0 =	vld [tilespmem:s1+$0xFFFFFFB0];
	_ =	sdelay $0x7  }
0x145: {  	v0 =	vld.idx.msk [tilespmem:v0+s2+$0x0], $0xffff;
	_ =	sdelay $0x4  }
0x146: {  	[tilespmem:s3+$0xFFFFFFB0] =	vst v0  }
0x147: {  	v0 =	vld [tilespmem:s1+$0xFFFFFFC0];
	_ =	sdelay $0x7  }
0x148: {  	v0 =	vld.idx.msk [tilespmem:v0+s2+$0x0], $0xffff;
	_ =	sdelay $0x4  }
0x149: {  	[tilespmem:s3+$0xFFFFFFC0] =	vst v0  }
0x14a: {  	v0 =	vld [tilespmem:s1+$0xFFFFFFD0];
	_ =	sdelay $0x7  }
0x14b: {  	v0 =	vld.idx.msk [tilespmem:v0+s2+$0x0], $0xffff;
	_ =	sdelay $0x4  }
0x14c: {  	[tilespmem:s3+$0xFFFFFFD0] =	vst v0  }
0x14d: {  	v0 =	vld [tilespmem:s1+$0xFFFFFFE0];
	_ =	sdelay $0x7  }
0x14e: {  	v0 =	vld.idx.msk [tilespmem:v0+s2+$0x0], $0xffff;
	_ =	sdelay $0x4  }
0x14f: {  	[tilespmem:s3+$0xFFFFFFE0] =	vst v0  }
0x150: {  	v0 =	vld [tilespmem:s1+$0xFFFFFFF0];
	_ =	sdelay $0x7  }
0x151: {  	v0 =	vld.idx.msk [tilespmem:v0+s2+$0x0], $0xffff;
	_ =	sdelay $0x4  }
0x152: {  	[tilespmem:s3+$0xFFFFFFF0] =	vst v0  }
0x153: {  	v0 =	vld [tilespmem:s1+$0x0];
	_ =	sdelay $0x6  }
0x154: {  	s0 =	sadd.s32 $0x8, s0  }
0x155: {  	p1 =	slt.u32 s0, $0xF8;
	v0 =	vld.idx.msk [tilespmem:v0+s2+$0x0], $0xffff  }
.Ltmp17:
0x156: {  	_ = 	snop;
	(pc) =	sbr.rel @p1 .LBB2_64-.Ltmp17, $2  }
0x157: {  	_ =	sdelay $0x2  }
0x158: {  	s1 =	sadd.s32 $0x80, s1;
	[tilespmem:s3+$0x0] =	vst v0;
	s3 =	sadd.s32 $0x100, s3  }
0x159: {  	s0 =	simm.s32 $0x1C780  }
0x15a: {  	s1 =	simm.s32 $0x80;
	s6 =	sadd.s32 $0x0, s22;
	s3 =	simm.s32 $0x1C880  }
.LBB2_66:
0x15b: {  	[hbm4b:s6+s2] =	stream.linear.scatter [tilespmem:s0], [sflag:$0x3], $0x80, $0x38;
	[tilespmem:$0x1E700] =	vst v63  }
0x15c: {  	s6 =	smov.u32 s1;
	s0 =	smov.u32 s3;
	p1 =	sne.s32 s1, $0xF80  }
.Ltmp18:
0x15d: {  	s1 =	sadd.s32 $0x80, s1;
	(pc) =	sbr.rel @p1 .LBB2_66-.Ltmp18, $2  }
0x15e: {  	_ =	sdelay $0x2  }
0x15f: {  	s3 =	sadd.s32 $0x100, s3;
	s6 =	sadd.s32 s6, s22  }
.Ltmp19:
0x160: {  	_ = 	snop;
	(pc) =	sbr.rel .LBB2_67-.Ltmp19, $1  }
0x161: {  	_ =	sdelay $0x3  }
.LBB2_2:
0x162: {  	[tilespmem:s26], [sflag:$0x1] =	stream.linear.gather [hbm4b:s23+s2], $0x4000, $0x38;
	[tilespmem:$0x1E700] =	vst v63  }
0x163: {  	s0 =	rddreg [dreg:$0x5]  }
0x164: {  	[tilespmem:s2], [sflag:$0x2] =	stream.linear.gather [hbm4b:s0+s2], $0x10, $0x38;
	[tilespmem:$0x1E700] =	vst v63  }
0x165: {  	_ =	swait.ge [sflag:s28], $0x4000  }
0x166: {  	[sflag:s28] =	ssyncset.done $0x0  }
0x167: {  	[sflag:s28] =	ssyncadd.s32 $0xFFFFC000  }
0x168: {  	_ =	swait.ge [sflag:s29], $0x10  }
0x169: {  	s1 =	simm.s32 $0x18740;
	[sflag:s29] =	ssyncset.done $0x0  }
0x16a: {  	s3 =	simm.s32 $0x1C740;
	s0 =	simm.s32 $0xFFFFFFF8;
	[sflag:s29] =	ssyncadd.s32 $0xFFFFFFF0  }
.LBB2_3:
0x16b: {  	v0 =	vld [tilespmem:s1+$0xFFFFFFC0];
	_ =	sdelay $0x7  }
0x16c: {  	v0 =	vld.idx.msk [tilespmem:v0+s2+$0x0], $0xffff;
	_ =	sdelay $0x4  }
0x16d: {  	[tilespmem:s3+$0xFFFFFFC0] =	vst v0  }
0x16e: {  	v0 =	vld [tilespmem:s1+$0xFFFFFFD0];
	_ =	sdelay $0x7  }
0x16f: {  	v0 =	vld.idx.msk [tilespmem:v0+s2+$0x0], $0xffff;
	_ =	sdelay $0x4  }
0x170: {  	[tilespmem:s3+$0xFFFFFFD0] =	vst v0  }
0x171: {  	v0 =	vld [tilespmem:s1+$0xFFFFFFE0];
	_ =	sdelay $0x7  }
0x172: {  	v0 =	vld.idx.msk [tilespmem:v0+s2+$0x0], $0xffff;
	_ =	sdelay $0x4  }
0x173: {  	[tilespmem:s3+$0xFFFFFFE0] =	vst v0  }
0x174: {  	v0 =	vld [tilespmem:s1+$0xFFFFFFF0];
	_ =	sdelay $0x7  }
0x175: {  	v0 =	vld.idx.msk [tilespmem:v0+s2+$0x0], $0xffff;
	_ =	sdelay $0x4  }
0x176: {  	[tilespmem:s3+$0xFFFFFFF0] =	vst v0  }
0x177: {  	v0 =	vld [tilespmem:s1+$0x0];
	_ =	sdelay $0x7  }
0x178: {  	v0 =	vld.idx.msk [tilespmem:v0+s2+$0x0], $0xffff;
	_ =	sdelay $0x4  }
0x179: {  	[tilespmem:s3+$0x0] =	vst v0  }
0x17a: {  	v0 =	vld [tilespmem:s1+$0x10];
	_ =	sdelay $0x7  }
0x17b: {  	v0 =	vld.idx.msk [tilespmem:v0+s2+$0x0], $0xffff;
	_ =	sdelay $0x4  }
0x17c: {  	[tilespmem:s3+$0x10] =	vst v0  }
0x17d: {  	v0 =	vld [tilespmem:s1+$0x20];
	_ =	sdelay $0x7  }
0x17e: {  	v0 =	vld.idx.msk [tilespmem:v0+s2+$0x0], $0xffff;
	_ =	sdelay $0x4  }
0x17f: {  	[tilespmem:s3+$0x20] =	vst v0  }
0x180: {  	v0 =	vld [tilespmem:s1+$0x30];
	_ =	sdelay $0x6  }
0x181: {  	s0 =	sadd.s32 $0x8, s0  }
0x182: {  	p1 =	slt.u32 s0, $0xF8;
	v0 =	vld.idx.msk [tilespmem:v0+s2+$0x0], $0xffff  }
.Ltmp20:
0x183: {  	_ = 	snop;
	(pc) =	sbr.rel @p1 .LBB2_3-.Ltmp20, $2  }
0x184: {  	_ =	sdelay $0x2  }
0x185: {  	s1 =	sadd.s32 $0x80, s1;
	[tilespmem:s3+$0x30] =	vst v0;
	s3 =	sadd.s32 $0x100, s3  }
0x186: {  	s0 =	simm.s32 $0x0;
	s1 =	simm.s32 $0x1C700  }
.LBB2_5:
0x187: {  	p1 =	sne.s32 s0, $0xF80  }
.Ltmp21:
0x188: {  	_ = 	snop;
	(pc) =	sbr.rel @p1 .LBB2_5-.Ltmp21, $4  }
0x189: {  	_ = 	snop  }
0x18a: {  	s3 =	sadd.s32 s0, s4  }
0x18b: {  	[hbm4b:s3+s2] =	stream.linear.scatter [tilespmem:s1], [sflag:$0x3], $0x80, $0x38;
	[tilespmem:$0x1E700] =	vst v63  }
0x18c: {  	s0 =	sadd.s32 $0x80, s0;
	s1 =	sadd.s32 $0x100, s1  }
0x18d: {  	s0 =	simm.s32 $0xFFFFFFF8;
	s1 =	simm.s32 $0x19770;
	s3 =	simm.s32 $0x1C7F0  }
.LBB2_7:
0x18e: {  	v0 =	vld [tilespmem:s1+$0xFFFFFF90];
	_ =	sdelay $0x7  }
0x18f: {  	v0 =	vld.idx.msk [tilespmem:v0+s2+$0x0], $0xffff;
	_ =	sdelay $0x4  }
0x190: {  	[tilespmem:s3+$0xFFFFFF90] =	vst v0  }
0x191: {  	v0 =	vld [tilespmem:s1+$0xFFFFFFA0];
	_ =	sdelay $0x7  }
0x192: {  	v0 =	vld.idx.msk [tilespmem:v0+s2+$0x0], $0xffff;
	_ =	sdelay $0x4  }
0x193: {  	[tilespmem:s3+$0xFFFFFFA0] =	vst v0  }
0x194: {  	v0 =	vld [tilespmem:s1+$0xFFFFFFB0];
	_ =	sdelay $0x7  }
0x195: {  	v0 =	vld.idx.msk [tilespmem:v0+s2+$0x0], $0xffff;
	_ =	sdelay $0x4  }
0x196: {  	[tilespmem:s3+$0xFFFFFFB0] =	vst v0  }
0x197: {  	v0 =	vld [tilespmem:s1+$0xFFFFFFC0];
	_ =	sdelay $0x7  }
0x198: {  	v0 =	vld.idx.msk [tilespmem:v0+s2+$0x0], $0xffff;
	_ =	sdelay $0x4  }
0x199: {  	[tilespmem:s3+$0xFFFFFFC0] =	vst v0  }
0x19a: {  	v0 =	vld [tilespmem:s1+$0xFFFFFFD0];
	_ =	sdelay $0x7  }
0x19b: {  	v0 =	vld.idx.msk [tilespmem:v0+s2+$0x0], $0xffff;
	_ =	sdelay $0x4  }
0x19c: {  	[tilespmem:s3+$0xFFFFFFD0] =	vst v0  }
0x19d: {  	v0 =	vld [tilespmem:s1+$0xFFFFFFE0];
	_ =	sdelay $0x7  }
0x19e: {  	v0 =	vld.idx.msk [tilespmem:v0+s2+$0x0], $0xffff;
	_ =	sdelay $0x4  }
0x19f: {  	[tilespmem:s3+$0xFFFFFFE0] =	vst v0  }
0x1a0: {  	v0 =	vld [tilespmem:s1+$0xFFFFFFF0];
	_ =	sdelay $0x7  }
0x1a1: {  	v0 =	vld.idx.msk [tilespmem:v0+s2+$0x0], $0xffff;
	_ =	sdelay $0x4  }
0x1a2: {  	[tilespmem:s3+$0xFFFFFFF0] =	vst v0  }
0x1a3: {  	v0 =	vld [tilespmem:s1+$0x0];
	_ =	sdelay $0x6  }
0x1a4: {  	s0 =	sadd.s32 $0x8, s0  }
0x1a5: {  	p1 =	slt.u32 s0, $0xF8;
	v0 =	vld.idx.msk [tilespmem:v0+s2+$0x0], $0xffff  }
.Ltmp22:
0x1a6: {  	_ = 	snop;
	(pc) =	sbr.rel @p1 .LBB2_7-.Ltmp22, $2  }
0x1a7: {  	_ =	sdelay $0x2  }
0x1a8: {  	s1 =	sadd.s32 $0x80, s1;
	[tilespmem:s3+$0x0] =	vst v0;
	s3 =	sadd.s32 $0x100, s3  }
0x1a9: {  	s0 =	simm.s32 $0x1C780  }
0x1aa: {  	s1 =	simm.s32 $0x80;
	s6 =	sadd.s32 $0x0, s5;
	s3 =	simm.s32 $0x1C880  }
.LBB2_9:
0x1ab: {  	[hbm4b:s6+s2] =	stream.linear.scatter [tilespmem:s0], [sflag:$0x3], $0x80, $0x38;
	[tilespmem:$0x1E700] =	vst v63  }
0x1ac: {  	s6 =	smov.u32 s1;
	s0 =	smov.u32 s3;
	p1 =	sne.s32 s1, $0xF80  }
.Ltmp23:
0x1ad: {  	s1 =	sadd.s32 $0x80, s1;
	(pc) =	sbr.rel @p1 .LBB2_9-.Ltmp23, $2  }
0x1ae: {  	_ =	sdelay $0x2  }
0x1af: {  	s3 =	sadd.s32 $0x100, s3;
	s6 =	sadd.s32 s6, s5  }
0x1b0: {  	[hbm4b:s6+s2] =	stream.linear.scatter [tilespmem:s0], [sflag:$0x3], $0x80, $0x38;
	[tilespmem:$0x1E700] =	vst v63  }
0x1b1: {  	_ =	swait.ge [sflag:s30], $0x1000  }
0x1b2: {  	s0 =	simm.s32 $0xFFFFFFF8;
	[sflag:s30] =	ssyncset.done $0x0  }
0x1b3: {  	s1 =	simm.s32 $0x1A770;
	s3 =	simm.s32 $0x1C740;
	[sflag:s30] =	ssyncadd.s32 $0xFFFFF000  }
.LBB2_11:
0x1b4: {  	v0 =	vld [tilespmem:s1+$0xFFFFFF90];
	_ =	sdelay $0x7  }
0x1b5: {  	v0 =	vld.idx.msk [tilespmem:v0+s2+$0x0], $0xffff;
	_ =	sdelay $0x4  }
0x1b6: {  	[tilespmem:s3+$0xFFFFFFC0] =	vst v0  }
0x1b7: {  	v0 =	vld [tilespmem:s1+$0xFFFFFFA0];
	_ =	sdelay $0x7  }
0x1b8: {  	v0 =	vld.idx.msk [tilespmem:v0+s2+$0x0], $0xffff;
	_ =	sdelay $0x4  }
0x1b9: {  	[tilespmem:s3+$0xFFFFFFD0] =	vst v0  }
0x1ba: {  	v0 =	vld [tilespmem:s1+$0xFFFFFFB0];
	_ =	sdelay $0x7  }
0x1bb: {  	v0 =	vld.idx.msk [tilespmem:v0+s2+$0x0], $0xffff;
	_ =	sdelay $0x4  }
0x1bc: {  	[tilespmem:s3+$0xFFFFFFE0] =	vst v0  }
0x1bd: {  	v0 =	vld [tilespmem:s1+$0xFFFFFFC0];
	_ =	sdelay $0x7  }
0x1be: {  	v0 =	vld.idx.msk [tilespmem:v0+s2+$0x0], $0xffff;
	_ =	sdelay $0x4  }
0x1bf: {  	[tilespmem:s3+$0xFFFFFFF0] =	vst v0  }
0x1c0: {  	v0 =	vld [tilespmem:s1+$0xFFFFFFD0];
	_ =	sdelay $0x7  }
0x1c1: {  	v0 =	vld.idx.msk [tilespmem:v0+s2+$0x0], $0xffff;
	_ =	sdelay $0x4  }
0x1c2: {  	[tilespmem:s3+$0x0] =	vst v0  }
0x1c3: {  	v0 =	vld [tilespmem:s1+$0xFFFFFFE0];
	_ =	sdelay $0x7  }
0x1c4: {  	v0 =	vld.idx.msk [tilespmem:v0+s2+$0x0], $0xffff;
	_ =	sdelay $0x4  }
0x1c5: {  	[tilespmem:s3+$0x10] =	vst v0  }
0x1c6: {  	v0 =	vld [tilespmem:s1+$0xFFFFFFF0];
	_ =	sdelay $0x7  }
0x1c7: {  	v0 =	vld.idx.msk [tilespmem:v0+s2+$0x0], $0xffff;
	_ =	sdelay $0x4  }
0x1c8: {  	[tilespmem:s3+$0x20] =	vst v0  }
0x1c9: {  	v0 =	vld [tilespmem:s1+$0x0];
	_ =	sdelay $0x6  }
0x1ca: {  	s0 =	sadd.s32 $0x8, s0  }
0x1cb: {  	p1 =	slt.u32 s0, $0xF8;
	v0 =	vld.idx.msk [tilespmem:v0+s2+$0x0], $0xffff  }
.Ltmp24:
0x1cc: {  	_ = 	snop;
	(pc) =	sbr.rel @p1 .LBB2_11-.Ltmp24, $2  }
0x1cd: {  	_ =	sdelay $0x2  }
0x1ce: {  	s1 =	sadd.s32 $0x80, s1;
	[tilespmem:s3+$0x30] =	vst v0;
	s3 =	sadd.s32 $0x100, s3  }
0x1cf: {  	s0 =	simm.s32 $0x1C700  }
0x1d0: {  	s1 =	simm.s32 $0x80;
	s6 =	sadd.s32 $0x0, s9;
	s3 =	simm.s32 $0x1C800  }
.LBB2_13:
0x1d1: {  	[hbm4b:s6+s2] =	stream.linear.scatter [tilespmem:s0], [sflag:$0x3], $0x80, $0x38;
	[tilespmem:$0x1E700] =	vst v63  }
0x1d2: {  	s6 =	smov.u32 s1;
	s0 =	smov.u32 s3;
	p1 =	sne.s32 s1, $0xF80  }
.Ltmp25:
0x1d3: {  	s1 =	sadd.s32 $0x80, s1;
	(pc) =	sbr.rel @p1 .LBB2_13-.Ltmp25, $2  }
0x1d4: {  	_ =	sdelay $0x2  }
0x1d5: {  	s3 =	sadd.s32 $0x100, s3;
	s6 =	sadd.s32 s6, s9  }
0x1d6: {  	[hbm4b:s6+s2] =	stream.linear.scatter [tilespmem:s0], [sflag:$0x3], $0x80, $0x38;
	[tilespmem:$0x1E700] =	vst v63  }
0x1d7: {  	_ =	swait.ge [sflag:s30], $0x1000  }
0x1d8: {  	s0 =	simm.s32 $0xFFFFFFF8;
	[sflag:s30] =	ssyncset.done $0x0  }
0x1d9: {  	s1 =	simm.s32 $0x1B770;
	s3 =	simm.s32 $0x1C7F0;
	[sflag:s30] =	ssyncadd.s32 $0xFFFFF000  }
.LBB2_15:
0x1da: {  	v0 =	vld [tilespmem:s1+$0xFFFFFF90];
	_ =	sdelay $0x7  }
0x1db: {  	v0 =	vld.idx.msk [tilespmem:v0+s2+$0x0], $0xffff;
	_ =	sdelay $0x4  }
0x1dc: {  	[tilespmem:s3+$0xFFFFFF90] =	vst v0  }
0x1dd: {  	v0 =	vld [tilespmem:s1+$0xFFFFFFA0];
	_ =	sdelay $0x7  }
0x1de: {  	v0 =	vld.idx.msk [tilespmem:v0+s2+$0x0], $0xffff;
	_ =	sdelay $0x4  }
0x1df: {  	[tilespmem:s3+$0xFFFFFFA0] =	vst v0  }
0x1e0: {  	v0 =	vld [tilespmem:s1+$0xFFFFFFB0];
	_ =	sdelay $0x7  }
0x1e1: {  	v0 =	vld.idx.msk [tilespmem:v0+s2+$0x0], $0xffff;
	_ =	sdelay $0x4  }
0x1e2: {  	[tilespmem:s3+$0xFFFFFFB0] =	vst v0  }
0x1e3: {  	v0 =	vld [tilespmem:s1+$0xFFFFFFC0];
	_ =	sdelay $0x7  }
0x1e4: {  	v0 =	vld.idx.msk [tilespmem:v0+s2+$0x0], $0xffff;
	_ =	sdelay $0x4  }
0x1e5: {  	[tilespmem:s3+$0xFFFFFFC0] =	vst v0  }
0x1e6: {  	v0 =	vld [tilespmem:s1+$0xFFFFFFD0];
	_ =	sdelay $0x7  }
0x1e7: {  	v0 =	vld.idx.msk [tilespmem:v0+s2+$0x0], $0xffff;
	_ =	sdelay $0x4  }
0x1e8: {  	[tilespmem:s3+$0xFFFFFFD0] =	vst v0  }
0x1e9: {  	v0 =	vld [tilespmem:s1+$0xFFFFFFE0];
	_ =	sdelay $0x7  }
0x1ea: {  	v0 =	vld.idx.msk [tilespmem:v0+s2+$0x0], $0xffff;
	_ =	sdelay $0x4  }
0x1eb: {  	[tilespmem:s3+$0xFFFFFFE0] =	vst v0  }
0x1ec: {  	v0 =	vld [tilespmem:s1+$0xFFFFFFF0];
	_ =	sdelay $0x7  }
0x1ed: {  	v0 =	vld.idx.msk [tilespmem:v0+s2+$0x0], $0xffff;
	_ =	sdelay $0x4  }
0x1ee: {  	[tilespmem:s3+$0xFFFFFFF0] =	vst v0  }
0x1ef: {  	v0 =	vld [tilespmem:s1+$0x0];
	_ =	sdelay $0x6  }
0x1f0: {  	s0 =	sadd.s32 $0x8, s0  }
0x1f1: {  	p1 =	slt.u32 s0, $0xF8;
	v0 =	vld.idx.msk [tilespmem:v0+s2+$0x0], $0xffff  }
.Ltmp26:
0x1f2: {  	_ = 	snop;
	(pc) =	sbr.rel @p1 .LBB2_15-.Ltmp26, $2  }
0x1f3: {  	_ =	sdelay $0x2  }
0x1f4: {  	s1 =	sadd.s32 $0x80, s1;
	[tilespmem:s3+$0x0] =	vst v0;
	s3 =	sadd.s32 $0x100, s3  }
0x1f5: {  	s0 =	simm.s32 $0x1C780  }
0x1f6: {  	s1 =	simm.s32 $0x80;
	s6 =	sadd.s32 $0x0, s10;
	s3 =	simm.s32 $0x1C880  }
.LBB2_17:
0x1f7: {  	[hbm4b:s6+s2] =	stream.linear.scatter [tilespmem:s0], [sflag:$0x3], $0x80, $0x38;
	[tilespmem:$0x1E700] =	vst v63  }
0x1f8: {  	s6 =	smov.u32 s1;
	s0 =	smov.u32 s3;
	p1 =	sne.s32 s1, $0xF80  }
.Ltmp27:
0x1f9: {  	s1 =	sadd.s32 $0x80, s1;
	(pc) =	sbr.rel @p1 .LBB2_17-.Ltmp27, $2  }
0x1fa: {  	_ =	sdelay $0x2  }
0x1fb: {  	s3 =	sadd.s32 $0x100, s3;
	s6 =	sadd.s32 s6, s10  }
0x1fc: {  	[hbm4b:s6+s2] =	stream.linear.scatter [tilespmem:s0], [sflag:$0x3], $0x80, $0x38;
	[tilespmem:$0x1E700] =	vst v63  }
0x1fd: {  	s6 =	rddreg [dreg:$0x6]  }
0x1fe: {  	[tilespmem:s2], [sflag:$0x2] =	stream.linear.gather [hbm4b:s6+s2], $0x10, $0x38;
	[tilespmem:$0x1E700] =	vst v63  }
0x1ff: {  	_ =	swait.ge [sflag:s29], $0x10  }
0x200: {  	[sflag:s29] =	ssyncset.done $0x0  }
0x201: {  	[sflag:s29] =	ssyncadd.s32 $0xFFFFFFF0  }
0x202: {  	_ =	swait.ge [sflag:s30], $0x1000  }
0x203: {  	s0 =	simm.s32 $0xFFFFFFF8;
	[sflag:s30] =	ssyncset.done $0x0  }
0x204: {  	s1 =	simm.s32 $0x18740;
	s3 =	simm.s32 $0x1C740;
	[sflag:s30] =	ssyncadd.s32 $0xFFFFF000  }
.LBB2_19:
0x205: {  	v0 =	vld [tilespmem:s1+$0xFFFFFFC0];
	_ =	sdelay $0x7  }
0x206: {  	v0 =	vld.idx.msk [tilespmem:v0+s2+$0x0], $0xffff;
	_ =	sdelay $0x4  }
0x207: {  	[tilespmem:s3+$0xFFFFFFC0] =	vst v0  }
0x208: {  	v0 =	vld [tilespmem:s1+$0xFFFFFFD0];
	_ =	sdelay $0x7  }
0x209: {  	v0 =	vld.idx.msk [tilespmem:v0+s2+$0x0], $0xffff;
	_ =	sdelay $0x4  }
0x20a: {  	[tilespmem:s3+$0xFFFFFFD0] =	vst v0  }
0x20b: {  	v0 =	vld [tilespmem:s1+$0xFFFFFFE0];
	_ =	sdelay $0x7  }
0x20c: {  	v0 =	vld.idx.msk [tilespmem:v0+s2+$0x0], $0xffff;
	_ =	sdelay $0x4  }
0x20d: {  	[tilespmem:s3+$0xFFFFFFE0] =	vst v0  }
0x20e: {  	v0 =	vld [tilespmem:s1+$0xFFFFFFF0];
	_ =	sdelay $0x7  }
0x20f: {  	v0 =	vld.idx.msk [tilespmem:v0+s2+$0x0], $0xffff;
	_ =	sdelay $0x4  }
0x210: {  	[tilespmem:s3+$0xFFFFFFF0] =	vst v0  }
0x211: {  	v0 =	vld [tilespmem:s1+$0x0];
	_ =	sdelay $0x7  }
0x212: {  	v0 =	vld.idx.msk [tilespmem:v0+s2+$0x0], $0xffff;
	_ =	sdelay $0x4  }
0x213: {  	[tilespmem:s3+$0x0] =	vst v0  }
0x214: {  	v0 =	vld [tilespmem:s1+$0x10];
	_ =	sdelay $0x7  }
0x215: {  	v0 =	vld.idx.msk [tilespmem:v0+s2+$0x0], $0xffff;
	_ =	sdelay $0x4  }
0x216: {  	[tilespmem:s3+$0x10] =	vst v0  }
0x217: {  	v0 =	vld [tilespmem:s1+$0x20];
	_ =	sdelay $0x7  }
0x218: {  	v0 =	vld.idx.msk [tilespmem:v0+s2+$0x0], $0xffff;
	_ =	sdelay $0x4  }
0x219: {  	[tilespmem:s3+$0x20] =	vst v0  }
0x21a: {  	v0 =	vld [tilespmem:s1+$0x30];
	_ =	sdelay $0x6  }
0x21b: {  	s0 =	sadd.s32 $0x8, s0  }
0x21c: {  	p1 =	slt.u32 s0, $0xF8;
	v0 =	vld.idx.msk [tilespmem:v0+s2+$0x0], $0xffff  }
.Ltmp28:
0x21d: {  	_ = 	snop;
	(pc) =	sbr.rel @p1 .LBB2_19-.Ltmp28, $2  }
0x21e: {  	_ =	sdelay $0x2  }
0x21f: {  	s1 =	sadd.s32 $0x80, s1;
	[tilespmem:s3+$0x30] =	vst v0;
	s3 =	sadd.s32 $0x100, s3  }
0x220: {  	s0 =	simm.s32 $0x1C700  }
0x221: {  	s1 =	simm.s32 $0x80;
	s6 =	sadd.s32 $0x0, s14;
	s3 =	simm.s32 $0x1C800  }
.LBB2_21:
0x222: {  	[hbm4b:s6+s2] =	stream.linear.scatter [tilespmem:s0], [sflag:$0x3], $0x80, $0x38;
	[tilespmem:$0x1E700] =	vst v63  }
0x223: {  	s6 =	smov.u32 s1;
	s0 =	smov.u32 s3;
	p1 =	sne.s32 s1, $0xF80  }
.Ltmp29:
0x224: {  	s1 =	sadd.s32 $0x80, s1;
	(pc) =	sbr.rel @p1 .LBB2_21-.Ltmp29, $2  }
0x225: {  	_ =	sdelay $0x2  }
0x226: {  	s3 =	sadd.s32 $0x100, s3;
	s6 =	sadd.s32 s6, s14  }
0x227: {  	[hbm4b:s6+s2] =	stream.linear.scatter [tilespmem:s0], [sflag:$0x3], $0x80, $0x38;
	[tilespmem:$0x1E700] =	vst v63  }
0x228: {  	_ =	swait.ge [sflag:s30], $0x1000  }
0x229: {  	s0 =	simm.s32 $0xFFFFFFF8;
	[sflag:s30] =	ssyncset.done $0x0  }
0x22a: {  	s1 =	simm.s32 $0x19770;
	s3 =	simm.s32 $0x1C7F0;
	[sflag:s30] =	ssyncadd.s32 $0xFFFFF000  }
.LBB2_23:
0x22b: {  	v0 =	vld [tilespmem:s1+$0xFFFFFF90];
	_ =	sdelay $0x7  }
0x22c: {  	v0 =	vld.idx.msk [tilespmem:v0+s2+$0x0], $0xffff;
	_ =	sdelay $0x4  }
0x22d: {  	[tilespmem:s3+$0xFFFFFF90] =	vst v0  }
0x22e: {  	v0 =	vld [tilespmem:s1+$0xFFFFFFA0];
	_ =	sdelay $0x7  }
0x22f: {  	v0 =	vld.idx.msk [tilespmem:v0+s2+$0x0], $0xffff;
	_ =	sdelay $0x4  }
0x230: {  	[tilespmem:s3+$0xFFFFFFA0] =	vst v0  }
0x231: {  	v0 =	vld [tilespmem:s1+$0xFFFFFFB0];
	_ =	sdelay $0x7  }
0x232: {  	v0 =	vld.idx.msk [tilespmem:v0+s2+$0x0], $0xffff;
	_ =	sdelay $0x4  }
0x233: {  	[tilespmem:s3+$0xFFFFFFB0] =	vst v0  }
0x234: {  	v0 =	vld [tilespmem:s1+$0xFFFFFFC0];
	_ =	sdelay $0x7  }
0x235: {  	v0 =	vld.idx.msk [tilespmem:v0+s2+$0x0], $0xffff;
	_ =	sdelay $0x4  }
0x236: {  	[tilespmem:s3+$0xFFFFFFC0] =	vst v0  }
0x237: {  	v0 =	vld [tilespmem:s1+$0xFFFFFFD0];
	_ =	sdelay $0x7  }
0x238: {  	v0 =	vld.idx.msk [tilespmem:v0+s2+$0x0], $0xffff;
	_ =	sdelay $0x4  }
0x239: {  	[tilespmem:s3+$0xFFFFFFD0] =	vst v0  }
0x23a: {  	v0 =	vld [tilespmem:s1+$0xFFFFFFE0];
	_ =	sdelay $0x7  }
0x23b: {  	v0 =	vld.idx.msk [tilespmem:v0+s2+$0x0], $0xffff;
	_ =	sdelay $0x4  }
0x23c: {  	[tilespmem:s3+$0xFFFFFFE0] =	vst v0  }
0x23d: {  	v0 =	vld [tilespmem:s1+$0xFFFFFFF0];
	_ =	sdelay $0x7  }
0x23e: {  	v0 =	vld.idx.msk [tilespmem:v0+s2+$0x0], $0xffff;
	_ =	sdelay $0x4  }
0x23f: {  	[tilespmem:s3+$0xFFFFFFF0] =	vst v0  }
0x240: {  	v0 =	vld [tilespmem:s1+$0x0];
	_ =	sdelay $0x6  }
0x241: {  	s0 =	sadd.s32 $0x8, s0  }
0x242: {  	p1 =	slt.u32 s0, $0xF8;
	v0 =	vld.idx.msk [tilespmem:v0+s2+$0x0], $0xffff  }
.Ltmp30:
0x243: {  	_ = 	snop;
	(pc) =	sbr.rel @p1 .LBB2_23-.Ltmp30, $2  }
0x244: {  	_ =	sdelay $0x2  }
0x245: {  	s1 =	sadd.s32 $0x80, s1;
	[tilespmem:s3+$0x0] =	vst v0;
	s3 =	sadd.s32 $0x100, s3  }
0x246: {  	s0 =	simm.s32 $0x1C780  }
0x247: {  	s1 =	simm.s32 $0x80;
	s6 =	sadd.s32 $0x0, s11;
	s3 =	simm.s32 $0x1C880  }
.LBB2_25:
0x248: {  	[hbm4b:s6+s2] =	stream.linear.scatter [tilespmem:s0], [sflag:$0x3], $0x80, $0x38;
	[tilespmem:$0x1E700] =	vst v63  }
0x249: {  	s6 =	smov.u32 s1;
	s0 =	smov.u32 s3;
	p1 =	sne.s32 s1, $0xF80  }
.Ltmp31:
0x24a: {  	s1 =	sadd.s32 $0x80, s1;
	(pc) =	sbr.rel @p1 .LBB2_25-.Ltmp31, $2  }
0x24b: {  	_ =	sdelay $0x2  }
0x24c: {  	s3 =	sadd.s32 $0x100, s3;
	s6 =	sadd.s32 s6, s11  }
0x24d: {  	[hbm4b:s6+s2] =	stream.linear.scatter [tilespmem:s0], [sflag:$0x3], $0x80, $0x38;
	[tilespmem:$0x1E700] =	vst v63  }
0x24e: {  	_ =	swait.ge [sflag:s30], $0x1000  }
0x24f: {  	s0 =	simm.s32 $0xFFFFFFF8;
	[sflag:s30] =	ssyncset.done $0x0  }
0x250: {  	s1 =	simm.s32 $0x1A770;
	s3 =	simm.s32 $0x1C740;
	[sflag:s30] =	ssyncadd.s32 $0xFFFFF000  }
.LBB2_27:
0x251: {  	v0 =	vld [tilespmem:s1+$0xFFFFFF90];
	_ =	sdelay $0x7  }
0x252: {  	v0 =	vld.idx.msk [tilespmem:v0+s2+$0x0], $0xffff;
	_ =	sdelay $0x4  }
0x253: {  	[tilespmem:s3+$0xFFFFFFC0] =	vst v0  }
0x254: {  	v0 =	vld [tilespmem:s1+$0xFFFFFFA0];
	_ =	sdelay $0x7  }
0x255: {  	v0 =	vld.idx.msk [tilespmem:v0+s2+$0x0], $0xffff;
	_ =	sdelay $0x4  }
0x256: {  	[tilespmem:s3+$0xFFFFFFD0] =	vst v0  }
0x257: {  	v0 =	vld [tilespmem:s1+$0xFFFFFFB0];
	_ =	sdelay $0x7  }
0x258: {  	v0 =	vld.idx.msk [tilespmem:v0+s2+$0x0], $0xffff;
	_ =	sdelay $0x4  }
0x259: {  	[tilespmem:s3+$0xFFFFFFE0] =	vst v0  }
0x25a: {  	v0 =	vld [tilespmem:s1+$0xFFFFFFC0];
	_ =	sdelay $0x7  }
0x25b: {  	v0 =	vld.idx.msk [tilespmem:v0+s2+$0x0], $0xffff;
	_ =	sdelay $0x4  }
0x25c: {  	[tilespmem:s3+$0xFFFFFFF0] =	vst v0  }
0x25d: {  	v0 =	vld [tilespmem:s1+$0xFFFFFFD0];
	_ =	sdelay $0x7  }
0x25e: {  	v0 =	vld.idx.msk [tilespmem:v0+s2+$0x0], $0xffff;
	_ =	sdelay $0x4  }
0x25f: {  	[tilespmem:s3+$0x0] =	vst v0  }
0x260: {  	v0 =	vld [tilespmem:s1+$0xFFFFFFE0];
	_ =	sdelay $0x7  }
0x261: {  	v0 =	vld.idx.msk [tilespmem:v0+s2+$0x0], $0xffff;
	_ =	sdelay $0x4  }
0x262: {  	[tilespmem:s3+$0x10] =	vst v0  }
0x263: {  	v0 =	vld [tilespmem:s1+$0xFFFFFFF0];
	_ =	sdelay $0x7  }
0x264: {  	v0 =	vld.idx.msk [tilespmem:v0+s2+$0x0], $0xffff;
	_ =	sdelay $0x4  }
0x265: {  	[tilespmem:s3+$0x20] =	vst v0  }
0x266: {  	v0 =	vld [tilespmem:s1+$0x0];
	_ =	sdelay $0x6  }
0x267: {  	s0 =	sadd.s32 $0x8, s0  }
0x268: {  	p1 =	slt.u32 s0, $0xF8;
	v0 =	vld.idx.msk [tilespmem:v0+s2+$0x0], $0xffff  }
.Ltmp32:
0x269: {  	_ = 	snop;
	(pc) =	sbr.rel @p1 .LBB2_27-.Ltmp32, $2  }
0x26a: {  	_ =	sdelay $0x2  }
0x26b: {  	s1 =	sadd.s32 $0x80, s1;
	[tilespmem:s3+$0x30] =	vst v0;
	s3 =	sadd.s32 $0x100, s3  }
0x26c: {  	s0 =	simm.s32 $0x1C700  }
0x26d: {  	s1 =	simm.s32 $0x80;
	s6 =	sadd.s32 $0x0, s12;
	s3 =	simm.s32 $0x1C800  }
.LBB2_29:
0x26e: {  	[hbm4b:s6+s2] =	stream.linear.scatter [tilespmem:s0], [sflag:$0x3], $0x80, $0x38;
	[tilespmem:$0x1E700] =	vst v63  }
0x26f: {  	s6 =	smov.u32 s1;
	s0 =	smov.u32 s3;
	p1 =	sne.s32 s1, $0xF80  }
.Ltmp33:
0x270: {  	s1 =	sadd.s32 $0x80, s1;
	(pc) =	sbr.rel @p1 .LBB2_29-.Ltmp33, $2  }
0x271: {  	_ =	sdelay $0x2  }
0x272: {  	s3 =	sadd.s32 $0x100, s3;
	s6 =	sadd.s32 s6, s12  }
0x273: {  	[hbm4b:s6+s2] =	stream.linear.scatter [tilespmem:s0], [sflag:$0x3], $0x80, $0x38;
	[tilespmem:$0x1E700] =	vst v63  }
0x274: {  	_ =	swait.ge [sflag:s30], $0x1000  }
0x275: {  	s0 =	simm.s32 $0xFFFFFFF8;
	[sflag:s30] =	ssyncset.done $0x0  }
0x276: {  	s1 =	simm.s32 $0x1B770;
	s3 =	simm.s32 $0x1C7F0;
	[sflag:s30] =	ssyncadd.s32 $0xFFFFF000  }
.LBB2_31:
0x277: {  	v0 =	vld [tilespmem:s1+$0xFFFFFF90];
	_ =	sdelay $0x7  }
0x278: {  	v0 =	vld.idx.msk [tilespmem:v0+s2+$0x0], $0xffff;
	_ =	sdelay $0x4  }
0x279: {  	[tilespmem:s3+$0xFFFFFF90] =	vst v0  }
0x27a: {  	v0 =	vld [tilespmem:s1+$0xFFFFFFA0];
	_ =	sdelay $0x7  }
0x27b: {  	v0 =	vld.idx.msk [tilespmem:v0+s2+$0x0], $0xffff;
	_ =	sdelay $0x4  }
0x27c: {  	[tilespmem:s3+$0xFFFFFFA0] =	vst v0  }
0x27d: {  	v0 =	vld [tilespmem:s1+$0xFFFFFFB0];
	_ =	sdelay $0x7  }
0x27e: {  	v0 =	vld.idx.msk [tilespmem:v0+s2+$0x0], $0xffff;
	_ =	sdelay $0x4  }
0x27f: {  	[tilespmem:s3+$0xFFFFFFB0] =	vst v0  }
0x280: {  	v0 =	vld [tilespmem:s1+$0xFFFFFFC0];
	_ =	sdelay $0x7  }
0x281: {  	v0 =	vld.idx.msk [tilespmem:v0+s2+$0x0], $0xffff;
	_ =	sdelay $0x4  }
0x282: {  	[tilespmem:s3+$0xFFFFFFC0] =	vst v0  }
0x283: {  	v0 =	vld [tilespmem:s1+$0xFFFFFFD0];
	_ =	sdelay $0x7  }
0x284: {  	v0 =	vld.idx.msk [tilespmem:v0+s2+$0x0], $0xffff;
	_ =	sdelay $0x4  }
0x285: {  	[tilespmem:s3+$0xFFFFFFD0] =	vst v0  }
0x286: {  	v0 =	vld [tilespmem:s1+$0xFFFFFFE0];
	_ =	sdelay $0x7  }
0x287: {  	v0 =	vld.idx.msk [tilespmem:v0+s2+$0x0], $0xffff;
	_ =	sdelay $0x4  }
0x288: {  	[tilespmem:s3+$0xFFFFFFE0] =	vst v0  }
0x289: {  	v0 =	vld [tilespmem:s1+$0xFFFFFFF0];
	_ =	sdelay $0x7  }
0x28a: {  	v0 =	vld.idx.msk [tilespmem:v0+s2+$0x0], $0xffff;
	_ =	sdelay $0x4  }
0x28b: {  	[tilespmem:s3+$0xFFFFFFF0] =	vst v0  }
0x28c: {  	v0 =	vld [tilespmem:s1+$0x0];
	_ =	sdelay $0x6  }
0x28d: {  	s0 =	sadd.s32 $0x8, s0  }
0x28e: {  	p1 =	slt.u32 s0, $0xF8;
	v0 =	vld.idx.msk [tilespmem:v0+s2+$0x0], $0xffff  }
.Ltmp34:
0x28f: {  	_ = 	snop;
	(pc) =	sbr.rel @p1 .LBB2_31-.Ltmp34, $2  }
0x290: {  	_ =	sdelay $0x2  }
0x291: {  	s1 =	sadd.s32 $0x80, s1;
	[tilespmem:s3+$0x0] =	vst v0;
	s3 =	sadd.s32 $0x100, s3  }
0x292: {  	s0 =	simm.s32 $0x1C780  }
0x293: {  	s1 =	simm.s32 $0x80;
	s6 =	sadd.s32 $0x0, s13;
	s3 =	simm.s32 $0x1C880  }
.LBB2_33:
0x294: {  	[hbm4b:s6+s2] =	stream.linear.scatter [tilespmem:s0], [sflag:$0x3], $0x80, $0x38;
	[tilespmem:$0x1E700] =	vst v63  }
0x295: {  	s6 =	smov.u32 s1;
	s0 =	smov.u32 s3;
	p1 =	seq.s32 s1, $0xF80  }
.Ltmp35:
0x296: {  	s1 =	sadd.s32 $0x80, s1;
	(pc) =	sbr.rel @!p1 .LBB2_33-.Ltmp35, $2  }
0x297: {  	_ =	sdelay $0x2  }
0x298: {  	s3 =	sadd.s32 $0x100, s3;
	s6 =	sadd.s32 s6, s13  }
.Ltmp36:
0x299: {  	(pc) =	sbr.rel .LBB2_68-.Ltmp36, $2  }
0x29a: {  	_ =	sdelay $0x2  }
0x29b: {  	[hbm4b:s6+s2] =	stream.linear.scatter [tilespmem:s0], [sflag:$0x3], $0x80, $0x38;
	[tilespmem:$0x1E700] =	vst v63  }
.LBB2_69:
0x29c: {  	_ =	sfence.sel $0x180000  }
0x29d: {  	[bflag:$0x0] =	sbarrier.arrive $0xFFFF  }
0x29e: {  	_ =	strace $0x90000047  }
0x29f: {  	s0 =	stileid.u32;
	[bflag:$0x2] =	sbarrier.arrive $0xFFFF  }
0x2a0: {  	p0 =	sne.s32 s0, $0x0;
	s0 =	rddreg [dreg:$0x4]  }
0x2a1: {  	s0 =	sadd.s32 @!p0 $0x100000, s0  }
0x2a2: {  	[sflag:s0] =	ssyncadd.tile.s32 @!p0 $0x1;
	_ =	shalt  }
.Lfunc_end2:
_tile_overlayer_lowered:
.L_overlay_start_2:
0x2a3: {  	(tag) =	ssettag $0x2  }
0x2a4: {  	s0 =	rddreg [dreg:$0x0];
	s2 =	stileid.u32  }
0x2a5: {  	s1 =	rddreg [dreg:$0x1];
	p0 =	sne.s32 s2, $0x0  }
0x2a6: {  	s3 =	rddreg [dreg:$0x2];
	[bflag:$0x3] =	sbarrier.arrive $0xFFFF;
	s2 =	simm.s32 @!p0 $0x1C04  }
0x2a7: {  	[timem:s3], [sflag:s2] =	dma.local @!p0 [hbm:s0], s1  }
0x2a8: {  	s0 =	simm.s32 @!p0 $0x4  }
0x2a9: {  	_ =	swait.ge @!p0 [sflag:s0], s1  }
0x2aa: {  	s1 =	ssub.s32 @!p0 $0x0, s1;
	[sflag:s0] =	ssyncset.done @!p0 $0x0  }
0x2ab: {  	[sflag:s0] =	ssyncadd.s32 @!p0 s1  }
0x2ac: {  	[bflag:$0x3] =	sbarrier.arrive $0xFFFF  }
0x2ad: {  	_ =	shalt  }

</sc_bundles>
